<compile_context>
chip_gen: v7x
topology: tpu7x:2x2x1
jax: 0.10.2.dev20260603
libtpu: 0.0.44.dev20260713+nightly
codegen_flags: <defaults>
</compile_context>

<pallas_src>
import functools

import jax
import jax.numpy as jnp
from jax import lax
from jax.experimental import pallas as pl
from jax.experimental.pallas import tpu as pltpu
from jax.experimental.pallas import tpu_sc as plsc

T, B, C, H, W = 4, 32, 768, 14, 14
HW = H * W
E = 64
TOP_K = 8
N_TOK = T * B

_NC = 2
_NS = 16
_NW = _NC * _NS
_ROWS = N_TOK // _NW


_HWB = 28
_GRID = HW // _HWB


def _stage1_body(x_ref, w_ref, g_ref, bb_ref, out_ref, out_t_ref, p_scr, q_scr):
    i = pl.program_id(0)
    xb = x_ref[...]
    v = jnp.zeros((_HWB, B, C), jnp.float32)
    spikes = []
    for t in range(T):
        v = v + (xb[t] - v) / 2.0
        fire = v >= 1.0
        spikes.append(fire.astype(jnp.float32))
        v = jnp.where(fire, 0.0, v)
    s2 = jnp.stack(spikes).reshape(T * _HWB * B, C)
    d = lax.dot_general(s2, w_ref[...], (((1,), (1,)), ((), ())),
                        precision=lax.Precision.DEFAULT,
                        preferred_element_type=jnp.float32)
    d4 = d.reshape(T, _HWB, B, E)
    p_par = jnp.sum(d4, axis=1)
    q_par = jnp.sum(d * d, axis=0)[None, :]

    @pl.when(i == 0)
    def _():
        p_scr[...] = jnp.zeros_like(p_scr)
        q_scr[...] = jnp.zeros_like(q_scr)

    p_scr[...] += p_par
    q_scr[...] += q_par

    @pl.when(i == pl.num_programs(0) - 1)
    def _():
        P = p_scr[...].reshape(N_TOK, E)
        n_elems = float(N_TOK * HW)
        mu = jnp.sum(P, axis=0, keepdims=True) / n_elems
        var = q_scr[...] / n_elems - mu * mu
        scale = g_ref[...] / jnp.sqrt(var + 1e-5)
        logits = (P / float(HW) - mu) * scale + bb_ref[...]
        out_ref[...] = logits
        out_t_ref[...] = logits.T


def _stage1(xs, conv_wt, g2, b2):
    return pl.pallas_call(
        _stage1_body,
        grid=(_GRID,),
        in_specs=[
            pl.BlockSpec((T, _HWB, B, C), lambda i: (0, i, 0, 0)),
            pl.BlockSpec((E, C), lambda i: (0, 0)),
            pl.BlockSpec((1, E), lambda i: (0, 0)),
            pl.BlockSpec((1, E), lambda i: (0, 0)),
        ],
        out_specs=[pl.BlockSpec((N_TOK, E), lambda i: (0, 0)),
                   pl.BlockSpec((E, N_TOK), lambda i: (0, 0))],
        out_shape=[jax.ShapeDtypeStruct((N_TOK, E), jnp.float32),
                   jax.ShapeDtypeStruct((E, N_TOK), jnp.float32)],
        scratch_shapes=[pltpu.VMEM((T, B, E), jnp.float32),
                        pltpu.VMEM((1, E), jnp.float32)],
    )(xs, conv_wt, g2, b2)


@functools.partial(
    pl.kernel,
    mesh=plsc.VectorSubcoreMesh(core_axis_name="c", subcore_axis_name="s",
                                num_cores=_NC),
    out_type=(jax.ShapeDtypeStruct((N_TOK * TOP_K,), jnp.float32),
              jax.ShapeDtypeStruct((N_TOK * TOP_K,), jnp.int32)),
    scratch_types=[pltpu.VMEM((_ROWS * E,), jnp.float32),
                   pltpu.VMEM((_ROWS * TOP_K,), jnp.float32),
                   pltpu.VMEM((_ROWS * TOP_K,), jnp.int32)],
)
def _router(logits_hbm, w_out, i_out, rows_v, wstage, istage):
    wid = lax.axis_index("s") * _NC + lax.axis_index("c")
    base = wid * _ROWS
    pltpu.sync_copy(logits_hbm.at[pl.ds(base * E, _ROWS * E)], rows_v)
    lane = lax.iota(jnp.int32, 16)

    def permute(vec, idx):
        return lax.gather(
            vec, idx[:, None],
            lax.GatherDimensionNumbers(offset_dims=(),
                                       collapsed_slice_dims=(0,),
                                       start_index_map=(0,)),
            slice_sizes=(1,),
            mode=lax.GatherScatterMode.PROMISE_IN_BOUNDS)

    def allreduce(vec, op):
        for sh in (8, 4, 2, 1):
            vec = op(vec, permute(vec, jnp.bitwise_xor(lane, sh)))
        return vec

    nchunk = E // 16
    npair = (_ROWS * TOP_K) // 16
    wv = [jnp.zeros((16,), jnp.float32) for _ in range(npair)]
    iv = [jnp.zeros((16,), jnp.int32) for _ in range(npair)]
    big = jnp.full((16,), 2147483647, jnp.int32)
    for r in range(_ROWS):
        p, off = r // 2, TOP_K * (r % 2)
        ch = [rows_v[pl.ds(r * E + 16 * j, 16)] for j in range(nchunk)]
        m = allreduce(jnp.maximum(jnp.maximum(ch[0], ch[1]),
                                  jnp.maximum(ch[2], ch[3])), jnp.maximum)
        sm = [jnp.exp(c - m) for c in ch]
        tot = allreduce(sm[0] + sm[1] + sm[2] + sm[3], jnp.add)
        inv = 1.0 / tot
        sm = [s * inv for s in sm]
        wtmp = jnp.zeros((16,), jnp.float32)
        itmp = jnp.zeros((16,), jnp.int32)
        topsum = jnp.zeros((16,), jnp.float32)
        for k in range(TOP_K):
            mx = allreduce(jnp.maximum(jnp.maximum(sm[0], sm[1]),
                                       jnp.maximum(sm[2], sm[3])), jnp.maximum)
            cand = big
            for j in range(nchunk):
                cand = jnp.minimum(cand, jnp.where(sm[j] == mx,
                                                   lane + 16 * j, big))
            cand = allreduce(cand, jnp.minimum)
            wtmp = jnp.where(lane == off + k, mx, wtmp)
            itmp = jnp.where(lane == off + k, cand, itmp)
            topsum = topsum + mx
            for j in range(nchunk):
                sm[j] = jnp.where(lane + 16 * j == cand, jnp.float32(-1.0),
                                  sm[j])
        wv[p] = wv[p] + wtmp * (1.0 / topsum)
        iv[p] = iv[p] + itmp
    for p in range(npair):
        wstage[pl.ds(16 * p, 16)] = wv[p]
        istage[pl.ds(16 * p, 16)] = iv[p]
    pltpu.sync_copy(wstage, w_out.at[pl.ds(base * TOP_K, _ROWS * TOP_K)])
    pltpu.sync_copy(istage, i_out.at[pl.ds(base * TOP_K, _ROWS * TOP_K)])


def kernel(x, conv_w, conv_b, bn_gamma, bn_beta):
    del conv_b
    xs = x.transpose(0, 3, 4, 1, 2).reshape(T, HW, B, C)
    logits, logits_t = _stage1(xs, conv_w, bn_gamma.reshape(1, E),
                               bn_beta.reshape(1, E))
    tkw, tki = _router(logits.reshape(-1))
    return (tkw.reshape(N_TOK, TOP_K), tki.reshape(N_TOK, TOP_K), logits_t.T)

# --- scband reference (transcript-rebuilt; emitter-appended) ---
"""Pipeline reference for scband-spike-router-7301444403348 (READ-ONLY COPY).

The authoritative reference and input builder live on the scoring server;
editing this copy changes nothing except your own understanding.
"""

import jax, jax.numpy as jnp
import numpy as np

T, B, C, H, W = 4, 32, 768, 14, 14
E = 64
TOP_K = 8


def setup_inputs(seed: int = 0) -> dict:
    key = jax.random.key(seed)
    k1, k2, k3 = jax.random.split(key, 3)
    x = jax.random.normal(k1, (T, B, C, H, W), dtype=jnp.float32)
    # Conv2d(C, E, kernel_size=1) weight [E, C, 1, 1] stored as [E, C]
    conv_w = jax.random.normal(k2, (E, C), dtype=jnp.float32) * (1.0 / np.sqrt(C))
    conv_b = jax.random.normal(k3, (E,), dtype=jnp.float32) * 0.01
    bn_gamma = jnp.ones((E,), dtype=jnp.float32)
    bn_beta = jnp.zeros((E,), dtype=jnp.float32)
    return {"x": x, "conv_w": conv_w, "conv_b": conv_b, "bn_gamma": bn_gamma, "bn_beta": bn_beta}


def multistep_lif(x, tau=2.0, v_threshold=1.0, v_reset=0.0):
    # spikingjelly MultiStepLIFNode, hard reset:
    #   v = v + (x - (v - v_reset)) / tau ; s = H(v - v_th) ; v = (1-s)*v + s*v_reset
    def step(v, xt):
        v = v + (xt - (v - v_reset)) / tau
        s = (v >= v_threshold).astype(xt.dtype)
        v = (1.0 - s) * v + s * v_reset
        return v, s
    v0 = jnp.zeros_like(x[0])
    _, spikes = jax.lax.scan(step, v0, x)
    return spikes


def reference(x, conv_w, conv_b, bn_gamma, bn_beta):
    Tn, Bn, Cn, Hn, Wn = x.shape
    En = conv_w.shape[0]
    # Spiking neuron over time dim
    s = multistep_lif(x)
    s = s.reshape(Tn * Bn, Cn, Hn, Wn)
    # 1x1 conv == per-pixel linear
    out = jnp.einsum('nchw,ec->nehw', s, conv_w) + conv_b[None, :, None, None]
    # BatchNorm2d in training mode (batch statistics over N,H,W)
    mean = out.mean(axis=(0, 2, 3))
    var = out.var(axis=(0, 2, 3))
    out = (out - mean[None, :, None, None]) / jnp.sqrt(var[None, :, None, None] + 1e-5)
    out = out * bn_gamma[None, :, None, None] + bn_beta[None, :, None, None]
    out = out.reshape(Tn, Bn, En, Hn, Wn)
    router_logits = out.mean(axis=(-2, -1)).reshape(Tn * Bn, En)
    routing_weights = jax.nn.softmax(router_logits, axis=-1)
    top_k_weights, top_k_indices = jax.lax.top_k(routing_weights, TOP_K)
    top_k_weights = top_k_weights / top_k_weights.sum(axis=-1, keepdims=True)
    return (top_k_weights, top_k_indices, router_logits)

if __name__ == "__main__":
    import jax
    _d = setup_inputs()
    print(jax.jit(kernel)(*tuple(_d.values())))

</pallas_src>

<mosaic_0001>
#map = affine_map<(d0, d1) -> (0)>
module attributes {stable_mosaic.version = 14 : i64} {
  func.func @_router(%arg0: i32, %arg1: i32, %arg2: memref<8192xf32, #tpu.memory_space<hbm>>, %arg3: memref<1024xf32, #tpu.memory_space<hbm>>, %arg4: memref<1024xi32, #tpu.memory_space<hbm>>, %arg5: memref<256xf32, #tpu.memory_space<vmem>>, %arg6: memref<32xf32, #tpu.memory_space<vmem>>, %arg7: memref<32xi32, #tpu.memory_space<vmem>>) attributes {dimension_semantics = [#tpu.dimension_semantics<core_parallel>, #tpu.dimension_semantics<subcore_parallel>], iteration_bounds = array<i64: 2, 16>, scalar_prefetch = 0 : i64, scratch_operands = 3 : i64, tpu.core_type = #tpu.core_type<sc_vector_subcore>, window_params = [{transform_indices = #map}, {transform_indices = #map}, {transform_indices = #map}]} {
    %mul3A = arith.constant 2 : i32
    %mul3A_0 = arith.muli %arg1, %mul3A : i32
    %add3A = arith.addi %mul3A_0, %arg0 : i32
    %mul3A_1 = arith.constant 4 : i32
    %mul3A_2 = arith.muli %add3A, %mul3A_1 : i32
    %mul3A_3 = arith.constant 64 : i32
    %mul3A_4 = arith.muli %mul3A_2, %mul3A_3 : i32
    "tpu.region"() ({
      %run_scoped3A = tpu.sem_alloc : memref<!tpu.dma_semaphore, #tpu.memory_space<semaphore_mem>>
      %dma_start3A = tpu.memref_slice %arg2[%mul3A_4] : memref<8192xf32, #tpu.memory_space<hbm>> -> memref<256xf32, #tpu.memory_space<hbm>>
      %dma_start3A_4266 = tpu.memref_slice %arg2[%mul3A_4] : memref<8192xf32, #tpu.memory_space<hbm>> -> memref<256xf32, #tpu.memory_space<hbm>>
      tpu.enqueue_dma source(%dma_start3A_4266 : memref<256xf32, #tpu.memory_space<hbm>>) target(%arg5 : memref<256xf32, #tpu.memory_space<vmem>>) target_semaphore(%run_scoped3A : memref<!tpu.dma_semaphore, #tpu.memory_space<semaphore_mem>>)
      %dma_wait3A = tpu.memref_slice %arg2[%mul3A_4] : memref<8192xf32, #tpu.memory_space<hbm>> -> memref<256xf32, #tpu.memory_space<hbm>>
      %dma_wait3A_4267 = tpu.memref_slice %arg2[%mul3A_4] : memref<8192xf32, #tpu.memory_space<hbm>> -> memref<256xf32, #tpu.memory_space<hbm>>
      tpu.wait_dma2 semaphore(%run_scoped3A : memref<!tpu.dma_semaphore, #tpu.memory_space<semaphore_mem>>) src(%dma_wait3A_4267 : memref<256xf32, #tpu.memory_space<hbm>>) dst(%arg5 : memref<256xf32, #tpu.memory_space<vmem>>)
      tpu.yield
    }) : () -> ()
    %iota3A = tpu.iota {dimensions = array<i32: 0>} : vector<16xi32>
    %broadcast_in_dim3A = arith.constant 0.000000e+00 : f32
    %broadcast_in_dim3A_5 = vector.broadcast %broadcast_in_dim3A : f32 to vector<16xf32>
    %broadcast_in_dim3A_6 = arith.constant 0.000000e+00 : f32
    %broadcast_in_dim3A_7 = vector.broadcast %broadcast_in_dim3A_6 : f32 to vector<16xf32>
    %broadcast_in_dim3A_8 = arith.constant 0 : i32
    %broadcast_in_dim3A_9 = vector.broadcast %broadcast_in_dim3A_8 : i32 to vector<16xi32>
    %broadcast_in_dim3A_10 = arith.constant 0 : i32
    %broadcast_in_dim3A_11 = vector.broadcast %broadcast_in_dim3A_10 : i32 to vector<16xi32>
    %broadcast_in_dim3A_12 = arith.constant 2147483647 : i32
    %broadcast_in_dim3A_13 = vector.broadcast %broadcast_in_dim3A_12 : i32 to vector<16xi32>
    %get3A = arith.constant 0 : index
    %get3A_14 = tpu.vector_load %arg5[%get3A] {strides = array<i32>} : memref<256xf32, #tpu.memory_space<vmem>>, vector<16xf32>,
    %get3A_15 = vector.shape_cast %get3A_14 : vector<16xf32> to vector<16xf32>
    %get3A_16 = arith.constant 16 : index
    %get3A_17 = tpu.vector_load %arg5[%get3A_16] {strides = array<i32>} : memref<256xf32, #tpu.memory_space<vmem>>, vector<16xf32>,
    %get3A_18 = vector.shape_cast %get3A_17 : vector<16xf32> to vector<16xf32>
    %get3A_19 = arith.constant 32 : index
    %get3A_20 = tpu.vector_load %arg5[%get3A_19] {strides = array<i32>} : memref<256xf32, #tpu.memory_space<vmem>>, vector<16xf32>,
    %get3A_21 = vector.shape_cast %get3A_20 : vector<16xf32> to vector<16xf32>
    %get3A_22 = arith.constant 48 : index
    %get3A_23 = tpu.vector_load %arg5[%get3A_22] {strides = array<i32>} : memref<256xf32, #tpu.memory_space<vmem>>, vector<16xf32>,
    %get3A_24 = vector.shape_cast %get3A_23 : vector<16xf32> to vector<16xf32>
    %max3A = arith.maximumf %get3A_15, %get3A_18 : vector<16xf32>
    %max3A_25 = arith.maximumf %get3A_21, %get3A_24 : vector<16xf32>
    %max3A_26 = arith.maximumf %max3A, %max3A_25 : vector<16xf32>
    %xor3A = arith.constant 8 : i32
    %xor3A_27 = vector.broadcast %xor3A : i32 to vector<16xi32>
    %xor3A_28 = arith.xori %iota3A, %xor3A_27 : vector<16xi32>
    %broadcast_in_dim3A_29 = vector.shape_cast %xor3A_28 : vector<16xi32> to vector<16x1xi32>
    %gather3A = vector.shape_cast %broadcast_in_dim3A_29 : vector<16x1xi32> to vector<16xi32>
    %gather3A_30 = tpu.dynamic_gather %max3A_26[%gather3A] in [0] : vector<16xf32>, vector<16xi32> -> vector<16xf32>
    %max3A_31 = arith.maximumf %max3A_26, %gather3A_30 : vector<16xf32>
    %xor3A_32 = arith.constant 4 : i32
    %xor3A_33 = vector.broadcast %xor3A_32 : i32 to vector<16xi32>
    %xor3A_34 = arith.xori %iota3A, %xor3A_33 : vector<16xi32>
    %broadcast_in_dim3A_35 = vector.shape_cast %xor3A_34 : vector<16xi32> to vector<16x1xi32>
    %gather3A_36 = vector.shape_cast %broadcast_in_dim3A_35 : vector<16x1xi32> to vector<16xi32>
    %gather3A_37 = tpu.dynamic_gather %max3A_31[%gather3A_36] in [0] : vector<16xf32>, vector<16xi32> -> vector<16xf32>
    %max3A_38 = arith.maximumf %max3A_31, %gather3A_37 : vector<16xf32>
    %xor3A_39 = arith.constant 2 : i32
    %xor3A_40 = vector.broadcast %xor3A_39 : i32 to vector<16xi32>
    %xor3A_41 = arith.xori %iota3A, %xor3A_40 : vector<16xi32>
    %broadcast_in_dim3A_42 = vector.shape_cast %xor3A_41 : vector<16xi32> to vector<16x1xi32>
    %gather3A_43 = vector.shape_cast %broadcast_in_dim3A_42 : vector<16x1xi32> to vector<16xi32>
    %gather3A_44 = tpu.dynamic_gather %max3A_38[%gather3A_43] in [0] : vector<16xf32>, vector<16xi32> -> vector<16xf32>
    %max3A_45 = arith.maximumf %max3A_38, %gather3A_44 : vector<16xf32>
    %xor3A_46 = arith.constant 1 : i32
    %xor3A_47 = vector.broadcast %xor3A_46 : i32 to vector<16xi32>
    %xor3A_48 = arith.xori %iota3A, %xor3A_47 : vector<16xi32>
    %broadcast_in_dim3A_49 = vector.shape_cast %xor3A_48 : vector<16xi32> to vector<16x1xi32>
    %gather3A_50 = vector.shape_cast %broadcast_in_dim3A_49 : vector<16x1xi32> to vector<16xi32>
    %gather3A_51 = tpu.dynamic_gather %max3A_45[%gather3A_50] in [0] : vector<16xf32>, vector<16xi32> -> vector<16xf32>
    %max3A_52 = arith.maximumf %max3A_45, %gather3A_51 : vector<16xf32>
    %sub3A = arith.subf %get3A_15, %max3A_52 : vector<16xf32>
    %exp3A = math.exp %sub3A : vector<16xf32>
    %sub3A_53 = arith.subf %get3A_18, %max3A_52 : vector<16xf32>
    %exp3A_54 = math.exp %sub3A_53 : vector<16xf32>
    %sub3A_55 = arith.subf %get3A_21, %max3A_52 : vector<16xf32>
    %exp3A_56 = math.exp %sub3A_55 : vector<16xf32>
    %sub3A_57 = arith.subf %get3A_24, %max3A_52 : vector<16xf32>
    %exp3A_58 = math.exp %sub3A_57 : vector<16xf32>
    %add3A_59 = arith.addf %exp3A, %exp3A_54 : vector<16xf32>
    %add3A_60 = arith.addf %add3A_59, %exp3A_56 : vector<16xf32>
    %add3A_61 = arith.addf %add3A_60, %exp3A_58 : vector<16xf32>
    %xor3A_62 = arith.constant 8 : i32
    %xor3A_63 = vector.broadcast %xor3A_62 : i32 to vector<16xi32>
    %xor3A_64 = arith.xori %iota3A, %xor3A_63 : vector<16xi32>
    %broadcast_in_dim3A_65 = vector.shape_cast %xor3A_64 : vector<16xi32> to vector<16x1xi32>
    %gather3A_66 = vector.shape_cast %broadcast_in_dim3A_65 : vector<16x1xi32> to vector<16xi32>
    %gather3A_67 = tpu.dynamic_gather %add3A_61[%gather3A_66] in [0] : vector<16xf32>, vector<16xi32> -> vector<16xf32>
    %add3A_68 = arith.addf %add3A_61, %gather3A_67 : vector<16xf32>
    %xor3A_69 = arith.constant 4 : i32
    %xor3A_70 = vector.broadcast %xor3A_69 : i32 to vector<16xi32>
    %xor3A_71 = arith.xori %iota3A, %xor3A_70 : vector<16xi32>
    %broadcast_in_dim3A_72 = vector.shape_cast %xor3A_71 : vector<16xi32> to vector<16x1xi32>
    %gather3A_73 = vector.shape_cast %broadcast_in_dim3A_72 : vector<16x1xi32> to vector<16xi32>
    %gather3A_74 = tpu.dynamic_gather %add3A_68[%gather3A_73] in [0] : vector<16xf32>, vector<16xi32> -> vector<16xf32>
    %add3A_75 = arith.addf %add3A_68, %gather3A_74 : vector<16xf32>
    %xor3A_76 = arith.constant 2 : i32
    %xor3A_77 = vector.broadcast %xor3A_76 : i32 to vector<16xi32>
    %xor3A_78 = arith.xori %iota3A, %xor3A_77 : vector<16xi32>
    %broadcast_in_dim3A_79 = vector.shape_cast %xor3A_78 : vector<16xi32> to vector<16x1xi32>
    %gather3A_80 = vector.shape_cast %broadcast_in_dim3A_79 : vector<16x1xi32> to vector<16xi32>
    %gather3A_81 = tpu.dynamic_gather %add3A_75[%gather3A_80] in [0] : vector<16xf32>, vector<16xi32> -> vector<16xf32>
    %add3A_82 = arith.addf %add3A_75, %gather3A_81 : vector<16xf32>
    %xor3A_83 = arith.constant 1 : i32
    %xor3A_84 = vector.broadcast %xor3A_83 : i32 to vector<16xi32>
    %xor3A_85 = arith.xori %iota3A, %xor3A_84 : vector<16xi32>
    %broadcast_in_dim3A_86 = vector.shape_cast %xor3A_85 : vector<16xi32> to vector<16x1xi32>
    %gather3A_87 = vector.shape_cast %broadcast_in_dim3A_86 : vector<16x1xi32> to vector<16xi32>
    %gather3A_88 = tpu.dynamic_gather %add3A_82[%gather3A_87] in [0] : vector<16xf32>, vector<16xi32> -> vector<16xf32>
    %add3A_89 = arith.addf %add3A_82, %gather3A_88 : vector<16xf32>
    %div3A = arith.constant 1.000000e+00 : f32
    %div3A_90 = vector.broadcast %div3A : f32 to vector<16xf32>
    %div3A_91 = arith.divf %div3A_90, %add3A_89 : vector<16xf32>
    %mul3A_92 = arith.mulf %exp3A, %div3A_91 : vector<16xf32>
    %mul3A_93 = arith.mulf %exp3A_54, %div3A_91 : vector<16xf32>
    %mul3A_94 = arith.mulf %exp3A_56, %div3A_91 : vector<16xf32>
    %mul3A_95 = arith.mulf %exp3A_58, %div3A_91 : vector<16xf32>
    %broadcast_in_dim3A_96 = arith.constant 0.000000e+00 : f32
    %broadcast_in_dim3A_97 = vector.broadcast %broadcast_in_dim3A_96 : f32 to vector<16xf32>
    %broadcast_in_dim3A_98 = arith.constant 0 : i32
    %broadcast_in_dim3A_99 = vector.broadcast %broadcast_in_dim3A_98 : i32 to vector<16xi32>
    %broadcast_in_dim3A_100 = arith.constant 0.000000e+00 : f32
    %broadcast_in_dim3A_101 = vector.broadcast %broadcast_in_dim3A_100 : f32 to vector<16xf32>
    %max3A_102 = arith.maximumf %mul3A_92, %mul3A_93 : vector<16xf32>
    %max3A_103 = arith.maximumf %mul3A_94, %mul3A_95 : vector<16xf32>
    %max3A_104 = arith.maximumf %max3A_102, %max3A_103 : vector<16xf32>
    %xor3A_105 = arith.constant 8 : i32
    %xor3A_106 = vector.broadcast %xor3A_105 : i32 to vector<16xi32>
    %xor3A_107 = arith.xori %iota3A, %xor3A_106 : vector<16xi32>
    %broadcast_in_dim3A_108 = vector.shape_cast %xor3A_107 : vector<16xi32> to vector<16x1xi32>
    %gather3A_109 = vector.shape_cast %broadcast_in_dim3A_108 : vector<16x1xi32> to vector<16xi32>
    %gather3A_110 = tpu.dynamic_gather %max3A_104[%gather3A_109] in [0] : vector<16xf32>, vector<16xi32> -> vector<16xf32>
    %max3A_111 = arith.maximumf %max3A_104, %gather3A_110 : vector<16xf32>
    %xor3A_112 = arith.constant 4 : i32
    %xor3A_113 = vector.broadcast %xor3A_112 : i32 to vector<16xi32>
    %xor3A_114 = arith.xori %iota3A, %xor3A_113 : vector<16xi32>
    %broadcast_in_dim3A_115 = vector.shape_cast %xor3A_114 : vector<16xi32> to vector<16x1xi32>
    %gather3A_116 = vector.shape_cast %broadcast_in_dim3A_115 : vector<16x1xi32> to vector<16xi32>
    %gather3A_117 = tpu.dynamic_gather %max3A_111[%gather3A_116] in [0] : vector<16xf32>, vector<16xi32> -> vector<16xf32>
    %max3A_118 = arith.maximumf %max3A_111, %gather3A_117 : vector<16xf32>
    %xor3A_119 = arith.constant 2 : i32
    %xor3A_120 = vector.broadcast %xor3A_119 : i32 to vector<16xi32>
    %xor3A_121 = arith.xori %iota3A, %xor3A_120 : vector<16xi32>
    %broadcast_in_dim3A_122 = vector.shape_cast %xor3A_121 : vector<16xi32> to vector<16x1xi32>
    %gather3A_123 = vector.shape_cast %broadcast_in_dim3A_122 : vector<16x1xi32> to vector<16xi32>
    %gather3A_124 = tpu.dynamic_gather %max3A_118[%gather3A_123] in [0] : vector<16xf32>, vector<16xi32> -> vector<16xf32>
    %max3A_125 = arith.maximumf %max3A_118, %gather3A_124 : vector<16xf32>
    %xor3A_126 = arith.constant 1 : i32
    %xor3A_127 = vector.broadcast %xor3A_126 : i32 to vector<16xi32>
    %xor3A_128 = arith.xori %iota3A, %xor3A_127 : vector<16xi32>
    %broadcast_in_dim3A_129 = vector.shape_cast %xor3A_128 : vector<16xi32> to vector<16x1xi32>
    %gather3A_130 = vector.shape_cast %broadcast_in_dim3A_129 : vector<16x1xi32> to vector<16xi32>
    %gather3A_131 = tpu.dynamic_gather %max3A_125[%gather3A_130] in [0] : vector<16xf32>, vector<16xi32> -> vector<16xf32>
    %max3A_132 = arith.maximumf %max3A_125, %gather3A_131 : vector<16xf32>
    %eq3A = arith.cmpf oeq, %mul3A_92, %max3A_132 : vector<16xf32>
    %add3A_133 = arith.constant 0 : i32
    %add3A_134 = vector.broadcast %add3A_133 : i32 to vector<16xi32>
    %add3A_135 = arith.addi %iota3A, %add3A_134 : vector<16xi32>
    %select_n3A = arith.select %eq3A, %add3A_135, %broadcast_in_dim3A_13 : vector<16xi1>, vector<16xi32>
    %min3A = arith.minsi %broadcast_in_dim3A_13, %select_n3A : vector<16xi32>
    %eq3A_136 = arith.cmpf oeq, %mul3A_93, %max3A_132 : vector<16xf32>
    %add3A_137 = arith.constant 16 : i32
    %add3A_138 = vector.broadcast %add3A_137 : i32 to vector<16xi32>
    %add3A_139 = arith.addi %iota3A, %add3A_138 : vector<16xi32>
    %select_n3A_140 = arith.select %eq3A_136, %add3A_139, %broadcast_in_dim3A_13 : vector<16xi1>, vector<16xi32>
    %min3A_141 = arith.minsi %min3A, %select_n3A_140 : vector<16xi32>
    %eq3A_142 = arith.cmpf oeq, %mul3A_94, %max3A_132 : vector<16xf32>
    %add3A_143 = arith.constant 32 : i32
    %add3A_144 = vector.broadcast %add3A_143 : i32 to vector<16xi32>
    %add3A_145 = arith.addi %iota3A, %add3A_144 : vector<16xi32>
    %select_n3A_146 = arith.select %eq3A_142, %add3A_145, %broadcast_in_dim3A_13 : vector<16xi1>, vector<16xi32>
    %min3A_147 = arith.minsi %min3A_141, %select_n3A_146 : vector<16xi32>
    %eq3A_148 = arith.cmpf oeq, %mul3A_95, %max3A_132 : vector<16xf32>
    %add3A_149 = arith.constant 48 : i32
    %add3A_150 = vector.broadcast %add3A_149 : i32 to vector<16xi32>
    %add3A_151 = arith.addi %iota3A, %add3A_150 : vector<16xi32>
    %select_n3A_152 = arith.select %eq3A_148, %add3A_151, %broadcast_in_dim3A_13 : vector<16xi1>, vector<16xi32>
    %min3A_153 = arith.minsi %min3A_147, %select_n3A_152 : vector<16xi32>
    %xor3A_154 = arith.constant 8 : i32
    %xor3A_155 = vector.broadcast %xor3A_154 : i32 to vector<16xi32>
    %xor3A_156 = arith.xori %iota3A, %xor3A_155 : vector<16xi32>
    %broadcast_in_dim3A_157 = vector.shape_cast %xor3A_156 : vector<16xi32> to vector<16x1xi32>
    %gather3A_158 = vector.shape_cast %broadcast_in_dim3A_157 : vector<16x1xi32> to vector<16xi32>
    %gather3A_159 = tpu.dynamic_gather %min3A_153[%gather3A_158] in [0] : vector<16xi32>, vector<16xi32> -> vector<16xi32>
    %min3A_160 = arith.minsi %min3A_153, %gather3A_159 : vector<16xi32>
    %xor3A_161 = arith.constant 4 : i32
    %xor3A_162 = vector.broadcast %xor3A_161 : i32 to vector<16xi32>
    %xor3A_163 = arith.xori %iota3A, %xor3A_162 : vector<16xi32>
    %broadcast_in_dim3A_164 = vector.shape_cast %xor3A_163 : vector<16xi32> to vector<16x1xi32>
    %gather3A_165 = vector.shape_cast %broadcast_in_dim3A_164 : vector<16x1xi32> to vector<16xi32>
    %gather3A_166 = tpu.dynamic_gather %min3A_160[%gather3A_165] in [0] : vector<16xi32>, vector<16xi32> -> vector<16xi32>
    %min3A_167 = arith.minsi %min3A_160, %gather3A_166 : vector<16xi32>
    %xor3A_168 = arith.constant 2 : i32
    %xor3A_169 = vector.broadcast %xor3A_168 : i32 to vector<16xi32>
    %xor3A_170 = arith.xori %iota3A, %xor3A_169 : vector<16xi32>
    %broadcast_in_dim3A_171 = vector.shape_cast %xor3A_170 : vector<16xi32> to vector<16x1xi32>
    %gather3A_172 = vector.shape_cast %broadcast_in_dim3A_171 : vector<16x1xi32> to vector<16xi32>
    %gather3A_173 = tpu.dynamic_gather %min3A_167[%gather3A_172] in [0] : vector<16xi32>, vector<16xi32> -> vector<16xi32>
    %min3A_174 = arith.minsi %min3A_167, %gather3A_173 : vector<16xi32>
    %xor3A_175 = arith.constant 1 : i32
    %xor3A_176 = vector.broadcast %xor3A_175 : i32 to vector<16xi32>
    %xor3A_177 = arith.xori %iota3A, %xor3A_176 : vector<16xi32>
    %broadcast_in_dim3A_178 = vector.shape_cast %xor3A_177 : vector<16xi32> to vector<16x1xi32>
    %gather3A_179 = vector.shape_cast %broadcast_in_dim3A_178 : vector<16x1xi32> to vector<16xi32>
    %gather3A_180 = tpu.dynamic_gather %min3A_174[%gather3A_179] in [0] : vector<16xi32>, vector<16xi32> -> vector<16xi32>
    %min3A_181 = arith.minsi %min3A_174, %gather3A_180 : vector<16xi32>
    %eq3A_182 = arith.constant 0 : i32
    %eq3A_183 = vector.broadcast %eq3A_182 : i32 to vector<16xi32>
    %eq3A_184 = arith.cmpi eq, %iota3A, %eq3A_183 : vector<16xi32>
    %select_n3A_185 = arith.select %eq3A_184, %max3A_132, %broadcast_in_dim3A_97 : vector<16xi1>, vector<16xf32>
    %eq3A_186 = arith.constant 0 : i32
    %eq3A_187 = vector.broadcast %eq3A_186 : i32 to vector<16xi32>
    %eq3A_188 = arith.cmpi eq, %iota3A, %eq3A_187 : vector<16xi32>
    %select_n3A_189 = arith.select %eq3A_188, %min3A_181, %broadcast_in_dim3A_99 : vector<16xi1>, vector<16xi32>
    %add3A_190 = arith.addf %broadcast_in_dim3A_101, %max3A_132 : vector<16xf32>
    %add3A_191 = arith.constant 0 : i32
    %add3A_192 = vector.broadcast %add3A_191 : i32 to vector<16xi32>
    %add3A_193 = arith.addi %iota3A, %add3A_192 : vector<16xi32>
    %eq3A_194 = arith.cmpi eq, %add3A_193, %min3A_181 : vector<16xi32>
    %jit3A = arith.constant -1.000000e+00 : f32
    %broadcast_in_dim3A_195 = vector.broadcast %jit3A : f32 to vector<16xf32>
    %select_n3A_196 = arith.select %eq3A_194, %broadcast_in_dim3A_195, %mul3A_92 : vector<16xi1>, vector<16xf32>
    %add3A_197 = arith.constant 16 : i32
    %add3A_198 = vector.broadcast %add3A_197 : i32 to vector<16xi32>
    %add3A_199 = arith.addi %iota3A, %add3A_198 : vector<16xi32>
    %eq3A_200 = arith.cmpi eq, %add3A_199, %min3A_181 : vector<16xi32>
    %jit3A_201 = arith.constant -1.000000e+00 : f32
    %broadcast_in_dim3A_202 = vector.broadcast %jit3A_201 : f32 to vector<16xf32>
    %select_n3A_203 = arith.select %eq3A_200, %broadcast_in_dim3A_202, %mul3A_93 : vector<16xi1>, vector<16xf32>
    %add3A_204 = arith.constant 32 : i32
    %add3A_205 = vector.broadcast %add3A_204 : i32 to vector<16xi32>
    %add3A_206 = arith.addi %iota3A, %add3A_205 : vector<16xi32>
    %eq3A_207 = arith.cmpi eq, %add3A_206, %min3A_181 : vector<16xi32>
    %jit3A_208 = arith.constant -1.000000e+00 : f32
    %broadcast_in_dim3A_209 = vector.broadcast %jit3A_208 : f32 to vector<16xf32>
    %select_n3A_210 = arith.select %eq3A_207, %broadcast_in_dim3A_209, %mul3A_94 : vector<16xi1>, vector<16xf32>
    %add3A_211 = arith.constant 48 : i32
    %add3A_212 = vector.broadcast %add3A_211 : i32 to vector<16xi32>
    %add3A_213 = arith.addi %iota3A, %add3A_212 : vector<16xi32>
    %eq3A_214 = arith.cmpi eq, %add3A_213, %min3A_181 : vector<16xi32>
    %jit3A_215 = arith.constant -1.000000e+00 : f32
    %broadcast_in_dim3A_216 = vector.broadcast %jit3A_215 : f32 to vector<16xf32>
    %select_n3A_217 = arith.select %eq3A_214, %broadcast_in_dim3A_216, %mul3A_95 : vector<16xi1>, vector<16xf32>
    %max3A_218 = arith.maximumf %select_n3A_196, %select_n3A_203 : vector<16xf32>
    %max3A_219 = arith.maximumf %select_n3A_210, %select_n3A_217 : vector<16xf32>
    %max3A_220 = arith.maximumf %max3A_218, %max3A_219 : vector<16xf32>
    %xor3A_221 = arith.constant 8 : i32
    %xor3A_222 = vector.broadcast %xor3A_221 : i32 to vector<16xi32>
    %xor3A_223 = arith.xori %iota3A, %xor3A_222 : vector<16xi32>
    %broadcast_in_dim3A_224 = vector.shape_cast %xor3A_223 : vector<16xi32> to vector<16x1xi32>
    %gather3A_225 = vector.shape_cast %broadcast_in_dim3A_224 : vector<16x1xi32> to vector<16xi32>
    %gather3A_226 = tpu.dynamic_gather %max3A_220[%gather3A_225] in [0] : vector<16xf32>, vector<16xi32> -> vector<16xf32>
    %max3A_227 = arith.maximumf %max3A_220, %gather3A_226 : vector<16xf32>
    %xor3A_228 = arith.constant 4 : i32
    %xor3A_229 = vector.broadcast %xor3A_228 : i32 to vector<16xi32>
    %xor3A_230 = arith.xori %iota3A, %xor3A_229 : vector<16xi32>
    %broadcast_in_dim3A_231 = vector.shape_cast %xor3A_230 : vector<16xi32> to vector<16x1xi32>
    %gather3A_232 = vector.shape_cast %broadcast_in_dim3A_231 : vector<16x1xi32> to vector<16xi32>
    %gather3A_233 = tpu.dynamic_gather %max3A_227[%gather3A_232] in [0] : vector<16xf32>, vector<16xi32> -> vector<16xf32>
    %max3A_234 = arith.maximumf %max3A_227, %gather3A_233 : vector<16xf32>
    %xor3A_235 = arith.constant 2 : i32
    %xor3A_236 = vector.broadcast %xor3A_235 : i32 to vector<16xi32>
    %xor3A_237 = arith.xori %iota3A, %xor3A_236 : vector<16xi32>
    %broadcast_in_dim3A_238 = vector.shape_cast %xor3A_237 : vector<16xi32> to vector<16x1xi32>
    %gather3A_239 = vector.shape_cast %broadcast_in_dim3A_238 : vector<16x1xi32> to vector<16xi32>
    %gather3A_240 = tpu.dynamic_gather %max3A_234[%gather3A_239] in [0] : vector<16xf32>, vector<16xi32> -> vector<16xf32>
    %max3A_241 = arith.maximumf %max3A_234, %gather3A_240 : vector<16xf32>
    %xor3A_242 = arith.constant 1 : i32
    %xor3A_243 = vector.broadcast %xor3A_242 : i32 to vector<16xi32>
    %xor3A_244 = arith.xori %iota3A, %xor3A_243 : vector<16xi32>
    %broadcast_in_dim3A_245 = vector.shape_cast %xor3A_244 : vector<16xi32> to vector<16x1xi32>
    %gather3A_246 = vector.shape_cast %broadcast_in_dim3A_245 : vector<16x1xi32> to vector<16xi32>
    %gather3A_247 = tpu.dynamic_gather %max3A_241[%gather3A_246] in [0] : vector<16xf32>, vector<16xi32> -> vector<16xf32>
    %max3A_248 = arith.maximumf %max3A_241, %gather3A_247 : vector<16xf32>
    %eq3A_249 = arith.cmpf oeq, %select_n3A_196, %max3A_248 : vector<16xf32>
    %add3A_250 = arith.constant 0 : i32
    %add3A_251 = vector.broadcast %add3A_250 : i32 to vector<16xi32>
    %add3A_252 = arith.addi %iota3A, %add3A_251 : vector<16xi32>
    %select_n3A_253 = arith.select %eq3A_249, %add3A_252, %broadcast_in_dim3A_13 : vector<16xi1>, vector<16xi32>
    %min3A_254 = arith.minsi %broadcast_in_dim3A_13, %select_n3A_253 : vector<16xi32>
    %eq3A_255 = arith.cmpf oeq, %select_n3A_203, %max3A_248 : vector<16xf32>
    %add3A_256 = arith.constant 16 : i32
    %add3A_257 = vector.broadcast %add3A_256 : i32 to vector<16xi32>
    %add3A_258 = arith.addi %iota3A, %add3A_257 : vector<16xi32>
    %select_n3A_259 = arith.select %eq3A_255, %add3A_258, %broadcast_in_dim3A_13 : vector<16xi1>, vector<16xi32>
    %min3A_260 = arith.minsi %min3A_254, %select_n3A_259 : vector<16xi32>
    %eq3A_261 = arith.cmpf oeq, %select_n3A_210, %max3A_248 : vector<16xf32>
    %add3A_262 = arith.constant 32 : i32
    %add3A_263 = vector.broadcast %add3A_262 : i32 to vector<16xi32>
    %add3A_264 = arith.addi %iota3A, %add3A_263 : vector<16xi32>
    %select_n3A_265 = arith.select %eq3A_261, %add3A_264, %broadcast_in_dim3A_13 : vector<16xi1>, vector<16xi32>
    %min3A_266 = arith.minsi %min3A_260, %select_n3A_265 : vector<16xi32>
    %eq3A_267 = arith.cmpf oeq, %select_n3A_217, %max3A_248 : vector<16xf32>
    %add3A_268 = arith.constant 48 : i32
    %add3A_269 = vector.broadcast %add3A_268 : i32 to vector<16xi32>
    %add3A_270 = arith.addi %iota3A, %add3A_269 : vector<16xi32>
    %select_n3A_271 = arith.select %eq3A_267, %add3A_270, %broadcast_in_dim3A_13 : vector<16xi1>, vector<16xi32>
    %min3A_272 = arith.minsi %min3A_266, %select_n3A_271 : vector<16xi32>
    %xor3A_273 = arith.constant 8 : i32
    %xor3A_274 = vector.broadcast %xor3A_273 : i32 to vector<16xi32>
    %xor3A_275 = arith.xori %iota3A, %xor3A_274 : vector<16xi32>
    %broadcast_in_dim3A_276 = vector.shape_cast %xor3A_275 : vector<16xi32> to vector<16x1xi32>
    %gather3A_277 = vector.shape_cast %broadcast_in_dim3A_276 : vector<16x1xi32> to vector<16xi32>
    %gather3A_278 = tpu.dynamic_gather %min3A_272[%gather3A_277] in [0] : vector<16xi32>, vector<16xi32> -> vector<16xi32>
    %min3A_279 = arith.minsi %min3A_272, %gather3A_278 : vector<16xi32>
    %xor3A_280 = arith.constant 4 : i32
    %xor3A_281 = vector.broadcast %xor3A_280 : i32 to vector<16xi32>
    %xor3A_282 = arith.xori %iota3A, %xor3A_281 : vector<16xi32>
    %broadcast_in_dim3A_283 = vector.shape_cast %xor3A_282 : vector<16xi32> to vector<16x1xi32>
    %gather3A_284 = vector.shape_cast %broadcast_in_dim3A_283 : vector<16x1xi32> to vector<16xi32>
    %gather3A_285 = tpu.dynamic_gather %min3A_279[%gather3A_284] in [0] : vector<16xi32>, vector<16xi32> -> vector<16xi32>
    %min3A_286 = arith.minsi %min3A_279, %gather3A_285 : vector<16xi32>
    %xor3A_287 = arith.constant 2 : i32
    %xor3A_288 = vector.broadcast %xor3A_287 : i32 to vector<16xi32>
    %xor3A_289 = arith.xori %iota3A, %xor3A_288 : vector<16xi32>
    %broadcast_in_dim3A_290 = vector.shape_cast %xor3A_289 : vector<16xi32> to vector<16x1xi32>
    %gather3A_291 = vector.shape_cast %broadcast_in_dim3A_290 : vector<16x1xi32> to vector<16xi32>
    %gather3A_292 = tpu.dynamic_gather %min3A_286[%gather3A_291] in [0] : vector<16xi32>, vector<16xi32> -> vector<16xi32>
    %min3A_293 = arith.minsi %min3A_286, %gather3A_292 : vector<16xi32>
    %xor3A_294 = arith.constant 1 : i32
    %xor3A_295 = vector.broadcast %xor3A_294 : i32 to vector<16xi32>
    %xor3A_296 = arith.xori %iota3A, %xor3A_295 : vector<16xi32>
    %broadcast_in_dim3A_297 = vector.shape_cast %xor3A_296 : vector<16xi32> to vector<16x1xi32>
    %gather3A_298 = vector.shape_cast %broadcast_in_dim3A_297 : vector<16x1xi32> to vector<16xi32>
    %gather3A_299 = tpu.dynamic_gather %min3A_293[%gather3A_298] in [0] : vector<16xi32>, vector<16xi32> -> vector<16xi32>
    %min3A_300 = arith.minsi %min3A_293, %gather3A_299 : vector<16xi32>
    %eq3A_301 = arith.constant 1 : i32
    %eq3A_302 = vector.broadcast %eq3A_301 : i32 to vector<16xi32>
    %eq3A_303 = arith.cmpi eq, %iota3A, %eq3A_302 : vector<16xi32>
    %select_n3A_304 = arith.select %eq3A_303, %max3A_248, %select_n3A_185 : vector<16xi1>, vector<16xf32>
    %eq3A_305 = arith.constant 1 : i32
    %eq3A_306 = vector.broadcast %eq3A_305 : i32 to vector<16xi32>
    %eq3A_307 = arith.cmpi eq, %iota3A, %eq3A_306 : vector<16xi32>
    %select_n3A_308 = arith.select %eq3A_307, %min3A_300, %select_n3A_189 : vector<16xi1>, vector<16xi32>
    %add3A_309 = arith.addf %add3A_190, %max3A_248 : vector<16xf32>
    %add3A_310 = arith.constant 0 : i32
    %add3A_311 = vector.broadcast %add3A_310 : i32 to vector<16xi32>
    %add3A_312 = arith.addi %iota3A, %add3A_311 : vector<16xi32>
    %eq3A_313 = arith.cmpi eq, %add3A_312, %min3A_300 : vector<16xi32>
    %jit3A_314 = arith.constant -1.000000e+00 : f32
    %broadcast_in_dim3A_315 = vector.broadcast %jit3A_314 : f32 to vector<16xf32>
    %select_n3A_316 = arith.select %eq3A_313, %broadcast_in_dim3A_315, %select_n3A_196 : vector<16xi1>, vector<16xf32>
    %add3A_317 = arith.constant 16 : i32
    %add3A_318 = vector.broadcast %add3A_317 : i32 to vector<16xi32>
    %add3A_319 = arith.addi %iota3A, %add3A_318 : vector<16xi32>
    %eq3A_320 = arith.cmpi eq, %add3A_319, %min3A_300 : vector<16xi32>
    %jit3A_321 = arith.constant -1.000000e+00 : f32
    %broadcast_in_dim3A_322 = vector.broadcast %jit3A_321 : f32 to vector<16xf32>
    %select_n3A_323 = arith.select %eq3A_320, %broadcast_in_dim3A_322, %select_n3A_203 : vector<16xi1>, vector<16xf32>
    %add3A_324 = arith.constant 32 : i32
    %add3A_325 = vector.broadcast %add3A_324 : i32 to vector<16xi32>
    %add3A_326 = arith.addi %iota3A, %add3A_325 : vector<16xi32>
    %eq3A_327 = arith.cmpi eq, %add3A_326, %min3A_300 : vector<16xi32>
    %jit3A_328 = arith.constant -1.000000e+00 : f32
    %broadcast_in_dim3A_329 = vector.broadcast %jit3A_328 : f32 to vector<16xf32>
    %select_n3A_330 = arith.select %eq3A_327, %broadcast_in_dim3A_329, %select_n3A_210 : vector<16xi1>, vector<16xf32>
    %add3A_331 = arith.constant 48 : i32
    %add3A_332 = vector.broadcast %add3A_331 : i32 to vector<16xi32>
    %add3A_333 = arith.addi %iota3A, %add3A_332 : vector<16xi32>
    %eq3A_334 = arith.cmpi eq, %add3A_333, %min3A_300 : vector<16xi32>
    %jit3A_335 = arith.constant -1.000000e+00 : f32
    %broadcast_in_dim3A_336 = vector.broadcast %jit3A_335 : f32 to vector<16xf32>
    %select_n3A_337 = arith.select %eq3A_334, %broadcast_in_dim3A_336, %select_n3A_217 : vector<16xi1>, vector<16xf32>
    %max3A_338 = arith.maximumf %select_n3A_316, %select_n3A_323 : vector<16xf32>
    %max3A_339 = arith.maximumf %select_n3A_330, %select_n3A_337 : vector<16xf32>
    %max3A_340 = arith.maximumf %max3A_338, %max3A_339 : vector<16xf32>
    %xor3A_341 = arith.constant 8 : i32
    %xor3A_342 = vector.broadcast %xor3A_341 : i32 to vector<16xi32>
    %xor3A_343 = arith.xori %iota3A, %xor3A_342 : vector<16xi32>
    %broadcast_in_dim3A_344 = vector.shape_cast %xor3A_343 : vector<16xi32> to vector<16x1xi32>
    %gather3A_345 = vector.shape_cast %broadcast_in_dim3A_344 : vector<16x1xi32> to vector<16xi32>
    %gather3A_346 = tpu.dynamic_gather %max3A_340[%gather3A_345] in [0] : vector<16xf32>, vector<16xi32> -> vector<16xf32>
    %max3A_347 = arith.maximumf %max3A_340, %gather3A_346 : vector<16xf32>
    %xor3A_348 = arith.constant 4 : i32
    %xor3A_349 = vector.broadcast %xor3A_348 : i32 to vector<16xi32>
    %xor3A_350 = arith.xori %iota3A, %xor3A_349 : vector<16xi32>
    %broadcast_in_dim3A_351 = vector.shape_cast %xor3A_350 : vector<16xi32> to vector<16x1xi32>
    %gather3A_352 = vector.shape_cast %broadcast_in_dim3A_351 : vector<16x1xi32> to vector<16xi32>
    %gather3A_353 = tpu.dynamic_gather %max3A_347[%gather3A_352] in [0] : vector<16xf32>, vector<16xi32> -> vector<16xf32>
    %max3A_354 = arith.maximumf %max3A_347, %gather3A_353 : vector<16xf32>
    %xor3A_355 = arith.constant 2 : i32
    %xor3A_356 = vector.broadcast %xor3A_355 : i32 to vector<16xi32>
    %xor3A_357 = arith.xori %iota3A, %xor3A_356 : vector<16xi32>
    %broadcast_in_dim3A_358 = vector.shape_cast %xor3A_357 : vector<16xi32> to vector<16x1xi32>
    %gather3A_359 = vector.shape_cast %broadcast_in_dim3A_358 : vector<16x1xi32> to vector<16xi32>
    %gather3A_360 = tpu.dynamic_gather %max3A_354[%gather3A_359] in [0] : vector<16xf32>, vector<16xi32> -> vector<16xf32>
    %max3A_361 = arith.maximumf %max3A_354, %gather3A_360 : vector<16xf32>
    %xor3A_362 = arith.constant 1 : i32
    %xor3A_363 = vector.broadcast %xor3A_362 : i32 to vector<16xi32>
    %xor3A_364 = arith.xori %iota3A, %xor3A_363 : vector<16xi32>
    %broadcast_in_dim3A_365 = vector.shape_cast %xor3A_364 : vector<16xi32> to vector<16x1xi32>
    %gather3A_366 = vector.shape_cast %broadcast_in_dim3A_365 : vector<16x1xi32> to vector<16xi32>
    %gather3A_367 = tpu.dynamic_gather %max3A_361[%gather3A_366] in [0] : vector<16xf32>, vector<16xi32> -> vector<16xf32>
    %max3A_368 = arith.maximumf %max3A_361, %gather3A_367 : vector<16xf32>
    %eq3A_369 = arith.cmpf oeq, %select_n3A_316, %max3A_368 : vector<16xf32>
    %add3A_370 = arith.constant 0 : i32
    %add3A_371 = vector.broadcast %add3A_370 : i32 to vector<16xi32>
    %add3A_372 = arith.addi %iota3A, %add3A_371 : vector<16xi32>
    %select_n3A_373 = arith.select %eq3A_369, %add3A_372, %broadcast_in_dim3A_13 : vector<16xi1>, vector<16xi32>
    %min3A_374 = arith.minsi %broadcast_in_dim3A_13, %select_n3A_373 : vector<16xi32>
    %eq3A_375 = arith.cmpf oeq, %select_n3A_323, %max3A_368 : vector<16xf32>
    %add3A_376 = arith.constant 16 : i32
    %add3A_377 = vector.broadcast %add3A_376 : i32 to vector<16xi32>
    %add3A_378 = arith.addi %iota3A, %add3A_377 : vector<16xi32>
    %select_n3A_379 = arith.select %eq3A_375, %add3A_378, %broadcast_in_dim3A_13 : vector<16xi1>, vector<16xi32>
    %min3A_380 = arith.minsi %min3A_374, %select_n3A_379 : vector<16xi32>
    %eq3A_381 = arith.cmpf oeq, %select_n3A_330, %max3A_368 : vector<16xf32>
    %add3A_382 = arith.constant 32 : i32
    %add3A_383 = vector.broadcast %add3A_382 : i32 to vector<16xi32>
    %add3A_384 = arith.addi %iota3A, %add3A_383 : vector<16xi32>
    %select_n3A_385 = arith.select %eq3A_381, %add3A_384, %broadcast_in_dim3A_13 : vector<16xi1>, vector<16xi32>
    %min3A_386 = arith.minsi %min3A_380, %select_n3A_385 : vector<16xi32>
    %eq3A_387 = arith.cmpf oeq, %select_n3A_337, %max3A_368 : vector<16xf32>
    %add3A_388 = arith.constant 48 : i32
    %add3A_389 = vector.broadcast %add3A_388 : i32 to vector<16xi32>
    %add3A_390 = arith.addi %iota3A, %add3A_389 : vector<16xi32>
    %select_n3A_391 = arith.select %eq3A_387, %add3A_390, %broadcast_in_dim3A_13 : vector<16xi1>, vector<16xi32>
    %min3A_392 = arith.minsi %min3A_386, %select_n3A_391 : vector<16xi32>
    %xor3A_393 = arith.constant 8 : i32
    %xor3A_394 = vector.broadcast %xor3A_393 : i32 to vector<16xi32>
    %xor3A_395 = arith.xori %iota3A, %xor3A_394 : vector<16xi32>
    %broadcast_in_dim3A_396 = vector.shape_cast %xor3A_395 : vector<16xi32> to vector<16x1xi32>
    %gather3A_397 = vector.shape_cast %broadcast_in_dim3A_396 : vector<16x1xi32> to vector<16xi32>
    %gather3A_398 = tpu.dynamic_gather %min3A_392[%gather3A_397] in [0] : vector<16xi32>, vector<16xi32> -> vector<16xi32>
    %min3A_399 = arith.minsi %min3A_392, %gather3A_398 : vector<16xi32>
    %xor3A_400 = arith.constant 4 : i32
    %xor3A_401 = vector.broadcast %xor3A_400 : i32 to vector<16xi32>
    %xor3A_402 = arith.xori %iota3A, %xor3A_401 : vector<16xi32>
    %broadcast_in_dim3A_403 = vector.shape_cast %xor3A_402 : vector<16xi32> to vector<16x1xi32>
    %gather3A_404 = vector.shape_cast %broadcast_in_dim3A_403 : vector<16x1xi32> to vector<16xi32>
    %gather3A_405 = tpu.dynamic_gather %min3A_399[%gather3A_404] in [0] : vector<16xi32>, vector<16xi32> -> vector<16xi32>
    %min3A_406 = arith.minsi %min3A_399, %gather3A_405 : vector<16xi32>
    %xor3A_407 = arith.constant 2 : i32
    %xor3A_408 = vector.broadcast %xor3A_407 : i32 to vector<16xi32>
    %xor3A_409 = arith.xori %iota3A, %xor3A_408 : vector<16xi32>
    %broadcast_in_dim3A_410 = vector.shape_cast %xor3A_409 : vector<16xi32> to vector<16x1xi32>
    %gather3A_411 = vector.shape_cast %broadcast_in_dim3A_410 : vector<16x1xi32> to vector<16xi32>
    %gather3A_412 = tpu.dynamic_gather %min3A_406[%gather3A_411] in [0] : vector<16xi32>, vector<16xi32> -> vector<16xi32>
    %min3A_413 = arith.minsi %min3A_406, %gather3A_412 : vector<16xi32>
    %xor3A_414 = arith.constant 1 : i32
    %xor3A_415 = vector.broadcast %xor3A_414 : i32 to vector<16xi32>
    %xor3A_416 = arith.xori %iota3A, %xor3A_415 : vector<16xi32>
    %broadcast_in_dim3A_417 = vector.shape_cast %xor3A_416 : vector<16xi32> to vector<16x1xi32>
    %gather3A_418 = vector.shape_cast %broadcast_in_dim3A_417 : vector<16x1xi32> to vector<16xi32>
    %gather3A_419 = tpu.dynamic_gather %min3A_413[%gather3A_418] in [0] : vector<16xi32>, vector<16xi32> -> vector<16xi32>
    %min3A_420 = arith.minsi %min3A_413, %gather3A_419 : vector<16xi32>
    %eq3A_421 = arith.constant 2 : i32
    %eq3A_422 = vector.broadcast %eq3A_421 : i32 to vector<16xi32>
    %eq3A_423 = arith.cmpi eq, %iota3A, %eq3A_422 : vector<16xi32>
    %select_n3A_424 = arith.select %eq3A_423, %max3A_368, %select_n3A_304 : vector<16xi1>, vector<16xf32>
    %eq3A_425 = arith.constant 2 : i32
    %eq3A_426 = vector.broadcast %eq3A_425 : i32 to vector<16xi32>
    %eq3A_427 = arith.cmpi eq, %iota3A, %eq3A_426 : vector<16xi32>
    %select_n3A_428 = arith.select %eq3A_427, %min3A_420, %select_n3A_308 : vector<16xi1>, vector<16xi32>
    %add3A_429 = arith.addf %add3A_309, %max3A_368 : vector<16xf32>
    %add3A_430 = arith.constant 0 : i32
    %add3A_431 = vector.broadcast %add3A_430 : i32 to vector<16xi32>
    %add3A_432 = arith.addi %iota3A, %add3A_431 : vector<16xi32>
    %eq3A_433 = arith.cmpi eq, %add3A_432, %min3A_420 : vector<16xi32>
    %jit3A_434 = arith.constant -1.000000e+00 : f32
    %broadcast_in_dim3A_435 = vector.broadcast %jit3A_434 : f32 to vector<16xf32>
    %select_n3A_436 = arith.select %eq3A_433, %broadcast_in_dim3A_435, %select_n3A_316 : vector<16xi1>, vector<16xf32>
    %add3A_437 = arith.constant 16 : i32
    %add3A_438 = vector.broadcast %add3A_437 : i32 to vector<16xi32>
    %add3A_439 = arith.addi %iota3A, %add3A_438 : vector<16xi32>
    %eq3A_440 = arith.cmpi eq, %add3A_439, %min3A_420 : vector<16xi32>
    %jit3A_441 = arith.constant -1.000000e+00 : f32
    %broadcast_in_dim3A_442 = vector.broadcast %jit3A_441 : f32 to vector<16xf32>
    %select_n3A_443 = arith.select %eq3A_440, %broadcast_in_dim3A_442, %select_n3A_323 : vector<16xi1>, vector<16xf32>
    %add3A_444 = arith.constant 32 : i32
    %add3A_445 = vector.broadcast %add3A_444 : i32 to vector<16xi32>
    %add3A_446 = arith.addi %iota3A, %add3A_445 : vector<16xi32>
    %eq3A_447 = arith.cmpi eq, %add3A_446, %min3A_420 : vector<16xi32>
    %jit3A_448 = arith.constant -1.000000e+00 : f32
    %broadcast_in_dim3A_449 = vector.broadcast %jit3A_448 : f32 to vector<16xf32>
    %select_n3A_450 = arith.select %eq3A_447, %broadcast_in_dim3A_449, %select_n3A_330 : vector<16xi1>, vector<16xf32>
    %add3A_451 = arith.constant 48 : i32
    %add3A_452 = vector.broadcast %add3A_451 : i32 to vector<16xi32>
    %add3A_453 = arith.addi %iota3A, %add3A_452 : vector<16xi32>
    %eq3A_454 = arith.cmpi eq, %add3A_453, %min3A_420 : vector<16xi32>
    %jit3A_455 = arith.constant -1.000000e+00 : f32
    %broadcast_in_dim3A_456 = vector.broadcast %jit3A_455 : f32 to vector<16xf32>
    %select_n3A_457 = arith.select %eq3A_454, %broadcast_in_dim3A_456, %select_n3A_337 : vector<16xi1>, vector<16xf32>
    %max3A_458 = arith.maximumf %select_n3A_436, %select_n3A_443 : vector<16xf32>
    %max3A_459 = arith.maximumf %select_n3A_450, %select_n3A_457 : vector<16xf32>
    %max3A_460 = arith.maximumf %max3A_458, %max3A_459 : vector<16xf32>
    %xor3A_461 = arith.constant 8 : i32
    %xor3A_462 = vector.broadcast %xor3A_461 : i32 to vector<16xi32>
    %xor3A_463 = arith.xori %iota3A, %xor3A_462 : vector<16xi32>
    %broadcast_in_dim3A_464 = vector.shape_cast %xor3A_463 : vector<16xi32> to vector<16x1xi32>
    %gather3A_465 = vector.shape_cast %broadcast_in_dim3A_464 : vector<16x1xi32> to vector<16xi32>
    %gather3A_466 = tpu.dynamic_gather %max3A_460[%gather3A_465] in [0] : vector<16xf32>, vector<16xi32> -> vector<16xf32>
    %max3A_467 = arith.maximumf %max3A_460, %gather3A_466 : vector<16xf32>
    %xor3A_468 = arith.constant 4 : i32
    %xor3A_469 = vector.broadcast %xor3A_468 : i32 to vector<16xi32>
    %xor3A_470 = arith.xori %iota3A, %xor3A_469 : vector<16xi32>
    %broadcast_in_dim3A_471 = vector.shape_cast %xor3A_470 : vector<16xi32> to vector<16x1xi32>
    %gather3A_472 = vector.shape_cast %broadcast_in_dim3A_471 : vector<16x1xi32> to vector<16xi32>
    %gather3A_473 = tpu.dynamic_gather %max3A_467[%gather3A_472] in [0] : vector<16xf32>, vector<16xi32> -> vector<16xf32>
    %max3A_474 = arith.maximumf %max3A_467, %gather3A_473 : vector<16xf32>
    %xor3A_475 = arith.constant 2 : i32
    %xor3A_476 = vector.broadcast %xor3A_475 : i32 to vector<16xi32>
    %xor3A_477 = arith.xori %iota3A, %xor3A_476 : vector<16xi32>
    %broadcast_in_dim3A_478 = vector.shape_cast %xor3A_477 : vector<16xi32> to vector<16x1xi32>
    %gather3A_479 = vector.shape_cast %broadcast_in_dim3A_478 : vector<16x1xi32> to vector<16xi32>
    %gather3A_480 = tpu.dynamic_gather %max3A_474[%gather3A_479] in [0] : vector<16xf32>, vector<16xi32> -> vector<16xf32>
    %max3A_481 = arith.maximumf %max3A_474, %gather3A_480 : vector<16xf32>
    %xor3A_482 = arith.constant 1 : i32
    %xor3A_483 = vector.broadcast %xor3A_482 : i32 to vector<16xi32>
    %xor3A_484 = arith.xori %iota3A, %xor3A_483 : vector<16xi32>
    %broadcast_in_dim3A_485 = vector.shape_cast %xor3A_484 : vector<16xi32> to vector<16x1xi32>
    %gather3A_486 = vector.shape_cast %broadcast_in_dim3A_485 : vector<16x1xi32> to vector<16xi32>
    %gather3A_487 = tpu.dynamic_gather %max3A_481[%gather3A_486] in [0] : vector<16xf32>, vector<16xi32> -> vector<16xf32>
    %max3A_488 = arith.maximumf %max3A_481, %gather3A_487 : vector<16xf32>
    %eq3A_489 = arith.cmpf oeq, %select_n3A_436, %max3A_488 : vector<16xf32>
    %add3A_490 = arith.constant 0 : i32
    %add3A_491 = vector.broadcast %add3A_490 : i32 to vector<16xi32>
    %add3A_492 = arith.addi %iota3A, %add3A_491 : vector<16xi32>
    %select_n3A_493 = arith.select %eq3A_489, %add3A_492, %broadcast_in_dim3A_13 : vector<16xi1>, vector<16xi32>
    %min3A_494 = arith.minsi %broadcast_in_dim3A_13, %select_n3A_493 : vector<16xi32>
    %eq3A_495 = arith.cmpf oeq, %select_n3A_443, %max3A_488 : vector<16xf32>
    %add3A_496 = arith.constant 16 : i32
    %add3A_497 = vector.broadcast %add3A_496 : i32 to vector<16xi32>
    %add3A_498 = arith.addi %iota3A, %add3A_497 : vector<16xi32>
    %select_n3A_499 = arith.select %eq3A_495, %add3A_498, %broadcast_in_dim3A_13 : vector<16xi1>, vector<16xi32>
    %min3A_500 = arith.minsi %min3A_494, %select_n3A_499 : vector<16xi32>
    %eq3A_501 = arith.cmpf oeq, %select_n3A_450, %max3A_488 : vector<16xf32>
    %add3A_502 = arith.constant 32 : i32
    %add3A_503 = vector.broadcast %add3A_502 : i32 to vector<16xi32>
    %add3A_504 = arith.addi %iota3A, %add3A_503 : vector<16xi32>
    %select_n3A_505 = arith.select %eq3A_501, %add3A_504, %broadcast_in_dim3A_13 : vector<16xi1>, vector<16xi32>
    %min3A_506 = arith.minsi %min3A_500, %select_n3A_505 : vector<16xi32>
    %eq3A_507 = arith.cmpf oeq, %select_n3A_457, %max3A_488 : vector<16xf32>
    %add3A_508 = arith.constant 48 : i32
    %add3A_509 = vector.broadcast %add3A_508 : i32 to vector<16xi32>
    %add3A_510 = arith.addi %iota3A, %add3A_509 : vector<16xi32>
    %select_n3A_511 = arith.select %eq3A_507, %add3A_510, %broadcast_in_dim3A_13 : vector<16xi1>, vector<16xi32>
    %min3A_512 = arith.minsi %min3A_506, %select_n3A_511 : vector<16xi32>
    %xor3A_513 = arith.constant 8 : i32
    %xor3A_514 = vector.broadcast %xor3A_513 : i32 to vector<16xi32>
    %xor3A_515 = arith.xori %iota3A, %xor3A_514 : vector<16xi32>
    %broadcast_in_dim3A_516 = vector.shape_cast %xor3A_515 : vector<16xi32> to vector<16x1xi32>
    %gather3A_517 = vector.shape_cast %broadcast_in_dim3A_516 : vector<16x1xi32> to vector<16xi32>
    %gather3A_518 = tpu.dynamic_gather %min3A_512[%gather3A_517] in [0] : vector<16xi32>, vector<16xi32> -> vector<16xi32>
    %min3A_519 = arith.minsi %min3A_512, %gather3A_518 : vector<16xi32>
    %xor3A_520 = arith.constant 4 : i32
    %xor3A_521 = vector.broadcast %xor3A_520 : i32 to vector<16xi32>
    %xor3A_522 = arith.xori %iota3A, %xor3A_521 : vector<16xi32>
    %broadcast_in_dim3A_523 = vector.shape_cast %xor3A_522 : vector<16xi32> to vector<16x1xi32>
    %gather3A_524 = vector.shape_cast %broadcast_in_dim3A_523 : vector<16x1xi32> to vector<16xi32>
    %gather3A_525 = tpu.dynamic_gather %min3A_519[%gather3A_524] in [0] : vector<16xi32>, vector<16xi32> -> vector<16xi32>
    %min3A_526 = arith.minsi %min3A_519, %gather3A_525 : vector<16xi32>
    %xor3A_527 = arith.constant 2 : i32
    %xor3A_528 = vector.broadcast %xor3A_527 : i32 to vector<16xi32>
    %xor3A_529 = arith.xori %iota3A, %xor3A_528 : vector<16xi32>
    %broadcast_in_dim3A_530 = vector.shape_cast %xor3A_529 : vector<16xi32> to vector<16x1xi32>
    %gather3A_531 = vector.shape_cast %broadcast_in_dim3A_530 : vector<16x1xi32> to vector<16xi32>
    %gather3A_532 = tpu.dynamic_gather %min3A_526[%gather3A_531] in [0] : vector<16xi32>, vector<16xi32> -> vector<16xi32>
    %min3A_533 = arith.minsi %min3A_526, %gather3A_532 : vector<16xi32>
    %xor3A_534 = arith.constant 1 : i32
    %xor3A_535 = vector.broadcast %xor3A_534 : i32 to vector<16xi32>
    %xor3A_536 = arith.xori %iota3A, %xor3A_535 : vector<16xi32>
    %broadcast_in_dim3A_537 = vector.shape_cast %xor3A_536 : vector<16xi32> to vector<16x1xi32>
    %gather3A_538 = vector.shape_cast %broadcast_in_dim3A_537 : vector<16x1xi32> to vector<16xi32>
    %gather3A_539 = tpu.dynamic_gather %min3A_533[%gather3A_538] in [0] : vector<16xi32>, vector<16xi32> -> vector<16xi32>
    %min3A_540 = arith.minsi %min3A_533, %gather3A_539 : vector<16xi32>
    %eq3A_541 = arith.constant 3 : i32
    %eq3A_542 = vector.broadcast %eq3A_541 : i32 to vector<16xi32>
    %eq3A_543 = arith.cmpi eq, %iota3A, %eq3A_542 : vector<16xi32>
    %select_n3A_544 = arith.select %eq3A_543, %max3A_488, %select_n3A_424 : vector<16xi1>, vector<16xf32>
    %eq3A_545 = arith.constant 3 : i32
    %eq3A_546 = vector.broadcast %eq3A_545 : i32 to vector<16xi32>
    %eq3A_547 = arith.cmpi eq, %iota3A, %eq3A_546 : vector<16xi32>
    %select_n3A_548 = arith.select %eq3A_547, %min3A_540, %select_n3A_428 : vector<16xi1>, vector<16xi32>
    %add3A_549 = arith.addf %add3A_429, %max3A_488 : vector<16xf32>
    %add3A_550 = arith.constant 0 : i32
    %add3A_551 = vector.broadcast %add3A_550 : i32 to vector<16xi32>
    %add3A_552 = arith.addi %iota3A, %add3A_551 : vector<16xi32>
    %eq3A_553 = arith.cmpi eq, %add3A_552, %min3A_540 : vector<16xi32>
    %jit3A_554 = arith.constant -1.000000e+00 : f32
    %broadcast_in_dim3A_555 = vector.broadcast %jit3A_554 : f32 to vector<16xf32>
    %select_n3A_556 = arith.select %eq3A_553, %broadcast_in_dim3A_555, %select_n3A_436 : vector<16xi1>, vector<16xf32>
    %add3A_557 = arith.constant 16 : i32
    %add3A_558 = vector.broadcast %add3A_557 : i32 to vector<16xi32>
    %add3A_559 = arith.addi %iota3A, %add3A_558 : vector<16xi32>
    %eq3A_560 = arith.cmpi eq, %add3A_559, %min3A_540 : vector<16xi32>
    %jit3A_561 = arith.constant -1.000000e+00 : f32
    %broadcast_in_dim3A_562 = vector.broadcast %jit3A_561 : f32 to vector<16xf32>
    %select_n3A_563 = arith.select %eq3A_560, %broadcast_in_dim3A_562, %select_n3A_443 : vector<16xi1>, vector<16xf32>
    %add3A_564 = arith.constant 32 : i32
    %add3A_565 = vector.broadcast %add3A_564 : i32 to vector<16xi32>
    %add3A_566 = arith.addi %iota3A, %add3A_565 : vector<16xi32>
    %eq3A_567 = arith.cmpi eq, %add3A_566, %min3A_540 : vector<16xi32>
    %jit3A_568 = arith.constant -1.000000e+00 : f32
    %broadcast_in_dim3A_569 = vector.broadcast %jit3A_568 : f32 to vector<16xf32>
    %select_n3A_570 = arith.select %eq3A_567, %broadcast_in_dim3A_569, %select_n3A_450 : vector<16xi1>, vector<16xf32>
    %add3A_571 = arith.constant 48 : i32
    %add3A_572 = vector.broadcast %add3A_571 : i32 to vector<16xi32>
    %add3A_573 = arith.addi %iota3A, %add3A_572 : vector<16xi32>
    %eq3A_574 = arith.cmpi eq, %add3A_573, %min3A_540 : vector<16xi32>
    %jit3A_575 = arith.constant -1.000000e+00 : f32
    %broadcast_in_dim3A_576 = vector.broadcast %jit3A_575 : f32 to vector<16xf32>
    %select_n3A_577 = arith.select %eq3A_574, %broadcast_in_dim3A_576, %select_n3A_457 : vector<16xi1>, vector<16xf32>
    %max3A_578 = arith.maximumf %select_n3A_556, %select_n3A_563 : vector<16xf32>
    %max3A_579 = arith.maximumf %select_n3A_570, %select_n3A_577 : vector<16xf32>
    %max3A_580 = arith.maximumf %max3A_578, %max3A_579 : vector<16xf32>
    %xor3A_581 = arith.constant 8 : i32
    %xor3A_582 = vector.broadcast %xor3A_581 : i32 to vector<16xi32>
    %xor3A_583 = arith.xori %iota3A, %xor3A_582 : vector<16xi32>
    %broadcast_in_dim3A_584 = vector.shape_cast %xor3A_583 : vector<16xi32> to vector<16x1xi32>
    %gather3A_585 = vector.shape_cast %broadcast_in_dim3A_584 : vector<16x1xi32> to vector<16xi32>
    %gather3A_586 = tpu.dynamic_gather %max3A_580[%gather3A_585] in [0] : vector<16xf32>, vector<16xi32> -> vector<16xf32>
    %max3A_587 = arith.maximumf %max3A_580, %gather3A_586 : vector<16xf32>
    %xor3A_588 = arith.constant 4 : i32
    %xor3A_589 = vector.broadcast %xor3A_588 : i32 to vector<16xi32>
    %xor3A_590 = arith.xori %iota3A, %xor3A_589 : vector<16xi32>
    %broadcast_in_dim3A_591 = vector.shape_cast %xor3A_590 : vector<16xi32> to vector<16x1xi32>
    %gather3A_592 = vector.shape_cast %broadcast_in_dim3A_591 : vector<16x1xi32> to vector<16xi32>
    %gather3A_593 = tpu.dynamic_gather %max3A_587[%gather3A_592] in [0] : vector<16xf32>, vector<16xi32> -> vector<16xf32>
    %max3A_594 = arith.maximumf %max3A_587, %gather3A_593 : vector<16xf32>
    %xor3A_595 = arith.constant 2 : i32
    %xor3A_596 = vector.broadcast %xor3A_595 : i32 to vector<16xi32>
    %xor3A_597 = arith.xori %iota3A, %xor3A_596 : vector<16xi32>
    %broadcast_in_dim3A_598 = vector.shape_cast %xor3A_597 : vector<16xi32> to vector<16x1xi32>
    %gather3A_599 = vector.shape_cast %broadcast_in_dim3A_598 : vector<16x1xi32> to vector<16xi32>
    %gather3A_600 = tpu.dynamic_gather %max3A_594[%gather3A_599] in [0] : vector<16xf32>, vector<16xi32> -> vector<16xf32>
    %max3A_601 = arith.maximumf %max3A_594, %gather3A_600 : vector<16xf32>
    %xor3A_602 = arith.constant 1 : i32
    %xor3A_603 = vector.broadcast %xor3A_602 : i32 to vector<16xi32>
    %xor3A_604 = arith.xori %iota3A, %xor3A_603 : vector<16xi32>
    %broadcast_in_dim3A_605 = vector.shape_cast %xor3A_604 : vector<16xi32> to vector<16x1xi32>
    %gather3A_606 = vector.shape_cast %broadcast_in_dim3A_605 : vector<16x1xi32> to vector<16xi32>
    %gather3A_607 = tpu.dynamic_gather %max3A_601[%gather3A_606] in [0] : vector<16xf32>, vector<16xi32> -> vector<16xf32>
    %max3A_608 = arith.maximumf %max3A_601, %gather3A_607 : vector<16xf32>
    %eq3A_609 = arith.cmpf oeq, %select_n3A_556, %max3A_608 : vector<16xf32>
    %add3A_610 = arith.constant 0 : i32
    %add3A_611 = vector.broadcast %add3A_610 : i32 to vector<16xi32>
    %add3A_612 = arith.addi %iota3A, %add3A_611 : vector<16xi32>
    %select_n3A_613 = arith.select %eq3A_609, %add3A_612, %broadcast_in_dim3A_13 : vector<16xi1>, vector<16xi32>
    %min3A_614 = arith.minsi %broadcast_in_dim3A_13, %select_n3A_613 : vector<16xi32>
    %eq3A_615 = arith.cmpf oeq, %select_n3A_563, %max3A_608 : vector<16xf32>
    %add3A_616 = arith.constant 16 : i32
    %add3A_617 = vector.broadcast %add3A_616 : i32 to vector<16xi32>
    %add3A_618 = arith.addi %iota3A, %add3A_617 : vector<16xi32>
    %select_n3A_619 = arith.select %eq3A_615, %add3A_618, %broadcast_in_dim3A_13 : vector<16xi1>, vector<16xi32>
    %min3A_620 = arith.minsi %min3A_614, %select_n3A_619 : vector<16xi32>
    %eq3A_621 = arith.cmpf oeq, %select_n3A_570, %max3A_608 : vector<16xf32>
    %add3A_622 = arith.constant 32 : i32
    %add3A_623 = vector.broadcast %add3A_622 : i32 to vector<16xi32>
    %add3A_624 = arith.addi %iota3A, %add3A_623 : vector<16xi32>
    %select_n3A_625 = arith.select %eq3A_621, %add3A_624, %broadcast_in_dim3A_13 : vector<16xi1>, vector<16xi32>
    %min3A_626 = arith.minsi %min3A_620, %select_n3A_625 : vector<16xi32>
    %eq3A_627 = arith.cmpf oeq, %select_n3A_577, %max3A_608 : vector<16xf32>
    %add3A_628 = arith.constant 48 : i32
    %add3A_629 = vector.broadcast %add3A_628 : i32 to vector<16xi32>
    %add3A_630 = arith.addi %iota3A, %add3A_629 : vector<16xi32>
    %select_n3A_631 = arith.select %eq3A_627, %add3A_630, %broadcast_in_dim3A_13 : vector<16xi1>, vector<16xi32>
    %min3A_632 = arith.minsi %min3A_626, %select_n3A_631 : vector<16xi32>
    %xor3A_633 = arith.constant 8 : i32
    %xor3A_634 = vector.broadcast %xor3A_633 : i32 to vector<16xi32>
    %xor3A_635 = arith.xori %iota3A, %xor3A_634 : vector<16xi32>
    %broadcast_in_dim3A_636 = vector.shape_cast %xor3A_635 : vector<16xi32> to vector<16x1xi32>
    %gather3A_637 = vector.shape_cast %broadcast_in_dim3A_636 : vector<16x1xi32> to vector<16xi32>
    %gather3A_638 = tpu.dynamic_gather %min3A_632[%gather3A_637] in [0] : vector<16xi32>, vector<16xi32> -> vector<16xi32>
    %min3A_639 = arith.minsi %min3A_632, %gather3A_638 : vector<16xi32>
    %xor3A_640 = arith.constant 4 : i32
    %xor3A_641 = vector.broadcast %xor3A_640 : i32 to vector<16xi32>
    %xor3A_642 = arith.xori %iota3A, %xor3A_641 : vector<16xi32>
    %broadcast_in_dim3A_643 = vector.shape_cast %xor3A_642 : vector<16xi32> to vector<16x1xi32>
    %gather3A_644 = vector.shape_cast %broadcast_in_dim3A_643 : vector<16x1xi32> to vector<16xi32>
    %gather3A_645 = tpu.dynamic_gather %min3A_639[%gather3A_644] in [0] : vector<16xi32>, vector<16xi32> -> vector<16xi32>
    %min3A_646 = arith.minsi %min3A_639, %gather3A_645 : vector<16xi32>
    %xor3A_647 = arith.constant 2 : i32
    %xor3A_648 = vector.broadcast %xor3A_647 : i32 to vector<16xi32>
    %xor3A_649 = arith.xori %iota3A, %xor3A_648 : vector<16xi32>
    %broadcast_in_dim3A_650 = vector.shape_cast %xor3A_649 : vector<16xi32> to vector<16x1xi32>
    %gather3A_651 = vector.shape_cast %broadcast_in_dim3A_650 : vector<16x1xi32> to vector<16xi32>
    %gather3A_652 = tpu.dynamic_gather %min3A_646[%gather3A_651] in [0] : vector<16xi32>, vector<16xi32> -> vector<16xi32>
    %min3A_653 = arith.minsi %min3A_646, %gather3A_652 : vector<16xi32>
    %xor3A_654 = arith.constant 1 : i32
    %xor3A_655 = vector.broadcast %xor3A_654 : i32 to vector<16xi32>
    %xor3A_656 = arith.xori %iota3A, %xor3A_655 : vector<16xi32>
    %broadcast_in_dim3A_657 = vector.shape_cast %xor3A_656 : vector<16xi32> to vector<16x1xi32>
    %gather3A_658 = vector.shape_cast %broadcast_in_dim3A_657 : vector<16x1xi32> to vector<16xi32>
    %gather3A_659 = tpu.dynamic_gather %min3A_653[%gather3A_658] in [0] : vector<16xi32>, vector<16xi32> -> vector<16xi32>
    %min3A_660 = arith.minsi %min3A_653, %gather3A_659 : vector<16xi32>
    %eq3A_661 = arith.constant 4 : i32
    %eq3A_662 = vector.broadcast %eq3A_661 : i32 to vector<16xi32>
    %eq3A_663 = arith.cmpi eq, %iota3A, %eq3A_662 : vector<16xi32>
    %select_n3A_664 = arith.select %eq3A_663, %max3A_608, %select_n3A_544 : vector<16xi1>, vector<16xf32>
    %eq3A_665 = arith.constant 4 : i32
    %eq3A_666 = vector.broadcast %eq3A_665 : i32 to vector<16xi32>
    %eq3A_667 = arith.cmpi eq, %iota3A, %eq3A_666 : vector<16xi32>
    %select_n3A_668 = arith.select %eq3A_667, %min3A_660, %select_n3A_548 : vector<16xi1>, vector<16xi32>
    %add3A_669 = arith.addf %add3A_549, %max3A_608 : vector<16xf32>
    %add3A_670 = arith.constant 0 : i32
    %add3A_671 = vector.broadcast %add3A_670 : i32 to vector<16xi32>
    %add3A_672 = arith.addi %iota3A, %add3A_671 : vector<16xi32>
    %eq3A_673 = arith.cmpi eq, %add3A_672, %min3A_660 : vector<16xi32>
    %jit3A_674 = arith.constant -1.000000e+00 : f32
    %broadcast_in_dim3A_675 = vector.broadcast %jit3A_674 : f32 to vector<16xf32>
    %select_n3A_676 = arith.select %eq3A_673, %broadcast_in_dim3A_675, %select_n3A_556 : vector<16xi1>, vector<16xf32>
    %add3A_677 = arith.constant 16 : i32
    %add3A_678 = vector.broadcast %add3A_677 : i32 to vector<16xi32>
    %add3A_679 = arith.addi %iota3A, %add3A_678 : vector<16xi32>
    %eq3A_680 = arith.cmpi eq, %add3A_679, %min3A_660 : vector<16xi32>
    %jit3A_681 = arith.constant -1.000000e+00 : f32
    %broadcast_in_dim3A_682 = vector.broadcast %jit3A_681 : f32 to vector<16xf32>
    %select_n3A_683 = arith.select %eq3A_680, %broadcast_in_dim3A_682, %select_n3A_563 : vector<16xi1>, vector<16xf32>
    %add3A_684 = arith.constant 32 : i32
    %add3A_685 = vector.broadcast %add3A_684 : i32 to vector<16xi32>
    %add3A_686 = arith.addi %iota3A, %add3A_685 : vector<16xi32>
    %eq3A_687 = arith.cmpi eq, %add3A_686, %min3A_660 : vector<16xi32>
    %jit3A_688 = arith.constant -1.000000e+00 : f32
    %broadcast_in_dim3A_689 = vector.broadcast %jit3A_688 : f32 to vector<16xf32>
    %select_n3A_690 = arith.select %eq3A_687, %broadcast_in_dim3A_689, %select_n3A_570 : vector<16xi1>, vector<16xf32>
    %add3A_691 = arith.constant 48 : i32
    %add3A_692 = vector.broadcast %add3A_691 : i32 to vector<16xi32>
    %add3A_693 = arith.addi %iota3A, %add3A_692 : vector<16xi32>
    %eq3A_694 = arith.cmpi eq, %add3A_693, %min3A_660 : vector<16xi32>
    %jit3A_695 = arith.constant -1.000000e+00 : f32
    %broadcast_in_dim3A_696 = vector.broadcast %jit3A_695 : f32 to vector<16xf32>
    %select_n3A_697 = arith.select %eq3A_694, %broadcast_in_dim3A_696, %select_n3A_577 : vector<16xi1>, vector<16xf32>
    %max3A_698 = arith.maximumf %select_n3A_676, %select_n3A_683 : vector<16xf32>
    %max3A_699 = arith.maximumf %select_n3A_690, %select_n3A_697 : vector<16xf32>
    %max3A_700 = arith.maximumf %max3A_698, %max3A_699 : vector<16xf32>
    %xor3A_701 = arith.constant 8 : i32
    %xor3A_702 = vector.broadcast %xor3A_701 : i32 to vector<16xi32>
    %xor3A_703 = arith.xori %iota3A, %xor3A_702 : vector<16xi32>
    %broadcast_in_dim3A_704 = vector.shape_cast %xor3A_703 : vector<16xi32> to vector<16x1xi32>
    %gather3A_705 = vector.shape_cast %broadcast_in_dim3A_704 : vector<16x1xi32> to vector<16xi32>
    %gather3A_706 = tpu.dynamic_gather %max3A_700[%gather3A_705] in [0] : vector<16xf32>, vector<16xi32> -> vector<16xf32>
    %max3A_707 = arith.maximumf %max3A_700, %gather3A_706 : vector<16xf32>
    %xor3A_708 = arith.constant 4 : i32
    %xor3A_709 = vector.broadcast %xor3A_708 : i32 to vector<16xi32>
    %xor3A_710 = arith.xori %iota3A, %xor3A_709 : vector<16xi32>
    %broadcast_in_dim3A_711 = vector.shape_cast %xor3A_710 : vector<16xi32> to vector<16x1xi32>
    %gather3A_712 = vector.shape_cast %broadcast_in_dim3A_711 : vector<16x1xi32> to vector<16xi32>
    %gather3A_713 = tpu.dynamic_gather %max3A_707[%gather3A_712] in [0] : vector<16xf32>, vector<16xi32> -> vector<16xf32>
    %max3A_714 = arith.maximumf %max3A_707, %gather3A_713 : vector<16xf32>
    %xor3A_715 = arith.constant 2 : i32
    %xor3A_716 = vector.broadcast %xor3A_715 : i32 to vector<16xi32>
    %xor3A_717 = arith.xori %iota3A, %xor3A_716 : vector<16xi32>
    %broadcast_in_dim3A_718 = vector.shape_cast %xor3A_717 : vector<16xi32> to vector<16x1xi32>
    %gather3A_719 = vector.shape_cast %broadcast_in_dim3A_718 : vector<16x1xi32> to vector<16xi32>
    %gather3A_720 = tpu.dynamic_gather %max3A_714[%gather3A_719] in [0] : vector<16xf32>, vector<16xi32> -> vector<16xf32>
    %max3A_721 = arith.maximumf %max3A_714, %gather3A_720 : vector<16xf32>
    %xor3A_722 = arith.constant 1 : i32
    %xor3A_723 = vector.broadcast %xor3A_722 : i32 to vector<16xi32>
    %xor3A_724 = arith.xori %iota3A, %xor3A_723 : vector<16xi32>
    %broadcast_in_dim3A_725 = vector.shape_cast %xor3A_724 : vector<16xi32> to vector<16x1xi32>
    %gather3A_726 = vector.shape_cast %broadcast_in_dim3A_725 : vector<16x1xi32> to vector<16xi32>
    %gather3A_727 = tpu.dynamic_gather %max3A_721[%gather3A_726] in [0] : vector<16xf32>, vector<16xi32> -> vector<16xf32>
    %max3A_728 = arith.maximumf %max3A_721, %gather3A_727 : vector<16xf32>
    %eq3A_729 = arith.cmpf oeq, %select_n3A_676, %max3A_728 : vector<16xf32>
    %add3A_730 = arith.constant 0 : i32
    %add3A_731 = vector.broadcast %add3A_730 : i32 to vector<16xi32>
    %add3A_732 = arith.addi %iota3A, %add3A_731 : vector<16xi32>
    %select_n3A_733 = arith.select %eq3A_729, %add3A_732, %broadcast_in_dim3A_13 : vector<16xi1>, vector<16xi32>
    %min3A_734 = arith.minsi %broadcast_in_dim3A_13, %select_n3A_733 : vector<16xi32>
    %eq3A_735 = arith.cmpf oeq, %select_n3A_683, %max3A_728 : vector<16xf32>
    %add3A_736 = arith.constant 16 : i32
    %add3A_737 = vector.broadcast %add3A_736 : i32 to vector<16xi32>
    %add3A_738 = arith.addi %iota3A, %add3A_737 : vector<16xi32>
    %select_n3A_739 = arith.select %eq3A_735, %add3A_738, %broadcast_in_dim3A_13 : vector<16xi1>, vector<16xi32>
    %min3A_740 = arith.minsi %min3A_734, %select_n3A_739 : vector<16xi32>
    %eq3A_741 = arith.cmpf oeq, %select_n3A_690, %max3A_728 : vector<16xf32>
    %add3A_742 = arith.constant 32 : i32
    %add3A_743 = vector.broadcast %add3A_742 : i32 to vector<16xi32>
    %add3A_744 = arith.addi %iota3A, %add3A_743 : vector<16xi32>
    %select_n3A_745 = arith.select %eq3A_741, %add3A_744, %broadcast_in_dim3A_13 : vector<16xi1>, vector<16xi32>
    %min3A_746 = arith.minsi %min3A_740, %select_n3A_745 : vector<16xi32>
    %eq3A_747 = arith.cmpf oeq, %select_n3A_697, %max3A_728 : vector<16xf32>
    %add3A_748 = arith.constant 48 : i32
    %add3A_749 = vector.broadcast %add3A_748 : i32 to vector<16xi32>
    %add3A_750 = arith.addi %iota3A, %add3A_749 : vector<16xi32>
    %select_n3A_751 = arith.select %eq3A_747, %add3A_750, %broadcast_in_dim3A_13 : vector<16xi1>, vector<16xi32>
    %min3A_752 = arith.minsi %min3A_746, %select_n3A_751 : vector<16xi32>
    %xor3A_753 = arith.constant 8 : i32
    %xor3A_754 = vector.broadcast %xor3A_753 : i32 to vector<16xi32>
    %xor3A_755 = arith.xori %iota3A, %xor3A_754 : vector<16xi32>
    %broadcast_in_dim3A_756 = vector.shape_cast %xor3A_755 : vector<16xi32> to vector<16x1xi32>
    %gather3A_757 = vector.shape_cast %broadcast_in_dim3A_756 : vector<16x1xi32> to vector<16xi32>
    %gather3A_758 = tpu.dynamic_gather %min3A_752[%gather3A_757] in [0] : vector<16xi32>, vector<16xi32> -> vector<16xi32>
    %min3A_759 = arith.minsi %min3A_752, %gather3A_758 : vector<16xi32>
    %xor3A_760 = arith.constant 4 : i32
    %xor3A_761 = vector.broadcast %xor3A_760 : i32 to vector<16xi32>
    %xor3A_762 = arith.xori %iota3A, %xor3A_761 : vector<16xi32>
    %broadcast_in_dim3A_763 = vector.shape_cast %xor3A_762 : vector<16xi32> to vector<16x1xi32>
    %gather3A_764 = vector.shape_cast %broadcast_in_dim3A_763 : vector<16x1xi32> to vector<16xi32>
    %gather3A_765 = tpu.dynamic_gather %min3A_759[%gather3A_764] in [0] : vector<16xi32>, vector<16xi32> -> vector<16xi32>
    %min3A_766 = arith.minsi %min3A_759, %gather3A_765 : vector<16xi32>
    %xor3A_767 = arith.constant 2 : i32
    %xor3A_768 = vector.broadcast %xor3A_767 : i32 to vector<16xi32>
    %xor3A_769 = arith.xori %iota3A, %xor3A_768 : vector<16xi32>
    %broadcast_in_dim3A_770 = vector.shape_cast %xor3A_769 : vector<16xi32> to vector<16x1xi32>
    %gather3A_771 = vector.shape_cast %broadcast_in_dim3A_770 : vector<16x1xi32> to vector<16xi32>
    %gather3A_772 = tpu.dynamic_gather %min3A_766[%gather3A_771] in [0] : vector<16xi32>, vector<16xi32> -> vector<16xi32>
    %min3A_773 = arith.minsi %min3A_766, %gather3A_772 : vector<16xi32>
    %xor3A_774 = arith.constant 1 : i32
    %xor3A_775 = vector.broadcast %xor3A_774 : i32 to vector<16xi32>
    %xor3A_776 = arith.xori %iota3A, %xor3A_775 : vector<16xi32>
    %broadcast_in_dim3A_777 = vector.shape_cast %xor3A_776 : vector<16xi32> to vector<16x1xi32>
    %gather3A_778 = vector.shape_cast %broadcast_in_dim3A_777 : vector<16x1xi32> to vector<16xi32>
    %gather3A_779 = tpu.dynamic_gather %min3A_773[%gather3A_778] in [0] : vector<16xi32>, vector<16xi32> -> vector<16xi32>
    %min3A_780 = arith.minsi %min3A_773, %gather3A_779 : vector<16xi32>
    %eq3A_781 = arith.constant 5 : i32
    %eq3A_782 = vector.broadcast %eq3A_781 : i32 to vector<16xi32>
    %eq3A_783 = arith.cmpi eq, %iota3A, %eq3A_782 : vector<16xi32>
    %select_n3A_784 = arith.select %eq3A_783, %max3A_728, %select_n3A_664 : vector<16xi1>, vector<16xf32>
    %eq3A_785 = arith.constant 5 : i32
    %eq3A_786 = vector.broadcast %eq3A_785 : i32 to vector<16xi32>
    %eq3A_787 = arith.cmpi eq, %iota3A, %eq3A_786 : vector<16xi32>
    %select_n3A_788 = arith.select %eq3A_787, %min3A_780, %select_n3A_668 : vector<16xi1>, vector<16xi32>
    %add3A_789 = arith.addf %add3A_669, %max3A_728 : vector<16xf32>
    %add3A_790 = arith.constant 0 : i32
    %add3A_791 = vector.broadcast %add3A_790 : i32 to vector<16xi32>
    %add3A_792 = arith.addi %iota3A, %add3A_791 : vector<16xi32>
    %eq3A_793 = arith.cmpi eq, %add3A_792, %min3A_780 : vector<16xi32>
    %jit3A_794 = arith.constant -1.000000e+00 : f32
    %broadcast_in_dim3A_795 = vector.broadcast %jit3A_794 : f32 to vector<16xf32>
    %select_n3A_796 = arith.select %eq3A_793, %broadcast_in_dim3A_795, %select_n3A_676 : vector<16xi1>, vector<16xf32>
    %add3A_797 = arith.constant 16 : i32
    %add3A_798 = vector.broadcast %add3A_797 : i32 to vector<16xi32>
    %add3A_799 = arith.addi %iota3A, %add3A_798 : vector<16xi32>
    %eq3A_800 = arith.cmpi eq, %add3A_799, %min3A_780 : vector<16xi32>
    %jit3A_801 = arith.constant -1.000000e+00 : f32
    %broadcast_in_dim3A_802 = vector.broadcast %jit3A_801 : f32 to vector<16xf32>
    %select_n3A_803 = arith.select %eq3A_800, %broadcast_in_dim3A_802, %select_n3A_683 : vector<16xi1>, vector<16xf32>
    %add3A_804 = arith.constant 32 : i32
    %add3A_805 = vector.broadcast %add3A_804 : i32 to vector<16xi32>
    %add3A_806 = arith.addi %iota3A, %add3A_805 : vector<16xi32>
    %eq3A_807 = arith.cmpi eq, %add3A_806, %min3A_780 : vector<16xi32>
    %jit3A_808 = arith.constant -1.000000e+00 : f32
    %broadcast_in_dim3A_809 = vector.broadcast %jit3A_808 : f32 to vector<16xf32>
    %select_n3A_810 = arith.select %eq3A_807, %broadcast_in_dim3A_809, %select_n3A_690 : vector<16xi1>, vector<16xf32>
    %add3A_811 = arith.constant 48 : i32
    %add3A_812 = vector.broadcast %add3A_811 : i32 to vector<16xi32>
    %add3A_813 = arith.addi %iota3A, %add3A_812 : vector<16xi32>
    %eq3A_814 = arith.cmpi eq, %add3A_813, %min3A_780 : vector<16xi32>
    %jit3A_815 = arith.constant -1.000000e+00 : f32
    %broadcast_in_dim3A_816 = vector.broadcast %jit3A_815 : f32 to vector<16xf32>
    %select_n3A_817 = arith.select %eq3A_814, %broadcast_in_dim3A_816, %select_n3A_697 : vector<16xi1>, vector<16xf32>
    %max3A_818 = arith.maximumf %select_n3A_796, %select_n3A_803 : vector<16xf32>
    %max3A_819 = arith.maximumf %select_n3A_810, %select_n3A_817 : vector<16xf32>
    %max3A_820 = arith.maximumf %max3A_818, %max3A_819 : vector<16xf32>
    %xor3A_821 = arith.constant 8 : i32
    %xor3A_822 = vector.broadcast %xor3A_821 : i32 to vector<16xi32>
    %xor3A_823 = arith.xori %iota3A, %xor3A_822 : vector<16xi32>
    %broadcast_in_dim3A_824 = vector.shape_cast %xor3A_823 : vector<16xi32> to vector<16x1xi32>
    %gather3A_825 = vector.shape_cast %broadcast_in_dim3A_824 : vector<16x1xi32> to vector<16xi32>
    %gather3A_826 = tpu.dynamic_gather %max3A_820[%gather3A_825] in [0] : vector<16xf32>, vector<16xi32> -> vector<16xf32>
    %max3A_827 = arith.maximumf %max3A_820, %gather3A_826 : vector<16xf32>
    %xor3A_828 = arith.constant 4 : i32
    %xor3A_829 = vector.broadcast %xor3A_828 : i32 to vector<16xi32>
    %xor3A_830 = arith.xori %iota3A, %xor3A_829 : vector<16xi32>
    %broadcast_in_dim3A_831 = vector.shape_cast %xor3A_830 : vector<16xi32> to vector<16x1xi32>
    %gather3A_832 = vector.shape_cast %broadcast_in_dim3A_831 : vector<16x1xi32> to vector<16xi32>
    %gather3A_833 = tpu.dynamic_gather %max3A_827[%gather3A_832] in [0] : vector<16xf32>, vector<16xi32> -> vector<16xf32>
    %max3A_834 = arith.maximumf %max3A_827, %gather3A_833 : vector<16xf32>
    %xor3A_835 = arith.constant 2 : i32
    %xor3A_836 = vector.broadcast %xor3A_835 : i32 to vector<16xi32>
    %xor3A_837 = arith.xori %iota3A, %xor3A_836 : vector<16xi32>
    %broadcast_in_dim3A_838 = vector.shape_cast %xor3A_837 : vector<16xi32> to vector<16x1xi32>
    %gather3A_839 = vector.shape_cast %broadcast_in_dim3A_838 : vector<16x1xi32> to vector<16xi32>
    %gather3A_840 = tpu.dynamic_gather %max3A_834[%gather3A_839] in [0] : vector<16xf32>, vector<16xi32> -> vector<16xf32>
    %max3A_841 = arith.maximumf %max3A_834, %gather3A_840 : vector<16xf32>
    %xor3A_842 = arith.constant 1 : i32
    %xor3A_843 = vector.broadcast %xor3A_842 : i32 to vector<16xi32>
    %xor3A_844 = arith.xori %iota3A, %xor3A_843 : vector<16xi32>
    %broadcast_in_dim3A_845 = vector.shape_cast %xor3A_844 : vector<16xi32> to vector<16x1xi32>
    %gather3A_846 = vector.shape_cast %broadcast_in_dim3A_845 : vector<16x1xi32> to vector<16xi32>
    %gather3A_847 = tpu.dynamic_gather %max3A_841[%gather3A_846] in [0] : vector<16xf32>, vector<16xi32> -> vector<16xf32>
    %max3A_848 = arith.maximumf %max3A_841, %gather3A_847 : vector<16xf32>
    %eq3A_849 = arith.cmpf oeq, %select_n3A_796, %max3A_848 : vector<16xf32>
    %add3A_850 = arith.constant 0 : i32
    %add3A_851 = vector.broadcast %add3A_850 : i32 to vector<16xi32>
    %add3A_852 = arith.addi %iota3A, %add3A_851 : vector<16xi32>
    %select_n3A_853 = arith.select %eq3A_849, %add3A_852, %broadcast_in_dim3A_13 : vector<16xi1>, vector<16xi32>
    %min3A_854 = arith.minsi %broadcast_in_dim3A_13, %select_n3A_853 : vector<16xi32>
    %eq3A_855 = arith.cmpf oeq, %select_n3A_803, %max3A_848 : vector<16xf32>
    %add3A_856 = arith.constant 16 : i32
    %add3A_857 = vector.broadcast %add3A_856 : i32 to vector<16xi32>
    %add3A_858 = arith.addi %iota3A, %add3A_857 : vector<16xi32>
    %select_n3A_859 = arith.select %eq3A_855, %add3A_858, %broadcast_in_dim3A_13 : vector<16xi1>, vector<16xi32>
    %min3A_860 = arith.minsi %min3A_854, %select_n3A_859 : vector<16xi32>
    %eq3A_861 = arith.cmpf oeq, %select_n3A_810, %max3A_848 : vector<16xf32>
    %add3A_862 = arith.constant 32 : i32
    %add3A_863 = vector.broadcast %add3A_862 : i32 to vector<16xi32>
    %add3A_864 = arith.addi %iota3A, %add3A_863 : vector<16xi32>
    %select_n3A_865 = arith.select %eq3A_861, %add3A_864, %broadcast_in_dim3A_13 : vector<16xi1>, vector<16xi32>
    %min3A_866 = arith.minsi %min3A_860, %select_n3A_865 : vector<16xi32>
    %eq3A_867 = arith.cmpf oeq, %select_n3A_817, %max3A_848 : vector<16xf32>
    %add3A_868 = arith.constant 48 : i32
    %add3A_869 = vector.broadcast %add3A_868 : i32 to vector<16xi32>
    %add3A_870 = arith.addi %iota3A, %add3A_869 : vector<16xi32>
    %select_n3A_871 = arith.select %eq3A_867, %add3A_870, %broadcast_in_dim3A_13 : vector<16xi1>, vector<16xi32>
    %min3A_872 = arith.minsi %min3A_866, %select_n3A_871 : vector<16xi32>
    %xor3A_873 = arith.constant 8 : i32
    %xor3A_874 = vector.broadcast %xor3A_873 : i32 to vector<16xi32>
    %xor3A_875 = arith.xori %iota3A, %xor3A_874 : vector<16xi32>
    %broadcast_in_dim3A_876 = vector.shape_cast %xor3A_875 : vector<16xi32> to vector<16x1xi32>
    %gather3A_877 = vector.shape_cast %broadcast_in_dim3A_876 : vector<16x1xi32> to vector<16xi32>
    %gather3A_878 = tpu.dynamic_gather %min3A_872[%gather3A_877] in [0] : vector<16xi32>, vector<16xi32> -> vector<16xi32>
    %min3A_879 = arith.minsi %min3A_872, %gather3A_878 : vector<16xi32>
    %xor3A_880 = arith.constant 4 : i32
    %xor3A_881 = vector.broadcast %xor3A_880 : i32 to vector<16xi32>
    %xor3A_882 = arith.xori %iota3A, %xor3A_881 : vector<16xi32>
    %broadcast_in_dim3A_883 = vector.shape_cast %xor3A_882 : vector<16xi32> to vector<16x1xi32>
    %gather3A_884 = vector.shape_cast %broadcast_in_dim3A_883 : vector<16x1xi32> to vector<16xi32>
    %gather3A_885 = tpu.dynamic_gather %min3A_879[%gather3A_884] in [0] : vector<16xi32>, vector<16xi32> -> vector<16xi32>
    %min3A_886 = arith.minsi %min3A_879, %gather3A_885 : vector<16xi32>
    %xor3A_887 = arith.constant 2 : i32
    %xor3A_888 = vector.broadcast %xor3A_887 : i32 to vector<16xi32>
    %xor3A_889 = arith.xori %iota3A, %xor3A_888 : vector<16xi32>
    %broadcast_in_dim3A_890 = vector.shape_cast %xor3A_889 : vector<16xi32> to vector<16x1xi32>
    %gather3A_891 = vector.shape_cast %broadcast_in_dim3A_890 : vector<16x1xi32> to vector<16xi32>
    %gather3A_892 = tpu.dynamic_gather %min3A_886[%gather3A_891] in [0] : vector<16xi32>, vector<16xi32> -> vector<16xi32>
    %min3A_893 = arith.minsi %min3A_886, %gather3A_892 : vector<16xi32>
    %xor3A_894 = arith.constant 1 : i32
    %xor3A_895 = vector.broadcast %xor3A_894 : i32 to vector<16xi32>
    %xor3A_896 = arith.xori %iota3A, %xor3A_895 : vector<16xi32>
    %broadcast_in_dim3A_897 = vector.shape_cast %xor3A_896 : vector<16xi32> to vector<16x1xi32>
    %gather3A_898 = vector.shape_cast %broadcast_in_dim3A_897 : vector<16x1xi32> to vector<16xi32>
    %gather3A_899 = tpu.dynamic_gather %min3A_893[%gather3A_898] in [0] : vector<16xi32>, vector<16xi32> -> vector<16xi32>
    %min3A_900 = arith.minsi %min3A_893, %gather3A_899 : vector<16xi32>
    %eq3A_901 = arith.constant 6 : i32
    %eq3A_902 = vector.broadcast %eq3A_901 : i32 to vector<16xi32>
    %eq3A_903 = arith.cmpi eq, %iota3A, %eq3A_902 : vector<16xi32>
    %select_n3A_904 = arith.select %eq3A_903, %max3A_848, %select_n3A_784 : vector<16xi1>, vector<16xf32>
    %eq3A_905 = arith.constant 6 : i32
    %eq3A_906 = vector.broadcast %eq3A_905 : i32 to vector<16xi32>
    %eq3A_907 = arith.cmpi eq, %iota3A, %eq3A_906 : vector<16xi32>
    %select_n3A_908 = arith.select %eq3A_907, %min3A_900, %select_n3A_788 : vector<16xi1>, vector<16xi32>
    %add3A_909 = arith.addf %add3A_789, %max3A_848 : vector<16xf32>
    %add3A_910 = arith.constant 0 : i32
    %add3A_911 = vector.broadcast %add3A_910 : i32 to vector<16xi32>
    %add3A_912 = arith.addi %iota3A, %add3A_911 : vector<16xi32>
    %eq3A_913 = arith.cmpi eq, %add3A_912, %min3A_900 : vector<16xi32>
    %jit3A_914 = arith.constant -1.000000e+00 : f32
    %broadcast_in_dim3A_915 = vector.broadcast %jit3A_914 : f32 to vector<16xf32>
    %select_n3A_916 = arith.select %eq3A_913, %broadcast_in_dim3A_915, %select_n3A_796 : vector<16xi1>, vector<16xf32>
    %add3A_917 = arith.constant 16 : i32
    %add3A_918 = vector.broadcast %add3A_917 : i32 to vector<16xi32>
    %add3A_919 = arith.addi %iota3A, %add3A_918 : vector<16xi32>
    %eq3A_920 = arith.cmpi eq, %add3A_919, %min3A_900 : vector<16xi32>
    %jit3A_921 = arith.constant -1.000000e+00 : f32
    %broadcast_in_dim3A_922 = vector.broadcast %jit3A_921 : f32 to vector<16xf32>
    %select_n3A_923 = arith.select %eq3A_920, %broadcast_in_dim3A_922, %select_n3A_803 : vector<16xi1>, vector<16xf32>
    %add3A_924 = arith.constant 32 : i32
    %add3A_925 = vector.broadcast %add3A_924 : i32 to vector<16xi32>
    %add3A_926 = arith.addi %iota3A, %add3A_925 : vector<16xi32>
    %eq3A_927 = arith.cmpi eq, %add3A_926, %min3A_900 : vector<16xi32>
    %jit3A_928 = arith.constant -1.000000e+00 : f32
    %broadcast_in_dim3A_929 = vector.broadcast %jit3A_928 : f32 to vector<16xf32>
    %select_n3A_930 = arith.select %eq3A_927, %broadcast_in_dim3A_929, %select_n3A_810 : vector<16xi1>, vector<16xf32>
    %add3A_931 = arith.constant 48 : i32
    %add3A_932 = vector.broadcast %add3A_931 : i32 to vector<16xi32>
    %add3A_933 = arith.addi %iota3A, %add3A_932 : vector<16xi32>
    %eq3A_934 = arith.cmpi eq, %add3A_933, %min3A_900 : vector<16xi32>
    %jit3A_935 = arith.constant -1.000000e+00 : f32
    %broadcast_in_dim3A_936 = vector.broadcast %jit3A_935 : f32 to vector<16xf32>
    %select_n3A_937 = arith.select %eq3A_934, %broadcast_in_dim3A_936, %select_n3A_817 : vector<16xi1>, vector<16xf32>
    %max3A_938 = arith.maximumf %select_n3A_916, %select_n3A_923 : vector<16xf32>
    %max3A_939 = arith.maximumf %select_n3A_930, %select_n3A_937 : vector<16xf32>
    %max3A_940 = arith.maximumf %max3A_938, %max3A_939 : vector<16xf32>
    %xor3A_941 = arith.constant 8 : i32
    %xor3A_942 = vector.broadcast %xor3A_941 : i32 to vector<16xi32>
    %xor3A_943 = arith.xori %iota3A, %xor3A_942 : vector<16xi32>
    %broadcast_in_dim3A_944 = vector.shape_cast %xor3A_943 : vector<16xi32> to vector<16x1xi32>
    %gather3A_945 = vector.shape_cast %broadcast_in_dim3A_944 : vector<16x1xi32> to vector<16xi32>
    %gather3A_946 = tpu.dynamic_gather %max3A_940[%gather3A_945] in [0] : vector<16xf32>, vector<16xi32> -> vector<16xf32>
    %max3A_947 = arith.maximumf %max3A_940, %gather3A_946 : vector<16xf32>
    %xor3A_948 = arith.constant 4 : i32
    %xor3A_949 = vector.broadcast %xor3A_948 : i32 to vector<16xi32>
    %xor3A_950 = arith.xori %iota3A, %xor3A_949 : vector<16xi32>
    %broadcast_in_dim3A_951 = vector.shape_cast %xor3A_950 : vector<16xi32> to vector<16x1xi32>
    %gather3A_952 = vector.shape_cast %broadcast_in_dim3A_951 : vector<16x1xi32> to vector<16xi32>
    %gather3A_953 = tpu.dynamic_gather %max3A_947[%gather3A_952] in [0] : vector<16xf32>, vector<16xi32> -> vector<16xf32>
    %max3A_954 = arith.maximumf %max3A_947, %gather3A_953 : vector<16xf32>
    %xor3A_955 = arith.constant 2 : i32
    %xor3A_956 = vector.broadcast %xor3A_955 : i32 to vector<16xi32>
    %xor3A_957 = arith.xori %iota3A, %xor3A_956 : vector<16xi32>
    %broadcast_in_dim3A_958 = vector.shape_cast %xor3A_957 : vector<16xi32> to vector<16x1xi32>
    %gather3A_959 = vector.shape_cast %broadcast_in_dim3A_958 : vector<16x1xi32> to vector<16xi32>
    %gather3A_960 = tpu.dynamic_gather %max3A_954[%gather3A_959] in [0] : vector<16xf32>, vector<16xi32> -> vector<16xf32>
    %max3A_961 = arith.maximumf %max3A_954, %gather3A_960 : vector<16xf32>
    %xor3A_962 = arith.constant 1 : i32
    %xor3A_963 = vector.broadcast %xor3A_962 : i32 to vector<16xi32>
    %xor3A_964 = arith.xori %iota3A, %xor3A_963 : vector<16xi32>
    %broadcast_in_dim3A_965 = vector.shape_cast %xor3A_964 : vector<16xi32> to vector<16x1xi32>
    %gather3A_966 = vector.shape_cast %broadcast_in_dim3A_965 : vector<16x1xi32> to vector<16xi32>
    %gather3A_967 = tpu.dynamic_gather %max3A_961[%gather3A_966] in [0] : vector<16xf32>, vector<16xi32> -> vector<16xf32>
    %max3A_968 = arith.maximumf %max3A_961, %gather3A_967 : vector<16xf32>
    %eq3A_969 = arith.cmpf oeq, %select_n3A_916, %max3A_968 : vector<16xf32>
    %add3A_970 = arith.constant 0 : i32
    %add3A_971 = vector.broadcast %add3A_970 : i32 to vector<16xi32>
    %add3A_972 = arith.addi %iota3A, %add3A_971 : vector<16xi32>
    %select_n3A_973 = arith.select %eq3A_969, %add3A_972, %broadcast_in_dim3A_13 : vector<16xi1>, vector<16xi32>
    %min3A_974 = arith.minsi %broadcast_in_dim3A_13, %select_n3A_973 : vector<16xi32>
    %eq3A_975 = arith.cmpf oeq, %select_n3A_923, %max3A_968 : vector<16xf32>
    %add3A_976 = arith.constant 16 : i32
    %add3A_977 = vector.broadcast %add3A_976 : i32 to vector<16xi32>
    %add3A_978 = arith.addi %iota3A, %add3A_977 : vector<16xi32>
    %select_n3A_979 = arith.select %eq3A_975, %add3A_978, %broadcast_in_dim3A_13 : vector<16xi1>, vector<16xi32>
    %min3A_980 = arith.minsi %min3A_974, %select_n3A_979 : vector<16xi32>
    %eq3A_981 = arith.cmpf oeq, %select_n3A_930, %max3A_968 : vector<16xf32>
    %add3A_982 = arith.constant 32 : i32
    %add3A_983 = vector.broadcast %add3A_982 : i32 to vector<16xi32>
    %add3A_984 = arith.addi %iota3A, %add3A_983 : vector<16xi32>
    %select_n3A_985 = arith.select %eq3A_981, %add3A_984, %broadcast_in_dim3A_13 : vector<16xi1>, vector<16xi32>
    %min3A_986 = arith.minsi %min3A_980, %select_n3A_985 : vector<16xi32>
    %eq3A_987 = arith.cmpf oeq, %select_n3A_937, %max3A_968 : vector<16xf32>
    %add3A_988 = arith.constant 48 : i32
    %add3A_989 = vector.broadcast %add3A_988 : i32 to vector<16xi32>
    %add3A_990 = arith.addi %iota3A, %add3A_989 : vector<16xi32>
    %select_n3A_991 = arith.select %eq3A_987, %add3A_990, %broadcast_in_dim3A_13 : vector<16xi1>, vector<16xi32>
    %min3A_992 = arith.minsi %min3A_986, %select_n3A_991 : vector<16xi32>
    %xor3A_993 = arith.constant 8 : i32
    %xor3A_994 = vector.broadcast %xor3A_993 : i32 to vector<16xi32>
    %xor3A_995 = arith.xori %iota3A, %xor3A_994 : vector<16xi32>
    %broadcast_in_dim3A_996 = vector.shape_cast %xor3A_995 : vector<16xi32> to vector<16x1xi32>
    %gather3A_997 = vector.shape_cast %broadcast_in_dim3A_996 : vector<16x1xi32> to vector<16xi32>
    %gather3A_998 = tpu.dynamic_gather %min3A_992[%gather3A_997] in [0] : vector<16xi32>, vector<16xi32> -> vector<16xi32>
    %min3A_999 = arith.minsi %min3A_992, %gather3A_998 : vector<16xi32>
    %xor3A_1000 = arith.constant 4 : i32
    %xor3A_1001 = vector.broadcast %xor3A_1000 : i32 to vector<16xi32>
    %xor3A_1002 = arith.xori %iota3A, %xor3A_1001 : vector<16xi32>
    %broadcast_in_dim3A_1003 = vector.shape_cast %xor3A_1002 : vector<16xi32> to vector<16x1xi32>
    %gather3A_1004 = vector.shape_cast %broadcast_in_dim3A_1003 : vector<16x1xi32> to vector<16xi32>
    %gather3A_1005 = tpu.dynamic_gather %min3A_999[%gather3A_1004] in [0] : vector<16xi32>, vector<16xi32> -> vector<16xi32>
    %min3A_1006 = arith.minsi %min3A_999, %gather3A_1005 : vector<16xi32>
    %xor3A_1007 = arith.constant 2 : i32
    %xor3A_1008 = vector.broadcast %xor3A_1007 : i32 to vector<16xi32>
    %xor3A_1009 = arith.xori %iota3A, %xor3A_1008 : vector<16xi32>
    %broadcast_in_dim3A_1010 = vector.shape_cast %xor3A_1009 : vector<16xi32> to vector<16x1xi32>
    %gather3A_1011 = vector.shape_cast %broadcast_in_dim3A_1010 : vector<16x1xi32> to vector<16xi32>
    %gather3A_1012 = tpu.dynamic_gather %min3A_1006[%gather3A_1011] in [0] : vector<16xi32>, vector<16xi32> -> vector<16xi32>
    %min3A_1013 = arith.minsi %min3A_1006, %gather3A_1012 : vector<16xi32>
    %xor3A_1014 = arith.constant 1 : i32
    %xor3A_1015 = vector.broadcast %xor3A_1014 : i32 to vector<16xi32>
    %xor3A_1016 = arith.xori %iota3A, %xor3A_1015 : vector<16xi32>
    %broadcast_in_dim3A_1017 = vector.shape_cast %xor3A_1016 : vector<16xi32> to vector<16x1xi32>
    %gather3A_1018 = vector.shape_cast %broadcast_in_dim3A_1017 : vector<16x1xi32> to vector<16xi32>
    %gather3A_1019 = tpu.dynamic_gather %min3A_1013[%gather3A_1018] in [0] : vector<16xi32>, vector<16xi32> -> vector<16xi32>
    %min3A_1020 = arith.minsi %min3A_1013, %gather3A_1019 : vector<16xi32>
    %eq3A_1021 = arith.constant 7 : i32
    %eq3A_1022 = vector.broadcast %eq3A_1021 : i32 to vector<16xi32>
    %eq3A_1023 = arith.cmpi eq, %iota3A, %eq3A_1022 : vector<16xi32>
    %select_n3A_1024 = arith.select %eq3A_1023, %max3A_968, %select_n3A_904 : vector<16xi1>, vector<16xf32>
    %eq3A_1025 = arith.constant 7 : i32
    %eq3A_1026 = vector.broadcast %eq3A_1025 : i32 to vector<16xi32>
    %eq3A_1027 = arith.cmpi eq, %iota3A, %eq3A_1026 : vector<16xi32>
    %select_n3A_1028 = arith.select %eq3A_1027, %min3A_1020, %select_n3A_908 : vector<16xi1>, vector<16xi32>
    %add3A_1029 = arith.addf %add3A_909, %max3A_968 : vector<16xf32>
    %add3A_1030 = arith.constant 0 : i32
    %add3A_1031 = vector.broadcast %add3A_1030 : i32 to vector<16xi32>
    %add3A_1032 = arith.addi %iota3A, %add3A_1031 : vector<16xi32>
    %eq3A_1033 = arith.cmpi eq, %add3A_1032, %min3A_1020 : vector<16xi32>
    %jit3A_1034 = arith.constant -1.000000e+00 : f32
    %broadcast_in_dim3A_1035 = vector.broadcast %jit3A_1034 : f32 to vector<16xf32>
    %select_n3A_1036 = arith.select %eq3A_1033, %broadcast_in_dim3A_1035, %select_n3A_916 : vector<16xi1>, vector<16xf32>
    %add3A_1037 = arith.constant 16 : i32
    %add3A_1038 = vector.broadcast %add3A_1037 : i32 to vector<16xi32>
    %add3A_1039 = arith.addi %iota3A, %add3A_1038 : vector<16xi32>
    %eq3A_1040 = arith.cmpi eq, %add3A_1039, %min3A_1020 : vector<16xi32>
    %jit3A_1041 = arith.constant -1.000000e+00 : f32
    %broadcast_in_dim3A_1042 = vector.broadcast %jit3A_1041 : f32 to vector<16xf32>
    %select_n3A_1043 = arith.select %eq3A_1040, %broadcast_in_dim3A_1042, %select_n3A_923 : vector<16xi1>, vector<16xf32>
    %add3A_1044 = arith.constant 32 : i32
    %add3A_1045 = vector.broadcast %add3A_1044 : i32 to vector<16xi32>
    %add3A_1046 = arith.addi %iota3A, %add3A_1045 : vector<16xi32>
    %eq3A_1047 = arith.cmpi eq, %add3A_1046, %min3A_1020 : vector<16xi32>
    %jit3A_1048 = arith.constant -1.000000e+00 : f32
    %broadcast_in_dim3A_1049 = vector.broadcast %jit3A_1048 : f32 to vector<16xf32>
    %select_n3A_1050 = arith.select %eq3A_1047, %broadcast_in_dim3A_1049, %select_n3A_930 : vector<16xi1>, vector<16xf32>
    %add3A_1051 = arith.constant 48 : i32
    %add3A_1052 = vector.broadcast %add3A_1051 : i32 to vector<16xi32>
    %add3A_1053 = arith.addi %iota3A, %add3A_1052 : vector<16xi32>
    %eq3A_1054 = arith.cmpi eq, %add3A_1053, %min3A_1020 : vector<16xi32>
    %jit3A_1055 = arith.constant -1.000000e+00 : f32
    %broadcast_in_dim3A_1056 = vector.broadcast %jit3A_1055 : f32 to vector<16xf32>
    %select_n3A_1057 = arith.select %eq3A_1054, %broadcast_in_dim3A_1056, %select_n3A_937 : vector<16xi1>, vector<16xf32>
    %div3A_1058 = arith.constant 1.000000e+00 : f32
    %div3A_1059 = vector.broadcast %div3A_1058 : f32 to vector<16xf32>
    %div3A_1060 = arith.divf %div3A_1059, %add3A_1029 : vector<16xf32>
    %mul3A_1061 = arith.mulf %select_n3A_1024, %div3A_1060 : vector<16xf32>
    %add3A_1062 = arith.addf %broadcast_in_dim3A_5, %mul3A_1061 : vector<16xf32>
    %add3A_1063 = arith.addi %broadcast_in_dim3A_9, %select_n3A_1028 : vector<16xi32>
    %get3A_1064 = arith.constant 64 : index
    %get3A_1065 = tpu.vector_load %arg5[%get3A_1064] {strides = array<i32>} : memref<256xf32, #tpu.memory_space<vmem>>, vector<16xf32>,
    %get3A_1066 = vector.shape_cast %get3A_1065 : vector<16xf32> to vector<16xf32>
    %get3A_1067 = arith.constant 80 : index
    %get3A_1068 = tpu.vector_load %arg5[%get3A_1067] {strides = array<i32>} : memref<256xf32, #tpu.memory_space<vmem>>, vector<16xf32>,
    %get3A_1069 = vector.shape_cast %get3A_1068 : vector<16xf32> to vector<16xf32>
    %get3A_1070 = arith.constant 96 : index
    %get3A_1071 = tpu.vector_load %arg5[%get3A_1070] {strides = array<i32>} : memref<256xf32, #tpu.memory_space<vmem>>, vector<16xf32>,
    %get3A_1072 = vector.shape_cast %get3A_1071 : vector<16xf32> to vector<16xf32>
    %get3A_1073 = arith.constant 112 : index
    %get3A_1074 = tpu.vector_load %arg5[%get3A_1073] {strides = array<i32>} : memref<256xf32, #tpu.memory_space<vmem>>, vector<16xf32>,
    %get3A_1075 = vector.shape_cast %get3A_1074 : vector<16xf32> to vector<16xf32>
    %max3A_1076 = arith.maximumf %get3A_1066, %get3A_1069 : vector<16xf32>
    %max3A_1077 = arith.maximumf %get3A_1072, %get3A_1075 : vector<16xf32>
    %max3A_1078 = arith.maximumf %max3A_1076, %max3A_1077 : vector<16xf32>
    %xor3A_1079 = arith.constant 8 : i32
    %xor3A_1080 = vector.broadcast %xor3A_1079 : i32 to vector<16xi32>
    %xor3A_1081 = arith.xori %iota3A, %xor3A_1080 : vector<16xi32>
    %broadcast_in_dim3A_1082 = vector.shape_cast %xor3A_1081 : vector<16xi32> to vector<16x1xi32>
    %gather3A_1083 = vector.shape_cast %broadcast_in_dim3A_1082 : vector<16x1xi32> to vector<16xi32>
    %gather3A_1084 = tpu.dynamic_gather %max3A_1078[%gather3A_1083] in [0] : vector<16xf32>, vector<16xi32> -> vector<16xf32>
    %max3A_1085 = arith.maximumf %max3A_1078, %gather3A_1084 : vector<16xf32>
    %xor3A_1086 = arith.constant 4 : i32
    %xor3A_1087 = vector.broadcast %xor3A_1086 : i32 to vector<16xi32>
    %xor3A_1088 = arith.xori %iota3A, %xor3A_1087 : vector<16xi32>
    %broadcast_in_dim3A_1089 = vector.shape_cast %xor3A_1088 : vector<16xi32> to vector<16x1xi32>
    %gather3A_1090 = vector.shape_cast %broadcast_in_dim3A_1089 : vector<16x1xi32> to vector<16xi32>
    %gather3A_1091 = tpu.dynamic_gather %max3A_1085[%gather3A_1090] in [0] : vector<16xf32>, vector<16xi32> -> vector<16xf32>
    %max3A_1092 = arith.maximumf %max3A_1085, %gather3A_1091 : vector<16xf32>
    %xor3A_1093 = arith.constant 2 : i32
    %xor3A_1094 = vector.broadcast %xor3A_1093 : i32 to vector<16xi32>
    %xor3A_1095 = arith.xori %iota3A, %xor3A_1094 : vector<16xi32>
    %broadcast_in_dim3A_1096 = vector.shape_cast %xor3A_1095 : vector<16xi32> to vector<16x1xi32>
    %gather3A_1097 = vector.shape_cast %broadcast_in_dim3A_1096 : vector<16x1xi32> to vector<16xi32>
    %gather3A_1098 = tpu.dynamic_gather %max3A_1092[%gather3A_1097] in [0] : vector<16xf32>, vector<16xi32> -> vector<16xf32>
    %max3A_1099 = arith.maximumf %max3A_1092, %gather3A_1098 : vector<16xf32>
    %xor3A_1100 = arith.constant 1 : i32
    %xor3A_1101 = vector.broadcast %xor3A_1100 : i32 to vector<16xi32>
    %xor3A_1102 = arith.xori %iota3A, %xor3A_1101 : vector<16xi32>
    %broadcast_in_dim3A_1103 = vector.shape_cast %xor3A_1102 : vector<16xi32> to vector<16x1xi32>
    %gather3A_1104 = vector.shape_cast %broadcast_in_dim3A_1103 : vector<16x1xi32> to vector<16xi32>
    %gather3A_1105 = tpu.dynamic_gather %max3A_1099[%gather3A_1104] in [0] : vector<16xf32>, vector<16xi32> -> vector<16xf32>
    %max3A_1106 = arith.maximumf %max3A_1099, %gather3A_1105 : vector<16xf32>
    %sub3A_1107 = arith.subf %get3A_1066, %max3A_1106 : vector<16xf32>
    %exp3A_1108 = math.exp %sub3A_1107 : vector<16xf32>
    %sub3A_1109 = arith.subf %get3A_1069, %max3A_1106 : vector<16xf32>
    %exp3A_1110 = math.exp %sub3A_1109 : vector<16xf32>
    %sub3A_1111 = arith.subf %get3A_1072, %max3A_1106 : vector<16xf32>
    %exp3A_1112 = math.exp %sub3A_1111 : vector<16xf32>
    %sub3A_1113 = arith.subf %get3A_1075, %max3A_1106 : vector<16xf32>
    %exp3A_1114 = math.exp %sub3A_1113 : vector<16xf32>
    %add3A_1115 = arith.addf %exp3A_1108, %exp3A_1110 : vector<16xf32>
    %add3A_1116 = arith.addf %add3A_1115, %exp3A_1112 : vector<16xf32>
    %add3A_1117 = arith.addf %add3A_1116, %exp3A_1114 : vector<16xf32>
    %xor3A_1118 = arith.constant 8 : i32
    %xor3A_1119 = vector.broadcast %xor3A_1118 : i32 to vector<16xi32>
    %xor3A_1120 = arith.xori %iota3A, %xor3A_1119 : vector<16xi32>
    %broadcast_in_dim3A_1121 = vector.shape_cast %xor3A_1120 : vector<16xi32> to vector<16x1xi32>
    %gather3A_1122 = vector.shape_cast %broadcast_in_dim3A_1121 : vector<16x1xi32> to vector<16xi32>
    %gather3A_1123 = tpu.dynamic_gather %add3A_1117[%gather3A_1122] in [0] : vector<16xf32>, vector<16xi32> -> vector<16xf32>
    %add3A_1124 = arith.addf %add3A_1117, %gather3A_1123 : vector<16xf32>
    %xor3A_1125 = arith.constant 4 : i32
    %xor3A_1126 = vector.broadcast %xor3A_1125 : i32 to vector<16xi32>
    %xor3A_1127 = arith.xori %iota3A, %xor3A_1126 : vector<16xi32>
    %broadcast_in_dim3A_1128 = vector.shape_cast %xor3A_1127 : vector<16xi32> to vector<16x1xi32>
    %gather3A_1129 = vector.shape_cast %broadcast_in_dim3A_1128 : vector<16x1xi32> to vector<16xi32>
    %gather3A_1130 = tpu.dynamic_gather %add3A_1124[%gather3A_1129] in [0] : vector<16xf32>, vector<16xi32> -> vector<16xf32>
    %add3A_1131 = arith.addf %add3A_1124, %gather3A_1130 : vector<16xf32>
    %xor3A_1132 = arith.constant 2 : i32
    %xor3A_1133 = vector.broadcast %xor3A_1132 : i32 to vector<16xi32>
    %xor3A_1134 = arith.xori %iota3A, %xor3A_1133 : vector<16xi32>
    %broadcast_in_dim3A_1135 = vector.shape_cast %xor3A_1134 : vector<16xi32> to vector<16x1xi32>
    %gather3A_1136 = vector.shape_cast %broadcast_in_dim3A_1135 : vector<16x1xi32> to vector<16xi32>
    %gather3A_1137 = tpu.dynamic_gather %add3A_1131[%gather3A_1136] in [0] : vector<16xf32>, vector<16xi32> -> vector<16xf32>
    %add3A_1138 = arith.addf %add3A_1131, %gather3A_1137 : vector<16xf32>
    %xor3A_1139 = arith.constant 1 : i32
    %xor3A_1140 = vector.broadcast %xor3A_1139 : i32 to vector<16xi32>
    %xor3A_1141 = arith.xori %iota3A, %xor3A_1140 : vector<16xi32>
    %broadcast_in_dim3A_1142 = vector.shape_cast %xor3A_1141 : vector<16xi32> to vector<16x1xi32>
    %gather3A_1143 = vector.shape_cast %broadcast_in_dim3A_1142 : vector<16x1xi32> to vector<16xi32>
    %gather3A_1144 = tpu.dynamic_gather %add3A_1138[%gather3A_1143] in [0] : vector<16xf32>, vector<16xi32> -> vector<16xf32>
    %add3A_1145 = arith.addf %add3A_1138, %gather3A_1144 : vector<16xf32>
    %div3A_1146 = arith.constant 1.000000e+00 : f32
    %div3A_1147 = vector.broadcast %div3A_1146 : f32 to vector<16xf32>
    %div3A_1148 = arith.divf %div3A_1147, %add3A_1145 : vector<16xf32>
    %mul3A_1149 = arith.mulf %exp3A_1108, %div3A_1148 : vector<16xf32>
    %mul3A_1150 = arith.mulf %exp3A_1110, %div3A_1148 : vector<16xf32>
    %mul3A_1151 = arith.mulf %exp3A_1112, %div3A_1148 : vector<16xf32>
    %mul3A_1152 = arith.mulf %exp3A_1114, %div3A_1148 : vector<16xf32>
    %broadcast_in_dim3A_1153 = arith.constant 0.000000e+00 : f32
    %broadcast_in_dim3A_1154 = vector.broadcast %broadcast_in_dim3A_1153 : f32 to vector<16xf32>
    %broadcast_in_dim3A_1155 = arith.constant 0 : i32
    %broadcast_in_dim3A_1156 = vector.broadcast %broadcast_in_dim3A_1155 : i32 to vector<16xi32>
    %broadcast_in_dim3A_1157 = arith.constant 0.000000e+00 : f32
    %broadcast_in_dim3A_1158 = vector.broadcast %broadcast_in_dim3A_1157 : f32 to vector<16xf32>
    %max3A_1159 = arith.maximumf %mul3A_1149, %mul3A_1150 : vector<16xf32>
    %max3A_1160 = arith.maximumf %mul3A_1151, %mul3A_1152 : vector<16xf32>
    %max3A_1161 = arith.maximumf %max3A_1159, %max3A_1160 : vector<16xf32>
    %xor3A_1162 = arith.constant 8 : i32
    %xor3A_1163 = vector.broadcast %xor3A_1162 : i32 to vector<16xi32>
    %xor3A_1164 = arith.xori %iota3A, %xor3A_1163 : vector<16xi32>
    %broadcast_in_dim3A_1165 = vector.shape_cast %xor3A_1164 : vector<16xi32> to vector<16x1xi32>
    %gather3A_1166 = vector.shape_cast %broadcast_in_dim3A_1165 : vector<16x1xi32> to vector<16xi32>
    %gather3A_1167 = tpu.dynamic_gather %max3A_1161[%gather3A_1166] in [0] : vector<16xf32>, vector<16xi32> -> vector<16xf32>
    %max3A_1168 = arith.maximumf %max3A_1161, %gather3A_1167 : vector<16xf32>
    %xor3A_1169 = arith.constant 4 : i32
    %xor3A_1170 = vector.broadcast %xor3A_1169 : i32 to vector<16xi32>
    %xor3A_1171 = arith.xori %iota3A, %xor3A_1170 : vector<16xi32>
    %broadcast_in_dim3A_1172 = vector.shape_cast %xor3A_1171 : vector<16xi32> to vector<16x1xi32>
    %gather3A_1173 = vector.shape_cast %broadcast_in_dim3A_1172 : vector<16x1xi32> to vector<16xi32>
    %gather3A_1174 = tpu.dynamic_gather %max3A_1168[%gather3A_1173] in [0] : vector<16xf32>, vector<16xi32> -> vector<16xf32>
    %max3A_1175 = arith.maximumf %max3A_1168, %gather3A_1174 : vector<16xf32>
    %xor3A_1176 = arith.constant 2 : i32
    %xor3A_1177 = vector.broadcast %xor3A_1176 : i32 to vector<16xi32>
    %xor3A_1178 = arith.xori %iota3A, %xor3A_1177 : vector<16xi32>
    %broadcast_in_dim3A_1179 = vector.shape_cast %xor3A_1178 : vector<16xi32> to vector<16x1xi32>
    %gather3A_1180 = vector.shape_cast %broadcast_in_dim3A_1179 : vector<16x1xi32> to vector<16xi32>
    %gather3A_1181 = tpu.dynamic_gather %max3A_1175[%gather3A_1180] in [0] : vector<16xf32>, vector<16xi32> -> vector<16xf32>
    %max3A_1182 = arith.maximumf %max3A_1175, %gather3A_1181 : vector<16xf32>
    %xor3A_1183 = arith.constant 1 : i32
    %xor3A_1184 = vector.broadcast %xor3A_1183 : i32 to vector<16xi32>
    %xor3A_1185 = arith.xori %iota3A, %xor3A_1184 : vector<16xi32>
    %broadcast_in_dim3A_1186 = vector.shape_cast %xor3A_1185 : vector<16xi32> to vector<16x1xi32>
    %gather3A_1187 = vector.shape_cast %broadcast_in_dim3A_1186 : vector<16x1xi32> to vector<16xi32>
    %gather3A_1188 = tpu.dynamic_gather %max3A_1182[%gather3A_1187] in [0] : vector<16xf32>, vector<16xi32> -> vector<16xf32>
    %max3A_1189 = arith.maximumf %max3A_1182, %gather3A_1188 : vector<16xf32>
    %eq3A_1190 = arith.cmpf oeq, %mul3A_1149, %max3A_1189 : vector<16xf32>
    %add3A_1191 = arith.constant 0 : i32
    %add3A_1192 = vector.broadcast %add3A_1191 : i32 to vector<16xi32>
    %add3A_1193 = arith.addi %iota3A, %add3A_1192 : vector<16xi32>
    %select_n3A_1194 = arith.select %eq3A_1190, %add3A_1193, %broadcast_in_dim3A_13 : vector<16xi1>, vector<16xi32>
    %min3A_1195 = arith.minsi %broadcast_in_dim3A_13, %select_n3A_1194 : vector<16xi32>
    %eq3A_1196 = arith.cmpf oeq, %mul3A_1150, %max3A_1189 : vector<16xf32>
    %add3A_1197 = arith.constant 16 : i32
    %add3A_1198 = vector.broadcast %add3A_1197 : i32 to vector<16xi32>
    %add3A_1199 = arith.addi %iota3A, %add3A_1198 : vector<16xi32>
    %select_n3A_1200 = arith.select %eq3A_1196, %add3A_1199, %broadcast_in_dim3A_13 : vector<16xi1>, vector<16xi32>
    %min3A_1201 = arith.minsi %min3A_1195, %select_n3A_1200 : vector<16xi32>
    %eq3A_1202 = arith.cmpf oeq, %mul3A_1151, %max3A_1189 : vector<16xf32>
    %add3A_1203 = arith.constant 32 : i32
    %add3A_1204 = vector.broadcast %add3A_1203 : i32 to vector<16xi32>
    %add3A_1205 = arith.addi %iota3A, %add3A_1204 : vector<16xi32>
    %select_n3A_1206 = arith.select %eq3A_1202, %add3A_1205, %broadcast_in_dim3A_13 : vector<16xi1>, vector<16xi32>
    %min3A_1207 = arith.minsi %min3A_1201, %select_n3A_1206 : vector<16xi32>
    %eq3A_1208 = arith.cmpf oeq, %mul3A_1152, %max3A_1189 : vector<16xf32>
    %add3A_1209 = arith.constant 48 : i32
    %add3A_1210 = vector.broadcast %add3A_1209 : i32 to vector<16xi32>
    %add3A_1211 = arith.addi %iota3A, %add3A_1210 : vector<16xi32>
    %select_n3A_1212 = arith.select %eq3A_1208, %add3A_1211, %broadcast_in_dim3A_13 : vector<16xi1>, vector<16xi32>
    %min3A_1213 = arith.minsi %min3A_1207, %select_n3A_1212 : vector<16xi32>
    %xor3A_1214 = arith.constant 8 : i32
    %xor3A_1215 = vector.broadcast %xor3A_1214 : i32 to vector<16xi32>
    %xor3A_1216 = arith.xori %iota3A, %xor3A_1215 : vector<16xi32>
    %broadcast_in_dim3A_1217 = vector.shape_cast %xor3A_1216 : vector<16xi32> to vector<16x1xi32>
    %gather3A_1218 = vector.shape_cast %broadcast_in_dim3A_1217 : vector<16x1xi32> to vector<16xi32>
    %gather3A_1219 = tpu.dynamic_gather %min3A_1213[%gather3A_1218] in [0] : vector<16xi32>, vector<16xi32> -> vector<16xi32>
    %min3A_1220 = arith.minsi %min3A_1213, %gather3A_1219 : vector<16xi32>
    %xor3A_1221 = arith.constant 4 : i32
    %xor3A_1222 = vector.broadcast %xor3A_1221 : i32 to vector<16xi32>
    %xor3A_1223 = arith.xori %iota3A, %xor3A_1222 : vector<16xi32>
    %broadcast_in_dim3A_1224 = vector.shape_cast %xor3A_1223 : vector<16xi32> to vector<16x1xi32>
    %gather3A_1225 = vector.shape_cast %broadcast_in_dim3A_1224 : vector<16x1xi32> to vector<16xi32>
    %gather3A_1226 = tpu.dynamic_gather %min3A_1220[%gather3A_1225] in [0] : vector<16xi32>, vector<16xi32> -> vector<16xi32>
    %min3A_1227 = arith.minsi %min3A_1220, %gather3A_1226 : vector<16xi32>
    %xor3A_1228 = arith.constant 2 : i32
    %xor3A_1229 = vector.broadcast %xor3A_1228 : i32 to vector<16xi32>
    %xor3A_1230 = arith.xori %iota3A, %xor3A_1229 : vector<16xi32>
    %broadcast_in_dim3A_1231 = vector.shape_cast %xor3A_1230 : vector<16xi32> to vector<16x1xi32>
    %gather3A_1232 = vector.shape_cast %broadcast_in_dim3A_1231 : vector<16x1xi32> to vector<16xi32>
    %gather3A_1233 = tpu.dynamic_gather %min3A_1227[%gather3A_1232] in [0] : vector<16xi32>, vector<16xi32> -> vector<16xi32>
    %min3A_1234 = arith.minsi %min3A_1227, %gather3A_1233 : vector<16xi32>
    %xor3A_1235 = arith.constant 1 : i32
    %xor3A_1236 = vector.broadcast %xor3A_1235 : i32 to vector<16xi32>
    %xor3A_1237 = arith.xori %iota3A, %xor3A_1236 : vector<16xi32>
    %broadcast_in_dim3A_1238 = vector.shape_cast %xor3A_1237 : vector<16xi32> to vector<16x1xi32>
    %gather3A_1239 = vector.shape_cast %broadcast_in_dim3A_1238 : vector<16x1xi32> to vector<16xi32>
    %gather3A_1240 = tpu.dynamic_gather %min3A_1234[%gather3A_1239] in [0] : vector<16xi32>, vector<16xi32> -> vector<16xi32>
    %min3A_1241 = arith.minsi %min3A_1234, %gather3A_1240 : vector<16xi32>
    %eq3A_1242 = arith.constant 8 : i32
    %eq3A_1243 = vector.broadcast %eq3A_1242 : i32 to vector<16xi32>
    %eq3A_1244 = arith.cmpi eq, %iota3A, %eq3A_1243 : vector<16xi32>
    %select_n3A_1245 = arith.select %eq3A_1244, %max3A_1189, %broadcast_in_dim3A_1154 : vector<16xi1>, vector<16xf32>
    %eq3A_1246 = arith.constant 8 : i32
    %eq3A_1247 = vector.broadcast %eq3A_1246 : i32 to vector<16xi32>
    %eq3A_1248 = arith.cmpi eq, %iota3A, %eq3A_1247 : vector<16xi32>
    %select_n3A_1249 = arith.select %eq3A_1248, %min3A_1241, %broadcast_in_dim3A_1156 : vector<16xi1>, vector<16xi32>
    %add3A_1250 = arith.addf %broadcast_in_dim3A_1158, %max3A_1189 : vector<16xf32>
    %add3A_1251 = arith.constant 0 : i32
    %add3A_1252 = vector.broadcast %add3A_1251 : i32 to vector<16xi32>
    %add3A_1253 = arith.addi %iota3A, %add3A_1252 : vector<16xi32>
    %eq3A_1254 = arith.cmpi eq, %add3A_1253, %min3A_1241 : vector<16xi32>
    %jit3A_1255 = arith.constant -1.000000e+00 : f32
    %broadcast_in_dim3A_1256 = vector.broadcast %jit3A_1255 : f32 to vector<16xf32>
    %select_n3A_1257 = arith.select %eq3A_1254, %broadcast_in_dim3A_1256, %mul3A_1149 : vector<16xi1>, vector<16xf32>
    %add3A_1258 = arith.constant 16 : i32
    %add3A_1259 = vector.broadcast %add3A_1258 : i32 to vector<16xi32>
    %add3A_1260 = arith.addi %iota3A, %add3A_1259 : vector<16xi32>
    %eq3A_1261 = arith.cmpi eq, %add3A_1260, %min3A_1241 : vector<16xi32>
    %jit3A_1262 = arith.constant -1.000000e+00 : f32
    %broadcast_in_dim3A_1263 = vector.broadcast %jit3A_1262 : f32 to vector<16xf32>
    %select_n3A_1264 = arith.select %eq3A_1261, %broadcast_in_dim3A_1263, %mul3A_1150 : vector<16xi1>, vector<16xf32>
    %add3A_1265 = arith.constant 32 : i32
    %add3A_1266 = vector.broadcast %add3A_1265 : i32 to vector<16xi32>
    %add3A_1267 = arith.addi %iota3A, %add3A_1266 : vector<16xi32>
    %eq3A_1268 = arith.cmpi eq, %add3A_1267, %min3A_1241 : vector<16xi32>
    %jit3A_1269 = arith.constant -1.000000e+00 : f32
    %broadcast_in_dim3A_1270 = vector.broadcast %jit3A_1269 : f32 to vector<16xf32>
    %select_n3A_1271 = arith.select %eq3A_1268, %broadcast_in_dim3A_1270, %mul3A_1151 : vector<16xi1>, vector<16xf32>
    %add3A_1272 = arith.constant 48 : i32
    %add3A_1273 = vector.broadcast %add3A_1272 : i32 to vector<16xi32>
    %add3A_1274 = arith.addi %iota3A, %add3A_1273 : vector<16xi32>
    %eq3A_1275 = arith.cmpi eq, %add3A_1274, %min3A_1241 : vector<16xi32>
    %jit3A_1276 = arith.constant -1.000000e+00 : f32
    %broadcast_in_dim3A_1277 = vector.broadcast %jit3A_1276 : f32 to vector<16xf32>
    %select_n3A_1278 = arith.select %eq3A_1275, %broadcast_in_dim3A_1277, %mul3A_1152 : vector<16xi1>, vector<16xf32>
    %max3A_1279 = arith.maximumf %select_n3A_1257, %select_n3A_1264 : vector<16xf32>
    %max3A_1280 = arith.maximumf %select_n3A_1271, %select_n3A_1278 : vector<16xf32>
    %max3A_1281 = arith.maximumf %max3A_1279, %max3A_1280 : vector<16xf32>
    %xor3A_1282 = arith.constant 8 : i32
    %xor3A_1283 = vector.broadcast %xor3A_1282 : i32 to vector<16xi32>
    %xor3A_1284 = arith.xori %iota3A, %xor3A_1283 : vector<16xi32>
    %broadcast_in_dim3A_1285 = vector.shape_cast %xor3A_1284 : vector<16xi32> to vector<16x1xi32>
    %gather3A_1286 = vector.shape_cast %broadcast_in_dim3A_1285 : vector<16x1xi32> to vector<16xi32>
    %gather3A_1287 = tpu.dynamic_gather %max3A_1281[%gather3A_1286] in [0] : vector<16xf32>, vector<16xi32> -> vector<16xf32>
    %max3A_1288 = arith.maximumf %max3A_1281, %gather3A_1287 : vector<16xf32>
    %xor3A_1289 = arith.constant 4 : i32
    %xor3A_1290 = vector.broadcast %xor3A_1289 : i32 to vector<16xi32>
    %xor3A_1291 = arith.xori %iota3A, %xor3A_1290 : vector<16xi32>
    %broadcast_in_dim3A_1292 = vector.shape_cast %xor3A_1291 : vector<16xi32> to vector<16x1xi32>
    %gather3A_1293 = vector.shape_cast %broadcast_in_dim3A_1292 : vector<16x1xi32> to vector<16xi32>
    %gather3A_1294 = tpu.dynamic_gather %max3A_1288[%gather3A_1293] in [0] : vector<16xf32>, vector<16xi32> -> vector<16xf32>
    %max3A_1295 = arith.maximumf %max3A_1288, %gather3A_1294 : vector<16xf32>
    %xor3A_1296 = arith.constant 2 : i32
    %xor3A_1297 = vector.broadcast %xor3A_1296 : i32 to vector<16xi32>
    %xor3A_1298 = arith.xori %iota3A, %xor3A_1297 : vector<16xi32>
    %broadcast_in_dim3A_1299 = vector.shape_cast %xor3A_1298 : vector<16xi32> to vector<16x1xi32>
    %gather3A_1300 = vector.shape_cast %broadcast_in_dim3A_1299 : vector<16x1xi32> to vector<16xi32>
    %gather3A_1301 = tpu.dynamic_gather %max3A_1295[%gather3A_1300] in [0] : vector<16xf32>, vector<16xi32> -> vector<16xf32>
    %max3A_1302 = arith.maximumf %max3A_1295, %gather3A_1301 : vector<16xf32>
    %xor3A_1303 = arith.constant 1 : i32
    %xor3A_1304 = vector.broadcast %xor3A_1303 : i32 to vector<16xi32>
    %xor3A_1305 = arith.xori %iota3A, %xor3A_1304 : vector<16xi32>
    %broadcast_in_dim3A_1306 = vector.shape_cast %xor3A_1305 : vector<16xi32> to vector<16x1xi32>
    %gather3A_1307 = vector.shape_cast %broadcast_in_dim3A_1306 : vector<16x1xi32> to vector<16xi32>
    %gather3A_1308 = tpu.dynamic_gather %max3A_1302[%gather3A_1307] in [0] : vector<16xf32>, vector<16xi32> -> vector<16xf32>
    %max3A_1309 = arith.maximumf %max3A_1302, %gather3A_1308 : vector<16xf32>
    %eq3A_1310 = arith.cmpf oeq, %select_n3A_1257, %max3A_1309 : vector<16xf32>
    %add3A_1311 = arith.constant 0 : i32
    %add3A_1312 = vector.broadcast %add3A_1311 : i32 to vector<16xi32>
    %add3A_1313 = arith.addi %iota3A, %add3A_1312 : vector<16xi32>
    %select_n3A_1314 = arith.select %eq3A_1310, %add3A_1313, %broadcast_in_dim3A_13 : vector<16xi1>, vector<16xi32>
    %min3A_1315 = arith.minsi %broadcast_in_dim3A_13, %select_n3A_1314 : vector<16xi32>
    %eq3A_1316 = arith.cmpf oeq, %select_n3A_1264, %max3A_1309 : vector<16xf32>
    %add3A_1317 = arith.constant 16 : i32
    %add3A_1318 = vector.broadcast %add3A_1317 : i32 to vector<16xi32>
    %add3A_1319 = arith.addi %iota3A, %add3A_1318 : vector<16xi32>
    %select_n3A_1320 = arith.select %eq3A_1316, %add3A_1319, %broadcast_in_dim3A_13 : vector<16xi1>, vector<16xi32>
    %min3A_1321 = arith.minsi %min3A_1315, %select_n3A_1320 : vector<16xi32>
    %eq3A_1322 = arith.cmpf oeq, %select_n3A_1271, %max3A_1309 : vector<16xf32>
    %add3A_1323 = arith.constant 32 : i32
    %add3A_1324 = vector.broadcast %add3A_1323 : i32 to vector<16xi32>
    %add3A_1325 = arith.addi %iota3A, %add3A_1324 : vector<16xi32>
    %select_n3A_1326 = arith.select %eq3A_1322, %add3A_1325, %broadcast_in_dim3A_13 : vector<16xi1>, vector<16xi32>
    %min3A_1327 = arith.minsi %min3A_1321, %select_n3A_1326 : vector<16xi32>
    %eq3A_1328 = arith.cmpf oeq, %select_n3A_1278, %max3A_1309 : vector<16xf32>
    %add3A_1329 = arith.constant 48 : i32
    %add3A_1330 = vector.broadcast %add3A_1329 : i32 to vector<16xi32>
    %add3A_1331 = arith.addi %iota3A, %add3A_1330 : vector<16xi32>
    %select_n3A_1332 = arith.select %eq3A_1328, %add3A_1331, %broadcast_in_dim3A_13 : vector<16xi1>, vector<16xi32>
    %min3A_1333 = arith.minsi %min3A_1327, %select_n3A_1332 : vector<16xi32>
    %xor3A_1334 = arith.constant 8 : i32
    %xor3A_1335 = vector.broadcast %xor3A_1334 : i32 to vector<16xi32>
    %xor3A_1336 = arith.xori %iota3A, %xor3A_1335 : vector<16xi32>
    %broadcast_in_dim3A_1337 = vector.shape_cast %xor3A_1336 : vector<16xi32> to vector<16x1xi32>
    %gather3A_1338 = vector.shape_cast %broadcast_in_dim3A_1337 : vector<16x1xi32> to vector<16xi32>
    %gather3A_1339 = tpu.dynamic_gather %min3A_1333[%gather3A_1338] in [0] : vector<16xi32>, vector<16xi32> -> vector<16xi32>
    %min3A_1340 = arith.minsi %min3A_1333, %gather3A_1339 : vector<16xi32>
    %xor3A_1341 = arith.constant 4 : i32
    %xor3A_1342 = vector.broadcast %xor3A_1341 : i32 to vector<16xi32>
    %xor3A_1343 = arith.xori %iota3A, %xor3A_1342 : vector<16xi32>
    %broadcast_in_dim3A_1344 = vector.shape_cast %xor3A_1343 : vector<16xi32> to vector<16x1xi32>
    %gather3A_1345 = vector.shape_cast %broadcast_in_dim3A_1344 : vector<16x1xi32> to vector<16xi32>
    %gather3A_1346 = tpu.dynamic_gather %min3A_1340[%gather3A_1345] in [0] : vector<16xi32>, vector<16xi32> -> vector<16xi32>
    %min3A_1347 = arith.minsi %min3A_1340, %gather3A_1346 : vector<16xi32>
    %xor3A_1348 = arith.constant 2 : i32
    %xor3A_1349 = vector.broadcast %xor3A_1348 : i32 to vector<16xi32>
    %xor3A_1350 = arith.xori %iota3A, %xor3A_1349 : vector<16xi32>
    %broadcast_in_dim3A_1351 = vector.shape_cast %xor3A_1350 : vector<16xi32> to vector<16x1xi32>
    %gather3A_1352 = vector.shape_cast %broadcast_in_dim3A_1351 : vector<16x1xi32> to vector<16xi32>
    %gather3A_1353 = tpu.dynamic_gather %min3A_1347[%gather3A_1352] in [0] : vector<16xi32>, vector<16xi32> -> vector<16xi32>
    %min3A_1354 = arith.minsi %min3A_1347, %gather3A_1353 : vector<16xi32>
    %xor3A_1355 = arith.constant 1 : i32
    %xor3A_1356 = vector.broadcast %xor3A_1355 : i32 to vector<16xi32>
    %xor3A_1357 = arith.xori %iota3A, %xor3A_1356 : vector<16xi32>
    %broadcast_in_dim3A_1358 = vector.shape_cast %xor3A_1357 : vector<16xi32> to vector<16x1xi32>
    %gather3A_1359 = vector.shape_cast %broadcast_in_dim3A_1358 : vector<16x1xi32> to vector<16xi32>
    %gather3A_1360 = tpu.dynamic_gather %min3A_1354[%gather3A_1359] in [0] : vector<16xi32>, vector<16xi32> -> vector<16xi32>
    %min3A_1361 = arith.minsi %min3A_1354, %gather3A_1360 : vector<16xi32>
    %eq3A_1362 = arith.constant 9 : i32
    %eq3A_1363 = vector.broadcast %eq3A_1362 : i32 to vector<16xi32>
    %eq3A_1364 = arith.cmpi eq, %iota3A, %eq3A_1363 : vector<16xi32>
    %select_n3A_1365 = arith.select %eq3A_1364, %max3A_1309, %select_n3A_1245 : vector<16xi1>, vector<16xf32>
    %eq3A_1366 = arith.constant 9 : i32
    %eq3A_1367 = vector.broadcast %eq3A_1366 : i32 to vector<16xi32>
    %eq3A_1368 = arith.cmpi eq, %iota3A, %eq3A_1367 : vector<16xi32>
    %select_n3A_1369 = arith.select %eq3A_1368, %min3A_1361, %select_n3A_1249 : vector<16xi1>, vector<16xi32>
    %add3A_1370 = arith.addf %add3A_1250, %max3A_1309 : vector<16xf32>
    %add3A_1371 = arith.constant 0 : i32
    %add3A_1372 = vector.broadcast %add3A_1371 : i32 to vector<16xi32>
    %add3A_1373 = arith.addi %iota3A, %add3A_1372 : vector<16xi32>
    %eq3A_1374 = arith.cmpi eq, %add3A_1373, %min3A_1361 : vector<16xi32>
    %jit3A_1375 = arith.constant -1.000000e+00 : f32
    %broadcast_in_dim3A_1376 = vector.broadcast %jit3A_1375 : f32 to vector<16xf32>
    %select_n3A_1377 = arith.select %eq3A_1374, %broadcast_in_dim3A_1376, %select_n3A_1257 : vector<16xi1>, vector<16xf32>
    %add3A_1378 = arith.constant 16 : i32
    %add3A_1379 = vector.broadcast %add3A_1378 : i32 to vector<16xi32>
    %add3A_1380 = arith.addi %iota3A, %add3A_1379 : vector<16xi32>
    %eq3A_1381 = arith.cmpi eq, %add3A_1380, %min3A_1361 : vector<16xi32>
    %jit3A_1382 = arith.constant -1.000000e+00 : f32
    %broadcast_in_dim3A_1383 = vector.broadcast %jit3A_1382 : f32 to vector<16xf32>
    %select_n3A_1384 = arith.select %eq3A_1381, %broadcast_in_dim3A_1383, %select_n3A_1264 : vector<16xi1>, vector<16xf32>
    %add3A_1385 = arith.constant 32 : i32
    %add3A_1386 = vector.broadcast %add3A_1385 : i32 to vector<16xi32>
    %add3A_1387 = arith.addi %iota3A, %add3A_1386 : vector<16xi32>
    %eq3A_1388 = arith.cmpi eq, %add3A_1387, %min3A_1361 : vector<16xi32>
    %jit3A_1389 = arith.constant -1.000000e+00 : f32
    %broadcast_in_dim3A_1390 = vector.broadcast %jit3A_1389 : f32 to vector<16xf32>
    %select_n3A_1391 = arith.select %eq3A_1388, %broadcast_in_dim3A_1390, %select_n3A_1271 : vector<16xi1>, vector<16xf32>
    %add3A_1392 = arith.constant 48 : i32
    %add3A_1393 = vector.broadcast %add3A_1392 : i32 to vector<16xi32>
    %add3A_1394 = arith.addi %iota3A, %add3A_1393 : vector<16xi32>
    %eq3A_1395 = arith.cmpi eq, %add3A_1394, %min3A_1361 : vector<16xi32>
    %jit3A_1396 = arith.constant -1.000000e+00 : f32
    %broadcast_in_dim3A_1397 = vector.broadcast %jit3A_1396 : f32 to vector<16xf32>
    %select_n3A_1398 = arith.select %eq3A_1395, %broadcast_in_dim3A_1397, %select_n3A_1278 : vector<16xi1>, vector<16xf32>
    %max3A_1399 = arith.maximumf %select_n3A_1377, %select_n3A_1384 : vector<16xf32>
    %max3A_1400 = arith.maximumf %select_n3A_1391, %select_n3A_1398 : vector<16xf32>
    %max3A_1401 = arith.maximumf %max3A_1399, %max3A_1400 : vector<16xf32>
    %xor3A_1402 = arith.constant 8 : i32
    %xor3A_1403 = vector.broadcast %xor3A_1402 : i32 to vector<16xi32>
    %xor3A_1404 = arith.xori %iota3A, %xor3A_1403 : vector<16xi32>
    %broadcast_in_dim3A_1405 = vector.shape_cast %xor3A_1404 : vector<16xi32> to vector<16x1xi32>
    %gather3A_1406 = vector.shape_cast %broadcast_in_dim3A_1405 : vector<16x1xi32> to vector<16xi32>
    %gather3A_1407 = tpu.dynamic_gather %max3A_1401[%gather3A_1406] in [0] : vector<16xf32>, vector<16xi32> -> vector<16xf32>
    %max3A_1408 = arith.maximumf %max3A_1401, %gather3A_1407 : vector<16xf32>
    %xor3A_1409 = arith.constant 4 : i32
    %xor3A_1410 = vector.broadcast %xor3A_1409 : i32 to vector<16xi32>
    %xor3A_1411 = arith.xori %iota3A, %xor3A_1410 : vector<16xi32>
    %broadcast_in_dim3A_1412 = vector.shape_cast %xor3A_1411 : vector<16xi32> to vector<16x1xi32>
    %gather3A_1413 = vector.shape_cast %broadcast_in_dim3A_1412 : vector<16x1xi32> to vector<16xi32>
    %gather3A_1414 = tpu.dynamic_gather %max3A_1408[%gather3A_1413] in [0] : vector<16xf32>, vector<16xi32> -> vector<16xf32>
    %max3A_1415 = arith.maximumf %max3A_1408, %gather3A_1414 : vector<16xf32>
    %xor3A_1416 = arith.constant 2 : i32
    %xor3A_1417 = vector.broadcast %xor3A_1416 : i32 to vector<16xi32>
    %xor3A_1418 = arith.xori %iota3A, %xor3A_1417 : vector<16xi32>
    %broadcast_in_dim3A_1419 = vector.shape_cast %xor3A_1418 : vector<16xi32> to vector<16x1xi32>
    %gather3A_1420 = vector.shape_cast %broadcast_in_dim3A_1419 : vector<16x1xi32> to vector<16xi32>
    %gather3A_1421 = tpu.dynamic_gather %max3A_1415[%gather3A_1420] in [0] : vector<16xf32>, vector<16xi32> -> vector<16xf32>
    %max3A_1422 = arith.maximumf %max3A_1415, %gather3A_1421 : vector<16xf32>
    %xor3A_1423 = arith.constant 1 : i32
    %xor3A_1424 = vector.broadcast %xor3A_1423 : i32 to vector<16xi32>
    %xor3A_1425 = arith.xori %iota3A, %xor3A_1424 : vector<16xi32>
    %broadcast_in_dim3A_1426 = vector.shape_cast %xor3A_1425 : vector<16xi32> to vector<16x1xi32>
    %gather3A_1427 = vector.shape_cast %broadcast_in_dim3A_1426 : vector<16x1xi32> to vector<16xi32>
    %gather3A_1428 = tpu.dynamic_gather %max3A_1422[%gather3A_1427] in [0] : vector<16xf32>, vector<16xi32> -> vector<16xf32>
    %max3A_1429 = arith.maximumf %max3A_1422, %gather3A_1428 : vector<16xf32>
    %eq3A_1430 = arith.cmpf oeq, %select_n3A_1377, %max3A_1429 : vector<16xf32>
    %add3A_1431 = arith.constant 0 : i32
    %add3A_1432 = vector.broadcast %add3A_1431 : i32 to vector<16xi32>
    %add3A_1433 = arith.addi %iota3A, %add3A_1432 : vector<16xi32>
    %select_n3A_1434 = arith.select %eq3A_1430, %add3A_1433, %broadcast_in_dim3A_13 : vector<16xi1>, vector<16xi32>
    %min3A_1435 = arith.minsi %broadcast_in_dim3A_13, %select_n3A_1434 : vector<16xi32>
    %eq3A_1436 = arith.cmpf oeq, %select_n3A_1384, %max3A_1429 : vector<16xf32>
    %add3A_1437 = arith.constant 16 : i32
    %add3A_1438 = vector.broadcast %add3A_1437 : i32 to vector<16xi32>
    %add3A_1439 = arith.addi %iota3A, %add3A_1438 : vector<16xi32>
    %select_n3A_1440 = arith.select %eq3A_1436, %add3A_1439, %broadcast_in_dim3A_13 : vector<16xi1>, vector<16xi32>
    %min3A_1441 = arith.minsi %min3A_1435, %select_n3A_1440 : vector<16xi32>
    %eq3A_1442 = arith.cmpf oeq, %select_n3A_1391, %max3A_1429 : vector<16xf32>
    %add3A_1443 = arith.constant 32 : i32
    %add3A_1444 = vector.broadcast %add3A_1443 : i32 to vector<16xi32>
    %add3A_1445 = arith.addi %iota3A, %add3A_1444 : vector<16xi32>
    %select_n3A_1446 = arith.select %eq3A_1442, %add3A_1445, %broadcast_in_dim3A_13 : vector<16xi1>, vector<16xi32>
    %min3A_1447 = arith.minsi %min3A_1441, %select_n3A_1446 : vector<16xi32>
    %eq3A_1448 = arith.cmpf oeq, %select_n3A_1398, %max3A_1429 : vector<16xf32>
    %add3A_1449 = arith.constant 48 : i32
    %add3A_1450 = vector.broadcast %add3A_1449 : i32 to vector<16xi32>
    %add3A_1451 = arith.addi %iota3A, %add3A_1450 : vector<16xi32>
    %select_n3A_1452 = arith.select %eq3A_1448, %add3A_1451, %broadcast_in_dim3A_13 : vector<16xi1>, vector<16xi32>
    %min3A_1453 = arith.minsi %min3A_1447, %select_n3A_1452 : vector<16xi32>
    %xor3A_1454 = arith.constant 8 : i32
    %xor3A_1455 = vector.broadcast %xor3A_1454 : i32 to vector<16xi32>
    %xor3A_1456 = arith.xori %iota3A, %xor3A_1455 : vector<16xi32>
    %broadcast_in_dim3A_1457 = vector.shape_cast %xor3A_1456 : vector<16xi32> to vector<16x1xi32>
    %gather3A_1458 = vector.shape_cast %broadcast_in_dim3A_1457 : vector<16x1xi32> to vector<16xi32>
    %gather3A_1459 = tpu.dynamic_gather %min3A_1453[%gather3A_1458] in [0] : vector<16xi32>, vector<16xi32> -> vector<16xi32>
    %min3A_1460 = arith.minsi %min3A_1453, %gather3A_1459 : vector<16xi32>
    %xor3A_1461 = arith.constant 4 : i32
    %xor3A_1462 = vector.broadcast %xor3A_1461 : i32 to vector<16xi32>
    %xor3A_1463 = arith.xori %iota3A, %xor3A_1462 : vector<16xi32>
    %broadcast_in_dim3A_1464 = vector.shape_cast %xor3A_1463 : vector<16xi32> to vector<16x1xi32>
    %gather3A_1465 = vector.shape_cast %broadcast_in_dim3A_1464 : vector<16x1xi32> to vector<16xi32>
    %gather3A_1466 = tpu.dynamic_gather %min3A_1460[%gather3A_1465] in [0] : vector<16xi32>, vector<16xi32> -> vector<16xi32>
    %min3A_1467 = arith.minsi %min3A_1460, %gather3A_1466 : vector<16xi32>
    %xor3A_1468 = arith.constant 2 : i32
    %xor3A_1469 = vector.broadcast %xor3A_1468 : i32 to vector<16xi32>
    %xor3A_1470 = arith.xori %iota3A, %xor3A_1469 : vector<16xi32>
    %broadcast_in_dim3A_1471 = vector.shape_cast %xor3A_1470 : vector<16xi32> to vector<16x1xi32>
    %gather3A_1472 = vector.shape_cast %broadcast_in_dim3A_1471 : vector<16x1xi32> to vector<16xi32>
    %gather3A_1473 = tpu.dynamic_gather %min3A_1467[%gather3A_1472] in [0] : vector<16xi32>, vector<16xi32> -> vector<16xi32>
    %min3A_1474 = arith.minsi %min3A_1467, %gather3A_1473 : vector<16xi32>
    %xor3A_1475 = arith.constant 1 : i32
    %xor3A_1476 = vector.broadcast %xor3A_1475 : i32 to vector<16xi32>
    %xor3A_1477 = arith.xori %iota3A, %xor3A_1476 : vector<16xi32>
    %broadcast_in_dim3A_1478 = vector.shape_cast %xor3A_1477 : vector<16xi32> to vector<16x1xi32>
    %gather3A_1479 = vector.shape_cast %broadcast_in_dim3A_1478 : vector<16x1xi32> to vector<16xi32>
    %gather3A_1480 = tpu.dynamic_gather %min3A_1474[%gather3A_1479] in [0] : vector<16xi32>, vector<16xi32> -> vector<16xi32>
    %min3A_1481 = arith.minsi %min3A_1474, %gather3A_1480 : vector<16xi32>
    %eq3A_1482 = arith.constant 10 : i32
    %eq3A_1483 = vector.broadcast %eq3A_1482 : i32 to vector<16xi32>
    %eq3A_1484 = arith.cmpi eq, %iota3A, %eq3A_1483 : vector<16xi32>
    %select_n3A_1485 = arith.select %eq3A_1484, %max3A_1429, %select_n3A_1365 : vector<16xi1>, vector<16xf32>
    %eq3A_1486 = arith.constant 10 : i32
    %eq3A_1487 = vector.broadcast %eq3A_1486 : i32 to vector<16xi32>
    %eq3A_1488 = arith.cmpi eq, %iota3A, %eq3A_1487 : vector<16xi32>
    %select_n3A_1489 = arith.select %eq3A_1488, %min3A_1481, %select_n3A_1369 : vector<16xi1>, vector<16xi32>
    %add3A_1490 = arith.addf %add3A_1370, %max3A_1429 : vector<16xf32>
    %add3A_1491 = arith.constant 0 : i32
    %add3A_1492 = vector.broadcast %add3A_1491 : i32 to vector<16xi32>
    %add3A_1493 = arith.addi %iota3A, %add3A_1492 : vector<16xi32>
    %eq3A_1494 = arith.cmpi eq, %add3A_1493, %min3A_1481 : vector<16xi32>
    %jit3A_1495 = arith.constant -1.000000e+00 : f32
    %broadcast_in_dim3A_1496 = vector.broadcast %jit3A_1495 : f32 to vector<16xf32>
    %select_n3A_1497 = arith.select %eq3A_1494, %broadcast_in_dim3A_1496, %select_n3A_1377 : vector<16xi1>, vector<16xf32>
    %add3A_1498 = arith.constant 16 : i32
    %add3A_1499 = vector.broadcast %add3A_1498 : i32 to vector<16xi32>
    %add3A_1500 = arith.addi %iota3A, %add3A_1499 : vector<16xi32>
    %eq3A_1501 = arith.cmpi eq, %add3A_1500, %min3A_1481 : vector<16xi32>
    %jit3A_1502 = arith.constant -1.000000e+00 : f32
    %broadcast_in_dim3A_1503 = vector.broadcast %jit3A_1502 : f32 to vector<16xf32>
    %select_n3A_1504 = arith.select %eq3A_1501, %broadcast_in_dim3A_1503, %select_n3A_1384 : vector<16xi1>, vector<16xf32>
    %add3A_1505 = arith.constant 32 : i32
    %add3A_1506 = vector.broadcast %add3A_1505 : i32 to vector<16xi32>
    %add3A_1507 = arith.addi %iota3A, %add3A_1506 : vector<16xi32>
    %eq3A_1508 = arith.cmpi eq, %add3A_1507, %min3A_1481 : vector<16xi32>
    %jit3A_1509 = arith.constant -1.000000e+00 : f32
    %broadcast_in_dim3A_1510 = vector.broadcast %jit3A_1509 : f32 to vector<16xf32>
    %select_n3A_1511 = arith.select %eq3A_1508, %broadcast_in_dim3A_1510, %select_n3A_1391 : vector<16xi1>, vector<16xf32>
    %add3A_1512 = arith.constant 48 : i32
    %add3A_1513 = vector.broadcast %add3A_1512 : i32 to vector<16xi32>
    %add3A_1514 = arith.addi %iota3A, %add3A_1513 : vector<16xi32>
    %eq3A_1515 = arith.cmpi eq, %add3A_1514, %min3A_1481 : vector<16xi32>
    %jit3A_1516 = arith.constant -1.000000e+00 : f32
    %broadcast_in_dim3A_1517 = vector.broadcast %jit3A_1516 : f32 to vector<16xf32>
    %select_n3A_1518 = arith.select %eq3A_1515, %broadcast_in_dim3A_1517, %select_n3A_1398 : vector<16xi1>, vector<16xf32>
    %max3A_1519 = arith.maximumf %select_n3A_1497, %select_n3A_1504 : vector<16xf32>
    %max3A_1520 = arith.maximumf %select_n3A_1511, %select_n3A_1518 : vector<16xf32>
    %max3A_1521 = arith.maximumf %max3A_1519, %max3A_1520 : vector<16xf32>
    %xor3A_1522 = arith.constant 8 : i32
    %xor3A_1523 = vector.broadcast %xor3A_1522 : i32 to vector<16xi32>
    %xor3A_1524 = arith.xori %iota3A, %xor3A_1523 : vector<16xi32>
    %broadcast_in_dim3A_1525 = vector.shape_cast %xor3A_1524 : vector<16xi32> to vector<16x1xi32>
    %gather3A_1526 = vector.shape_cast %broadcast_in_dim3A_1525 : vector<16x1xi32> to vector<16xi32>
    %gather3A_1527 = tpu.dynamic_gather %max3A_1521[%gather3A_1526] in [0] : vector<16xf32>, vector<16xi32> -> vector<16xf32>
    %max3A_1528 = arith.maximumf %max3A_1521, %gather3A_1527 : vector<16xf32>
    %xor3A_1529 = arith.constant 4 : i32
    %xor3A_1530 = vector.broadcast %xor3A_1529 : i32 to vector<16xi32>
    %xor3A_1531 = arith.xori %iota3A, %xor3A_1530 : vector<16xi32>
    %broadcast_in_dim3A_1532 = vector.shape_cast %xor3A_1531 : vector<16xi32> to vector<16x1xi32>
    %gather3A_1533 = vector.shape_cast %broadcast_in_dim3A_1532 : vector<16x1xi32> to vector<16xi32>
    %gather3A_1534 = tpu.dynamic_gather %max3A_1528[%gather3A_1533] in [0] : vector<16xf32>, vector<16xi32> -> vector<16xf32>
    %max3A_1535 = arith.maximumf %max3A_1528, %gather3A_1534 : vector<16xf32>
    %xor3A_1536 = arith.constant 2 : i32
    %xor3A_1537 = vector.broadcast %xor3A_1536 : i32 to vector<16xi32>
    %xor3A_1538 = arith.xori %iota3A, %xor3A_1537 : vector<16xi32>
    %broadcast_in_dim3A_1539 = vector.shape_cast %xor3A_1538 : vector<16xi32> to vector<16x1xi32>
    %gather3A_1540 = vector.shape_cast %broadcast_in_dim3A_1539 : vector<16x1xi32> to vector<16xi32>
    %gather3A_1541 = tpu.dynamic_gather %max3A_1535[%gather3A_1540] in [0] : vector<16xf32>, vector<16xi32> -> vector<16xf32>
    %max3A_1542 = arith.maximumf %max3A_1535, %gather3A_1541 : vector<16xf32>
    %xor3A_1543 = arith.constant 1 : i32
    %xor3A_1544 = vector.broadcast %xor3A_1543 : i32 to vector<16xi32>
    %xor3A_1545 = arith.xori %iota3A, %xor3A_1544 : vector<16xi32>
    %broadcast_in_dim3A_1546 = vector.shape_cast %xor3A_1545 : vector<16xi32> to vector<16x1xi32>
    %gather3A_1547 = vector.shape_cast %broadcast_in_dim3A_1546 : vector<16x1xi32> to vector<16xi32>
    %gather3A_1548 = tpu.dynamic_gather %max3A_1542[%gather3A_1547] in [0] : vector<16xf32>, vector<16xi32> -> vector<16xf32>
    %max3A_1549 = arith.maximumf %max3A_1542, %gather3A_1548 : vector<16xf32>
    %eq3A_1550 = arith.cmpf oeq, %select_n3A_1497, %max3A_1549 : vector<16xf32>
    %add3A_1551 = arith.constant 0 : i32
    %add3A_1552 = vector.broadcast %add3A_1551 : i32 to vector<16xi32>
    %add3A_1553 = arith.addi %iota3A, %add3A_1552 : vector<16xi32>
    %select_n3A_1554 = arith.select %eq3A_1550, %add3A_1553, %broadcast_in_dim3A_13 : vector<16xi1>, vector<16xi32>
    %min3A_1555 = arith.minsi %broadcast_in_dim3A_13, %select_n3A_1554 : vector<16xi32>
    %eq3A_1556 = arith.cmpf oeq, %select_n3A_1504, %max3A_1549 : vector<16xf32>
    %add3A_1557 = arith.constant 16 : i32
    %add3A_1558 = vector.broadcast %add3A_1557 : i32 to vector<16xi32>
    %add3A_1559 = arith.addi %iota3A, %add3A_1558 : vector<16xi32>
    %select_n3A_1560 = arith.select %eq3A_1556, %add3A_1559, %broadcast_in_dim3A_13 : vector<16xi1>, vector<16xi32>
    %min3A_1561 = arith.minsi %min3A_1555, %select_n3A_1560 : vector<16xi32>
    %eq3A_1562 = arith.cmpf oeq, %select_n3A_1511, %max3A_1549 : vector<16xf32>
    %add3A_1563 = arith.constant 32 : i32
    %add3A_1564 = vector.broadcast %add3A_1563 : i32 to vector<16xi32>
    %add3A_1565 = arith.addi %iota3A, %add3A_1564 : vector<16xi32>
    %select_n3A_1566 = arith.select %eq3A_1562, %add3A_1565, %broadcast_in_dim3A_13 : vector<16xi1>, vector<16xi32>
    %min3A_1567 = arith.minsi %min3A_1561, %select_n3A_1566 : vector<16xi32>
    %eq3A_1568 = arith.cmpf oeq, %select_n3A_1518, %max3A_1549 : vector<16xf32>
    %add3A_1569 = arith.constant 48 : i32
    %add3A_1570 = vector.broadcast %add3A_1569 : i32 to vector<16xi32>
    %add3A_1571 = arith.addi %iota3A, %add3A_1570 : vector<16xi32>
    %select_n3A_1572 = arith.select %eq3A_1568, %add3A_1571, %broadcast_in_dim3A_13 : vector<16xi1>, vector<16xi32>
    %min3A_1573 = arith.minsi %min3A_1567, %select_n3A_1572 : vector<16xi32>
    %xor3A_1574 = arith.constant 8 : i32
    %xor3A_1575 = vector.broadcast %xor3A_1574 : i32 to vector<16xi32>
    %xor3A_1576 = arith.xori %iota3A, %xor3A_1575 : vector<16xi32>
    %broadcast_in_dim3A_1577 = vector.shape_cast %xor3A_1576 : vector<16xi32> to vector<16x1xi32>
    %gather3A_1578 = vector.shape_cast %broadcast_in_dim3A_1577 : vector<16x1xi32> to vector<16xi32>
    %gather3A_1579 = tpu.dynamic_gather %min3A_1573[%gather3A_1578] in [0] : vector<16xi32>, vector<16xi32> -> vector<16xi32>
    %min3A_1580 = arith.minsi %min3A_1573, %gather3A_1579 : vector<16xi32>
    %xor3A_1581 = arith.constant 4 : i32
    %xor3A_1582 = vector.broadcast %xor3A_1581 : i32 to vector<16xi32>
    %xor3A_1583 = arith.xori %iota3A, %xor3A_1582 : vector<16xi32>
    %broadcast_in_dim3A_1584 = vector.shape_cast %xor3A_1583 : vector<16xi32> to vector<16x1xi32>
    %gather3A_1585 = vector.shape_cast %broadcast_in_dim3A_1584 : vector<16x1xi32> to vector<16xi32>
    %gather3A_1586 = tpu.dynamic_gather %min3A_1580[%gather3A_1585] in [0] : vector<16xi32>, vector<16xi32> -> vector<16xi32>
    %min3A_1587 = arith.minsi %min3A_1580, %gather3A_1586 : vector<16xi32>
    %xor3A_1588 = arith.constant 2 : i32
    %xor3A_1589 = vector.broadcast %xor3A_1588 : i32 to vector<16xi32>
    %xor3A_1590 = arith.xori %iota3A, %xor3A_1589 : vector<16xi32>
    %broadcast_in_dim3A_1591 = vector.shape_cast %xor3A_1590 : vector<16xi32> to vector<16x1xi32>
    %gather3A_1592 = vector.shape_cast %broadcast_in_dim3A_1591 : vector<16x1xi32> to vector<16xi32>
    %gather3A_1593 = tpu.dynamic_gather %min3A_1587[%gather3A_1592] in [0] : vector<16xi32>, vector<16xi32> -> vector<16xi32>
    %min3A_1594 = arith.minsi %min3A_1587, %gather3A_1593 : vector<16xi32>
    %xor3A_1595 = arith.constant 1 : i32
    %xor3A_1596 = vector.broadcast %xor3A_1595 : i32 to vector<16xi32>
    %xor3A_1597 = arith.xori %iota3A, %xor3A_1596 : vector<16xi32>
    %broadcast_in_dim3A_1598 = vector.shape_cast %xor3A_1597 : vector<16xi32> to vector<16x1xi32>
    %gather3A_1599 = vector.shape_cast %broadcast_in_dim3A_1598 : vector<16x1xi32> to vector<16xi32>
    %gather3A_1600 = tpu.dynamic_gather %min3A_1594[%gather3A_1599] in [0] : vector<16xi32>, vector<16xi32> -> vector<16xi32>
    %min3A_1601 = arith.minsi %min3A_1594, %gather3A_1600 : vector<16xi32>
    %eq3A_1602 = arith.constant 11 : i32
    %eq3A_1603 = vector.broadcast %eq3A_1602 : i32 to vector<16xi32>
    %eq3A_1604 = arith.cmpi eq, %iota3A, %eq3A_1603 : vector<16xi32>
    %select_n3A_1605 = arith.select %eq3A_1604, %max3A_1549, %select_n3A_1485 : vector<16xi1>, vector<16xf32>
    %eq3A_1606 = arith.constant 11 : i32
    %eq3A_1607 = vector.broadcast %eq3A_1606 : i32 to vector<16xi32>
    %eq3A_1608 = arith.cmpi eq, %iota3A, %eq3A_1607 : vector<16xi32>
    %select_n3A_1609 = arith.select %eq3A_1608, %min3A_1601, %select_n3A_1489 : vector<16xi1>, vector<16xi32>
    %add3A_1610 = arith.addf %add3A_1490, %max3A_1549 : vector<16xf32>
    %add3A_1611 = arith.constant 0 : i32
    %add3A_1612 = vector.broadcast %add3A_1611 : i32 to vector<16xi32>
    %add3A_1613 = arith.addi %iota3A, %add3A_1612 : vector<16xi32>
    %eq3A_1614 = arith.cmpi eq, %add3A_1613, %min3A_1601 : vector<16xi32>
    %jit3A_1615 = arith.constant -1.000000e+00 : f32
    %broadcast_in_dim3A_1616 = vector.broadcast %jit3A_1615 : f32 to vector<16xf32>
    %select_n3A_1617 = arith.select %eq3A_1614, %broadcast_in_dim3A_1616, %select_n3A_1497 : vector<16xi1>, vector<16xf32>
    %add3A_1618 = arith.constant 16 : i32
    %add3A_1619 = vector.broadcast %add3A_1618 : i32 to vector<16xi32>
    %add3A_1620 = arith.addi %iota3A, %add3A_1619 : vector<16xi32>
    %eq3A_1621 = arith.cmpi eq, %add3A_1620, %min3A_1601 : vector<16xi32>
    %jit3A_1622 = arith.constant -1.000000e+00 : f32
    %broadcast_in_dim3A_1623 = vector.broadcast %jit3A_1622 : f32 to vector<16xf32>
    %select_n3A_1624 = arith.select %eq3A_1621, %broadcast_in_dim3A_1623, %select_n3A_1504 : vector<16xi1>, vector<16xf32>
    %add3A_1625 = arith.constant 32 : i32
    %add3A_1626 = vector.broadcast %add3A_1625 : i32 to vector<16xi32>
    %add3A_1627 = arith.addi %iota3A, %add3A_1626 : vector<16xi32>
    %eq3A_1628 = arith.cmpi eq, %add3A_1627, %min3A_1601 : vector<16xi32>
    %jit3A_1629 = arith.constant -1.000000e+00 : f32
    %broadcast_in_dim3A_1630 = vector.broadcast %jit3A_1629 : f32 to vector<16xf32>
    %select_n3A_1631 = arith.select %eq3A_1628, %broadcast_in_dim3A_1630, %select_n3A_1511 : vector<16xi1>, vector<16xf32>
    %add3A_1632 = arith.constant 48 : i32
    %add3A_1633 = vector.broadcast %add3A_1632 : i32 to vector<16xi32>
    %add3A_1634 = arith.addi %iota3A, %add3A_1633 : vector<16xi32>
    %eq3A_1635 = arith.cmpi eq, %add3A_1634, %min3A_1601 : vector<16xi32>
    %jit3A_1636 = arith.constant -1.000000e+00 : f32
    %broadcast_in_dim3A_1637 = vector.broadcast %jit3A_1636 : f32 to vector<16xf32>
    %select_n3A_1638 = arith.select %eq3A_1635, %broadcast_in_dim3A_1637, %select_n3A_1518 : vector<16xi1>, vector<16xf32>
    %max3A_1639 = arith.maximumf %select_n3A_1617, %select_n3A_1624 : vector<16xf32>
    %max3A_1640 = arith.maximumf %select_n3A_1631, %select_n3A_1638 : vector<16xf32>
    %max3A_1641 = arith.maximumf %max3A_1639, %max3A_1640 : vector<16xf32>
    %xor3A_1642 = arith.constant 8 : i32
    %xor3A_1643 = vector.broadcast %xor3A_1642 : i32 to vector<16xi32>
    %xor3A_1644 = arith.xori %iota3A, %xor3A_1643 : vector<16xi32>
    %broadcast_in_dim3A_1645 = vector.shape_cast %xor3A_1644 : vector<16xi32> to vector<16x1xi32>
    %gather3A_1646 = vector.shape_cast %broadcast_in_dim3A_1645 : vector<16x1xi32> to vector<16xi32>
    %gather3A_1647 = tpu.dynamic_gather %max3A_1641[%gather3A_1646] in [0] : vector<16xf32>, vector<16xi32> -> vector<16xf32>
    %max3A_1648 = arith.maximumf %max3A_1641, %gather3A_1647 : vector<16xf32>
    %xor3A_1649 = arith.constant 4 : i32
    %xor3A_1650 = vector.broadcast %xor3A_1649 : i32 to vector<16xi32>
    %xor3A_1651 = arith.xori %iota3A, %xor3A_1650 : vector<16xi32>
    %broadcast_in_dim3A_1652 = vector.shape_cast %xor3A_1651 : vector<16xi32> to vector<16x1xi32>
    %gather3A_1653 = vector.shape_cast %broadcast_in_dim3A_1652 : vector<16x1xi32> to vector<16xi32>
    %gather3A_1654 = tpu.dynamic_gather %max3A_1648[%gather3A_1653] in [0] : vector<16xf32>, vector<16xi32> -> vector<16xf32>
    %max3A_1655 = arith.maximumf %max3A_1648, %gather3A_1654 : vector<16xf32>
    %xor3A_1656 = arith.constant 2 : i32
    %xor3A_1657 = vector.broadcast %xor3A_1656 : i32 to vector<16xi32>
    %xor3A_1658 = arith.xori %iota3A, %xor3A_1657 : vector<16xi32>
    %broadcast_in_dim3A_1659 = vector.shape_cast %xor3A_1658 : vector<16xi32> to vector<16x1xi32>
    %gather3A_1660 = vector.shape_cast %broadcast_in_dim3A_1659 : vector<16x1xi32> to vector<16xi32>
    %gather3A_1661 = tpu.dynamic_gather %max3A_1655[%gather3A_1660] in [0] : vector<16xf32>, vector<16xi32> -> vector<16xf32>
    %max3A_1662 = arith.maximumf %max3A_1655, %gather3A_1661 : vector<16xf32>
    %xor3A_1663 = arith.constant 1 : i32
    %xor3A_1664 = vector.broadcast %xor3A_1663 : i32 to vector<16xi32>
    %xor3A_1665 = arith.xori %iota3A, %xor3A_1664 : vector<16xi32>
    %broadcast_in_dim3A_1666 = vector.shape_cast %xor3A_1665 : vector<16xi32> to vector<16x1xi32>
    %gather3A_1667 = vector.shape_cast %broadcast_in_dim3A_1666 : vector<16x1xi32> to vector<16xi32>
    %gather3A_1668 = tpu.dynamic_gather %max3A_1662[%gather3A_1667] in [0] : vector<16xf32>, vector<16xi32> -> vector<16xf32>
    %max3A_1669 = arith.maximumf %max3A_1662, %gather3A_1668 : vector<16xf32>
    %eq3A_1670 = arith.cmpf oeq, %select_n3A_1617, %max3A_1669 : vector<16xf32>
    %add3A_1671 = arith.constant 0 : i32
    %add3A_1672 = vector.broadcast %add3A_1671 : i32 to vector<16xi32>
    %add3A_1673 = arith.addi %iota3A, %add3A_1672 : vector<16xi32>
    %select_n3A_1674 = arith.select %eq3A_1670, %add3A_1673, %broadcast_in_dim3A_13 : vector<16xi1>, vector<16xi32>
    %min3A_1675 = arith.minsi %broadcast_in_dim3A_13, %select_n3A_1674 : vector<16xi32>
    %eq3A_1676 = arith.cmpf oeq, %select_n3A_1624, %max3A_1669 : vector<16xf32>
    %add3A_1677 = arith.constant 16 : i32
    %add3A_1678 = vector.broadcast %add3A_1677 : i32 to vector<16xi32>
    %add3A_1679 = arith.addi %iota3A, %add3A_1678 : vector<16xi32>
    %select_n3A_1680 = arith.select %eq3A_1676, %add3A_1679, %broadcast_in_dim3A_13 : vector<16xi1>, vector<16xi32>
    %min3A_1681 = arith.minsi %min3A_1675, %select_n3A_1680 : vector<16xi32>
    %eq3A_1682 = arith.cmpf oeq, %select_n3A_1631, %max3A_1669 : vector<16xf32>
    %add3A_1683 = arith.constant 32 : i32
    %add3A_1684 = vector.broadcast %add3A_1683 : i32 to vector<16xi32>
    %add3A_1685 = arith.addi %iota3A, %add3A_1684 : vector<16xi32>
    %select_n3A_1686 = arith.select %eq3A_1682, %add3A_1685, %broadcast_in_dim3A_13 : vector<16xi1>, vector<16xi32>
    %min3A_1687 = arith.minsi %min3A_1681, %select_n3A_1686 : vector<16xi32>
    %eq3A_1688 = arith.cmpf oeq, %select_n3A_1638, %max3A_1669 : vector<16xf32>
    %add3A_1689 = arith.constant 48 : i32
    %add3A_1690 = vector.broadcast %add3A_1689 : i32 to vector<16xi32>
    %add3A_1691 = arith.addi %iota3A, %add3A_1690 : vector<16xi32>
    %select_n3A_1692 = arith.select %eq3A_1688, %add3A_1691, %broadcast_in_dim3A_13 : vector<16xi1>, vector<16xi32>
    %min3A_1693 = arith.minsi %min3A_1687, %select_n3A_1692 : vector<16xi32>
    %xor3A_1694 = arith.constant 8 : i32
    %xor3A_1695 = vector.broadcast %xor3A_1694 : i32 to vector<16xi32>
    %xor3A_1696 = arith.xori %iota3A, %xor3A_1695 : vector<16xi32>
    %broadcast_in_dim3A_1697 = vector.shape_cast %xor3A_1696 : vector<16xi32> to vector<16x1xi32>
    %gather3A_1698 = vector.shape_cast %broadcast_in_dim3A_1697 : vector<16x1xi32> to vector<16xi32>
    %gather3A_1699 = tpu.dynamic_gather %min3A_1693[%gather3A_1698] in [0] : vector<16xi32>, vector<16xi32> -> vector<16xi32>
    %min3A_1700 = arith.minsi %min3A_1693, %gather3A_1699 : vector<16xi32>
    %xor3A_1701 = arith.constant 4 : i32
    %xor3A_1702 = vector.broadcast %xor3A_1701 : i32 to vector<16xi32>
    %xor3A_1703 = arith.xori %iota3A, %xor3A_1702 : vector<16xi32>
    %broadcast_in_dim3A_1704 = vector.shape_cast %xor3A_1703 : vector<16xi32> to vector<16x1xi32>
    %gather3A_1705 = vector.shape_cast %broadcast_in_dim3A_1704 : vector<16x1xi32> to vector<16xi32>
    %gather3A_1706 = tpu.dynamic_gather %min3A_1700[%gather3A_1705] in [0] : vector<16xi32>, vector<16xi32> -> vector<16xi32>
    %min3A_1707 = arith.minsi %min3A_1700, %gather3A_1706 : vector<16xi32>
    %xor3A_1708 = arith.constant 2 : i32
    %xor3A_1709 = vector.broadcast %xor3A_1708 : i32 to vector<16xi32>
    %xor3A_1710 = arith.xori %iota3A, %xor3A_1709 : vector<16xi32>
    %broadcast_in_dim3A_1711 = vector.shape_cast %xor3A_1710 : vector<16xi32> to vector<16x1xi32>
    %gather3A_1712 = vector.shape_cast %broadcast_in_dim3A_1711 : vector<16x1xi32> to vector<16xi32>
    %gather3A_1713 = tpu.dynamic_gather %min3A_1707[%gather3A_1712] in [0] : vector<16xi32>, vector<16xi32> -> vector<16xi32>
    %min3A_1714 = arith.minsi %min3A_1707, %gather3A_1713 : vector<16xi32>
    %xor3A_1715 = arith.constant 1 : i32
    %xor3A_1716 = vector.broadcast %xor3A_1715 : i32 to vector<16xi32>
    %xor3A_1717 = arith.xori %iota3A, %xor3A_1716 : vector<16xi32>
    %broadcast_in_dim3A_1718 = vector.shape_cast %xor3A_1717 : vector<16xi32> to vector<16x1xi32>
    %gather3A_1719 = vector.shape_cast %broadcast_in_dim3A_1718 : vector<16x1xi32> to vector<16xi32>
    %gather3A_1720 = tpu.dynamic_gather %min3A_1714[%gather3A_1719] in [0] : vector<16xi32>, vector<16xi32> -> vector<16xi32>
    %min3A_1721 = arith.minsi %min3A_1714, %gather3A_1720 : vector<16xi32>
    %eq3A_1722 = arith.constant 12 : i32
    %eq3A_1723 = vector.broadcast %eq3A_1722 : i32 to vector<16xi32>
    %eq3A_1724 = arith.cmpi eq, %iota3A, %eq3A_1723 : vector<16xi32>
    %select_n3A_1725 = arith.select %eq3A_1724, %max3A_1669, %select_n3A_1605 : vector<16xi1>, vector<16xf32>
    %eq3A_1726 = arith.constant 12 : i32
    %eq3A_1727 = vector.broadcast %eq3A_1726 : i32 to vector<16xi32>
    %eq3A_1728 = arith.cmpi eq, %iota3A, %eq3A_1727 : vector<16xi32>
    %select_n3A_1729 = arith.select %eq3A_1728, %min3A_1721, %select_n3A_1609 : vector<16xi1>, vector<16xi32>
    %add3A_1730 = arith.addf %add3A_1610, %max3A_1669 : vector<16xf32>
    %add3A_1731 = arith.constant 0 : i32
    %add3A_1732 = vector.broadcast %add3A_1731 : i32 to vector<16xi32>
    %add3A_1733 = arith.addi %iota3A, %add3A_1732 : vector<16xi32>
    %eq3A_1734 = arith.cmpi eq, %add3A_1733, %min3A_1721 : vector<16xi32>
    %jit3A_1735 = arith.constant -1.000000e+00 : f32
    %broadcast_in_dim3A_1736 = vector.broadcast %jit3A_1735 : f32 to vector<16xf32>
    %select_n3A_1737 = arith.select %eq3A_1734, %broadcast_in_dim3A_1736, %select_n3A_1617 : vector<16xi1>, vector<16xf32>
    %add3A_1738 = arith.constant 16 : i32
    %add3A_1739 = vector.broadcast %add3A_1738 : i32 to vector<16xi32>
    %add3A_1740 = arith.addi %iota3A, %add3A_1739 : vector<16xi32>
    %eq3A_1741 = arith.cmpi eq, %add3A_1740, %min3A_1721 : vector<16xi32>
    %jit3A_1742 = arith.constant -1.000000e+00 : f32
    %broadcast_in_dim3A_1743 = vector.broadcast %jit3A_1742 : f32 to vector<16xf32>
    %select_n3A_1744 = arith.select %eq3A_1741, %broadcast_in_dim3A_1743, %select_n3A_1624 : vector<16xi1>, vector<16xf32>
    %add3A_1745 = arith.constant 32 : i32
    %add3A_1746 = vector.broadcast %add3A_1745 : i32 to vector<16xi32>
    %add3A_1747 = arith.addi %iota3A, %add3A_1746 : vector<16xi32>
    %eq3A_1748 = arith.cmpi eq, %add3A_1747, %min3A_1721 : vector<16xi32>
    %jit3A_1749 = arith.constant -1.000000e+00 : f32
    %broadcast_in_dim3A_1750 = vector.broadcast %jit3A_1749 : f32 to vector<16xf32>
    %select_n3A_1751 = arith.select %eq3A_1748, %broadcast_in_dim3A_1750, %select_n3A_1631 : vector<16xi1>, vector<16xf32>
    %add3A_1752 = arith.constant 48 : i32
    %add3A_1753 = vector.broadcast %add3A_1752 : i32 to vector<16xi32>
    %add3A_1754 = arith.addi %iota3A, %add3A_1753 : vector<16xi32>
    %eq3A_1755 = arith.cmpi eq, %add3A_1754, %min3A_1721 : vector<16xi32>
    %jit3A_1756 = arith.constant -1.000000e+00 : f32
    %broadcast_in_dim3A_1757 = vector.broadcast %jit3A_1756 : f32 to vector<16xf32>
    %select_n3A_1758 = arith.select %eq3A_1755, %broadcast_in_dim3A_1757, %select_n3A_1638 : vector<16xi1>, vector<16xf32>
    %max3A_1759 = arith.maximumf %select_n3A_1737, %select_n3A_1744 : vector<16xf32>
    %max3A_1760 = arith.maximumf %select_n3A_1751, %select_n3A_1758 : vector<16xf32>
    %max3A_1761 = arith.maximumf %max3A_1759, %max3A_1760 : vector<16xf32>
    %xor3A_1762 = arith.constant 8 : i32
    %xor3A_1763 = vector.broadcast %xor3A_1762 : i32 to vector<16xi32>
    %xor3A_1764 = arith.xori %iota3A, %xor3A_1763 : vector<16xi32>
    %broadcast_in_dim3A_1765 = vector.shape_cast %xor3A_1764 : vector<16xi32> to vector<16x1xi32>
    %gather3A_1766 = vector.shape_cast %broadcast_in_dim3A_1765 : vector<16x1xi32> to vector<16xi32>
    %gather3A_1767 = tpu.dynamic_gather %max3A_1761[%gather3A_1766] in [0] : vector<16xf32>, vector<16xi32> -> vector<16xf32>
    %max3A_1768 = arith.maximumf %max3A_1761, %gather3A_1767 : vector<16xf32>
    %xor3A_1769 = arith.constant 4 : i32
    %xor3A_1770 = vector.broadcast %xor3A_1769 : i32 to vector<16xi32>
    %xor3A_1771 = arith.xori %iota3A, %xor3A_1770 : vector<16xi32>
    %broadcast_in_dim3A_1772 = vector.shape_cast %xor3A_1771 : vector<16xi32> to vector<16x1xi32>
    %gather3A_1773 = vector.shape_cast %broadcast_in_dim3A_1772 : vector<16x1xi32> to vector<16xi32>
    %gather3A_1774 = tpu.dynamic_gather %max3A_1768[%gather3A_1773] in [0] : vector<16xf32>, vector<16xi32> -> vector<16xf32>
    %max3A_1775 = arith.maximumf %max3A_1768, %gather3A_1774 : vector<16xf32>
    %xor3A_1776 = arith.constant 2 : i32
    %xor3A_1777 = vector.broadcast %xor3A_1776 : i32 to vector<16xi32>
    %xor3A_1778 = arith.xori %iota3A, %xor3A_1777 : vector<16xi32>
    %broadcast_in_dim3A_1779 = vector.shape_cast %xor3A_1778 : vector<16xi32> to vector<16x1xi32>
    %gather3A_1780 = vector.shape_cast %broadcast_in_dim3A_1779 : vector<16x1xi32> to vector<16xi32>
    %gather3A_1781 = tpu.dynamic_gather %max3A_1775[%gather3A_1780] in [0] : vector<16xf32>, vector<16xi32> -> vector<16xf32>
    %max3A_1782 = arith.maximumf %max3A_1775, %gather3A_1781 : vector<16xf32>
    %xor3A_1783 = arith.constant 1 : i32
    %xor3A_1784 = vector.broadcast %xor3A_1783 : i32 to vector<16xi32>
    %xor3A_1785 = arith.xori %iota3A, %xor3A_1784 : vector<16xi32>
    %broadcast_in_dim3A_1786 = vector.shape_cast %xor3A_1785 : vector<16xi32> to vector<16x1xi32>
    %gather3A_1787 = vector.shape_cast %broadcast_in_dim3A_1786 : vector<16x1xi32> to vector<16xi32>
    %gather3A_1788 = tpu.dynamic_gather %max3A_1782[%gather3A_1787] in [0] : vector<16xf32>, vector<16xi32> -> vector<16xf32>
    %max3A_1789 = arith.maximumf %max3A_1782, %gather3A_1788 : vector<16xf32>
    %eq3A_1790 = arith.cmpf oeq, %select_n3A_1737, %max3A_1789 : vector<16xf32>
    %add3A_1791 = arith.constant 0 : i32
    %add3A_1792 = vector.broadcast %add3A_1791 : i32 to vector<16xi32>
    %add3A_1793 = arith.addi %iota3A, %add3A_1792 : vector<16xi32>
    %select_n3A_1794 = arith.select %eq3A_1790, %add3A_1793, %broadcast_in_dim3A_13 : vector<16xi1>, vector<16xi32>
    %min3A_1795 = arith.minsi %broadcast_in_dim3A_13, %select_n3A_1794 : vector<16xi32>
    %eq3A_1796 = arith.cmpf oeq, %select_n3A_1744, %max3A_1789 : vector<16xf32>
    %add3A_1797 = arith.constant 16 : i32
    %add3A_1798 = vector.broadcast %add3A_1797 : i32 to vector<16xi32>
    %add3A_1799 = arith.addi %iota3A, %add3A_1798 : vector<16xi32>
    %select_n3A_1800 = arith.select %eq3A_1796, %add3A_1799, %broadcast_in_dim3A_13 : vector<16xi1>, vector<16xi32>
    %min3A_1801 = arith.minsi %min3A_1795, %select_n3A_1800 : vector<16xi32>
    %eq3A_1802 = arith.cmpf oeq, %select_n3A_1751, %max3A_1789 : vector<16xf32>
    %add3A_1803 = arith.constant 32 : i32
    %add3A_1804 = vector.broadcast %add3A_1803 : i32 to vector<16xi32>
    %add3A_1805 = arith.addi %iota3A, %add3A_1804 : vector<16xi32>
    %select_n3A_1806 = arith.select %eq3A_1802, %add3A_1805, %broadcast_in_dim3A_13 : vector<16xi1>, vector<16xi32>
    %min3A_1807 = arith.minsi %min3A_1801, %select_n3A_1806 : vector<16xi32>
    %eq3A_1808 = arith.cmpf oeq, %select_n3A_1758, %max3A_1789 : vector<16xf32>
    %add3A_1809 = arith.constant 48 : i32
    %add3A_1810 = vector.broadcast %add3A_1809 : i32 to vector<16xi32>
    %add3A_1811 = arith.addi %iota3A, %add3A_1810 : vector<16xi32>
    %select_n3A_1812 = arith.select %eq3A_1808, %add3A_1811, %broadcast_in_dim3A_13 : vector<16xi1>, vector<16xi32>
    %min3A_1813 = arith.minsi %min3A_1807, %select_n3A_1812 : vector<16xi32>
    %xor3A_1814 = arith.constant 8 : i32
    %xor3A_1815 = vector.broadcast %xor3A_1814 : i32 to vector<16xi32>
    %xor3A_1816 = arith.xori %iota3A, %xor3A_1815 : vector<16xi32>
    %broadcast_in_dim3A_1817 = vector.shape_cast %xor3A_1816 : vector<16xi32> to vector<16x1xi32>
    %gather3A_1818 = vector.shape_cast %broadcast_in_dim3A_1817 : vector<16x1xi32> to vector<16xi32>
    %gather3A_1819 = tpu.dynamic_gather %min3A_1813[%gather3A_1818] in [0] : vector<16xi32>, vector<16xi32> -> vector<16xi32>
    %min3A_1820 = arith.minsi %min3A_1813, %gather3A_1819 : vector<16xi32>
    %xor3A_1821 = arith.constant 4 : i32
    %xor3A_1822 = vector.broadcast %xor3A_1821 : i32 to vector<16xi32>
    %xor3A_1823 = arith.xori %iota3A, %xor3A_1822 : vector<16xi32>
    %broadcast_in_dim3A_1824 = vector.shape_cast %xor3A_1823 : vector<16xi32> to vector<16x1xi32>
    %gather3A_1825 = vector.shape_cast %broadcast_in_dim3A_1824 : vector<16x1xi32> to vector<16xi32>
    %gather3A_1826 = tpu.dynamic_gather %min3A_1820[%gather3A_1825] in [0] : vector<16xi32>, vector<16xi32> -> vector<16xi32>
    %min3A_1827 = arith.minsi %min3A_1820, %gather3A_1826 : vector<16xi32>
    %xor3A_1828 = arith.constant 2 : i32
    %xor3A_1829 = vector.broadcast %xor3A_1828 : i32 to vector<16xi32>
    %xor3A_1830 = arith.xori %iota3A, %xor3A_1829 : vector<16xi32>
    %broadcast_in_dim3A_1831 = vector.shape_cast %xor3A_1830 : vector<16xi32> to vector<16x1xi32>
    %gather3A_1832 = vector.shape_cast %broadcast_in_dim3A_1831 : vector<16x1xi32> to vector<16xi32>
    %gather3A_1833 = tpu.dynamic_gather %min3A_1827[%gather3A_1832] in [0] : vector<16xi32>, vector<16xi32> -> vector<16xi32>
    %min3A_1834 = arith.minsi %min3A_1827, %gather3A_1833 : vector<16xi32>
    %xor3A_1835 = arith.constant 1 : i32
    %xor3A_1836 = vector.broadcast %xor3A_1835 : i32 to vector<16xi32>
    %xor3A_1837 = arith.xori %iota3A, %xor3A_1836 : vector<16xi32>
    %broadcast_in_dim3A_1838 = vector.shape_cast %xor3A_1837 : vector<16xi32> to vector<16x1xi32>
    %gather3A_1839 = vector.shape_cast %broadcast_in_dim3A_1838 : vector<16x1xi32> to vector<16xi32>
    %gather3A_1840 = tpu.dynamic_gather %min3A_1834[%gather3A_1839] in [0] : vector<16xi32>, vector<16xi32> -> vector<16xi32>
    %min3A_1841 = arith.minsi %min3A_1834, %gather3A_1840 : vector<16xi32>
    %eq3A_1842 = arith.constant 13 : i32
    %eq3A_1843 = vector.broadcast %eq3A_1842 : i32 to vector<16xi32>
    %eq3A_1844 = arith.cmpi eq, %iota3A, %eq3A_1843 : vector<16xi32>
    %select_n3A_1845 = arith.select %eq3A_1844, %max3A_1789, %select_n3A_1725 : vector<16xi1>, vector<16xf32>
    %eq3A_1846 = arith.constant 13 : i32
    %eq3A_1847 = vector.broadcast %eq3A_1846 : i32 to vector<16xi32>
    %eq3A_1848 = arith.cmpi eq, %iota3A, %eq3A_1847 : vector<16xi32>
    %select_n3A_1849 = arith.select %eq3A_1848, %min3A_1841, %select_n3A_1729 : vector<16xi1>, vector<16xi32>
    %add3A_1850 = arith.addf %add3A_1730, %max3A_1789 : vector<16xf32>
    %add3A_1851 = arith.constant 0 : i32
    %add3A_1852 = vector.broadcast %add3A_1851 : i32 to vector<16xi32>
    %add3A_1853 = arith.addi %iota3A, %add3A_1852 : vector<16xi32>
    %eq3A_1854 = arith.cmpi eq, %add3A_1853, %min3A_1841 : vector<16xi32>
    %jit3A_1855 = arith.constant -1.000000e+00 : f32
    %broadcast_in_dim3A_1856 = vector.broadcast %jit3A_1855 : f32 to vector<16xf32>
    %select_n3A_1857 = arith.select %eq3A_1854, %broadcast_in_dim3A_1856, %select_n3A_1737 : vector<16xi1>, vector<16xf32>
    %add3A_1858 = arith.constant 16 : i32
    %add3A_1859 = vector.broadcast %add3A_1858 : i32 to vector<16xi32>
    %add3A_1860 = arith.addi %iota3A, %add3A_1859 : vector<16xi32>
    %eq3A_1861 = arith.cmpi eq, %add3A_1860, %min3A_1841 : vector<16xi32>
    %jit3A_1862 = arith.constant -1.000000e+00 : f32
    %broadcast_in_dim3A_1863 = vector.broadcast %jit3A_1862 : f32 to vector<16xf32>
    %select_n3A_1864 = arith.select %eq3A_1861, %broadcast_in_dim3A_1863, %select_n3A_1744 : vector<16xi1>, vector<16xf32>
    %add3A_1865 = arith.constant 32 : i32
    %add3A_1866 = vector.broadcast %add3A_1865 : i32 to vector<16xi32>
    %add3A_1867 = arith.addi %iota3A, %add3A_1866 : vector<16xi32>
    %eq3A_1868 = arith.cmpi eq, %add3A_1867, %min3A_1841 : vector<16xi32>
    %jit3A_1869 = arith.constant -1.000000e+00 : f32
    %broadcast_in_dim3A_1870 = vector.broadcast %jit3A_1869 : f32 to vector<16xf32>
    %select_n3A_1871 = arith.select %eq3A_1868, %broadcast_in_dim3A_1870, %select_n3A_1751 : vector<16xi1>, vector<16xf32>
    %add3A_1872 = arith.constant 48 : i32
    %add3A_1873 = vector.broadcast %add3A_1872 : i32 to vector<16xi32>
    %add3A_1874 = arith.addi %iota3A, %add3A_1873 : vector<16xi32>
    %eq3A_1875 = arith.cmpi eq, %add3A_1874, %min3A_1841 : vector<16xi32>
    %jit3A_1876 = arith.constant -1.000000e+00 : f32
    %broadcast_in_dim3A_1877 = vector.broadcast %jit3A_1876 : f32 to vector<16xf32>
    %select_n3A_1878 = arith.select %eq3A_1875, %broadcast_in_dim3A_1877, %select_n3A_1758 : vector<16xi1>, vector<16xf32>
    %max3A_1879 = arith.maximumf %select_n3A_1857, %select_n3A_1864 : vector<16xf32>
    %max3A_1880 = arith.maximumf %select_n3A_1871, %select_n3A_1878 : vector<16xf32>
    %max3A_1881 = arith.maximumf %max3A_1879, %max3A_1880 : vector<16xf32>
    %xor3A_1882 = arith.constant 8 : i32
    %xor3A_1883 = vector.broadcast %xor3A_1882 : i32 to vector<16xi32>
    %xor3A_1884 = arith.xori %iota3A, %xor3A_1883 : vector<16xi32>
    %broadcast_in_dim3A_1885 = vector.shape_cast %xor3A_1884 : vector<16xi32> to vector<16x1xi32>
    %gather3A_1886 = vector.shape_cast %broadcast_in_dim3A_1885 : vector<16x1xi32> to vector<16xi32>
    %gather3A_1887 = tpu.dynamic_gather %max3A_1881[%gather3A_1886] in [0] : vector<16xf32>, vector<16xi32> -> vector<16xf32>
    %max3A_1888 = arith.maximumf %max3A_1881, %gather3A_1887 : vector<16xf32>
    %xor3A_1889 = arith.constant 4 : i32
    %xor3A_1890 = vector.broadcast %xor3A_1889 : i32 to vector<16xi32>
    %xor3A_1891 = arith.xori %iota3A, %xor3A_1890 : vector<16xi32>
    %broadcast_in_dim3A_1892 = vector.shape_cast %xor3A_1891 : vector<16xi32> to vector<16x1xi32>
    %gather3A_1893 = vector.shape_cast %broadcast_in_dim3A_1892 : vector<16x1xi32> to vector<16xi32>
    %gather3A_1894 = tpu.dynamic_gather %max3A_1888[%gather3A_1893] in [0] : vector<16xf32>, vector<16xi32> -> vector<16xf32>
    %max3A_1895 = arith.maximumf %max3A_1888, %gather3A_1894 : vector<16xf32>
    %xor3A_1896 = arith.constant 2 : i32
    %xor3A_1897 = vector.broadcast %xor3A_1896 : i32 to vector<16xi32>
    %xor3A_1898 = arith.xori %iota3A, %xor3A_1897 : vector<16xi32>
    %broadcast_in_dim3A_1899 = vector.shape_cast %xor3A_1898 : vector<16xi32> to vector<16x1xi32>
    %gather3A_1900 = vector.shape_cast %broadcast_in_dim3A_1899 : vector<16x1xi32> to vector<16xi32>
    %gather3A_1901 = tpu.dynamic_gather %max3A_1895[%gather3A_1900] in [0] : vector<16xf32>, vector<16xi32> -> vector<16xf32>
    %max3A_1902 = arith.maximumf %max3A_1895, %gather3A_1901 : vector<16xf32>
    %xor3A_1903 = arith.constant 1 : i32
    %xor3A_1904 = vector.broadcast %xor3A_1903 : i32 to vector<16xi32>
    %xor3A_1905 = arith.xori %iota3A, %xor3A_1904 : vector<16xi32>
    %broadcast_in_dim3A_1906 = vector.shape_cast %xor3A_1905 : vector<16xi32> to vector<16x1xi32>
    %gather3A_1907 = vector.shape_cast %broadcast_in_dim3A_1906 : vector<16x1xi32> to vector<16xi32>
    %gather3A_1908 = tpu.dynamic_gather %max3A_1902[%gather3A_1907] in [0] : vector<16xf32>, vector<16xi32> -> vector<16xf32>
    %max3A_1909 = arith.maximumf %max3A_1902, %gather3A_1908 : vector<16xf32>
    %eq3A_1910 = arith.cmpf oeq, %select_n3A_1857, %max3A_1909 : vector<16xf32>
    %add3A_1911 = arith.constant 0 : i32
    %add3A_1912 = vector.broadcast %add3A_1911 : i32 to vector<16xi32>
    %add3A_1913 = arith.addi %iota3A, %add3A_1912 : vector<16xi32>
    %select_n3A_1914 = arith.select %eq3A_1910, %add3A_1913, %broadcast_in_dim3A_13 : vector<16xi1>, vector<16xi32>
    %min3A_1915 = arith.minsi %broadcast_in_dim3A_13, %select_n3A_1914 : vector<16xi32>
    %eq3A_1916 = arith.cmpf oeq, %select_n3A_1864, %max3A_1909 : vector<16xf32>
    %add3A_1917 = arith.constant 16 : i32
    %add3A_1918 = vector.broadcast %add3A_1917 : i32 to vector<16xi32>
    %add3A_1919 = arith.addi %iota3A, %add3A_1918 : vector<16xi32>
    %select_n3A_1920 = arith.select %eq3A_1916, %add3A_1919, %broadcast_in_dim3A_13 : vector<16xi1>, vector<16xi32>
    %min3A_1921 = arith.minsi %min3A_1915, %select_n3A_1920 : vector<16xi32>
    %eq3A_1922 = arith.cmpf oeq, %select_n3A_1871, %max3A_1909 : vector<16xf32>
    %add3A_1923 = arith.constant 32 : i32
    %add3A_1924 = vector.broadcast %add3A_1923 : i32 to vector<16xi32>
    %add3A_1925 = arith.addi %iota3A, %add3A_1924 : vector<16xi32>
    %select_n3A_1926 = arith.select %eq3A_1922, %add3A_1925, %broadcast_in_dim3A_13 : vector<16xi1>, vector<16xi32>
    %min3A_1927 = arith.minsi %min3A_1921, %select_n3A_1926 : vector<16xi32>
    %eq3A_1928 = arith.cmpf oeq, %select_n3A_1878, %max3A_1909 : vector<16xf32>
    %add3A_1929 = arith.constant 48 : i32
    %add3A_1930 = vector.broadcast %add3A_1929 : i32 to vector<16xi32>
    %add3A_1931 = arith.addi %iota3A, %add3A_1930 : vector<16xi32>
    %select_n3A_1932 = arith.select %eq3A_1928, %add3A_1931, %broadcast_in_dim3A_13 : vector<16xi1>, vector<16xi32>
    %min3A_1933 = arith.minsi %min3A_1927, %select_n3A_1932 : vector<16xi32>
    %xor3A_1934 = arith.constant 8 : i32
    %xor3A_1935 = vector.broadcast %xor3A_1934 : i32 to vector<16xi32>
    %xor3A_1936 = arith.xori %iota3A, %xor3A_1935 : vector<16xi32>
    %broadcast_in_dim3A_1937 = vector.shape_cast %xor3A_1936 : vector<16xi32> to vector<16x1xi32>
    %gather3A_1938 = vector.shape_cast %broadcast_in_dim3A_1937 : vector<16x1xi32> to vector<16xi32>
    %gather3A_1939 = tpu.dynamic_gather %min3A_1933[%gather3A_1938] in [0] : vector<16xi32>, vector<16xi32> -> vector<16xi32>
    %min3A_1940 = arith.minsi %min3A_1933, %gather3A_1939 : vector<16xi32>
    %xor3A_1941 = arith.constant 4 : i32
    %xor3A_1942 = vector.broadcast %xor3A_1941 : i32 to vector<16xi32>
    %xor3A_1943 = arith.xori %iota3A, %xor3A_1942 : vector<16xi32>
    %broadcast_in_dim3A_1944 = vector.shape_cast %xor3A_1943 : vector<16xi32> to vector<16x1xi32>
    %gather3A_1945 = vector.shape_cast %broadcast_in_dim3A_1944 : vector<16x1xi32> to vector<16xi32>
    %gather3A_1946 = tpu.dynamic_gather %min3A_1940[%gather3A_1945] in [0] : vector<16xi32>, vector<16xi32> -> vector<16xi32>
    %min3A_1947 = arith.minsi %min3A_1940, %gather3A_1946 : vector<16xi32>
    %xor3A_1948 = arith.constant 2 : i32
    %xor3A_1949 = vector.broadcast %xor3A_1948 : i32 to vector<16xi32>
    %xor3A_1950 = arith.xori %iota3A, %xor3A_1949 : vector<16xi32>
    %broadcast_in_dim3A_1951 = vector.shape_cast %xor3A_1950 : vector<16xi32> to vector<16x1xi32>
    %gather3A_1952 = vector.shape_cast %broadcast_in_dim3A_1951 : vector<16x1xi32> to vector<16xi32>
    %gather3A_1953 = tpu.dynamic_gather %min3A_1947[%gather3A_1952] in [0] : vector<16xi32>, vector<16xi32> -> vector<16xi32>
    %min3A_1954 = arith.minsi %min3A_1947, %gather3A_1953 : vector<16xi32>
    %xor3A_1955 = arith.constant 1 : i32
    %xor3A_1956 = vector.broadcast %xor3A_1955 : i32 to vector<16xi32>
    %xor3A_1957 = arith.xori %iota3A, %xor3A_1956 : vector<16xi32>
    %broadcast_in_dim3A_1958 = vector.shape_cast %xor3A_1957 : vector<16xi32> to vector<16x1xi32>
    %gather3A_1959 = vector.shape_cast %broadcast_in_dim3A_1958 : vector<16x1xi32> to vector<16xi32>
    %gather3A_1960 = tpu.dynamic_gather %min3A_1954[%gather3A_1959] in [0] : vector<16xi32>, vector<16xi32> -> vector<16xi32>
    %min3A_1961 = arith.minsi %min3A_1954, %gather3A_1960 : vector<16xi32>
    %eq3A_1962 = arith.constant 14 : i32
    %eq3A_1963 = vector.broadcast %eq3A_1962 : i32 to vector<16xi32>
    %eq3A_1964 = arith.cmpi eq, %iota3A, %eq3A_1963 : vector<16xi32>
    %select_n3A_1965 = arith.select %eq3A_1964, %max3A_1909, %select_n3A_1845 : vector<16xi1>, vector<16xf32>
    %eq3A_1966 = arith.constant 14 : i32
    %eq3A_1967 = vector.broadcast %eq3A_1966 : i32 to vector<16xi32>
    %eq3A_1968 = arith.cmpi eq, %iota3A, %eq3A_1967 : vector<16xi32>
    %select_n3A_1969 = arith.select %eq3A_1968, %min3A_1961, %select_n3A_1849 : vector<16xi1>, vector<16xi32>
    %add3A_1970 = arith.addf %add3A_1850, %max3A_1909 : vector<16xf32>
    %add3A_1971 = arith.constant 0 : i32
    %add3A_1972 = vector.broadcast %add3A_1971 : i32 to vector<16xi32>
    %add3A_1973 = arith.addi %iota3A, %add3A_1972 : vector<16xi32>
    %eq3A_1974 = arith.cmpi eq, %add3A_1973, %min3A_1961 : vector<16xi32>
    %jit3A_1975 = arith.constant -1.000000e+00 : f32
    %broadcast_in_dim3A_1976 = vector.broadcast %jit3A_1975 : f32 to vector<16xf32>
    %select_n3A_1977 = arith.select %eq3A_1974, %broadcast_in_dim3A_1976, %select_n3A_1857 : vector<16xi1>, vector<16xf32>
    %add3A_1978 = arith.constant 16 : i32
    %add3A_1979 = vector.broadcast %add3A_1978 : i32 to vector<16xi32>
    %add3A_1980 = arith.addi %iota3A, %add3A_1979 : vector<16xi32>
    %eq3A_1981 = arith.cmpi eq, %add3A_1980, %min3A_1961 : vector<16xi32>
    %jit3A_1982 = arith.constant -1.000000e+00 : f32
    %broadcast_in_dim3A_1983 = vector.broadcast %jit3A_1982 : f32 to vector<16xf32>
    %select_n3A_1984 = arith.select %eq3A_1981, %broadcast_in_dim3A_1983, %select_n3A_1864 : vector<16xi1>, vector<16xf32>
    %add3A_1985 = arith.constant 32 : i32
    %add3A_1986 = vector.broadcast %add3A_1985 : i32 to vector<16xi32>
    %add3A_1987 = arith.addi %iota3A, %add3A_1986 : vector<16xi32>
    %eq3A_1988 = arith.cmpi eq, %add3A_1987, %min3A_1961 : vector<16xi32>
    %jit3A_1989 = arith.constant -1.000000e+00 : f32
    %broadcast_in_dim3A_1990 = vector.broadcast %jit3A_1989 : f32 to vector<16xf32>
    %select_n3A_1991 = arith.select %eq3A_1988, %broadcast_in_dim3A_1990, %select_n3A_1871 : vector<16xi1>, vector<16xf32>
    %add3A_1992 = arith.constant 48 : i32
    %add3A_1993 = vector.broadcast %add3A_1992 : i32 to vector<16xi32>
    %add3A_1994 = arith.addi %iota3A, %add3A_1993 : vector<16xi32>
    %eq3A_1995 = arith.cmpi eq, %add3A_1994, %min3A_1961 : vector<16xi32>
    %jit3A_1996 = arith.constant -1.000000e+00 : f32
    %broadcast_in_dim3A_1997 = vector.broadcast %jit3A_1996 : f32 to vector<16xf32>
    %select_n3A_1998 = arith.select %eq3A_1995, %broadcast_in_dim3A_1997, %select_n3A_1878 : vector<16xi1>, vector<16xf32>
    %max3A_1999 = arith.maximumf %select_n3A_1977, %select_n3A_1984 : vector<16xf32>
    %max3A_2000 = arith.maximumf %select_n3A_1991, %select_n3A_1998 : vector<16xf32>
    %max3A_2001 = arith.maximumf %max3A_1999, %max3A_2000 : vector<16xf32>
    %xor3A_2002 = arith.constant 8 : i32
    %xor3A_2003 = vector.broadcast %xor3A_2002 : i32 to vector<16xi32>
    %xor3A_2004 = arith.xori %iota3A, %xor3A_2003 : vector<16xi32>
    %broadcast_in_dim3A_2005 = vector.shape_cast %xor3A_2004 : vector<16xi32> to vector<16x1xi32>
    %gather3A_2006 = vector.shape_cast %broadcast_in_dim3A_2005 : vector<16x1xi32> to vector<16xi32>
    %gather3A_2007 = tpu.dynamic_gather %max3A_2001[%gather3A_2006] in [0] : vector<16xf32>, vector<16xi32> -> vector<16xf32>
    %max3A_2008 = arith.maximumf %max3A_2001, %gather3A_2007 : vector<16xf32>
    %xor3A_2009 = arith.constant 4 : i32
    %xor3A_2010 = vector.broadcast %xor3A_2009 : i32 to vector<16xi32>
    %xor3A_2011 = arith.xori %iota3A, %xor3A_2010 : vector<16xi32>
    %broadcast_in_dim3A_2012 = vector.shape_cast %xor3A_2011 : vector<16xi32> to vector<16x1xi32>
    %gather3A_2013 = vector.shape_cast %broadcast_in_dim3A_2012 : vector<16x1xi32> to vector<16xi32>
    %gather3A_2014 = tpu.dynamic_gather %max3A_2008[%gather3A_2013] in [0] : vector<16xf32>, vector<16xi32> -> vector<16xf32>
    %max3A_2015 = arith.maximumf %max3A_2008, %gather3A_2014 : vector<16xf32>
    %xor3A_2016 = arith.constant 2 : i32
    %xor3A_2017 = vector.broadcast %xor3A_2016 : i32 to vector<16xi32>
    %xor3A_2018 = arith.xori %iota3A, %xor3A_2017 : vector<16xi32>
    %broadcast_in_dim3A_2019 = vector.shape_cast %xor3A_2018 : vector<16xi32> to vector<16x1xi32>
    %gather3A_2020 = vector.shape_cast %broadcast_in_dim3A_2019 : vector<16x1xi32> to vector<16xi32>
    %gather3A_2021 = tpu.dynamic_gather %max3A_2015[%gather3A_2020] in [0] : vector<16xf32>, vector<16xi32> -> vector<16xf32>
    %max3A_2022 = arith.maximumf %max3A_2015, %gather3A_2021 : vector<16xf32>
    %xor3A_2023 = arith.constant 1 : i32
    %xor3A_2024 = vector.broadcast %xor3A_2023 : i32 to vector<16xi32>
    %xor3A_2025 = arith.xori %iota3A, %xor3A_2024 : vector<16xi32>
    %broadcast_in_dim3A_2026 = vector.shape_cast %xor3A_2025 : vector<16xi32> to vector<16x1xi32>
    %gather3A_2027 = vector.shape_cast %broadcast_in_dim3A_2026 : vector<16x1xi32> to vector<16xi32>
    %gather3A_2028 = tpu.dynamic_gather %max3A_2022[%gather3A_2027] in [0] : vector<16xf32>, vector<16xi32> -> vector<16xf32>
    %max3A_2029 = arith.maximumf %max3A_2022, %gather3A_2028 : vector<16xf32>
    %eq3A_2030 = arith.cmpf oeq, %select_n3A_1977, %max3A_2029 : vector<16xf32>
    %add3A_2031 = arith.constant 0 : i32
    %add3A_2032 = vector.broadcast %add3A_2031 : i32 to vector<16xi32>
    %add3A_2033 = arith.addi %iota3A, %add3A_2032 : vector<16xi32>
    %select_n3A_2034 = arith.select %eq3A_2030, %add3A_2033, %broadcast_in_dim3A_13 : vector<16xi1>, vector<16xi32>
    %min3A_2035 = arith.minsi %broadcast_in_dim3A_13, %select_n3A_2034 : vector<16xi32>
    %eq3A_2036 = arith.cmpf oeq, %select_n3A_1984, %max3A_2029 : vector<16xf32>
    %add3A_2037 = arith.constant 16 : i32
    %add3A_2038 = vector.broadcast %add3A_2037 : i32 to vector<16xi32>
    %add3A_2039 = arith.addi %iota3A, %add3A_2038 : vector<16xi32>
    %select_n3A_2040 = arith.select %eq3A_2036, %add3A_2039, %broadcast_in_dim3A_13 : vector<16xi1>, vector<16xi32>
    %min3A_2041 = arith.minsi %min3A_2035, %select_n3A_2040 : vector<16xi32>
    %eq3A_2042 = arith.cmpf oeq, %select_n3A_1991, %max3A_2029 : vector<16xf32>
    %add3A_2043 = arith.constant 32 : i32
    %add3A_2044 = vector.broadcast %add3A_2043 : i32 to vector<16xi32>
    %add3A_2045 = arith.addi %iota3A, %add3A_2044 : vector<16xi32>
    %select_n3A_2046 = arith.select %eq3A_2042, %add3A_2045, %broadcast_in_dim3A_13 : vector<16xi1>, vector<16xi32>
    %min3A_2047 = arith.minsi %min3A_2041, %select_n3A_2046 : vector<16xi32>
    %eq3A_2048 = arith.cmpf oeq, %select_n3A_1998, %max3A_2029 : vector<16xf32>
    %add3A_2049 = arith.constant 48 : i32
    %add3A_2050 = vector.broadcast %add3A_2049 : i32 to vector<16xi32>
    %add3A_2051 = arith.addi %iota3A, %add3A_2050 : vector<16xi32>
    %select_n3A_2052 = arith.select %eq3A_2048, %add3A_2051, %broadcast_in_dim3A_13 : vector<16xi1>, vector<16xi32>
    %min3A_2053 = arith.minsi %min3A_2047, %select_n3A_2052 : vector<16xi32>
    %xor3A_2054 = arith.constant 8 : i32
    %xor3A_2055 = vector.broadcast %xor3A_2054 : i32 to vector<16xi32>
    %xor3A_2056 = arith.xori %iota3A, %xor3A_2055 : vector<16xi32>
    %broadcast_in_dim3A_2057 = vector.shape_cast %xor3A_2056 : vector<16xi32> to vector<16x1xi32>
    %gather3A_2058 = vector.shape_cast %broadcast_in_dim3A_2057 : vector<16x1xi32> to vector<16xi32>
    %gather3A_2059 = tpu.dynamic_gather %min3A_2053[%gather3A_2058] in [0] : vector<16xi32>, vector<16xi32> -> vector<16xi32>
    %min3A_2060 = arith.minsi %min3A_2053, %gather3A_2059 : vector<16xi32>
    %xor3A_2061 = arith.constant 4 : i32
    %xor3A_2062 = vector.broadcast %xor3A_2061 : i32 to vector<16xi32>
    %xor3A_2063 = arith.xori %iota3A, %xor3A_2062 : vector<16xi32>
    %broadcast_in_dim3A_2064 = vector.shape_cast %xor3A_2063 : vector<16xi32> to vector<16x1xi32>
    %gather3A_2065 = vector.shape_cast %broadcast_in_dim3A_2064 : vector<16x1xi32> to vector<16xi32>
    %gather3A_2066 = tpu.dynamic_gather %min3A_2060[%gather3A_2065] in [0] : vector<16xi32>, vector<16xi32> -> vector<16xi32>
    %min3A_2067 = arith.minsi %min3A_2060, %gather3A_2066 : vector<16xi32>
    %xor3A_2068 = arith.constant 2 : i32
    %xor3A_2069 = vector.broadcast %xor3A_2068 : i32 to vector<16xi32>
    %xor3A_2070 = arith.xori %iota3A, %xor3A_2069 : vector<16xi32>
    %broadcast_in_dim3A_2071 = vector.shape_cast %xor3A_2070 : vector<16xi32> to vector<16x1xi32>
    %gather3A_2072 = vector.shape_cast %broadcast_in_dim3A_2071 : vector<16x1xi32> to vector<16xi32>
    %gather3A_2073 = tpu.dynamic_gather %min3A_2067[%gather3A_2072] in [0] : vector<16xi32>, vector<16xi32> -> vector<16xi32>
    %min3A_2074 = arith.minsi %min3A_2067, %gather3A_2073 : vector<16xi32>
    %xor3A_2075 = arith.constant 1 : i32
    %xor3A_2076 = vector.broadcast %xor3A_2075 : i32 to vector<16xi32>
    %xor3A_2077 = arith.xori %iota3A, %xor3A_2076 : vector<16xi32>
    %broadcast_in_dim3A_2078 = vector.shape_cast %xor3A_2077 : vector<16xi32> to vector<16x1xi32>
    %gather3A_2079 = vector.shape_cast %broadcast_in_dim3A_2078 : vector<16x1xi32> to vector<16xi32>
    %gather3A_2080 = tpu.dynamic_gather %min3A_2074[%gather3A_2079] in [0] : vector<16xi32>, vector<16xi32> -> vector<16xi32>
    %min3A_2081 = arith.minsi %min3A_2074, %gather3A_2080 : vector<16xi32>
    %eq3A_2082 = arith.constant 15 : i32
    %eq3A_2083 = vector.broadcast %eq3A_2082 : i32 to vector<16xi32>
    %eq3A_2084 = arith.cmpi eq, %iota3A, %eq3A_2083 : vector<16xi32>
    %select_n3A_2085 = arith.select %eq3A_2084, %max3A_2029, %select_n3A_1965 : vector<16xi1>, vector<16xf32>
    %eq3A_2086 = arith.constant 15 : i32
    %eq3A_2087 = vector.broadcast %eq3A_2086 : i32 to vector<16xi32>
    %eq3A_2088 = arith.cmpi eq, %iota3A, %eq3A_2087 : vector<16xi32>
    %select_n3A_2089 = arith.select %eq3A_2088, %min3A_2081, %select_n3A_1969 : vector<16xi1>, vector<16xi32>
    %add3A_2090 = arith.addf %add3A_1970, %max3A_2029 : vector<16xf32>
    %add3A_2091 = arith.constant 0 : i32
    %add3A_2092 = vector.broadcast %add3A_2091 : i32 to vector<16xi32>
    %add3A_2093 = arith.addi %iota3A, %add3A_2092 : vector<16xi32>
    %eq3A_2094 = arith.cmpi eq, %add3A_2093, %min3A_2081 : vector<16xi32>
    %jit3A_2095 = arith.constant -1.000000e+00 : f32
    %broadcast_in_dim3A_2096 = vector.broadcast %jit3A_2095 : f32 to vector<16xf32>
    %select_n3A_2097 = arith.select %eq3A_2094, %broadcast_in_dim3A_2096, %select_n3A_1977 : vector<16xi1>, vector<16xf32>
    %add3A_2098 = arith.constant 16 : i32
    %add3A_2099 = vector.broadcast %add3A_2098 : i32 to vector<16xi32>
    %add3A_2100 = arith.addi %iota3A, %add3A_2099 : vector<16xi32>
    %eq3A_2101 = arith.cmpi eq, %add3A_2100, %min3A_2081 : vector<16xi32>
    %jit3A_2102 = arith.constant -1.000000e+00 : f32
    %broadcast_in_dim3A_2103 = vector.broadcast %jit3A_2102 : f32 to vector<16xf32>
    %select_n3A_2104 = arith.select %eq3A_2101, %broadcast_in_dim3A_2103, %select_n3A_1984 : vector<16xi1>, vector<16xf32>
    %add3A_2105 = arith.constant 32 : i32
    %add3A_2106 = vector.broadcast %add3A_2105 : i32 to vector<16xi32>
    %add3A_2107 = arith.addi %iota3A, %add3A_2106 : vector<16xi32>
    %eq3A_2108 = arith.cmpi eq, %add3A_2107, %min3A_2081 : vector<16xi32>
    %jit3A_2109 = arith.constant -1.000000e+00 : f32
    %broadcast_in_dim3A_2110 = vector.broadcast %jit3A_2109 : f32 to vector<16xf32>
    %select_n3A_2111 = arith.select %eq3A_2108, %broadcast_in_dim3A_2110, %select_n3A_1991 : vector<16xi1>, vector<16xf32>
    %add3A_2112 = arith.constant 48 : i32
    %add3A_2113 = vector.broadcast %add3A_2112 : i32 to vector<16xi32>
    %add3A_2114 = arith.addi %iota3A, %add3A_2113 : vector<16xi32>
    %eq3A_2115 = arith.cmpi eq, %add3A_2114, %min3A_2081 : vector<16xi32>
    %jit3A_2116 = arith.constant -1.000000e+00 : f32
    %broadcast_in_dim3A_2117 = vector.broadcast %jit3A_2116 : f32 to vector<16xf32>
    %select_n3A_2118 = arith.select %eq3A_2115, %broadcast_in_dim3A_2117, %select_n3A_1998 : vector<16xi1>, vector<16xf32>
    %div3A_2119 = arith.constant 1.000000e+00 : f32
    %div3A_2120 = vector.broadcast %div3A_2119 : f32 to vector<16xf32>
    %div3A_2121 = arith.divf %div3A_2120, %add3A_2090 : vector<16xf32>
    %mul3A_2122 = arith.mulf %select_n3A_2085, %div3A_2121 : vector<16xf32>
    %add3A_2123 = arith.addf %add3A_1062, %mul3A_2122 : vector<16xf32>
    %add3A_2124 = arith.addi %add3A_1063, %select_n3A_2089 : vector<16xi32>
    %get3A_2125 = arith.constant 128 : index
    %get3A_2126 = tpu.vector_load %arg5[%get3A_2125] {strides = array<i32>} : memref<256xf32, #tpu.memory_space<vmem>>, vector<16xf32>,
    %get3A_2127 = vector.shape_cast %get3A_2126 : vector<16xf32> to vector<16xf32>
    %get3A_2128 = arith.constant 144 : index
    %get3A_2129 = tpu.vector_load %arg5[%get3A_2128] {strides = array<i32>} : memref<256xf32, #tpu.memory_space<vmem>>, vector<16xf32>,
    %get3A_2130 = vector.shape_cast %get3A_2129 : vector<16xf32> to vector<16xf32>
    %get3A_2131 = arith.constant 160 : index
    %get3A_2132 = tpu.vector_load %arg5[%get3A_2131] {strides = array<i32>} : memref<256xf32, #tpu.memory_space<vmem>>, vector<16xf32>,
    %get3A_2133 = vector.shape_cast %get3A_2132 : vector<16xf32> to vector<16xf32>
    %get3A_2134 = arith.constant 176 : index
    %get3A_2135 = tpu.vector_load %arg5[%get3A_2134] {strides = array<i32>} : memref<256xf32, #tpu.memory_space<vmem>>, vector<16xf32>,
    %get3A_2136 = vector.shape_cast %get3A_2135 : vector<16xf32> to vector<16xf32>
    %max3A_2137 = arith.maximumf %get3A_2127, %get3A_2130 : vector<16xf32>
    %max3A_2138 = arith.maximumf %get3A_2133, %get3A_2136 : vector<16xf32>
    %max3A_2139 = arith.maximumf %max3A_2137, %max3A_2138 : vector<16xf32>
    %xor3A_2140 = arith.constant 8 : i32
    %xor3A_2141 = vector.broadcast %xor3A_2140 : i32 to vector<16xi32>
    %xor3A_2142 = arith.xori %iota3A, %xor3A_2141 : vector<16xi32>
    %broadcast_in_dim3A_2143 = vector.shape_cast %xor3A_2142 : vector<16xi32> to vector<16x1xi32>
    %gather3A_2144 = vector.shape_cast %broadcast_in_dim3A_2143 : vector<16x1xi32> to vector<16xi32>
    %gather3A_2145 = tpu.dynamic_gather %max3A_2139[%gather3A_2144] in [0] : vector<16xf32>, vector<16xi32> -> vector<16xf32>
    %max3A_2146 = arith.maximumf %max3A_2139, %gather3A_2145 : vector<16xf32>
    %xor3A_2147 = arith.constant 4 : i32
    %xor3A_2148 = vector.broadcast %xor3A_2147 : i32 to vector<16xi32>
    %xor3A_2149 = arith.xori %iota3A, %xor3A_2148 : vector<16xi32>
    %broadcast_in_dim3A_2150 = vector.shape_cast %xor3A_2149 : vector<16xi32> to vector<16x1xi32>
    %gather3A_2151 = vector.shape_cast %broadcast_in_dim3A_2150 : vector<16x1xi32> to vector<16xi32>
    %gather3A_2152 = tpu.dynamic_gather %max3A_2146[%gather3A_2151] in [0] : vector<16xf32>, vector<16xi32> -> vector<16xf32>
    %max3A_2153 = arith.maximumf %max3A_2146, %gather3A_2152 : vector<16xf32>
    %xor3A_2154 = arith.constant 2 : i32
    %xor3A_2155 = vector.broadcast %xor3A_2154 : i32 to vector<16xi32>
    %xor3A_2156 = arith.xori %iota3A, %xor3A_2155 : vector<16xi32>
    %broadcast_in_dim3A_2157 = vector.shape_cast %xor3A_2156 : vector<16xi32> to vector<16x1xi32>
    %gather3A_2158 = vector.shape_cast %broadcast_in_dim3A_2157 : vector<16x1xi32> to vector<16xi32>
    %gather3A_2159 = tpu.dynamic_gather %max3A_2153[%gather3A_2158] in [0] : vector<16xf32>, vector<16xi32> -> vector<16xf32>
    %max3A_2160 = arith.maximumf %max3A_2153, %gather3A_2159 : vector<16xf32>
    %xor3A_2161 = arith.constant 1 : i32
    %xor3A_2162 = vector.broadcast %xor3A_2161 : i32 to vector<16xi32>
    %xor3A_2163 = arith.xori %iota3A, %xor3A_2162 : vector<16xi32>
    %broadcast_in_dim3A_2164 = vector.shape_cast %xor3A_2163 : vector<16xi32> to vector<16x1xi32>
    %gather3A_2165 = vector.shape_cast %broadcast_in_dim3A_2164 : vector<16x1xi32> to vector<16xi32>
    %gather3A_2166 = tpu.dynamic_gather %max3A_2160[%gather3A_2165] in [0] : vector<16xf32>, vector<16xi32> -> vector<16xf32>
    %max3A_2167 = arith.maximumf %max3A_2160, %gather3A_2166 : vector<16xf32>
    %sub3A_2168 = arith.subf %get3A_2127, %max3A_2167 : vector<16xf32>
    %exp3A_2169 = math.exp %sub3A_2168 : vector<16xf32>
    %sub3A_2170 = arith.subf %get3A_2130, %max3A_2167 : vector<16xf32>
    %exp3A_2171 = math.exp %sub3A_2170 : vector<16xf32>
    %sub3A_2172 = arith.subf %get3A_2133, %max3A_2167 : vector<16xf32>
    %exp3A_2173 = math.exp %sub3A_2172 : vector<16xf32>
    %sub3A_2174 = arith.subf %get3A_2136, %max3A_2167 : vector<16xf32>
    %exp3A_2175 = math.exp %sub3A_2174 : vector<16xf32>
    %add3A_2176 = arith.addf %exp3A_2169, %exp3A_2171 : vector<16xf32>
    %add3A_2177 = arith.addf %add3A_2176, %exp3A_2173 : vector<16xf32>
    %add3A_2178 = arith.addf %add3A_2177, %exp3A_2175 : vector<16xf32>
    %xor3A_2179 = arith.constant 8 : i32
    %xor3A_2180 = vector.broadcast %xor3A_2179 : i32 to vector<16xi32>
    %xor3A_2181 = arith.xori %iota3A, %xor3A_2180 : vector<16xi32>
    %broadcast_in_dim3A_2182 = vector.shape_cast %xor3A_2181 : vector<16xi32> to vector<16x1xi32>
    %gather3A_2183 = vector.shape_cast %broadcast_in_dim3A_2182 : vector<16x1xi32> to vector<16xi32>
    %gather3A_2184 = tpu.dynamic_gather %add3A_2178[%gather3A_2183] in [0] : vector<16xf32>, vector<16xi32> -> vector<16xf32>
    %add3A_2185 = arith.addf %add3A_2178, %gather3A_2184 : vector<16xf32>
    %xor3A_2186 = arith.constant 4 : i32
    %xor3A_2187 = vector.broadcast %xor3A_2186 : i32 to vector<16xi32>
    %xor3A_2188 = arith.xori %iota3A, %xor3A_2187 : vector<16xi32>
    %broadcast_in_dim3A_2189 = vector.shape_cast %xor3A_2188 : vector<16xi32> to vector<16x1xi32>
    %gather3A_2190 = vector.shape_cast %broadcast_in_dim3A_2189 : vector<16x1xi32> to vector<16xi32>
    %gather3A_2191 = tpu.dynamic_gather %add3A_2185[%gather3A_2190] in [0] : vector<16xf32>, vector<16xi32> -> vector<16xf32>
    %add3A_2192 = arith.addf %add3A_2185, %gather3A_2191 : vector<16xf32>
    %xor3A_2193 = arith.constant 2 : i32
    %xor3A_2194 = vector.broadcast %xor3A_2193 : i32 to vector<16xi32>
    %xor3A_2195 = arith.xori %iota3A, %xor3A_2194 : vector<16xi32>
    %broadcast_in_dim3A_2196 = vector.shape_cast %xor3A_2195 : vector<16xi32> to vector<16x1xi32>
    %gather3A_2197 = vector.shape_cast %broadcast_in_dim3A_2196 : vector<16x1xi32> to vector<16xi32>
    %gather3A_2198 = tpu.dynamic_gather %add3A_2192[%gather3A_2197] in [0] : vector<16xf32>, vector<16xi32> -> vector<16xf32>
    %add3A_2199 = arith.addf %add3A_2192, %gather3A_2198 : vector<16xf32>
    %xor3A_2200 = arith.constant 1 : i32
    %xor3A_2201 = vector.broadcast %xor3A_2200 : i32 to vector<16xi32>
    %xor3A_2202 = arith.xori %iota3A, %xor3A_2201 : vector<16xi32>
    %broadcast_in_dim3A_2203 = vector.shape_cast %xor3A_2202 : vector<16xi32> to vector<16x1xi32>
    %gather3A_2204 = vector.shape_cast %broadcast_in_dim3A_2203 : vector<16x1xi32> to vector<16xi32>
    %gather3A_2205 = tpu.dynamic_gather %add3A_2199[%gather3A_2204] in [0] : vector<16xf32>, vector<16xi32> -> vector<16xf32>
    %add3A_2206 = arith.addf %add3A_2199, %gather3A_2205 : vector<16xf32>
    %div3A_2207 = arith.constant 1.000000e+00 : f32
    %div3A_2208 = vector.broadcast %div3A_2207 : f32 to vector<16xf32>
    %div3A_2209 = arith.divf %div3A_2208, %add3A_2206 : vector<16xf32>
    %mul3A_2210 = arith.mulf %exp3A_2169, %div3A_2209 : vector<16xf32>
    %mul3A_2211 = arith.mulf %exp3A_2171, %div3A_2209 : vector<16xf32>
    %mul3A_2212 = arith.mulf %exp3A_2173, %div3A_2209 : vector<16xf32>
    %mul3A_2213 = arith.mulf %exp3A_2175, %div3A_2209 : vector<16xf32>
    %broadcast_in_dim3A_2214 = arith.constant 0.000000e+00 : f32
    %broadcast_in_dim3A_2215 = vector.broadcast %broadcast_in_dim3A_2214 : f32 to vector<16xf32>
    %broadcast_in_dim3A_2216 = arith.constant 0 : i32
    %broadcast_in_dim3A_2217 = vector.broadcast %broadcast_in_dim3A_2216 : i32 to vector<16xi32>
    %broadcast_in_dim3A_2218 = arith.constant 0.000000e+00 : f32
    %broadcast_in_dim3A_2219 = vector.broadcast %broadcast_in_dim3A_2218 : f32 to vector<16xf32>
    %max3A_2220 = arith.maximumf %mul3A_2210, %mul3A_2211 : vector<16xf32>
    %max3A_2221 = arith.maximumf %mul3A_2212, %mul3A_2213 : vector<16xf32>
    %max3A_2222 = arith.maximumf %max3A_2220, %max3A_2221 : vector<16xf32>
    %xor3A_2223 = arith.constant 8 : i32
    %xor3A_2224 = vector.broadcast %xor3A_2223 : i32 to vector<16xi32>
    %xor3A_2225 = arith.xori %iota3A, %xor3A_2224 : vector<16xi32>
    %broadcast_in_dim3A_2226 = vector.shape_cast %xor3A_2225 : vector<16xi32> to vector<16x1xi32>
    %gather3A_2227 = vector.shape_cast %broadcast_in_dim3A_2226 : vector<16x1xi32> to vector<16xi32>
    %gather3A_2228 = tpu.dynamic_gather %max3A_2222[%gather3A_2227] in [0] : vector<16xf32>, vector<16xi32> -> vector<16xf32>
    %max3A_2229 = arith.maximumf %max3A_2222, %gather3A_2228 : vector<16xf32>
    %xor3A_2230 = arith.constant 4 : i32
    %xor3A_2231 = vector.broadcast %xor3A_2230 : i32 to vector<16xi32>
    %xor3A_2232 = arith.xori %iota3A, %xor3A_2231 : vector<16xi32>
    %broadcast_in_dim3A_2233 = vector.shape_cast %xor3A_2232 : vector<16xi32> to vector<16x1xi32>
    %gather3A_2234 = vector.shape_cast %broadcast_in_dim3A_2233 : vector<16x1xi32> to vector<16xi32>
    %gather3A_2235 = tpu.dynamic_gather %max3A_2229[%gather3A_2234] in [0] : vector<16xf32>, vector<16xi32> -> vector<16xf32>
    %max3A_2236 = arith.maximumf %max3A_2229, %gather3A_2235 : vector<16xf32>
    %xor3A_2237 = arith.constant 2 : i32
    %xor3A_2238 = vector.broadcast %xor3A_2237 : i32 to vector<16xi32>
    %xor3A_2239 = arith.xori %iota3A, %xor3A_2238 : vector<16xi32>
    %broadcast_in_dim3A_2240 = vector.shape_cast %xor3A_2239 : vector<16xi32> to vector<16x1xi32>
    %gather3A_2241 = vector.shape_cast %broadcast_in_dim3A_2240 : vector<16x1xi32> to vector<16xi32>
    %gather3A_2242 = tpu.dynamic_gather %max3A_2236[%gather3A_2241] in [0] : vector<16xf32>, vector<16xi32> -> vector<16xf32>
    %max3A_2243 = arith.maximumf %max3A_2236, %gather3A_2242 : vector<16xf32>
    %xor3A_2244 = arith.constant 1 : i32
    %xor3A_2245 = vector.broadcast %xor3A_2244 : i32 to vector<16xi32>
    %xor3A_2246 = arith.xori %iota3A, %xor3A_2245 : vector<16xi32>
    %broadcast_in_dim3A_2247 = vector.shape_cast %xor3A_2246 : vector<16xi32> to vector<16x1xi32>
    %gather3A_2248 = vector.shape_cast %broadcast_in_dim3A_2247 : vector<16x1xi32> to vector<16xi32>
    %gather3A_2249 = tpu.dynamic_gather %max3A_2243[%gather3A_2248] in [0] : vector<16xf32>, vector<16xi32> -> vector<16xf32>
    %max3A_2250 = arith.maximumf %max3A_2243, %gather3A_2249 : vector<16xf32>
    %eq3A_2251 = arith.cmpf oeq, %mul3A_2210, %max3A_2250 : vector<16xf32>
    %add3A_2252 = arith.constant 0 : i32
    %add3A_2253 = vector.broadcast %add3A_2252 : i32 to vector<16xi32>
    %add3A_2254 = arith.addi %iota3A, %add3A_2253 : vector<16xi32>
    %select_n3A_2255 = arith.select %eq3A_2251, %add3A_2254, %broadcast_in_dim3A_13 : vector<16xi1>, vector<16xi32>
    %min3A_2256 = arith.minsi %broadcast_in_dim3A_13, %select_n3A_2255 : vector<16xi32>
    %eq3A_2257 = arith.cmpf oeq, %mul3A_2211, %max3A_2250 : vector<16xf32>
    %add3A_2258 = arith.constant 16 : i32
    %add3A_2259 = vector.broadcast %add3A_2258 : i32 to vector<16xi32>
    %add3A_2260 = arith.addi %iota3A, %add3A_2259 : vector<16xi32>
    %select_n3A_2261 = arith.select %eq3A_2257, %add3A_2260, %broadcast_in_dim3A_13 : vector<16xi1>, vector<16xi32>
    %min3A_2262 = arith.minsi %min3A_2256, %select_n3A_2261 : vector<16xi32>
    %eq3A_2263 = arith.cmpf oeq, %mul3A_2212, %max3A_2250 : vector<16xf32>
    %add3A_2264 = arith.constant 32 : i32
    %add3A_2265 = vector.broadcast %add3A_2264 : i32 to vector<16xi32>
    %add3A_2266 = arith.addi %iota3A, %add3A_2265 : vector<16xi32>
    %select_n3A_2267 = arith.select %eq3A_2263, %add3A_2266, %broadcast_in_dim3A_13 : vector<16xi1>, vector<16xi32>
    %min3A_2268 = arith.minsi %min3A_2262, %select_n3A_2267 : vector<16xi32>
    %eq3A_2269 = arith.cmpf oeq, %mul3A_2213, %max3A_2250 : vector<16xf32>
    %add3A_2270 = arith.constant 48 : i32
    %add3A_2271 = vector.broadcast %add3A_2270 : i32 to vector<16xi32>
    %add3A_2272 = arith.addi %iota3A, %add3A_2271 : vector<16xi32>
    %select_n3A_2273 = arith.select %eq3A_2269, %add3A_2272, %broadcast_in_dim3A_13 : vector<16xi1>, vector<16xi32>
    %min3A_2274 = arith.minsi %min3A_2268, %select_n3A_2273 : vector<16xi32>
    %xor3A_2275 = arith.constant 8 : i32
    %xor3A_2276 = vector.broadcast %xor3A_2275 : i32 to vector<16xi32>
    %xor3A_2277 = arith.xori %iota3A, %xor3A_2276 : vector<16xi32>
    %broadcast_in_dim3A_2278 = vector.shape_cast %xor3A_2277 : vector<16xi32> to vector<16x1xi32>
    %gather3A_2279 = vector.shape_cast %broadcast_in_dim3A_2278 : vector<16x1xi32> to vector<16xi32>
    %gather3A_2280 = tpu.dynamic_gather %min3A_2274[%gather3A_2279] in [0] : vector<16xi32>, vector<16xi32> -> vector<16xi32>
    %min3A_2281 = arith.minsi %min3A_2274, %gather3A_2280 : vector<16xi32>
    %xor3A_2282 = arith.constant 4 : i32
    %xor3A_2283 = vector.broadcast %xor3A_2282 : i32 to vector<16xi32>
    %xor3A_2284 = arith.xori %iota3A, %xor3A_2283 : vector<16xi32>
    %broadcast_in_dim3A_2285 = vector.shape_cast %xor3A_2284 : vector<16xi32> to vector<16x1xi32>
    %gather3A_2286 = vector.shape_cast %broadcast_in_dim3A_2285 : vector<16x1xi32> to vector<16xi32>
    %gather3A_2287 = tpu.dynamic_gather %min3A_2281[%gather3A_2286] in [0] : vector<16xi32>, vector<16xi32> -> vector<16xi32>
    %min3A_2288 = arith.minsi %min3A_2281, %gather3A_2287 : vector<16xi32>
    %xor3A_2289 = arith.constant 2 : i32
    %xor3A_2290 = vector.broadcast %xor3A_2289 : i32 to vector<16xi32>
    %xor3A_2291 = arith.xori %iota3A, %xor3A_2290 : vector<16xi32>
    %broadcast_in_dim3A_2292 = vector.shape_cast %xor3A_2291 : vector<16xi32> to vector<16x1xi32>
    %gather3A_2293 = vector.shape_cast %broadcast_in_dim3A_2292 : vector<16x1xi32> to vector<16xi32>
    %gather3A_2294 = tpu.dynamic_gather %min3A_2288[%gather3A_2293] in [0] : vector<16xi32>, vector<16xi32> -> vector<16xi32>
    %min3A_2295 = arith.minsi %min3A_2288, %gather3A_2294 : vector<16xi32>
    %xor3A_2296 = arith.constant 1 : i32
    %xor3A_2297 = vector.broadcast %xor3A_2296 : i32 to vector<16xi32>
    %xor3A_2298 = arith.xori %iota3A, %xor3A_2297 : vector<16xi32>
    %broadcast_in_dim3A_2299 = vector.shape_cast %xor3A_2298 : vector<16xi32> to vector<16x1xi32>
    %gather3A_2300 = vector.shape_cast %broadcast_in_dim3A_2299 : vector<16x1xi32> to vector<16xi32>
    %gather3A_2301 = tpu.dynamic_gather %min3A_2295[%gather3A_2300] in [0] : vector<16xi32>, vector<16xi32> -> vector<16xi32>
    %min3A_2302 = arith.minsi %min3A_2295, %gather3A_2301 : vector<16xi32>
    %eq3A_2303 = arith.constant 0 : i32
    %eq3A_2304 = vector.broadcast %eq3A_2303 : i32 to vector<16xi32>
    %eq3A_2305 = arith.cmpi eq, %iota3A, %eq3A_2304 : vector<16xi32>
    %select_n3A_2306 = arith.select %eq3A_2305, %max3A_2250, %broadcast_in_dim3A_2215 : vector<16xi1>, vector<16xf32>
    %eq3A_2307 = arith.constant 0 : i32
    %eq3A_2308 = vector.broadcast %eq3A_2307 : i32 to vector<16xi32>
    %eq3A_2309 = arith.cmpi eq, %iota3A, %eq3A_2308 : vector<16xi32>
    %select_n3A_2310 = arith.select %eq3A_2309, %min3A_2302, %broadcast_in_dim3A_2217 : vector<16xi1>, vector<16xi32>
    %add3A_2311 = arith.addf %broadcast_in_dim3A_2219, %max3A_2250 : vector<16xf32>
    %add3A_2312 = arith.constant 0 : i32
    %add3A_2313 = vector.broadcast %add3A_2312 : i32 to vector<16xi32>
    %add3A_2314 = arith.addi %iota3A, %add3A_2313 : vector<16xi32>
    %eq3A_2315 = arith.cmpi eq, %add3A_2314, %min3A_2302 : vector<16xi32>
    %jit3A_2316 = arith.constant -1.000000e+00 : f32
    %broadcast_in_dim3A_2317 = vector.broadcast %jit3A_2316 : f32 to vector<16xf32>
    %select_n3A_2318 = arith.select %eq3A_2315, %broadcast_in_dim3A_2317, %mul3A_2210 : vector<16xi1>, vector<16xf32>
    %add3A_2319 = arith.constant 16 : i32
    %add3A_2320 = vector.broadcast %add3A_2319 : i32 to vector<16xi32>
    %add3A_2321 = arith.addi %iota3A, %add3A_2320 : vector<16xi32>
    %eq3A_2322 = arith.cmpi eq, %add3A_2321, %min3A_2302 : vector<16xi32>
    %jit3A_2323 = arith.constant -1.000000e+00 : f32
    %broadcast_in_dim3A_2324 = vector.broadcast %jit3A_2323 : f32 to vector<16xf32>
    %select_n3A_2325 = arith.select %eq3A_2322, %broadcast_in_dim3A_2324, %mul3A_2211 : vector<16xi1>, vector<16xf32>
    %add3A_2326 = arith.constant 32 : i32
    %add3A_2327 = vector.broadcast %add3A_2326 : i32 to vector<16xi32>
    %add3A_2328 = arith.addi %iota3A, %add3A_2327 : vector<16xi32>
    %eq3A_2329 = arith.cmpi eq, %add3A_2328, %min3A_2302 : vector<16xi32>
    %jit3A_2330 = arith.constant -1.000000e+00 : f32
    %broadcast_in_dim3A_2331 = vector.broadcast %jit3A_2330 : f32 to vector<16xf32>
    %select_n3A_2332 = arith.select %eq3A_2329, %broadcast_in_dim3A_2331, %mul3A_2212 : vector<16xi1>, vector<16xf32>
    %add3A_2333 = arith.constant 48 : i32
    %add3A_2334 = vector.broadcast %add3A_2333 : i32 to vector<16xi32>
    %add3A_2335 = arith.addi %iota3A, %add3A_2334 : vector<16xi32>
    %eq3A_2336 = arith.cmpi eq, %add3A_2335, %min3A_2302 : vector<16xi32>
    %jit3A_2337 = arith.constant -1.000000e+00 : f32
    %broadcast_in_dim3A_2338 = vector.broadcast %jit3A_2337 : f32 to vector<16xf32>
    %select_n3A_2339 = arith.select %eq3A_2336, %broadcast_in_dim3A_2338, %mul3A_2213 : vector<16xi1>, vector<16xf32>
    %max3A_2340 = arith.maximumf %select_n3A_2318, %select_n3A_2325 : vector<16xf32>
    %max3A_2341 = arith.maximumf %select_n3A_2332, %select_n3A_2339 : vector<16xf32>
    %max3A_2342 = arith.maximumf %max3A_2340, %max3A_2341 : vector<16xf32>
    %xor3A_2343 = arith.constant 8 : i32
    %xor3A_2344 = vector.broadcast %xor3A_2343 : i32 to vector<16xi32>
    %xor3A_2345 = arith.xori %iota3A, %xor3A_2344 : vector<16xi32>
    %broadcast_in_dim3A_2346 = vector.shape_cast %xor3A_2345 : vector<16xi32> to vector<16x1xi32>
    %gather3A_2347 = vector.shape_cast %broadcast_in_dim3A_2346 : vector<16x1xi32> to vector<16xi32>
    %gather3A_2348 = tpu.dynamic_gather %max3A_2342[%gather3A_2347] in [0] : vector<16xf32>, vector<16xi32> -> vector<16xf32>
    %max3A_2349 = arith.maximumf %max3A_2342, %gather3A_2348 : vector<16xf32>
    %xor3A_2350 = arith.constant 4 : i32
    %xor3A_2351 = vector.broadcast %xor3A_2350 : i32 to vector<16xi32>
    %xor3A_2352 = arith.xori %iota3A, %xor3A_2351 : vector<16xi32>
    %broadcast_in_dim3A_2353 = vector.shape_cast %xor3A_2352 : vector<16xi32> to vector<16x1xi32>
    %gather3A_2354 = vector.shape_cast %broadcast_in_dim3A_2353 : vector<16x1xi32> to vector<16xi32>
    %gather3A_2355 = tpu.dynamic_gather %max3A_2349[%gather3A_2354] in [0] : vector<16xf32>, vector<16xi32> -> vector<16xf32>
    %max3A_2356 = arith.maximumf %max3A_2349, %gather3A_2355 : vector<16xf32>
    %xor3A_2357 = arith.constant 2 : i32
    %xor3A_2358 = vector.broadcast %xor3A_2357 : i32 to vector<16xi32>
    %xor3A_2359 = arith.xori %iota3A, %xor3A_2358 : vector<16xi32>
    %broadcast_in_dim3A_2360 = vector.shape_cast %xor3A_2359 : vector<16xi32> to vector<16x1xi32>
    %gather3A_2361 = vector.shape_cast %broadcast_in_dim3A_2360 : vector<16x1xi32> to vector<16xi32>
    %gather3A_2362 = tpu.dynamic_gather %max3A_2356[%gather3A_2361] in [0] : vector<16xf32>, vector<16xi32> -> vector<16xf32>
    %max3A_2363 = arith.maximumf %max3A_2356, %gather3A_2362 : vector<16xf32>
    %xor3A_2364 = arith.constant 1 : i32
    %xor3A_2365 = vector.broadcast %xor3A_2364 : i32 to vector<16xi32>
    %xor3A_2366 = arith.xori %iota3A, %xor3A_2365 : vector<16xi32>
    %broadcast_in_dim3A_2367 = vector.shape_cast %xor3A_2366 : vector<16xi32> to vector<16x1xi32>
    %gather3A_2368 = vector.shape_cast %broadcast_in_dim3A_2367 : vector<16x1xi32> to vector<16xi32>
    %gather3A_2369 = tpu.dynamic_gather %max3A_2363[%gather3A_2368] in [0] : vector<16xf32>, vector<16xi32> -> vector<16xf32>
    %max3A_2370 = arith.maximumf %max3A_2363, %gather3A_2369 : vector<16xf32>
    %eq3A_2371 = arith.cmpf oeq, %select_n3A_2318, %max3A_2370 : vector<16xf32>
    %add3A_2372 = arith.constant 0 : i32
    %add3A_2373 = vector.broadcast %add3A_2372 : i32 to vector<16xi32>
    %add3A_2374 = arith.addi %iota3A, %add3A_2373 : vector<16xi32>
    %select_n3A_2375 = arith.select %eq3A_2371, %add3A_2374, %broadcast_in_dim3A_13 : vector<16xi1>, vector<16xi32>
    %min3A_2376 = arith.minsi %broadcast_in_dim3A_13, %select_n3A_2375 : vector<16xi32>
    %eq3A_2377 = arith.cmpf oeq, %select_n3A_2325, %max3A_2370 : vector<16xf32>
    %add3A_2378 = arith.constant 16 : i32
    %add3A_2379 = vector.broadcast %add3A_2378 : i32 to vector<16xi32>
    %add3A_2380 = arith.addi %iota3A, %add3A_2379 : vector<16xi32>
    %select_n3A_2381 = arith.select %eq3A_2377, %add3A_2380, %broadcast_in_dim3A_13 : vector<16xi1>, vector<16xi32>
    %min3A_2382 = arith.minsi %min3A_2376, %select_n3A_2381 : vector<16xi32>
    %eq3A_2383 = arith.cmpf oeq, %select_n3A_2332, %max3A_2370 : vector<16xf32>
    %add3A_2384 = arith.constant 32 : i32
    %add3A_2385 = vector.broadcast %add3A_2384 : i32 to vector<16xi32>
    %add3A_2386 = arith.addi %iota3A, %add3A_2385 : vector<16xi32>
    %select_n3A_2387 = arith.select %eq3A_2383, %add3A_2386, %broadcast_in_dim3A_13 : vector<16xi1>, vector<16xi32>
    %min3A_2388 = arith.minsi %min3A_2382, %select_n3A_2387 : vector<16xi32>
    %eq3A_2389 = arith.cmpf oeq, %select_n3A_2339, %max3A_2370 : vector<16xf32>
    %add3A_2390 = arith.constant 48 : i32
    %add3A_2391 = vector.broadcast %add3A_2390 : i32 to vector<16xi32>
    %add3A_2392 = arith.addi %iota3A, %add3A_2391 : vector<16xi32>
    %select_n3A_2393 = arith.select %eq3A_2389, %add3A_2392, %broadcast_in_dim3A_13 : vector<16xi1>, vector<16xi32>
    %min3A_2394 = arith.minsi %min3A_2388, %select_n3A_2393 : vector<16xi32>
    %xor3A_2395 = arith.constant 8 : i32
    %xor3A_2396 = vector.broadcast %xor3A_2395 : i32 to vector<16xi32>
    %xor3A_2397 = arith.xori %iota3A, %xor3A_2396 : vector<16xi32>
    %broadcast_in_dim3A_2398 = vector.shape_cast %xor3A_2397 : vector<16xi32> to vector<16x1xi32>
    %gather3A_2399 = vector.shape_cast %broadcast_in_dim3A_2398 : vector<16x1xi32> to vector<16xi32>
    %gather3A_2400 = tpu.dynamic_gather %min3A_2394[%gather3A_2399] in [0] : vector<16xi32>, vector<16xi32> -> vector<16xi32>
    %min3A_2401 = arith.minsi %min3A_2394, %gather3A_2400 : vector<16xi32>
    %xor3A_2402 = arith.constant 4 : i32
    %xor3A_2403 = vector.broadcast %xor3A_2402 : i32 to vector<16xi32>
    %xor3A_2404 = arith.xori %iota3A, %xor3A_2403 : vector<16xi32>
    %broadcast_in_dim3A_2405 = vector.shape_cast %xor3A_2404 : vector<16xi32> to vector<16x1xi32>
    %gather3A_2406 = vector.shape_cast %broadcast_in_dim3A_2405 : vector<16x1xi32> to vector<16xi32>
    %gather3A_2407 = tpu.dynamic_gather %min3A_2401[%gather3A_2406] in [0] : vector<16xi32>, vector<16xi32> -> vector<16xi32>
    %min3A_2408 = arith.minsi %min3A_2401, %gather3A_2407 : vector<16xi32>
    %xor3A_2409 = arith.constant 2 : i32
    %xor3A_2410 = vector.broadcast %xor3A_2409 : i32 to vector<16xi32>
    %xor3A_2411 = arith.xori %iota3A, %xor3A_2410 : vector<16xi32>
    %broadcast_in_dim3A_2412 = vector.shape_cast %xor3A_2411 : vector<16xi32> to vector<16x1xi32>
    %gather3A_2413 = vector.shape_cast %broadcast_in_dim3A_2412 : vector<16x1xi32> to vector<16xi32>
    %gather3A_2414 = tpu.dynamic_gather %min3A_2408[%gather3A_2413] in [0] : vector<16xi32>, vector<16xi32> -> vector<16xi32>
    %min3A_2415 = arith.minsi %min3A_2408, %gather3A_2414 : vector<16xi32>
    %xor3A_2416 = arith.constant 1 : i32
    %xor3A_2417 = vector.broadcast %xor3A_2416 : i32 to vector<16xi32>
    %xor3A_2418 = arith.xori %iota3A, %xor3A_2417 : vector<16xi32>
    %broadcast_in_dim3A_2419 = vector.shape_cast %xor3A_2418 : vector<16xi32> to vector<16x1xi32>
    %gather3A_2420 = vector.shape_cast %broadcast_in_dim3A_2419 : vector<16x1xi32> to vector<16xi32>
    %gather3A_2421 = tpu.dynamic_gather %min3A_2415[%gather3A_2420] in [0] : vector<16xi32>, vector<16xi32> -> vector<16xi32>
    %min3A_2422 = arith.minsi %min3A_2415, %gather3A_2421 : vector<16xi32>
    %eq3A_2423 = arith.constant 1 : i32
    %eq3A_2424 = vector.broadcast %eq3A_2423 : i32 to vector<16xi32>
    %eq3A_2425 = arith.cmpi eq, %iota3A, %eq3A_2424 : vector<16xi32>
    %select_n3A_2426 = arith.select %eq3A_2425, %max3A_2370, %select_n3A_2306 : vector<16xi1>, vector<16xf32>
    %eq3A_2427 = arith.constant 1 : i32
    %eq3A_2428 = vector.broadcast %eq3A_2427 : i32 to vector<16xi32>
    %eq3A_2429 = arith.cmpi eq, %iota3A, %eq3A_2428 : vector<16xi32>
    %select_n3A_2430 = arith.select %eq3A_2429, %min3A_2422, %select_n3A_2310 : vector<16xi1>, vector<16xi32>
    %add3A_2431 = arith.addf %add3A_2311, %max3A_2370 : vector<16xf32>
    %add3A_2432 = arith.constant 0 : i32
    %add3A_2433 = vector.broadcast %add3A_2432 : i32 to vector<16xi32>
    %add3A_2434 = arith.addi %iota3A, %add3A_2433 : vector<16xi32>
    %eq3A_2435 = arith.cmpi eq, %add3A_2434, %min3A_2422 : vector<16xi32>
    %jit3A_2436 = arith.constant -1.000000e+00 : f32
    %broadcast_in_dim3A_2437 = vector.broadcast %jit3A_2436 : f32 to vector<16xf32>
    %select_n3A_2438 = arith.select %eq3A_2435, %broadcast_in_dim3A_2437, %select_n3A_2318 : vector<16xi1>, vector<16xf32>
    %add3A_2439 = arith.constant 16 : i32
    %add3A_2440 = vector.broadcast %add3A_2439 : i32 to vector<16xi32>
    %add3A_2441 = arith.addi %iota3A, %add3A_2440 : vector<16xi32>
    %eq3A_2442 = arith.cmpi eq, %add3A_2441, %min3A_2422 : vector<16xi32>
    %jit3A_2443 = arith.constant -1.000000e+00 : f32
    %broadcast_in_dim3A_2444 = vector.broadcast %jit3A_2443 : f32 to vector<16xf32>
    %select_n3A_2445 = arith.select %eq3A_2442, %broadcast_in_dim3A_2444, %select_n3A_2325 : vector<16xi1>, vector<16xf32>
    %add3A_2446 = arith.constant 32 : i32
    %add3A_2447 = vector.broadcast %add3A_2446 : i32 to vector<16xi32>
    %add3A_2448 = arith.addi %iota3A, %add3A_2447 : vector<16xi32>
    %eq3A_2449 = arith.cmpi eq, %add3A_2448, %min3A_2422 : vector<16xi32>
    %jit3A_2450 = arith.constant -1.000000e+00 : f32
    %broadcast_in_dim3A_2451 = vector.broadcast %jit3A_2450 : f32 to vector<16xf32>
    %select_n3A_2452 = arith.select %eq3A_2449, %broadcast_in_dim3A_2451, %select_n3A_2332 : vector<16xi1>, vector<16xf32>
    %add3A_2453 = arith.constant 48 : i32
    %add3A_2454 = vector.broadcast %add3A_2453 : i32 to vector<16xi32>
    %add3A_2455 = arith.addi %iota3A, %add3A_2454 : vector<16xi32>
    %eq3A_2456 = arith.cmpi eq, %add3A_2455, %min3A_2422 : vector<16xi32>
    %jit3A_2457 = arith.constant -1.000000e+00 : f32
    %broadcast_in_dim3A_2458 = vector.broadcast %jit3A_2457 : f32 to vector<16xf32>
    %select_n3A_2459 = arith.select %eq3A_2456, %broadcast_in_dim3A_2458, %select_n3A_2339 : vector<16xi1>, vector<16xf32>
    %max3A_2460 = arith.maximumf %select_n3A_2438, %select_n3A_2445 : vector<16xf32>
    %max3A_2461 = arith.maximumf %select_n3A_2452, %select_n3A_2459 : vector<16xf32>
    %max3A_2462 = arith.maximumf %max3A_2460, %max3A_2461 : vector<16xf32>
    %xor3A_2463 = arith.constant 8 : i32
    %xor3A_2464 = vector.broadcast %xor3A_2463 : i32 to vector<16xi32>
    %xor3A_2465 = arith.xori %iota3A, %xor3A_2464 : vector<16xi32>
    %broadcast_in_dim3A_2466 = vector.shape_cast %xor3A_2465 : vector<16xi32> to vector<16x1xi32>
    %gather3A_2467 = vector.shape_cast %broadcast_in_dim3A_2466 : vector<16x1xi32> to vector<16xi32>
    %gather3A_2468 = tpu.dynamic_gather %max3A_2462[%gather3A_2467] in [0] : vector<16xf32>, vector<16xi32> -> vector<16xf32>
    %max3A_2469 = arith.maximumf %max3A_2462, %gather3A_2468 : vector<16xf32>
    %xor3A_2470 = arith.constant 4 : i32
    %xor3A_2471 = vector.broadcast %xor3A_2470 : i32 to vector<16xi32>
    %xor3A_2472 = arith.xori %iota3A, %xor3A_2471 : vector<16xi32>
    %broadcast_in_dim3A_2473 = vector.shape_cast %xor3A_2472 : vector<16xi32> to vector<16x1xi32>
    %gather3A_2474 = vector.shape_cast %broadcast_in_dim3A_2473 : vector<16x1xi32> to vector<16xi32>
    %gather3A_2475 = tpu.dynamic_gather %max3A_2469[%gather3A_2474] in [0] : vector<16xf32>, vector<16xi32> -> vector<16xf32>
    %max3A_2476 = arith.maximumf %max3A_2469, %gather3A_2475 : vector<16xf32>
    %xor3A_2477 = arith.constant 2 : i32
    %xor3A_2478 = vector.broadcast %xor3A_2477 : i32 to vector<16xi32>
    %xor3A_2479 = arith.xori %iota3A, %xor3A_2478 : vector<16xi32>
    %broadcast_in_dim3A_2480 = vector.shape_cast %xor3A_2479 : vector<16xi32> to vector<16x1xi32>
    %gather3A_2481 = vector.shape_cast %broadcast_in_dim3A_2480 : vector<16x1xi32> to vector<16xi32>
    %gather3A_2482 = tpu.dynamic_gather %max3A_2476[%gather3A_2481] in [0] : vector<16xf32>, vector<16xi32> -> vector<16xf32>
    %max3A_2483 = arith.maximumf %max3A_2476, %gather3A_2482 : vector<16xf32>
    %xor3A_2484 = arith.constant 1 : i32
    %xor3A_2485 = vector.broadcast %xor3A_2484 : i32 to vector<16xi32>
    %xor3A_2486 = arith.xori %iota3A, %xor3A_2485 : vector<16xi32>
    %broadcast_in_dim3A_2487 = vector.shape_cast %xor3A_2486 : vector<16xi32> to vector<16x1xi32>
    %gather3A_2488 = vector.shape_cast %broadcast_in_dim3A_2487 : vector<16x1xi32> to vector<16xi32>
    %gather3A_2489 = tpu.dynamic_gather %max3A_2483[%gather3A_2488] in [0] : vector<16xf32>, vector<16xi32> -> vector<16xf32>
    %max3A_2490 = arith.maximumf %max3A_2483, %gather3A_2489 : vector<16xf32>
    %eq3A_2491 = arith.cmpf oeq, %select_n3A_2438, %max3A_2490 : vector<16xf32>
    %add3A_2492 = arith.constant 0 : i32
    %add3A_2493 = vector.broadcast %add3A_2492 : i32 to vector<16xi32>
    %add3A_2494 = arith.addi %iota3A, %add3A_2493 : vector<16xi32>
    %select_n3A_2495 = arith.select %eq3A_2491, %add3A_2494, %broadcast_in_dim3A_13 : vector<16xi1>, vector<16xi32>
    %min3A_2496 = arith.minsi %broadcast_in_dim3A_13, %select_n3A_2495 : vector<16xi32>
    %eq3A_2497 = arith.cmpf oeq, %select_n3A_2445, %max3A_2490 : vector<16xf32>
    %add3A_2498 = arith.constant 16 : i32
    %add3A_2499 = vector.broadcast %add3A_2498 : i32 to vector<16xi32>
    %add3A_2500 = arith.addi %iota3A, %add3A_2499 : vector<16xi32>
    %select_n3A_2501 = arith.select %eq3A_2497, %add3A_2500, %broadcast_in_dim3A_13 : vector<16xi1>, vector<16xi32>
    %min3A_2502 = arith.minsi %min3A_2496, %select_n3A_2501 : vector<16xi32>
    %eq3A_2503 = arith.cmpf oeq, %select_n3A_2452, %max3A_2490 : vector<16xf32>
    %add3A_2504 = arith.constant 32 : i32
    %add3A_2505 = vector.broadcast %add3A_2504 : i32 to vector<16xi32>
    %add3A_2506 = arith.addi %iota3A, %add3A_2505 : vector<16xi32>
    %select_n3A_2507 = arith.select %eq3A_2503, %add3A_2506, %broadcast_in_dim3A_13 : vector<16xi1>, vector<16xi32>
    %min3A_2508 = arith.minsi %min3A_2502, %select_n3A_2507 : vector<16xi32>
    %eq3A_2509 = arith.cmpf oeq, %select_n3A_2459, %max3A_2490 : vector<16xf32>
    %add3A_2510 = arith.constant 48 : i32
    %add3A_2511 = vector.broadcast %add3A_2510 : i32 to vector<16xi32>
    %add3A_2512 = arith.addi %iota3A, %add3A_2511 : vector<16xi32>
    %select_n3A_2513 = arith.select %eq3A_2509, %add3A_2512, %broadcast_in_dim3A_13 : vector<16xi1>, vector<16xi32>
    %min3A_2514 = arith.minsi %min3A_2508, %select_n3A_2513 : vector<16xi32>
    %xor3A_2515 = arith.constant 8 : i32
    %xor3A_2516 = vector.broadcast %xor3A_2515 : i32 to vector<16xi32>
    %xor3A_2517 = arith.xori %iota3A, %xor3A_2516 : vector<16xi32>
    %broadcast_in_dim3A_2518 = vector.shape_cast %xor3A_2517 : vector<16xi32> to vector<16x1xi32>
    %gather3A_2519 = vector.shape_cast %broadcast_in_dim3A_2518 : vector<16x1xi32> to vector<16xi32>
    %gather3A_2520 = tpu.dynamic_gather %min3A_2514[%gather3A_2519] in [0] : vector<16xi32>, vector<16xi32> -> vector<16xi32>
    %min3A_2521 = arith.minsi %min3A_2514, %gather3A_2520 : vector<16xi32>
    %xor3A_2522 = arith.constant 4 : i32
    %xor3A_2523 = vector.broadcast %xor3A_2522 : i32 to vector<16xi32>
    %xor3A_2524 = arith.xori %iota3A, %xor3A_2523 : vector<16xi32>
    %broadcast_in_dim3A_2525 = vector.shape_cast %xor3A_2524 : vector<16xi32> to vector<16x1xi32>
    %gather3A_2526 = vector.shape_cast %broadcast_in_dim3A_2525 : vector<16x1xi32> to vector<16xi32>
    %gather3A_2527 = tpu.dynamic_gather %min3A_2521[%gather3A_2526] in [0] : vector<16xi32>, vector<16xi32> -> vector<16xi32>
    %min3A_2528 = arith.minsi %min3A_2521, %gather3A_2527 : vector<16xi32>
    %xor3A_2529 = arith.constant 2 : i32
    %xor3A_2530 = vector.broadcast %xor3A_2529 : i32 to vector<16xi32>
    %xor3A_2531 = arith.xori %iota3A, %xor3A_2530 : vector<16xi32>
    %broadcast_in_dim3A_2532 = vector.shape_cast %xor3A_2531 : vector<16xi32> to vector<16x1xi32>
    %gather3A_2533 = vector.shape_cast %broadcast_in_dim3A_2532 : vector<16x1xi32> to vector<16xi32>
    %gather3A_2534 = tpu.dynamic_gather %min3A_2528[%gather3A_2533] in [0] : vector<16xi32>, vector<16xi32> -> vector<16xi32>
    %min3A_2535 = arith.minsi %min3A_2528, %gather3A_2534 : vector<16xi32>
    %xor3A_2536 = arith.constant 1 : i32
    %xor3A_2537 = vector.broadcast %xor3A_2536 : i32 to vector<16xi32>
    %xor3A_2538 = arith.xori %iota3A, %xor3A_2537 : vector<16xi32>
    %broadcast_in_dim3A_2539 = vector.shape_cast %xor3A_2538 : vector<16xi32> to vector<16x1xi32>
    %gather3A_2540 = vector.shape_cast %broadcast_in_dim3A_2539 : vector<16x1xi32> to vector<16xi32>
    %gather3A_2541 = tpu.dynamic_gather %min3A_2535[%gather3A_2540] in [0] : vector<16xi32>, vector<16xi32> -> vector<16xi32>
    %min3A_2542 = arith.minsi %min3A_2535, %gather3A_2541 : vector<16xi32>
    %eq3A_2543 = arith.constant 2 : i32
    %eq3A_2544 = vector.broadcast %eq3A_2543 : i32 to vector<16xi32>
    %eq3A_2545 = arith.cmpi eq, %iota3A, %eq3A_2544 : vector<16xi32>
    %select_n3A_2546 = arith.select %eq3A_2545, %max3A_2490, %select_n3A_2426 : vector<16xi1>, vector<16xf32>
    %eq3A_2547 = arith.constant 2 : i32
    %eq3A_2548 = vector.broadcast %eq3A_2547 : i32 to vector<16xi32>
    %eq3A_2549 = arith.cmpi eq, %iota3A, %eq3A_2548 : vector<16xi32>
    %select_n3A_2550 = arith.select %eq3A_2549, %min3A_2542, %select_n3A_2430 : vector<16xi1>, vector<16xi32>
    %add3A_2551 = arith.addf %add3A_2431, %max3A_2490 : vector<16xf32>
    %add3A_2552 = arith.constant 0 : i32
    %add3A_2553 = vector.broadcast %add3A_2552 : i32 to vector<16xi32>
    %add3A_2554 = arith.addi %iota3A, %add3A_2553 : vector<16xi32>
    %eq3A_2555 = arith.cmpi eq, %add3A_2554, %min3A_2542 : vector<16xi32>
    %jit3A_2556 = arith.constant -1.000000e+00 : f32
    %broadcast_in_dim3A_2557 = vector.broadcast %jit3A_2556 : f32 to vector<16xf32>
    %select_n3A_2558 = arith.select %eq3A_2555, %broadcast_in_dim3A_2557, %select_n3A_2438 : vector<16xi1>, vector<16xf32>
    %add3A_2559 = arith.constant 16 : i32
    %add3A_2560 = vector.broadcast %add3A_2559 : i32 to vector<16xi32>
    %add3A_2561 = arith.addi %iota3A, %add3A_2560 : vector<16xi32>
    %eq3A_2562 = arith.cmpi eq, %add3A_2561, %min3A_2542 : vector<16xi32>
    %jit3A_2563 = arith.constant -1.000000e+00 : f32
    %broadcast_in_dim3A_2564 = vector.broadcast %jit3A_2563 : f32 to vector<16xf32>
    %select_n3A_2565 = arith.select %eq3A_2562, %broadcast_in_dim3A_2564, %select_n3A_2445 : vector<16xi1>, vector<16xf32>
    %add3A_2566 = arith.constant 32 : i32
    %add3A_2567 = vector.broadcast %add3A_2566 : i32 to vector<16xi32>
    %add3A_2568 = arith.addi %iota3A, %add3A_2567 : vector<16xi32>
    %eq3A_2569 = arith.cmpi eq, %add3A_2568, %min3A_2542 : vector<16xi32>
    %jit3A_2570 = arith.constant -1.000000e+00 : f32
    %broadcast_in_dim3A_2571 = vector.broadcast %jit3A_2570 : f32 to vector<16xf32>
    %select_n3A_2572 = arith.select %eq3A_2569, %broadcast_in_dim3A_2571, %select_n3A_2452 : vector<16xi1>, vector<16xf32>
    %add3A_2573 = arith.constant 48 : i32
    %add3A_2574 = vector.broadcast %add3A_2573 : i32 to vector<16xi32>
    %add3A_2575 = arith.addi %iota3A, %add3A_2574 : vector<16xi32>
    %eq3A_2576 = arith.cmpi eq, %add3A_2575, %min3A_2542 : vector<16xi32>
    %jit3A_2577 = arith.constant -1.000000e+00 : f32
    %broadcast_in_dim3A_2578 = vector.broadcast %jit3A_2577 : f32 to vector<16xf32>
    %select_n3A_2579 = arith.select %eq3A_2576, %broadcast_in_dim3A_2578, %select_n3A_2459 : vector<16xi1>, vector<16xf32>
    %max3A_2580 = arith.maximumf %select_n3A_2558, %select_n3A_2565 : vector<16xf32>
    %max3A_2581 = arith.maximumf %select_n3A_2572, %select_n3A_2579 : vector<16xf32>
    %max3A_2582 = arith.maximumf %max3A_2580, %max3A_2581 : vector<16xf32>
    %xor3A_2583 = arith.constant 8 : i32
    %xor3A_2584 = vector.broadcast %xor3A_2583 : i32 to vector<16xi32>
    %xor3A_2585 = arith.xori %iota3A, %xor3A_2584 : vector<16xi32>
    %broadcast_in_dim3A_2586 = vector.shape_cast %xor3A_2585 : vector<16xi32> to vector<16x1xi32>
    %gather3A_2587 = vector.shape_cast %broadcast_in_dim3A_2586 : vector<16x1xi32> to vector<16xi32>
    %gather3A_2588 = tpu.dynamic_gather %max3A_2582[%gather3A_2587] in [0] : vector<16xf32>, vector<16xi32> -> vector<16xf32>
    %max3A_2589 = arith.maximumf %max3A_2582, %gather3A_2588 : vector<16xf32>
    %xor3A_2590 = arith.constant 4 : i32
    %xor3A_2591 = vector.broadcast %xor3A_2590 : i32 to vector<16xi32>
    %xor3A_2592 = arith.xori %iota3A, %xor3A_2591 : vector<16xi32>
    %broadcast_in_dim3A_2593 = vector.shape_cast %xor3A_2592 : vector<16xi32> to vector<16x1xi32>
    %gather3A_2594 = vector.shape_cast %broadcast_in_dim3A_2593 : vector<16x1xi32> to vector<16xi32>
    %gather3A_2595 = tpu.dynamic_gather %max3A_2589[%gather3A_2594] in [0] : vector<16xf32>, vector<16xi32> -> vector<16xf32>
    %max3A_2596 = arith.maximumf %max3A_2589, %gather3A_2595 : vector<16xf32>
    %xor3A_2597 = arith.constant 2 : i32
    %xor3A_2598 = vector.broadcast %xor3A_2597 : i32 to vector<16xi32>
    %xor3A_2599 = arith.xori %iota3A, %xor3A_2598 : vector<16xi32>
    %broadcast_in_dim3A_2600 = vector.shape_cast %xor3A_2599 : vector<16xi32> to vector<16x1xi32>
    %gather3A_2601 = vector.shape_cast %broadcast_in_dim3A_2600 : vector<16x1xi32> to vector<16xi32>
    %gather3A_2602 = tpu.dynamic_gather %max3A_2596[%gather3A_2601] in [0] : vector<16xf32>, vector<16xi32> -> vector<16xf32>
    %max3A_2603 = arith.maximumf %max3A_2596, %gather3A_2602 : vector<16xf32>
    %xor3A_2604 = arith.constant 1 : i32
    %xor3A_2605 = vector.broadcast %xor3A_2604 : i32 to vector<16xi32>
    %xor3A_2606 = arith.xori %iota3A, %xor3A_2605 : vector<16xi32>
    %broadcast_in_dim3A_2607 = vector.shape_cast %xor3A_2606 : vector<16xi32> to vector<16x1xi32>
    %gather3A_2608 = vector.shape_cast %broadcast_in_dim3A_2607 : vector<16x1xi32> to vector<16xi32>
    %gather3A_2609 = tpu.dynamic_gather %max3A_2603[%gather3A_2608] in [0] : vector<16xf32>, vector<16xi32> -> vector<16xf32>
    %max3A_2610 = arith.maximumf %max3A_2603, %gather3A_2609 : vector<16xf32>
    %eq3A_2611 = arith.cmpf oeq, %select_n3A_2558, %max3A_2610 : vector<16xf32>
    %add3A_2612 = arith.constant 0 : i32
    %add3A_2613 = vector.broadcast %add3A_2612 : i32 to vector<16xi32>
    %add3A_2614 = arith.addi %iota3A, %add3A_2613 : vector<16xi32>
    %select_n3A_2615 = arith.select %eq3A_2611, %add3A_2614, %broadcast_in_dim3A_13 : vector<16xi1>, vector<16xi32>
    %min3A_2616 = arith.minsi %broadcast_in_dim3A_13, %select_n3A_2615 : vector<16xi32>
    %eq3A_2617 = arith.cmpf oeq, %select_n3A_2565, %max3A_2610 : vector<16xf32>
    %add3A_2618 = arith.constant 16 : i32
    %add3A_2619 = vector.broadcast %add3A_2618 : i32 to vector<16xi32>
    %add3A_2620 = arith.addi %iota3A, %add3A_2619 : vector<16xi32>
    %select_n3A_2621 = arith.select %eq3A_2617, %add3A_2620, %broadcast_in_dim3A_13 : vector<16xi1>, vector<16xi32>
    %min3A_2622 = arith.minsi %min3A_2616, %select_n3A_2621 : vector<16xi32>
    %eq3A_2623 = arith.cmpf oeq, %select_n3A_2572, %max3A_2610 : vector<16xf32>
    %add3A_2624 = arith.constant 32 : i32
    %add3A_2625 = vector.broadcast %add3A_2624 : i32 to vector<16xi32>
    %add3A_2626 = arith.addi %iota3A, %add3A_2625 : vector<16xi32>
    %select_n3A_2627 = arith.select %eq3A_2623, %add3A_2626, %broadcast_in_dim3A_13 : vector<16xi1>, vector<16xi32>
    %min3A_2628 = arith.minsi %min3A_2622, %select_n3A_2627 : vector<16xi32>
    %eq3A_2629 = arith.cmpf oeq, %select_n3A_2579, %max3A_2610 : vector<16xf32>
    %add3A_2630 = arith.constant 48 : i32
    %add3A_2631 = vector.broadcast %add3A_2630 : i32 to vector<16xi32>
    %add3A_2632 = arith.addi %iota3A, %add3A_2631 : vector<16xi32>
    %select_n3A_2633 = arith.select %eq3A_2629, %add3A_2632, %broadcast_in_dim3A_13 : vector<16xi1>, vector<16xi32>
    %min3A_2634 = arith.minsi %min3A_2628, %select_n3A_2633 : vector<16xi32>
    %xor3A_2635 = arith.constant 8 : i32
    %xor3A_2636 = vector.broadcast %xor3A_2635 : i32 to vector<16xi32>
    %xor3A_2637 = arith.xori %iota3A, %xor3A_2636 : vector<16xi32>
    %broadcast_in_dim3A_2638 = vector.shape_cast %xor3A_2637 : vector<16xi32> to vector<16x1xi32>
    %gather3A_2639 = vector.shape_cast %broadcast_in_dim3A_2638 : vector<16x1xi32> to vector<16xi32>
    %gather3A_2640 = tpu.dynamic_gather %min3A_2634[%gather3A_2639] in [0] : vector<16xi32>, vector<16xi32> -> vector<16xi32>
    %min3A_2641 = arith.minsi %min3A_2634, %gather3A_2640 : vector<16xi32>
    %xor3A_2642 = arith.constant 4 : i32
    %xor3A_2643 = vector.broadcast %xor3A_2642 : i32 to vector<16xi32>
    %xor3A_2644 = arith.xori %iota3A, %xor3A_2643 : vector<16xi32>
    %broadcast_in_dim3A_2645 = vector.shape_cast %xor3A_2644 : vector<16xi32> to vector<16x1xi32>
    %gather3A_2646 = vector.shape_cast %broadcast_in_dim3A_2645 : vector<16x1xi32> to vector<16xi32>
    %gather3A_2647 = tpu.dynamic_gather %min3A_2641[%gather3A_2646] in [0] : vector<16xi32>, vector<16xi32> -> vector<16xi32>
    %min3A_2648 = arith.minsi %min3A_2641, %gather3A_2647 : vector<16xi32>
    %xor3A_2649 = arith.constant 2 : i32
    %xor3A_2650 = vector.broadcast %xor3A_2649 : i32 to vector<16xi32>
    %xor3A_2651 = arith.xori %iota3A, %xor3A_2650 : vector<16xi32>
    %broadcast_in_dim3A_2652 = vector.shape_cast %xor3A_2651 : vector<16xi32> to vector<16x1xi32>
    %gather3A_2653 = vector.shape_cast %broadcast_in_dim3A_2652 : vector<16x1xi32> to vector<16xi32>
    %gather3A_2654 = tpu.dynamic_gather %min3A_2648[%gather3A_2653] in [0] : vector<16xi32>, vector<16xi32> -> vector<16xi32>
    %min3A_2655 = arith.minsi %min3A_2648, %gather3A_2654 : vector<16xi32>
    %xor3A_2656 = arith.constant 1 : i32
    %xor3A_2657 = vector.broadcast %xor3A_2656 : i32 to vector<16xi32>
    %xor3A_2658 = arith.xori %iota3A, %xor3A_2657 : vector<16xi32>
    %broadcast_in_dim3A_2659 = vector.shape_cast %xor3A_2658 : vector<16xi32> to vector<16x1xi32>
    %gather3A_2660 = vector.shape_cast %broadcast_in_dim3A_2659 : vector<16x1xi32> to vector<16xi32>
    %gather3A_2661 = tpu.dynamic_gather %min3A_2655[%gather3A_2660] in [0] : vector<16xi32>, vector<16xi32> -> vector<16xi32>
    %min3A_2662 = arith.minsi %min3A_2655, %gather3A_2661 : vector<16xi32>
    %eq3A_2663 = arith.constant 3 : i32
    %eq3A_2664 = vector.broadcast %eq3A_2663 : i32 to vector<16xi32>
    %eq3A_2665 = arith.cmpi eq, %iota3A, %eq3A_2664 : vector<16xi32>
    %select_n3A_2666 = arith.select %eq3A_2665, %max3A_2610, %select_n3A_2546 : vector<16xi1>, vector<16xf32>
    %eq3A_2667 = arith.constant 3 : i32
    %eq3A_2668 = vector.broadcast %eq3A_2667 : i32 to vector<16xi32>
    %eq3A_2669 = arith.cmpi eq, %iota3A, %eq3A_2668 : vector<16xi32>
    %select_n3A_2670 = arith.select %eq3A_2669, %min3A_2662, %select_n3A_2550 : vector<16xi1>, vector<16xi32>
    %add3A_2671 = arith.addf %add3A_2551, %max3A_2610 : vector<16xf32>
    %add3A_2672 = arith.constant 0 : i32
    %add3A_2673 = vector.broadcast %add3A_2672 : i32 to vector<16xi32>
    %add3A_2674 = arith.addi %iota3A, %add3A_2673 : vector<16xi32>
    %eq3A_2675 = arith.cmpi eq, %add3A_2674, %min3A_2662 : vector<16xi32>
    %jit3A_2676 = arith.constant -1.000000e+00 : f32
    %broadcast_in_dim3A_2677 = vector.broadcast %jit3A_2676 : f32 to vector<16xf32>
    %select_n3A_2678 = arith.select %eq3A_2675, %broadcast_in_dim3A_2677, %select_n3A_2558 : vector<16xi1>, vector<16xf32>
    %add3A_2679 = arith.constant 16 : i32
    %add3A_2680 = vector.broadcast %add3A_2679 : i32 to vector<16xi32>
    %add3A_2681 = arith.addi %iota3A, %add3A_2680 : vector<16xi32>
    %eq3A_2682 = arith.cmpi eq, %add3A_2681, %min3A_2662 : vector<16xi32>
    %jit3A_2683 = arith.constant -1.000000e+00 : f32
    %broadcast_in_dim3A_2684 = vector.broadcast %jit3A_2683 : f32 to vector<16xf32>
    %select_n3A_2685 = arith.select %eq3A_2682, %broadcast_in_dim3A_2684, %select_n3A_2565 : vector<16xi1>, vector<16xf32>
    %add3A_2686 = arith.constant 32 : i32
    %add3A_2687 = vector.broadcast %add3A_2686 : i32 to vector<16xi32>
    %add3A_2688 = arith.addi %iota3A, %add3A_2687 : vector<16xi32>
    %eq3A_2689 = arith.cmpi eq, %add3A_2688, %min3A_2662 : vector<16xi32>
    %jit3A_2690 = arith.constant -1.000000e+00 : f32
    %broadcast_in_dim3A_2691 = vector.broadcast %jit3A_2690 : f32 to vector<16xf32>
    %select_n3A_2692 = arith.select %eq3A_2689, %broadcast_in_dim3A_2691, %select_n3A_2572 : vector<16xi1>, vector<16xf32>
    %add3A_2693 = arith.constant 48 : i32
    %add3A_2694 = vector.broadcast %add3A_2693 : i32 to vector<16xi32>
    %add3A_2695 = arith.addi %iota3A, %add3A_2694 : vector<16xi32>
    %eq3A_2696 = arith.cmpi eq, %add3A_2695, %min3A_2662 : vector<16xi32>
    %jit3A_2697 = arith.constant -1.000000e+00 : f32
    %broadcast_in_dim3A_2698 = vector.broadcast %jit3A_2697 : f32 to vector<16xf32>
    %select_n3A_2699 = arith.select %eq3A_2696, %broadcast_in_dim3A_2698, %select_n3A_2579 : vector<16xi1>, vector<16xf32>
    %max3A_2700 = arith.maximumf %select_n3A_2678, %select_n3A_2685 : vector<16xf32>
    %max3A_2701 = arith.maximumf %select_n3A_2692, %select_n3A_2699 : vector<16xf32>
    %max3A_2702 = arith.maximumf %max3A_2700, %max3A_2701 : vector<16xf32>
    %xor3A_2703 = arith.constant 8 : i32
    %xor3A_2704 = vector.broadcast %xor3A_2703 : i32 to vector<16xi32>
    %xor3A_2705 = arith.xori %iota3A, %xor3A_2704 : vector<16xi32>
    %broadcast_in_dim3A_2706 = vector.shape_cast %xor3A_2705 : vector<16xi32> to vector<16x1xi32>
    %gather3A_2707 = vector.shape_cast %broadcast_in_dim3A_2706 : vector<16x1xi32> to vector<16xi32>
    %gather3A_2708 = tpu.dynamic_gather %max3A_2702[%gather3A_2707] in [0] : vector<16xf32>, vector<16xi32> -> vector<16xf32>
    %max3A_2709 = arith.maximumf %max3A_2702, %gather3A_2708 : vector<16xf32>
    %xor3A_2710 = arith.constant 4 : i32
    %xor3A_2711 = vector.broadcast %xor3A_2710 : i32 to vector<16xi32>
    %xor3A_2712 = arith.xori %iota3A, %xor3A_2711 : vector<16xi32>
    %broadcast_in_dim3A_2713 = vector.shape_cast %xor3A_2712 : vector<16xi32> to vector<16x1xi32>
    %gather3A_2714 = vector.shape_cast %broadcast_in_dim3A_2713 : vector<16x1xi32> to vector<16xi32>
    %gather3A_2715 = tpu.dynamic_gather %max3A_2709[%gather3A_2714] in [0] : vector<16xf32>, vector<16xi32> -> vector<16xf32>
    %max3A_2716 = arith.maximumf %max3A_2709, %gather3A_2715 : vector<16xf32>
    %xor3A_2717 = arith.constant 2 : i32
    %xor3A_2718 = vector.broadcast %xor3A_2717 : i32 to vector<16xi32>
    %xor3A_2719 = arith.xori %iota3A, %xor3A_2718 : vector<16xi32>
    %broadcast_in_dim3A_2720 = vector.shape_cast %xor3A_2719 : vector<16xi32> to vector<16x1xi32>
    %gather3A_2721 = vector.shape_cast %broadcast_in_dim3A_2720 : vector<16x1xi32> to vector<16xi32>
    %gather3A_2722 = tpu.dynamic_gather %max3A_2716[%gather3A_2721] in [0] : vector<16xf32>, vector<16xi32> -> vector<16xf32>
    %max3A_2723 = arith.maximumf %max3A_2716, %gather3A_2722 : vector<16xf32>
    %xor3A_2724 = arith.constant 1 : i32
    %xor3A_2725 = vector.broadcast %xor3A_2724 : i32 to vector<16xi32>
    %xor3A_2726 = arith.xori %iota3A, %xor3A_2725 : vector<16xi32>
    %broadcast_in_dim3A_2727 = vector.shape_cast %xor3A_2726 : vector<16xi32> to vector<16x1xi32>
    %gather3A_2728 = vector.shape_cast %broadcast_in_dim3A_2727 : vector<16x1xi32> to vector<16xi32>
    %gather3A_2729 = tpu.dynamic_gather %max3A_2723[%gather3A_2728] in [0] : vector<16xf32>, vector<16xi32> -> vector<16xf32>
    %max3A_2730 = arith.maximumf %max3A_2723, %gather3A_2729 : vector<16xf32>
    %eq3A_2731 = arith.cmpf oeq, %select_n3A_2678, %max3A_2730 : vector<16xf32>
    %add3A_2732 = arith.constant 0 : i32
    %add3A_2733 = vector.broadcast %add3A_2732 : i32 to vector<16xi32>
    %add3A_2734 = arith.addi %iota3A, %add3A_2733 : vector<16xi32>
    %select_n3A_2735 = arith.select %eq3A_2731, %add3A_2734, %broadcast_in_dim3A_13 : vector<16xi1>, vector<16xi32>
    %min3A_2736 = arith.minsi %broadcast_in_dim3A_13, %select_n3A_2735 : vector<16xi32>
    %eq3A_2737 = arith.cmpf oeq, %select_n3A_2685, %max3A_2730 : vector<16xf32>
    %add3A_2738 = arith.constant 16 : i32
    %add3A_2739 = vector.broadcast %add3A_2738 : i32 to vector<16xi32>
    %add3A_2740 = arith.addi %iota3A, %add3A_2739 : vector<16xi32>
    %select_n3A_2741 = arith.select %eq3A_2737, %add3A_2740, %broadcast_in_dim3A_13 : vector<16xi1>, vector<16xi32>
    %min3A_2742 = arith.minsi %min3A_2736, %select_n3A_2741 : vector<16xi32>
    %eq3A_2743 = arith.cmpf oeq, %select_n3A_2692, %max3A_2730 : vector<16xf32>
    %add3A_2744 = arith.constant 32 : i32
    %add3A_2745 = vector.broadcast %add3A_2744 : i32 to vector<16xi32>
    %add3A_2746 = arith.addi %iota3A, %add3A_2745 : vector<16xi32>
    %select_n3A_2747 = arith.select %eq3A_2743, %add3A_2746, %broadcast_in_dim3A_13 : vector<16xi1>, vector<16xi32>
    %min3A_2748 = arith.minsi %min3A_2742, %select_n3A_2747 : vector<16xi32>
    %eq3A_2749 = arith.cmpf oeq, %select_n3A_2699, %max3A_2730 : vector<16xf32>
    %add3A_2750 = arith.constant 48 : i32
    %add3A_2751 = vector.broadcast %add3A_2750 : i32 to vector<16xi32>
    %add3A_2752 = arith.addi %iota3A, %add3A_2751 : vector<16xi32>
    %select_n3A_2753 = arith.select %eq3A_2749, %add3A_2752, %broadcast_in_dim3A_13 : vector<16xi1>, vector<16xi32>
    %min3A_2754 = arith.minsi %min3A_2748, %select_n3A_2753 : vector<16xi32>
    %xor3A_2755 = arith.constant 8 : i32
    %xor3A_2756 = vector.broadcast %xor3A_2755 : i32 to vector<16xi32>
    %xor3A_2757 = arith.xori %iota3A, %xor3A_2756 : vector<16xi32>
    %broadcast_in_dim3A_2758 = vector.shape_cast %xor3A_2757 : vector<16xi32> to vector<16x1xi32>
    %gather3A_2759 = vector.shape_cast %broadcast_in_dim3A_2758 : vector<16x1xi32> to vector<16xi32>
    %gather3A_2760 = tpu.dynamic_gather %min3A_2754[%gather3A_2759] in [0] : vector<16xi32>, vector<16xi32> -> vector<16xi32>
    %min3A_2761 = arith.minsi %min3A_2754, %gather3A_2760 : vector<16xi32>
    %xor3A_2762 = arith.constant 4 : i32
    %xor3A_2763 = vector.broadcast %xor3A_2762 : i32 to vector<16xi32>
    %xor3A_2764 = arith.xori %iota3A, %xor3A_2763 : vector<16xi32>
    %broadcast_in_dim3A_2765 = vector.shape_cast %xor3A_2764 : vector<16xi32> to vector<16x1xi32>
    %gather3A_2766 = vector.shape_cast %broadcast_in_dim3A_2765 : vector<16x1xi32> to vector<16xi32>
    %gather3A_2767 = tpu.dynamic_gather %min3A_2761[%gather3A_2766] in [0] : vector<16xi32>, vector<16xi32> -> vector<16xi32>
    %min3A_2768 = arith.minsi %min3A_2761, %gather3A_2767 : vector<16xi32>
    %xor3A_2769 = arith.constant 2 : i32
    %xor3A_2770 = vector.broadcast %xor3A_2769 : i32 to vector<16xi32>
    %xor3A_2771 = arith.xori %iota3A, %xor3A_2770 : vector<16xi32>
    %broadcast_in_dim3A_2772 = vector.shape_cast %xor3A_2771 : vector<16xi32> to vector<16x1xi32>
    %gather3A_2773 = vector.shape_cast %broadcast_in_dim3A_2772 : vector<16x1xi32> to vector<16xi32>
    %gather3A_2774 = tpu.dynamic_gather %min3A_2768[%gather3A_2773] in [0] : vector<16xi32>, vector<16xi32> -> vector<16xi32>
    %min3A_2775 = arith.minsi %min3A_2768, %gather3A_2774 : vector<16xi32>
    %xor3A_2776 = arith.constant 1 : i32
    %xor3A_2777 = vector.broadcast %xor3A_2776 : i32 to vector<16xi32>
    %xor3A_2778 = arith.xori %iota3A, %xor3A_2777 : vector<16xi32>
    %broadcast_in_dim3A_2779 = vector.shape_cast %xor3A_2778 : vector<16xi32> to vector<16x1xi32>
    %gather3A_2780 = vector.shape_cast %broadcast_in_dim3A_2779 : vector<16x1xi32> to vector<16xi32>
    %gather3A_2781 = tpu.dynamic_gather %min3A_2775[%gather3A_2780] in [0] : vector<16xi32>, vector<16xi32> -> vector<16xi32>
    %min3A_2782 = arith.minsi %min3A_2775, %gather3A_2781 : vector<16xi32>
    %eq3A_2783 = arith.constant 4 : i32
    %eq3A_2784 = vector.broadcast %eq3A_2783 : i32 to vector<16xi32>
    %eq3A_2785 = arith.cmpi eq, %iota3A, %eq3A_2784 : vector<16xi32>
    %select_n3A_2786 = arith.select %eq3A_2785, %max3A_2730, %select_n3A_2666 : vector<16xi1>, vector<16xf32>
    %eq3A_2787 = arith.constant 4 : i32
    %eq3A_2788 = vector.broadcast %eq3A_2787 : i32 to vector<16xi32>
    %eq3A_2789 = arith.cmpi eq, %iota3A, %eq3A_2788 : vector<16xi32>
    %select_n3A_2790 = arith.select %eq3A_2789, %min3A_2782, %select_n3A_2670 : vector<16xi1>, vector<16xi32>
    %add3A_2791 = arith.addf %add3A_2671, %max3A_2730 : vector<16xf32>
    %add3A_2792 = arith.constant 0 : i32
    %add3A_2793 = vector.broadcast %add3A_2792 : i32 to vector<16xi32>
    %add3A_2794 = arith.addi %iota3A, %add3A_2793 : vector<16xi32>
    %eq3A_2795 = arith.cmpi eq, %add3A_2794, %min3A_2782 : vector<16xi32>
    %jit3A_2796 = arith.constant -1.000000e+00 : f32
    %broadcast_in_dim3A_2797 = vector.broadcast %jit3A_2796 : f32 to vector<16xf32>
    %select_n3A_2798 = arith.select %eq3A_2795, %broadcast_in_dim3A_2797, %select_n3A_2678 : vector<16xi1>, vector<16xf32>
    %add3A_2799 = arith.constant 16 : i32
    %add3A_2800 = vector.broadcast %add3A_2799 : i32 to vector<16xi32>
    %add3A_2801 = arith.addi %iota3A, %add3A_2800 : vector<16xi32>
    %eq3A_2802 = arith.cmpi eq, %add3A_2801, %min3A_2782 : vector<16xi32>
    %jit3A_2803 = arith.constant -1.000000e+00 : f32
    %broadcast_in_dim3A_2804 = vector.broadcast %jit3A_2803 : f32 to vector<16xf32>
    %select_n3A_2805 = arith.select %eq3A_2802, %broadcast_in_dim3A_2804, %select_n3A_2685 : vector<16xi1>, vector<16xf32>
    %add3A_2806 = arith.constant 32 : i32
    %add3A_2807 = vector.broadcast %add3A_2806 : i32 to vector<16xi32>
    %add3A_2808 = arith.addi %iota3A, %add3A_2807 : vector<16xi32>
    %eq3A_2809 = arith.cmpi eq, %add3A_2808, %min3A_2782 : vector<16xi32>
    %jit3A_2810 = arith.constant -1.000000e+00 : f32
    %broadcast_in_dim3A_2811 = vector.broadcast %jit3A_2810 : f32 to vector<16xf32>
    %select_n3A_2812 = arith.select %eq3A_2809, %broadcast_in_dim3A_2811, %select_n3A_2692 : vector<16xi1>, vector<16xf32>
    %add3A_2813 = arith.constant 48 : i32
    %add3A_2814 = vector.broadcast %add3A_2813 : i32 to vector<16xi32>
    %add3A_2815 = arith.addi %iota3A, %add3A_2814 : vector<16xi32>
    %eq3A_2816 = arith.cmpi eq, %add3A_2815, %min3A_2782 : vector<16xi32>
    %jit3A_2817 = arith.constant -1.000000e+00 : f32
    %broadcast_in_dim3A_2818 = vector.broadcast %jit3A_2817 : f32 to vector<16xf32>
    %select_n3A_2819 = arith.select %eq3A_2816, %broadcast_in_dim3A_2818, %select_n3A_2699 : vector<16xi1>, vector<16xf32>
    %max3A_2820 = arith.maximumf %select_n3A_2798, %select_n3A_2805 : vector<16xf32>
    %max3A_2821 = arith.maximumf %select_n3A_2812, %select_n3A_2819 : vector<16xf32>
    %max3A_2822 = arith.maximumf %max3A_2820, %max3A_2821 : vector<16xf32>
    %xor3A_2823 = arith.constant 8 : i32
    %xor3A_2824 = vector.broadcast %xor3A_2823 : i32 to vector<16xi32>
    %xor3A_2825 = arith.xori %iota3A, %xor3A_2824 : vector<16xi32>
    %broadcast_in_dim3A_2826 = vector.shape_cast %xor3A_2825 : vector<16xi32> to vector<16x1xi32>
    %gather3A_2827 = vector.shape_cast %broadcast_in_dim3A_2826 : vector<16x1xi32> to vector<16xi32>
    %gather3A_2828 = tpu.dynamic_gather %max3A_2822[%gather3A_2827] in [0] : vector<16xf32>, vector<16xi32> -> vector<16xf32>
    %max3A_2829 = arith.maximumf %max3A_2822, %gather3A_2828 : vector<16xf32>
    %xor3A_2830 = arith.constant 4 : i32
    %xor3A_2831 = vector.broadcast %xor3A_2830 : i32 to vector<16xi32>
    %xor3A_2832 = arith.xori %iota3A, %xor3A_2831 : vector<16xi32>
    %broadcast_in_dim3A_2833 = vector.shape_cast %xor3A_2832 : vector<16xi32> to vector<16x1xi32>
    %gather3A_2834 = vector.shape_cast %broadcast_in_dim3A_2833 : vector<16x1xi32> to vector<16xi32>
    %gather3A_2835 = tpu.dynamic_gather %max3A_2829[%gather3A_2834] in [0] : vector<16xf32>, vector<16xi32> -> vector<16xf32>
    %max3A_2836 = arith.maximumf %max3A_2829, %gather3A_2835 : vector<16xf32>
    %xor3A_2837 = arith.constant 2 : i32
    %xor3A_2838 = vector.broadcast %xor3A_2837 : i32 to vector<16xi32>
    %xor3A_2839 = arith.xori %iota3A, %xor3A_2838 : vector<16xi32>
    %broadcast_in_dim3A_2840 = vector.shape_cast %xor3A_2839 : vector<16xi32> to vector<16x1xi32>
    %gather3A_2841 = vector.shape_cast %broadcast_in_dim3A_2840 : vector<16x1xi32> to vector<16xi32>
    %gather3A_2842 = tpu.dynamic_gather %max3A_2836[%gather3A_2841] in [0] : vector<16xf32>, vector<16xi32> -> vector<16xf32>
    %max3A_2843 = arith.maximumf %max3A_2836, %gather3A_2842 : vector<16xf32>
    %xor3A_2844 = arith.constant 1 : i32
    %xor3A_2845 = vector.broadcast %xor3A_2844 : i32 to vector<16xi32>
    %xor3A_2846 = arith.xori %iota3A, %xor3A_2845 : vector<16xi32>
    %broadcast_in_dim3A_2847 = vector.shape_cast %xor3A_2846 : vector<16xi32> to vector<16x1xi32>
    %gather3A_2848 = vector.shape_cast %broadcast_in_dim3A_2847 : vector<16x1xi32> to vector<16xi32>
    %gather3A_2849 = tpu.dynamic_gather %max3A_2843[%gather3A_2848] in [0] : vector<16xf32>, vector<16xi32> -> vector<16xf32>
    %max3A_2850 = arith.maximumf %max3A_2843, %gather3A_2849 : vector<16xf32>
    %eq3A_2851 = arith.cmpf oeq, %select_n3A_2798, %max3A_2850 : vector<16xf32>
    %add3A_2852 = arith.constant 0 : i32
    %add3A_2853 = vector.broadcast %add3A_2852 : i32 to vector<16xi32>
    %add3A_2854 = arith.addi %iota3A, %add3A_2853 : vector<16xi32>
    %select_n3A_2855 = arith.select %eq3A_2851, %add3A_2854, %broadcast_in_dim3A_13 : vector<16xi1>, vector<16xi32>
    %min3A_2856 = arith.minsi %broadcast_in_dim3A_13, %select_n3A_2855 : vector<16xi32>
    %eq3A_2857 = arith.cmpf oeq, %select_n3A_2805, %max3A_2850 : vector<16xf32>
    %add3A_2858 = arith.constant 16 : i32
    %add3A_2859 = vector.broadcast %add3A_2858 : i32 to vector<16xi32>
    %add3A_2860 = arith.addi %iota3A, %add3A_2859 : vector<16xi32>
    %select_n3A_2861 = arith.select %eq3A_2857, %add3A_2860, %broadcast_in_dim3A_13 : vector<16xi1>, vector<16xi32>
    %min3A_2862 = arith.minsi %min3A_2856, %select_n3A_2861 : vector<16xi32>
    %eq3A_2863 = arith.cmpf oeq, %select_n3A_2812, %max3A_2850 : vector<16xf32>
    %add3A_2864 = arith.constant 32 : i32
    %add3A_2865 = vector.broadcast %add3A_2864 : i32 to vector<16xi32>
    %add3A_2866 = arith.addi %iota3A, %add3A_2865 : vector<16xi32>
    %select_n3A_2867 = arith.select %eq3A_2863, %add3A_2866, %broadcast_in_dim3A_13 : vector<16xi1>, vector<16xi32>
    %min3A_2868 = arith.minsi %min3A_2862, %select_n3A_2867 : vector<16xi32>
    %eq3A_2869 = arith.cmpf oeq, %select_n3A_2819, %max3A_2850 : vector<16xf32>
    %add3A_2870 = arith.constant 48 : i32
    %add3A_2871 = vector.broadcast %add3A_2870 : i32 to vector<16xi32>
    %add3A_2872 = arith.addi %iota3A, %add3A_2871 : vector<16xi32>
    %select_n3A_2873 = arith.select %eq3A_2869, %add3A_2872, %broadcast_in_dim3A_13 : vector<16xi1>, vector<16xi32>
    %min3A_2874 = arith.minsi %min3A_2868, %select_n3A_2873 : vector<16xi32>
    %xor3A_2875 = arith.constant 8 : i32
    %xor3A_2876 = vector.broadcast %xor3A_2875 : i32 to vector<16xi32>
    %xor3A_2877 = arith.xori %iota3A, %xor3A_2876 : vector<16xi32>
    %broadcast_in_dim3A_2878 = vector.shape_cast %xor3A_2877 : vector<16xi32> to vector<16x1xi32>
    %gather3A_2879 = vector.shape_cast %broadcast_in_dim3A_2878 : vector<16x1xi32> to vector<16xi32>
    %gather3A_2880 = tpu.dynamic_gather %min3A_2874[%gather3A_2879] in [0] : vector<16xi32>, vector<16xi32> -> vector<16xi32>
    %min3A_2881 = arith.minsi %min3A_2874, %gather3A_2880 : vector<16xi32>
    %xor3A_2882 = arith.constant 4 : i32
    %xor3A_2883 = vector.broadcast %xor3A_2882 : i32 to vector<16xi32>
    %xor3A_2884 = arith.xori %iota3A, %xor3A_2883 : vector<16xi32>
    %broadcast_in_dim3A_2885 = vector.shape_cast %xor3A_2884 : vector<16xi32> to vector<16x1xi32>
    %gather3A_2886 = vector.shape_cast %broadcast_in_dim3A_2885 : vector<16x1xi32> to vector<16xi32>
    %gather3A_2887 = tpu.dynamic_gather %min3A_2881[%gather3A_2886] in [0] : vector<16xi32>, vector<16xi32> -> vector<16xi32>
    %min3A_2888 = arith.minsi %min3A_2881, %gather3A_2887 : vector<16xi32>
    %xor3A_2889 = arith.constant 2 : i32
    %xor3A_2890 = vector.broadcast %xor3A_2889 : i32 to vector<16xi32>
    %xor3A_2891 = arith.xori %iota3A, %xor3A_2890 : vector<16xi32>
    %broadcast_in_dim3A_2892 = vector.shape_cast %xor3A_2891 : vector<16xi32> to vector<16x1xi32>
    %gather3A_2893 = vector.shape_cast %broadcast_in_dim3A_2892 : vector<16x1xi32> to vector<16xi32>
    %gather3A_2894 = tpu.dynamic_gather %min3A_2888[%gather3A_2893] in [0] : vector<16xi32>, vector<16xi32> -> vector<16xi32>
    %min3A_2895 = arith.minsi %min3A_2888, %gather3A_2894 : vector<16xi32>
    %xor3A_2896 = arith.constant 1 : i32
    %xor3A_2897 = vector.broadcast %xor3A_2896 : i32 to vector<16xi32>
    %xor3A_2898 = arith.xori %iota3A, %xor3A_2897 : vector<16xi32>
    %broadcast_in_dim3A_2899 = vector.shape_cast %xor3A_2898 : vector<16xi32> to vector<16x1xi32>
    %gather3A_2900 = vector.shape_cast %broadcast_in_dim3A_2899 : vector<16x1xi32> to vector<16xi32>
    %gather3A_2901 = tpu.dynamic_gather %min3A_2895[%gather3A_2900] in [0] : vector<16xi32>, vector<16xi32> -> vector<16xi32>
    %min3A_2902 = arith.minsi %min3A_2895, %gather3A_2901 : vector<16xi32>
    %eq3A_2903 = arith.constant 5 : i32
    %eq3A_2904 = vector.broadcast %eq3A_2903 : i32 to vector<16xi32>
    %eq3A_2905 = arith.cmpi eq, %iota3A, %eq3A_2904 : vector<16xi32>
    %select_n3A_2906 = arith.select %eq3A_2905, %max3A_2850, %select_n3A_2786 : vector<16xi1>, vector<16xf32>
    %eq3A_2907 = arith.constant 5 : i32
    %eq3A_2908 = vector.broadcast %eq3A_2907 : i32 to vector<16xi32>
    %eq3A_2909 = arith.cmpi eq, %iota3A, %eq3A_2908 : vector<16xi32>
    %select_n3A_2910 = arith.select %eq3A_2909, %min3A_2902, %select_n3A_2790 : vector<16xi1>, vector<16xi32>
    %add3A_2911 = arith.addf %add3A_2791, %max3A_2850 : vector<16xf32>
    %add3A_2912 = arith.constant 0 : i32
    %add3A_2913 = vector.broadcast %add3A_2912 : i32 to vector<16xi32>
    %add3A_2914 = arith.addi %iota3A, %add3A_2913 : vector<16xi32>
    %eq3A_2915 = arith.cmpi eq, %add3A_2914, %min3A_2902 : vector<16xi32>
    %jit3A_2916 = arith.constant -1.000000e+00 : f32
    %broadcast_in_dim3A_2917 = vector.broadcast %jit3A_2916 : f32 to vector<16xf32>
    %select_n3A_2918 = arith.select %eq3A_2915, %broadcast_in_dim3A_2917, %select_n3A_2798 : vector<16xi1>, vector<16xf32>
    %add3A_2919 = arith.constant 16 : i32
    %add3A_2920 = vector.broadcast %add3A_2919 : i32 to vector<16xi32>
    %add3A_2921 = arith.addi %iota3A, %add3A_2920 : vector<16xi32>
    %eq3A_2922 = arith.cmpi eq, %add3A_2921, %min3A_2902 : vector<16xi32>
    %jit3A_2923 = arith.constant -1.000000e+00 : f32
    %broadcast_in_dim3A_2924 = vector.broadcast %jit3A_2923 : f32 to vector<16xf32>
    %select_n3A_2925 = arith.select %eq3A_2922, %broadcast_in_dim3A_2924, %select_n3A_2805 : vector<16xi1>, vector<16xf32>
    %add3A_2926 = arith.constant 32 : i32
    %add3A_2927 = vector.broadcast %add3A_2926 : i32 to vector<16xi32>
    %add3A_2928 = arith.addi %iota3A, %add3A_2927 : vector<16xi32>
    %eq3A_2929 = arith.cmpi eq, %add3A_2928, %min3A_2902 : vector<16xi32>
    %jit3A_2930 = arith.constant -1.000000e+00 : f32
    %broadcast_in_dim3A_2931 = vector.broadcast %jit3A_2930 : f32 to vector<16xf32>
    %select_n3A_2932 = arith.select %eq3A_2929, %broadcast_in_dim3A_2931, %select_n3A_2812 : vector<16xi1>, vector<16xf32>
    %add3A_2933 = arith.constant 48 : i32
    %add3A_2934 = vector.broadcast %add3A_2933 : i32 to vector<16xi32>
    %add3A_2935 = arith.addi %iota3A, %add3A_2934 : vector<16xi32>
    %eq3A_2936 = arith.cmpi eq, %add3A_2935, %min3A_2902 : vector<16xi32>
    %jit3A_2937 = arith.constant -1.000000e+00 : f32
    %broadcast_in_dim3A_2938 = vector.broadcast %jit3A_2937 : f32 to vector<16xf32>
    %select_n3A_2939 = arith.select %eq3A_2936, %broadcast_in_dim3A_2938, %select_n3A_2819 : vector<16xi1>, vector<16xf32>
    %max3A_2940 = arith.maximumf %select_n3A_2918, %select_n3A_2925 : vector<16xf32>
    %max3A_2941 = arith.maximumf %select_n3A_2932, %select_n3A_2939 : vector<16xf32>
    %max3A_2942 = arith.maximumf %max3A_2940, %max3A_2941 : vector<16xf32>
    %xor3A_2943 = arith.constant 8 : i32
    %xor3A_2944 = vector.broadcast %xor3A_2943 : i32 to vector<16xi32>
    %xor3A_2945 = arith.xori %iota3A, %xor3A_2944 : vector<16xi32>
    %broadcast_in_dim3A_2946 = vector.shape_cast %xor3A_2945 : vector<16xi32> to vector<16x1xi32>
    %gather3A_2947 = vector.shape_cast %broadcast_in_dim3A_2946 : vector<16x1xi32> to vector<16xi32>
    %gather3A_2948 = tpu.dynamic_gather %max3A_2942[%gather3A_2947] in [0] : vector<16xf32>, vector<16xi32> -> vector<16xf32>
    %max3A_2949 = arith.maximumf %max3A_2942, %gather3A_2948 : vector<16xf32>
    %xor3A_2950 = arith.constant 4 : i32
    %xor3A_2951 = vector.broadcast %xor3A_2950 : i32 to vector<16xi32>
    %xor3A_2952 = arith.xori %iota3A, %xor3A_2951 : vector<16xi32>
    %broadcast_in_dim3A_2953 = vector.shape_cast %xor3A_2952 : vector<16xi32> to vector<16x1xi32>
    %gather3A_2954 = vector.shape_cast %broadcast_in_dim3A_2953 : vector<16x1xi32> to vector<16xi32>
    %gather3A_2955 = tpu.dynamic_gather %max3A_2949[%gather3A_2954] in [0] : vector<16xf32>, vector<16xi32> -> vector<16xf32>
    %max3A_2956 = arith.maximumf %max3A_2949, %gather3A_2955 : vector<16xf32>
    %xor3A_2957 = arith.constant 2 : i32
    %xor3A_2958 = vector.broadcast %xor3A_2957 : i32 to vector<16xi32>
    %xor3A_2959 = arith.xori %iota3A, %xor3A_2958 : vector<16xi32>
    %broadcast_in_dim3A_2960 = vector.shape_cast %xor3A_2959 : vector<16xi32> to vector<16x1xi32>
    %gather3A_2961 = vector.shape_cast %broadcast_in_dim3A_2960 : vector<16x1xi32> to vector<16xi32>
    %gather3A_2962 = tpu.dynamic_gather %max3A_2956[%gather3A_2961] in [0] : vector<16xf32>, vector<16xi32> -> vector<16xf32>
    %max3A_2963 = arith.maximumf %max3A_2956, %gather3A_2962 : vector<16xf32>
    %xor3A_2964 = arith.constant 1 : i32
    %xor3A_2965 = vector.broadcast %xor3A_2964 : i32 to vector<16xi32>
    %xor3A_2966 = arith.xori %iota3A, %xor3A_2965 : vector<16xi32>
    %broadcast_in_dim3A_2967 = vector.shape_cast %xor3A_2966 : vector<16xi32> to vector<16x1xi32>
    %gather3A_2968 = vector.shape_cast %broadcast_in_dim3A_2967 : vector<16x1xi32> to vector<16xi32>
    %gather3A_2969 = tpu.dynamic_gather %max3A_2963[%gather3A_2968] in [0] : vector<16xf32>, vector<16xi32> -> vector<16xf32>
    %max3A_2970 = arith.maximumf %max3A_2963, %gather3A_2969 : vector<16xf32>
    %eq3A_2971 = arith.cmpf oeq, %select_n3A_2918, %max3A_2970 : vector<16xf32>
    %add3A_2972 = arith.constant 0 : i32
    %add3A_2973 = vector.broadcast %add3A_2972 : i32 to vector<16xi32>
    %add3A_2974 = arith.addi %iota3A, %add3A_2973 : vector<16xi32>
    %select_n3A_2975 = arith.select %eq3A_2971, %add3A_2974, %broadcast_in_dim3A_13 : vector<16xi1>, vector<16xi32>
    %min3A_2976 = arith.minsi %broadcast_in_dim3A_13, %select_n3A_2975 : vector<16xi32>
    %eq3A_2977 = arith.cmpf oeq, %select_n3A_2925, %max3A_2970 : vector<16xf32>
    %add3A_2978 = arith.constant 16 : i32
    %add3A_2979 = vector.broadcast %add3A_2978 : i32 to vector<16xi32>
    %add3A_2980 = arith.addi %iota3A, %add3A_2979 : vector<16xi32>
    %select_n3A_2981 = arith.select %eq3A_2977, %add3A_2980, %broadcast_in_dim3A_13 : vector<16xi1>, vector<16xi32>
    %min3A_2982 = arith.minsi %min3A_2976, %select_n3A_2981 : vector<16xi32>
    %eq3A_2983 = arith.cmpf oeq, %select_n3A_2932, %max3A_2970 : vector<16xf32>
    %add3A_2984 = arith.constant 32 : i32
    %add3A_2985 = vector.broadcast %add3A_2984 : i32 to vector<16xi32>
    %add3A_2986 = arith.addi %iota3A, %add3A_2985 : vector<16xi32>
    %select_n3A_2987 = arith.select %eq3A_2983, %add3A_2986, %broadcast_in_dim3A_13 : vector<16xi1>, vector<16xi32>
    %min3A_2988 = arith.minsi %min3A_2982, %select_n3A_2987 : vector<16xi32>
    %eq3A_2989 = arith.cmpf oeq, %select_n3A_2939, %max3A_2970 : vector<16xf32>
    %add3A_2990 = arith.constant 48 : i32
    %add3A_2991 = vector.broadcast %add3A_2990 : i32 to vector<16xi32>
    %add3A_2992 = arith.addi %iota3A, %add3A_2991 : vector<16xi32>
    %select_n3A_2993 = arith.select %eq3A_2989, %add3A_2992, %broadcast_in_dim3A_13 : vector<16xi1>, vector<16xi32>
    %min3A_2994 = arith.minsi %min3A_2988, %select_n3A_2993 : vector<16xi32>
    %xor3A_2995 = arith.constant 8 : i32
    %xor3A_2996 = vector.broadcast %xor3A_2995 : i32 to vector<16xi32>
    %xor3A_2997 = arith.xori %iota3A, %xor3A_2996 : vector<16xi32>
    %broadcast_in_dim3A_2998 = vector.shape_cast %xor3A_2997 : vector<16xi32> to vector<16x1xi32>
    %gather3A_2999 = vector.shape_cast %broadcast_in_dim3A_2998 : vector<16x1xi32> to vector<16xi32>
    %gather3A_3000 = tpu.dynamic_gather %min3A_2994[%gather3A_2999] in [0] : vector<16xi32>, vector<16xi32> -> vector<16xi32>
    %min3A_3001 = arith.minsi %min3A_2994, %gather3A_3000 : vector<16xi32>
    %xor3A_3002 = arith.constant 4 : i32
    %xor3A_3003 = vector.broadcast %xor3A_3002 : i32 to vector<16xi32>
    %xor3A_3004 = arith.xori %iota3A, %xor3A_3003 : vector<16xi32>
    %broadcast_in_dim3A_3005 = vector.shape_cast %xor3A_3004 : vector<16xi32> to vector<16x1xi32>
    %gather3A_3006 = vector.shape_cast %broadcast_in_dim3A_3005 : vector<16x1xi32> to vector<16xi32>
    %gather3A_3007 = tpu.dynamic_gather %min3A_3001[%gather3A_3006] in [0] : vector<16xi32>, vector<16xi32> -> vector<16xi32>
    %min3A_3008 = arith.minsi %min3A_3001, %gather3A_3007 : vector<16xi32>
    %xor3A_3009 = arith.constant 2 : i32
    %xor3A_3010 = vector.broadcast %xor3A_3009 : i32 to vector<16xi32>
    %xor3A_3011 = arith.xori %iota3A, %xor3A_3010 : vector<16xi32>
    %broadcast_in_dim3A_3012 = vector.shape_cast %xor3A_3011 : vector<16xi32> to vector<16x1xi32>
    %gather3A_3013 = vector.shape_cast %broadcast_in_dim3A_3012 : vector<16x1xi32> to vector<16xi32>
    %gather3A_3014 = tpu.dynamic_gather %min3A_3008[%gather3A_3013] in [0] : vector<16xi32>, vector<16xi32> -> vector<16xi32>
    %min3A_3015 = arith.minsi %min3A_3008, %gather3A_3014 : vector<16xi32>
    %xor3A_3016 = arith.constant 1 : i32
    %xor3A_3017 = vector.broadcast %xor3A_3016 : i32 to vector<16xi32>
    %xor3A_3018 = arith.xori %iota3A, %xor3A_3017 : vector<16xi32>
    %broadcast_in_dim3A_3019 = vector.shape_cast %xor3A_3018 : vector<16xi32> to vector<16x1xi32>
    %gather3A_3020 = vector.shape_cast %broadcast_in_dim3A_3019 : vector<16x1xi32> to vector<16xi32>
    %gather3A_3021 = tpu.dynamic_gather %min3A_3015[%gather3A_3020] in [0] : vector<16xi32>, vector<16xi32> -> vector<16xi32>
    %min3A_3022 = arith.minsi %min3A_3015, %gather3A_3021 : vector<16xi32>
    %eq3A_3023 = arith.constant 6 : i32
    %eq3A_3024 = vector.broadcast %eq3A_3023 : i32 to vector<16xi32>
    %eq3A_3025 = arith.cmpi eq, %iota3A, %eq3A_3024 : vector<16xi32>
    %select_n3A_3026 = arith.select %eq3A_3025, %max3A_2970, %select_n3A_2906 : vector<16xi1>, vector<16xf32>
    %eq3A_3027 = arith.constant 6 : i32
    %eq3A_3028 = vector.broadcast %eq3A_3027 : i32 to vector<16xi32>
    %eq3A_3029 = arith.cmpi eq, %iota3A, %eq3A_3028 : vector<16xi32>
    %select_n3A_3030 = arith.select %eq3A_3029, %min3A_3022, %select_n3A_2910 : vector<16xi1>, vector<16xi32>
    %add3A_3031 = arith.addf %add3A_2911, %max3A_2970 : vector<16xf32>
    %add3A_3032 = arith.constant 0 : i32
    %add3A_3033 = vector.broadcast %add3A_3032 : i32 to vector<16xi32>
    %add3A_3034 = arith.addi %iota3A, %add3A_3033 : vector<16xi32>
    %eq3A_3035 = arith.cmpi eq, %add3A_3034, %min3A_3022 : vector<16xi32>
    %jit3A_3036 = arith.constant -1.000000e+00 : f32
    %broadcast_in_dim3A_3037 = vector.broadcast %jit3A_3036 : f32 to vector<16xf32>
    %select_n3A_3038 = arith.select %eq3A_3035, %broadcast_in_dim3A_3037, %select_n3A_2918 : vector<16xi1>, vector<16xf32>
    %add3A_3039 = arith.constant 16 : i32
    %add3A_3040 = vector.broadcast %add3A_3039 : i32 to vector<16xi32>
    %add3A_3041 = arith.addi %iota3A, %add3A_3040 : vector<16xi32>
    %eq3A_3042 = arith.cmpi eq, %add3A_3041, %min3A_3022 : vector<16xi32>
    %jit3A_3043 = arith.constant -1.000000e+00 : f32
    %broadcast_in_dim3A_3044 = vector.broadcast %jit3A_3043 : f32 to vector<16xf32>
    %select_n3A_3045 = arith.select %eq3A_3042, %broadcast_in_dim3A_3044, %select_n3A_2925 : vector<16xi1>, vector<16xf32>
    %add3A_3046 = arith.constant 32 : i32
    %add3A_3047 = vector.broadcast %add3A_3046 : i32 to vector<16xi32>
    %add3A_3048 = arith.addi %iota3A, %add3A_3047 : vector<16xi32>
    %eq3A_3049 = arith.cmpi eq, %add3A_3048, %min3A_3022 : vector<16xi32>
    %jit3A_3050 = arith.constant -1.000000e+00 : f32
    %broadcast_in_dim3A_3051 = vector.broadcast %jit3A_3050 : f32 to vector<16xf32>
    %select_n3A_3052 = arith.select %eq3A_3049, %broadcast_in_dim3A_3051, %select_n3A_2932 : vector<16xi1>, vector<16xf32>
    %add3A_3053 = arith.constant 48 : i32
    %add3A_3054 = vector.broadcast %add3A_3053 : i32 to vector<16xi32>
    %add3A_3055 = arith.addi %iota3A, %add3A_3054 : vector<16xi32>
    %eq3A_3056 = arith.cmpi eq, %add3A_3055, %min3A_3022 : vector<16xi32>
    %jit3A_3057 = arith.constant -1.000000e+00 : f32
    %broadcast_in_dim3A_3058 = vector.broadcast %jit3A_3057 : f32 to vector<16xf32>
    %select_n3A_3059 = arith.select %eq3A_3056, %broadcast_in_dim3A_3058, %select_n3A_2939 : vector<16xi1>, vector<16xf32>
    %max3A_3060 = arith.maximumf %select_n3A_3038, %select_n3A_3045 : vector<16xf32>
    %max3A_3061 = arith.maximumf %select_n3A_3052, %select_n3A_3059 : vector<16xf32>
    %max3A_3062 = arith.maximumf %max3A_3060, %max3A_3061 : vector<16xf32>
    %xor3A_3063 = arith.constant 8 : i32
    %xor3A_3064 = vector.broadcast %xor3A_3063 : i32 to vector<16xi32>
    %xor3A_3065 = arith.xori %iota3A, %xor3A_3064 : vector<16xi32>
    %broadcast_in_dim3A_3066 = vector.shape_cast %xor3A_3065 : vector<16xi32> to vector<16x1xi32>
    %gather3A_3067 = vector.shape_cast %broadcast_in_dim3A_3066 : vector<16x1xi32> to vector<16xi32>
    %gather3A_3068 = tpu.dynamic_gather %max3A_3062[%gather3A_3067] in [0] : vector<16xf32>, vector<16xi32> -> vector<16xf32>
    %max3A_3069 = arith.maximumf %max3A_3062, %gather3A_3068 : vector<16xf32>
    %xor3A_3070 = arith.constant 4 : i32
    %xor3A_3071 = vector.broadcast %xor3A_3070 : i32 to vector<16xi32>
    %xor3A_3072 = arith.xori %iota3A, %xor3A_3071 : vector<16xi32>
    %broadcast_in_dim3A_3073 = vector.shape_cast %xor3A_3072 : vector<16xi32> to vector<16x1xi32>
    %gather3A_3074 = vector.shape_cast %broadcast_in_dim3A_3073 : vector<16x1xi32> to vector<16xi32>
    %gather3A_3075 = tpu.dynamic_gather %max3A_3069[%gather3A_3074] in [0] : vector<16xf32>, vector<16xi32> -> vector<16xf32>
    %max3A_3076 = arith.maximumf %max3A_3069, %gather3A_3075 : vector<16xf32>
    %xor3A_3077 = arith.constant 2 : i32
    %xor3A_3078 = vector.broadcast %xor3A_3077 : i32 to vector<16xi32>
    %xor3A_3079 = arith.xori %iota3A, %xor3A_3078 : vector<16xi32>
    %broadcast_in_dim3A_3080 = vector.shape_cast %xor3A_3079 : vector<16xi32> to vector<16x1xi32>
    %gather3A_3081 = vector.shape_cast %broadcast_in_dim3A_3080 : vector<16x1xi32> to vector<16xi32>
    %gather3A_3082 = tpu.dynamic_gather %max3A_3076[%gather3A_3081] in [0] : vector<16xf32>, vector<16xi32> -> vector<16xf32>
    %max3A_3083 = arith.maximumf %max3A_3076, %gather3A_3082 : vector<16xf32>
    %xor3A_3084 = arith.constant 1 : i32
    %xor3A_3085 = vector.broadcast %xor3A_3084 : i32 to vector<16xi32>
    %xor3A_3086 = arith.xori %iota3A, %xor3A_3085 : vector<16xi32>
    %broadcast_in_dim3A_3087 = vector.shape_cast %xor3A_3086 : vector<16xi32> to vector<16x1xi32>
    %gather3A_3088 = vector.shape_cast %broadcast_in_dim3A_3087 : vector<16x1xi32> to vector<16xi32>
    %gather3A_3089 = tpu.dynamic_gather %max3A_3083[%gather3A_3088] in [0] : vector<16xf32>, vector<16xi32> -> vector<16xf32>
    %max3A_3090 = arith.maximumf %max3A_3083, %gather3A_3089 : vector<16xf32>
    %eq3A_3091 = arith.cmpf oeq, %select_n3A_3038, %max3A_3090 : vector<16xf32>
    %add3A_3092 = arith.constant 0 : i32
    %add3A_3093 = vector.broadcast %add3A_3092 : i32 to vector<16xi32>
    %add3A_3094 = arith.addi %iota3A, %add3A_3093 : vector<16xi32>
    %select_n3A_3095 = arith.select %eq3A_3091, %add3A_3094, %broadcast_in_dim3A_13 : vector<16xi1>, vector<16xi32>
    %min3A_3096 = arith.minsi %broadcast_in_dim3A_13, %select_n3A_3095 : vector<16xi32>
    %eq3A_3097 = arith.cmpf oeq, %select_n3A_3045, %max3A_3090 : vector<16xf32>
    %add3A_3098 = arith.constant 16 : i32
    %add3A_3099 = vector.broadcast %add3A_3098 : i32 to vector<16xi32>
    %add3A_3100 = arith.addi %iota3A, %add3A_3099 : vector<16xi32>
    %select_n3A_3101 = arith.select %eq3A_3097, %add3A_3100, %broadcast_in_dim3A_13 : vector<16xi1>, vector<16xi32>
    %min3A_3102 = arith.minsi %min3A_3096, %select_n3A_3101 : vector<16xi32>
    %eq3A_3103 = arith.cmpf oeq, %select_n3A_3052, %max3A_3090 : vector<16xf32>
    %add3A_3104 = arith.constant 32 : i32
    %add3A_3105 = vector.broadcast %add3A_3104 : i32 to vector<16xi32>
    %add3A_3106 = arith.addi %iota3A, %add3A_3105 : vector<16xi32>
    %select_n3A_3107 = arith.select %eq3A_3103, %add3A_3106, %broadcast_in_dim3A_13 : vector<16xi1>, vector<16xi32>
    %min3A_3108 = arith.minsi %min3A_3102, %select_n3A_3107 : vector<16xi32>
    %eq3A_3109 = arith.cmpf oeq, %select_n3A_3059, %max3A_3090 : vector<16xf32>
    %add3A_3110 = arith.constant 48 : i32
    %add3A_3111 = vector.broadcast %add3A_3110 : i32 to vector<16xi32>
    %add3A_3112 = arith.addi %iota3A, %add3A_3111 : vector<16xi32>
    %select_n3A_3113 = arith.select %eq3A_3109, %add3A_3112, %broadcast_in_dim3A_13 : vector<16xi1>, vector<16xi32>
    %min3A_3114 = arith.minsi %min3A_3108, %select_n3A_3113 : vector<16xi32>
    %xor3A_3115 = arith.constant 8 : i32
    %xor3A_3116 = vector.broadcast %xor3A_3115 : i32 to vector<16xi32>
    %xor3A_3117 = arith.xori %iota3A, %xor3A_3116 : vector<16xi32>
    %broadcast_in_dim3A_3118 = vector.shape_cast %xor3A_3117 : vector<16xi32> to vector<16x1xi32>
    %gather3A_3119 = vector.shape_cast %broadcast_in_dim3A_3118 : vector<16x1xi32> to vector<16xi32>
    %gather3A_3120 = tpu.dynamic_gather %min3A_3114[%gather3A_3119] in [0] : vector<16xi32>, vector<16xi32> -> vector<16xi32>
    %min3A_3121 = arith.minsi %min3A_3114, %gather3A_3120 : vector<16xi32>
    %xor3A_3122 = arith.constant 4 : i32
    %xor3A_3123 = vector.broadcast %xor3A_3122 : i32 to vector<16xi32>
    %xor3A_3124 = arith.xori %iota3A, %xor3A_3123 : vector<16xi32>
    %broadcast_in_dim3A_3125 = vector.shape_cast %xor3A_3124 : vector<16xi32> to vector<16x1xi32>
    %gather3A_3126 = vector.shape_cast %broadcast_in_dim3A_3125 : vector<16x1xi32> to vector<16xi32>
    %gather3A_3127 = tpu.dynamic_gather %min3A_3121[%gather3A_3126] in [0] : vector<16xi32>, vector<16xi32> -> vector<16xi32>
    %min3A_3128 = arith.minsi %min3A_3121, %gather3A_3127 : vector<16xi32>
    %xor3A_3129 = arith.constant 2 : i32
    %xor3A_3130 = vector.broadcast %xor3A_3129 : i32 to vector<16xi32>
    %xor3A_3131 = arith.xori %iota3A, %xor3A_3130 : vector<16xi32>
    %broadcast_in_dim3A_3132 = vector.shape_cast %xor3A_3131 : vector<16xi32> to vector<16x1xi32>
    %gather3A_3133 = vector.shape_cast %broadcast_in_dim3A_3132 : vector<16x1xi32> to vector<16xi32>
    %gather3A_3134 = tpu.dynamic_gather %min3A_3128[%gather3A_3133] in [0] : vector<16xi32>, vector<16xi32> -> vector<16xi32>
    %min3A_3135 = arith.minsi %min3A_3128, %gather3A_3134 : vector<16xi32>
    %xor3A_3136 = arith.constant 1 : i32
    %xor3A_3137 = vector.broadcast %xor3A_3136 : i32 to vector<16xi32>
    %xor3A_3138 = arith.xori %iota3A, %xor3A_3137 : vector<16xi32>
    %broadcast_in_dim3A_3139 = vector.shape_cast %xor3A_3138 : vector<16xi32> to vector<16x1xi32>
    %gather3A_3140 = vector.shape_cast %broadcast_in_dim3A_3139 : vector<16x1xi32> to vector<16xi32>
    %gather3A_3141 = tpu.dynamic_gather %min3A_3135[%gather3A_3140] in [0] : vector<16xi32>, vector<16xi32> -> vector<16xi32>
    %min3A_3142 = arith.minsi %min3A_3135, %gather3A_3141 : vector<16xi32>
    %eq3A_3143 = arith.constant 7 : i32
    %eq3A_3144 = vector.broadcast %eq3A_3143 : i32 to vector<16xi32>
    %eq3A_3145 = arith.cmpi eq, %iota3A, %eq3A_3144 : vector<16xi32>
    %select_n3A_3146 = arith.select %eq3A_3145, %max3A_3090, %select_n3A_3026 : vector<16xi1>, vector<16xf32>
    %eq3A_3147 = arith.constant 7 : i32
    %eq3A_3148 = vector.broadcast %eq3A_3147 : i32 to vector<16xi32>
    %eq3A_3149 = arith.cmpi eq, %iota3A, %eq3A_3148 : vector<16xi32>
    %select_n3A_3150 = arith.select %eq3A_3149, %min3A_3142, %select_n3A_3030 : vector<16xi1>, vector<16xi32>
    %add3A_3151 = arith.addf %add3A_3031, %max3A_3090 : vector<16xf32>
    %add3A_3152 = arith.constant 0 : i32
    %add3A_3153 = vector.broadcast %add3A_3152 : i32 to vector<16xi32>
    %add3A_3154 = arith.addi %iota3A, %add3A_3153 : vector<16xi32>
    %eq3A_3155 = arith.cmpi eq, %add3A_3154, %min3A_3142 : vector<16xi32>
    %jit3A_3156 = arith.constant -1.000000e+00 : f32
    %broadcast_in_dim3A_3157 = vector.broadcast %jit3A_3156 : f32 to vector<16xf32>
    %select_n3A_3158 = arith.select %eq3A_3155, %broadcast_in_dim3A_3157, %select_n3A_3038 : vector<16xi1>, vector<16xf32>
    %add3A_3159 = arith.constant 16 : i32
    %add3A_3160 = vector.broadcast %add3A_3159 : i32 to vector<16xi32>
    %add3A_3161 = arith.addi %iota3A, %add3A_3160 : vector<16xi32>
    %eq3A_3162 = arith.cmpi eq, %add3A_3161, %min3A_3142 : vector<16xi32>
    %jit3A_3163 = arith.constant -1.000000e+00 : f32
    %broadcast_in_dim3A_3164 = vector.broadcast %jit3A_3163 : f32 to vector<16xf32>
    %select_n3A_3165 = arith.select %eq3A_3162, %broadcast_in_dim3A_3164, %select_n3A_3045 : vector<16xi1>, vector<16xf32>
    %add3A_3166 = arith.constant 32 : i32
    %add3A_3167 = vector.broadcast %add3A_3166 : i32 to vector<16xi32>
    %add3A_3168 = arith.addi %iota3A, %add3A_3167 : vector<16xi32>
    %eq3A_3169 = arith.cmpi eq, %add3A_3168, %min3A_3142 : vector<16xi32>
    %jit3A_3170 = arith.constant -1.000000e+00 : f32
    %broadcast_in_dim3A_3171 = vector.broadcast %jit3A_3170 : f32 to vector<16xf32>
    %select_n3A_3172 = arith.select %eq3A_3169, %broadcast_in_dim3A_3171, %select_n3A_3052 : vector<16xi1>, vector<16xf32>
    %add3A_3173 = arith.constant 48 : i32
    %add3A_3174 = vector.broadcast %add3A_3173 : i32 to vector<16xi32>
    %add3A_3175 = arith.addi %iota3A, %add3A_3174 : vector<16xi32>
    %eq3A_3176 = arith.cmpi eq, %add3A_3175, %min3A_3142 : vector<16xi32>
    %jit3A_3177 = arith.constant -1.000000e+00 : f32
    %broadcast_in_dim3A_3178 = vector.broadcast %jit3A_3177 : f32 to vector<16xf32>
    %select_n3A_3179 = arith.select %eq3A_3176, %broadcast_in_dim3A_3178, %select_n3A_3059 : vector<16xi1>, vector<16xf32>
    %div3A_3180 = arith.constant 1.000000e+00 : f32
    %div3A_3181 = vector.broadcast %div3A_3180 : f32 to vector<16xf32>
    %div3A_3182 = arith.divf %div3A_3181, %add3A_3151 : vector<16xf32>
    %mul3A_3183 = arith.mulf %select_n3A_3146, %div3A_3182 : vector<16xf32>
    %add3A_3184 = arith.addf %broadcast_in_dim3A_7, %mul3A_3183 : vector<16xf32>
    %add3A_3185 = arith.addi %broadcast_in_dim3A_11, %select_n3A_3150 : vector<16xi32>
    %get3A_3186 = arith.constant 192 : index
    %get3A_3187 = tpu.vector_load %arg5[%get3A_3186] {strides = array<i32>} : memref<256xf32, #tpu.memory_space<vmem>>, vector<16xf32>,
    %get3A_3188 = vector.shape_cast %get3A_3187 : vector<16xf32> to vector<16xf32>
    %get3A_3189 = arith.constant 208 : index
    %get3A_3190 = tpu.vector_load %arg5[%get3A_3189] {strides = array<i32>} : memref<256xf32, #tpu.memory_space<vmem>>, vector<16xf32>,
    %get3A_3191 = vector.shape_cast %get3A_3190 : vector<16xf32> to vector<16xf32>
    %get3A_3192 = arith.constant 224 : index
    %get3A_3193 = tpu.vector_load %arg5[%get3A_3192] {strides = array<i32>} : memref<256xf32, #tpu.memory_space<vmem>>, vector<16xf32>,
    %get3A_3194 = vector.shape_cast %get3A_3193 : vector<16xf32> to vector<16xf32>
    %get3A_3195 = arith.constant 240 : index
    %get3A_3196 = tpu.vector_load %arg5[%get3A_3195] {strides = array<i32>} : memref<256xf32, #tpu.memory_space<vmem>>, vector<16xf32>,
    %get3A_3197 = vector.shape_cast %get3A_3196 : vector<16xf32> to vector<16xf32>
    %max3A_3198 = arith.maximumf %get3A_3188, %get3A_3191 : vector<16xf32>
    %max3A_3199 = arith.maximumf %get3A_3194, %get3A_3197 : vector<16xf32>
    %max3A_3200 = arith.maximumf %max3A_3198, %max3A_3199 : vector<16xf32>
    %xor3A_3201 = arith.constant 8 : i32
    %xor3A_3202 = vector.broadcast %xor3A_3201 : i32 to vector<16xi32>
    %xor3A_3203 = arith.xori %iota3A, %xor3A_3202 : vector<16xi32>
    %broadcast_in_dim3A_3204 = vector.shape_cast %xor3A_3203 : vector<16xi32> to vector<16x1xi32>
    %gather3A_3205 = vector.shape_cast %broadcast_in_dim3A_3204 : vector<16x1xi32> to vector<16xi32>
    %gather3A_3206 = tpu.dynamic_gather %max3A_3200[%gather3A_3205] in [0] : vector<16xf32>, vector<16xi32> -> vector<16xf32>
    %max3A_3207 = arith.maximumf %max3A_3200, %gather3A_3206 : vector<16xf32>
    %xor3A_3208 = arith.constant 4 : i32
    %xor3A_3209 = vector.broadcast %xor3A_3208 : i32 to vector<16xi32>
    %xor3A_3210 = arith.xori %iota3A, %xor3A_3209 : vector<16xi32>
    %broadcast_in_dim3A_3211 = vector.shape_cast %xor3A_3210 : vector<16xi32> to vector<16x1xi32>
    %gather3A_3212 = vector.shape_cast %broadcast_in_dim3A_3211 : vector<16x1xi32> to vector<16xi32>
    %gather3A_3213 = tpu.dynamic_gather %max3A_3207[%gather3A_3212] in [0] : vector<16xf32>, vector<16xi32> -> vector<16xf32>
    %max3A_3214 = arith.maximumf %max3A_3207, %gather3A_3213 : vector<16xf32>
    %xor3A_3215 = arith.constant 2 : i32
    %xor3A_3216 = vector.broadcast %xor3A_3215 : i32 to vector<16xi32>
    %xor3A_3217 = arith.xori %iota3A, %xor3A_3216 : vector<16xi32>
    %broadcast_in_dim3A_3218 = vector.shape_cast %xor3A_3217 : vector<16xi32> to vector<16x1xi32>
    %gather3A_3219 = vector.shape_cast %broadcast_in_dim3A_3218 : vector<16x1xi32> to vector<16xi32>
    %gather3A_3220 = tpu.dynamic_gather %max3A_3214[%gather3A_3219] in [0] : vector<16xf32>, vector<16xi32> -> vector<16xf32>
    %max3A_3221 = arith.maximumf %max3A_3214, %gather3A_3220 : vector<16xf32>
    %xor3A_3222 = arith.constant 1 : i32
    %xor3A_3223 = vector.broadcast %xor3A_3222 : i32 to vector<16xi32>
    %xor3A_3224 = arith.xori %iota3A, %xor3A_3223 : vector<16xi32>
    %broadcast_in_dim3A_3225 = vector.shape_cast %xor3A_3224 : vector<16xi32> to vector<16x1xi32>
    %gather3A_3226 = vector.shape_cast %broadcast_in_dim3A_3225 : vector<16x1xi32> to vector<16xi32>
    %gather3A_3227 = tpu.dynamic_gather %max3A_3221[%gather3A_3226] in [0] : vector<16xf32>, vector<16xi32> -> vector<16xf32>
    %max3A_3228 = arith.maximumf %max3A_3221, %gather3A_3227 : vector<16xf32>
    %sub3A_3229 = arith.subf %get3A_3188, %max3A_3228 : vector<16xf32>
    %exp3A_3230 = math.exp %sub3A_3229 : vector<16xf32>
    %sub3A_3231 = arith.subf %get3A_3191, %max3A_3228 : vector<16xf32>
    %exp3A_3232 = math.exp %sub3A_3231 : vector<16xf32>
    %sub3A_3233 = arith.subf %get3A_3194, %max3A_3228 : vector<16xf32>
    %exp3A_3234 = math.exp %sub3A_3233 : vector<16xf32>
    %sub3A_3235 = arith.subf %get3A_3197, %max3A_3228 : vector<16xf32>
    %exp3A_3236 = math.exp %sub3A_3235 : vector<16xf32>
    %add3A_3237 = arith.addf %exp3A_3230, %exp3A_3232 : vector<16xf32>
    %add3A_3238 = arith.addf %add3A_3237, %exp3A_3234 : vector<16xf32>
    %add3A_3239 = arith.addf %add3A_3238, %exp3A_3236 : vector<16xf32>
    %xor3A_3240 = arith.constant 8 : i32
    %xor3A_3241 = vector.broadcast %xor3A_3240 : i32 to vector<16xi32>
    %xor3A_3242 = arith.xori %iota3A, %xor3A_3241 : vector<16xi32>
    %broadcast_in_dim3A_3243 = vector.shape_cast %xor3A_3242 : vector<16xi32> to vector<16x1xi32>
    %gather3A_3244 = vector.shape_cast %broadcast_in_dim3A_3243 : vector<16x1xi32> to vector<16xi32>
    %gather3A_3245 = tpu.dynamic_gather %add3A_3239[%gather3A_3244] in [0] : vector<16xf32>, vector<16xi32> -> vector<16xf32>
    %add3A_3246 = arith.addf %add3A_3239, %gather3A_3245 : vector<16xf32>
    %xor3A_3247 = arith.constant 4 : i32
    %xor3A_3248 = vector.broadcast %xor3A_3247 : i32 to vector<16xi32>
    %xor3A_3249 = arith.xori %iota3A, %xor3A_3248 : vector<16xi32>
    %broadcast_in_dim3A_3250 = vector.shape_cast %xor3A_3249 : vector<16xi32> to vector<16x1xi32>
    %gather3A_3251 = vector.shape_cast %broadcast_in_dim3A_3250 : vector<16x1xi32> to vector<16xi32>
    %gather3A_3252 = tpu.dynamic_gather %add3A_3246[%gather3A_3251] in [0] : vector<16xf32>, vector<16xi32> -> vector<16xf32>
    %add3A_3253 = arith.addf %add3A_3246, %gather3A_3252 : vector<16xf32>
    %xor3A_3254 = arith.constant 2 : i32
    %xor3A_3255 = vector.broadcast %xor3A_3254 : i32 to vector<16xi32>
    %xor3A_3256 = arith.xori %iota3A, %xor3A_3255 : vector<16xi32>
    %broadcast_in_dim3A_3257 = vector.shape_cast %xor3A_3256 : vector<16xi32> to vector<16x1xi32>
    %gather3A_3258 = vector.shape_cast %broadcast_in_dim3A_3257 : vector<16x1xi32> to vector<16xi32>
    %gather3A_3259 = tpu.dynamic_gather %add3A_3253[%gather3A_3258] in [0] : vector<16xf32>, vector<16xi32> -> vector<16xf32>
    %add3A_3260 = arith.addf %add3A_3253, %gather3A_3259 : vector<16xf32>
    %xor3A_3261 = arith.constant 1 : i32
    %xor3A_3262 = vector.broadcast %xor3A_3261 : i32 to vector<16xi32>
    %xor3A_3263 = arith.xori %iota3A, %xor3A_3262 : vector<16xi32>
    %broadcast_in_dim3A_3264 = vector.shape_cast %xor3A_3263 : vector<16xi32> to vector<16x1xi32>
    %gather3A_3265 = vector.shape_cast %broadcast_in_dim3A_3264 : vector<16x1xi32> to vector<16xi32>
    %gather3A_3266 = tpu.dynamic_gather %add3A_3260[%gather3A_3265] in [0] : vector<16xf32>, vector<16xi32> -> vector<16xf32>
    %add3A_3267 = arith.addf %add3A_3260, %gather3A_3266 : vector<16xf32>
    %div3A_3268 = arith.constant 1.000000e+00 : f32
    %div3A_3269 = vector.broadcast %div3A_3268 : f32 to vector<16xf32>
    %div3A_3270 = arith.divf %div3A_3269, %add3A_3267 : vector<16xf32>
    %mul3A_3271 = arith.mulf %exp3A_3230, %div3A_3270 : vector<16xf32>
    %mul3A_3272 = arith.mulf %exp3A_3232, %div3A_3270 : vector<16xf32>
    %mul3A_3273 = arith.mulf %exp3A_3234, %div3A_3270 : vector<16xf32>
    %mul3A_3274 = arith.mulf %exp3A_3236, %div3A_3270 : vector<16xf32>
    %broadcast_in_dim3A_3275 = arith.constant 0.000000e+00 : f32
    %broadcast_in_dim3A_3276 = vector.broadcast %broadcast_in_dim3A_3275 : f32 to vector<16xf32>
    %broadcast_in_dim3A_3277 = arith.constant 0 : i32
    %broadcast_in_dim3A_3278 = vector.broadcast %broadcast_in_dim3A_3277 : i32 to vector<16xi32>
    %broadcast_in_dim3A_3279 = arith.constant 0.000000e+00 : f32
    %broadcast_in_dim3A_3280 = vector.broadcast %broadcast_in_dim3A_3279 : f32 to vector<16xf32>
    %max3A_3281 = arith.maximumf %mul3A_3271, %mul3A_3272 : vector<16xf32>
    %max3A_3282 = arith.maximumf %mul3A_3273, %mul3A_3274 : vector<16xf32>
    %max3A_3283 = arith.maximumf %max3A_3281, %max3A_3282 : vector<16xf32>
    %xor3A_3284 = arith.constant 8 : i32
    %xor3A_3285 = vector.broadcast %xor3A_3284 : i32 to vector<16xi32>
    %xor3A_3286 = arith.xori %iota3A, %xor3A_3285 : vector<16xi32>
    %broadcast_in_dim3A_3287 = vector.shape_cast %xor3A_3286 : vector<16xi32> to vector<16x1xi32>
    %gather3A_3288 = vector.shape_cast %broadcast_in_dim3A_3287 : vector<16x1xi32> to vector<16xi32>
    %gather3A_3289 = tpu.dynamic_gather %max3A_3283[%gather3A_3288] in [0] : vector<16xf32>, vector<16xi32> -> vector<16xf32>
    %max3A_3290 = arith.maximumf %max3A_3283, %gather3A_3289 : vector<16xf32>
    %xor3A_3291 = arith.constant 4 : i32
    %xor3A_3292 = vector.broadcast %xor3A_3291 : i32 to vector<16xi32>
    %xor3A_3293 = arith.xori %iota3A, %xor3A_3292 : vector<16xi32>
    %broadcast_in_dim3A_3294 = vector.shape_cast %xor3A_3293 : vector<16xi32> to vector<16x1xi32>
    %gather3A_3295 = vector.shape_cast %broadcast_in_dim3A_3294 : vector<16x1xi32> to vector<16xi32>
    %gather3A_3296 = tpu.dynamic_gather %max3A_3290[%gather3A_3295] in [0] : vector<16xf32>, vector<16xi32> -> vector<16xf32>
    %max3A_3297 = arith.maximumf %max3A_3290, %gather3A_3296 : vector<16xf32>
    %xor3A_3298 = arith.constant 2 : i32
    %xor3A_3299 = vector.broadcast %xor3A_3298 : i32 to vector<16xi32>
    %xor3A_3300 = arith.xori %iota3A, %xor3A_3299 : vector<16xi32>
    %broadcast_in_dim3A_3301 = vector.shape_cast %xor3A_3300 : vector<16xi32> to vector<16x1xi32>
    %gather3A_3302 = vector.shape_cast %broadcast_in_dim3A_3301 : vector<16x1xi32> to vector<16xi32>
    %gather3A_3303 = tpu.dynamic_gather %max3A_3297[%gather3A_3302] in [0] : vector<16xf32>, vector<16xi32> -> vector<16xf32>
    %max3A_3304 = arith.maximumf %max3A_3297, %gather3A_3303 : vector<16xf32>
    %xor3A_3305 = arith.constant 1 : i32
    %xor3A_3306 = vector.broadcast %xor3A_3305 : i32 to vector<16xi32>
    %xor3A_3307 = arith.xori %iota3A, %xor3A_3306 : vector<16xi32>
    %broadcast_in_dim3A_3308 = vector.shape_cast %xor3A_3307 : vector<16xi32> to vector<16x1xi32>
    %gather3A_3309 = vector.shape_cast %broadcast_in_dim3A_3308 : vector<16x1xi32> to vector<16xi32>
    %gather3A_3310 = tpu.dynamic_gather %max3A_3304[%gather3A_3309] in [0] : vector<16xf32>, vector<16xi32> -> vector<16xf32>
    %max3A_3311 = arith.maximumf %max3A_3304, %gather3A_3310 : vector<16xf32>
    %eq3A_3312 = arith.cmpf oeq, %mul3A_3271, %max3A_3311 : vector<16xf32>
    %add3A_3313 = arith.constant 0 : i32
    %add3A_3314 = vector.broadcast %add3A_3313 : i32 to vector<16xi32>
    %add3A_3315 = arith.addi %iota3A, %add3A_3314 : vector<16xi32>
    %select_n3A_3316 = arith.select %eq3A_3312, %add3A_3315, %broadcast_in_dim3A_13 : vector<16xi1>, vector<16xi32>
    %min3A_3317 = arith.minsi %broadcast_in_dim3A_13, %select_n3A_3316 : vector<16xi32>
    %eq3A_3318 = arith.cmpf oeq, %mul3A_3272, %max3A_3311 : vector<16xf32>
    %add3A_3319 = arith.constant 16 : i32
    %add3A_3320 = vector.broadcast %add3A_3319 : i32 to vector<16xi32>
    %add3A_3321 = arith.addi %iota3A, %add3A_3320 : vector<16xi32>
    %select_n3A_3322 = arith.select %eq3A_3318, %add3A_3321, %broadcast_in_dim3A_13 : vector<16xi1>, vector<16xi32>
    %min3A_3323 = arith.minsi %min3A_3317, %select_n3A_3322 : vector<16xi32>
    %eq3A_3324 = arith.cmpf oeq, %mul3A_3273, %max3A_3311 : vector<16xf32>
    %add3A_3325 = arith.constant 32 : i32
    %add3A_3326 = vector.broadcast %add3A_3325 : i32 to vector<16xi32>
    %add3A_3327 = arith.addi %iota3A, %add3A_3326 : vector<16xi32>
    %select_n3A_3328 = arith.select %eq3A_3324, %add3A_3327, %broadcast_in_dim3A_13 : vector<16xi1>, vector<16xi32>
    %min3A_3329 = arith.minsi %min3A_3323, %select_n3A_3328 : vector<16xi32>
    %eq3A_3330 = arith.cmpf oeq, %mul3A_3274, %max3A_3311 : vector<16xf32>
    %add3A_3331 = arith.constant 48 : i32
    %add3A_3332 = vector.broadcast %add3A_3331 : i32 to vector<16xi32>
    %add3A_3333 = arith.addi %iota3A, %add3A_3332 : vector<16xi32>
    %select_n3A_3334 = arith.select %eq3A_3330, %add3A_3333, %broadcast_in_dim3A_13 : vector<16xi1>, vector<16xi32>
    %min3A_3335 = arith.minsi %min3A_3329, %select_n3A_3334 : vector<16xi32>
    %xor3A_3336 = arith.constant 8 : i32
    %xor3A_3337 = vector.broadcast %xor3A_3336 : i32 to vector<16xi32>
    %xor3A_3338 = arith.xori %iota3A, %xor3A_3337 : vector<16xi32>
    %broadcast_in_dim3A_3339 = vector.shape_cast %xor3A_3338 : vector<16xi32> to vector<16x1xi32>
    %gather3A_3340 = vector.shape_cast %broadcast_in_dim3A_3339 : vector<16x1xi32> to vector<16xi32>
    %gather3A_3341 = tpu.dynamic_gather %min3A_3335[%gather3A_3340] in [0] : vector<16xi32>, vector<16xi32> -> vector<16xi32>
    %min3A_3342 = arith.minsi %min3A_3335, %gather3A_3341 : vector<16xi32>
    %xor3A_3343 = arith.constant 4 : i32
    %xor3A_3344 = vector.broadcast %xor3A_3343 : i32 to vector<16xi32>
    %xor3A_3345 = arith.xori %iota3A, %xor3A_3344 : vector<16xi32>
    %broadcast_in_dim3A_3346 = vector.shape_cast %xor3A_3345 : vector<16xi32> to vector<16x1xi32>
    %gather3A_3347 = vector.shape_cast %broadcast_in_dim3A_3346 : vector<16x1xi32> to vector<16xi32>
    %gather3A_3348 = tpu.dynamic_gather %min3A_3342[%gather3A_3347] in [0] : vector<16xi32>, vector<16xi32> -> vector<16xi32>
    %min3A_3349 = arith.minsi %min3A_3342, %gather3A_3348 : vector<16xi32>
    %xor3A_3350 = arith.constant 2 : i32
    %xor3A_3351 = vector.broadcast %xor3A_3350 : i32 to vector<16xi32>
    %xor3A_3352 = arith.xori %iota3A, %xor3A_3351 : vector<16xi32>
    %broadcast_in_dim3A_3353 = vector.shape_cast %xor3A_3352 : vector<16xi32> to vector<16x1xi32>
    %gather3A_3354 = vector.shape_cast %broadcast_in_dim3A_3353 : vector<16x1xi32> to vector<16xi32>
    %gather3A_3355 = tpu.dynamic_gather %min3A_3349[%gather3A_3354] in [0] : vector<16xi32>, vector<16xi32> -> vector<16xi32>
    %min3A_3356 = arith.minsi %min3A_3349, %gather3A_3355 : vector<16xi32>
    %xor3A_3357 = arith.constant 1 : i32
    %xor3A_3358 = vector.broadcast %xor3A_3357 : i32 to vector<16xi32>
    %xor3A_3359 = arith.xori %iota3A, %xor3A_3358 : vector<16xi32>
    %broadcast_in_dim3A_3360 = vector.shape_cast %xor3A_3359 : vector<16xi32> to vector<16x1xi32>
    %gather3A_3361 = vector.shape_cast %broadcast_in_dim3A_3360 : vector<16x1xi32> to vector<16xi32>
    %gather3A_3362 = tpu.dynamic_gather %min3A_3356[%gather3A_3361] in [0] : vector<16xi32>, vector<16xi32> -> vector<16xi32>
    %min3A_3363 = arith.minsi %min3A_3356, %gather3A_3362 : vector<16xi32>
    %eq3A_3364 = arith.constant 8 : i32
    %eq3A_3365 = vector.broadcast %eq3A_3364 : i32 to vector<16xi32>
    %eq3A_3366 = arith.cmpi eq, %iota3A, %eq3A_3365 : vector<16xi32>
    %select_n3A_3367 = arith.select %eq3A_3366, %max3A_3311, %broadcast_in_dim3A_3276 : vector<16xi1>, vector<16xf32>
    %eq3A_3368 = arith.constant 8 : i32
    %eq3A_3369 = vector.broadcast %eq3A_3368 : i32 to vector<16xi32>
    %eq3A_3370 = arith.cmpi eq, %iota3A, %eq3A_3369 : vector<16xi32>
    %select_n3A_3371 = arith.select %eq3A_3370, %min3A_3363, %broadcast_in_dim3A_3278 : vector<16xi1>, vector<16xi32>
    %add3A_3372 = arith.addf %broadcast_in_dim3A_3280, %max3A_3311 : vector<16xf32>
    %add3A_3373 = arith.constant 0 : i32
    %add3A_3374 = vector.broadcast %add3A_3373 : i32 to vector<16xi32>
    %add3A_3375 = arith.addi %iota3A, %add3A_3374 : vector<16xi32>
    %eq3A_3376 = arith.cmpi eq, %add3A_3375, %min3A_3363 : vector<16xi32>
    %jit3A_3377 = arith.constant -1.000000e+00 : f32
    %broadcast_in_dim3A_3378 = vector.broadcast %jit3A_3377 : f32 to vector<16xf32>
    %select_n3A_3379 = arith.select %eq3A_3376, %broadcast_in_dim3A_3378, %mul3A_3271 : vector<16xi1>, vector<16xf32>
    %add3A_3380 = arith.constant 16 : i32
    %add3A_3381 = vector.broadcast %add3A_3380 : i32 to vector<16xi32>
    %add3A_3382 = arith.addi %iota3A, %add3A_3381 : vector<16xi32>
    %eq3A_3383 = arith.cmpi eq, %add3A_3382, %min3A_3363 : vector<16xi32>
    %jit3A_3384 = arith.constant -1.000000e+00 : f32
    %broadcast_in_dim3A_3385 = vector.broadcast %jit3A_3384 : f32 to vector<16xf32>
    %select_n3A_3386 = arith.select %eq3A_3383, %broadcast_in_dim3A_3385, %mul3A_3272 : vector<16xi1>, vector<16xf32>
    %add3A_3387 = arith.constant 32 : i32
    %add3A_3388 = vector.broadcast %add3A_3387 : i32 to vector<16xi32>
    %add3A_3389 = arith.addi %iota3A, %add3A_3388 : vector<16xi32>
    %eq3A_3390 = arith.cmpi eq, %add3A_3389, %min3A_3363 : vector<16xi32>
    %jit3A_3391 = arith.constant -1.000000e+00 : f32
    %broadcast_in_dim3A_3392 = vector.broadcast %jit3A_3391 : f32 to vector<16xf32>
    %select_n3A_3393 = arith.select %eq3A_3390, %broadcast_in_dim3A_3392, %mul3A_3273 : vector<16xi1>, vector<16xf32>
    %add3A_3394 = arith.constant 48 : i32
    %add3A_3395 = vector.broadcast %add3A_3394 : i32 to vector<16xi32>
    %add3A_3396 = arith.addi %iota3A, %add3A_3395 : vector<16xi32>
    %eq3A_3397 = arith.cmpi eq, %add3A_3396, %min3A_3363 : vector<16xi32>
    %jit3A_3398 = arith.constant -1.000000e+00 : f32
    %broadcast_in_dim3A_3399 = vector.broadcast %jit3A_3398 : f32 to vector<16xf32>
    %select_n3A_3400 = arith.select %eq3A_3397, %broadcast_in_dim3A_3399, %mul3A_3274 : vector<16xi1>, vector<16xf32>
    %max3A_3401 = arith.maximumf %select_n3A_3379, %select_n3A_3386 : vector<16xf32>
    %max3A_3402 = arith.maximumf %select_n3A_3393, %select_n3A_3400 : vector<16xf32>
    %max3A_3403 = arith.maximumf %max3A_3401, %max3A_3402 : vector<16xf32>
    %xor3A_3404 = arith.constant 8 : i32
    %xor3A_3405 = vector.broadcast %xor3A_3404 : i32 to vector<16xi32>
    %xor3A_3406 = arith.xori %iota3A, %xor3A_3405 : vector<16xi32>
    %broadcast_in_dim3A_3407 = vector.shape_cast %xor3A_3406 : vector<16xi32> to vector<16x1xi32>
    %gather3A_3408 = vector.shape_cast %broadcast_in_dim3A_3407 : vector<16x1xi32> to vector<16xi32>
    %gather3A_3409 = tpu.dynamic_gather %max3A_3403[%gather3A_3408] in [0] : vector<16xf32>, vector<16xi32> -> vector<16xf32>
    %max3A_3410 = arith.maximumf %max3A_3403, %gather3A_3409 : vector<16xf32>
    %xor3A_3411 = arith.constant 4 : i32
    %xor3A_3412 = vector.broadcast %xor3A_3411 : i32 to vector<16xi32>
    %xor3A_3413 = arith.xori %iota3A, %xor3A_3412 : vector<16xi32>
    %broadcast_in_dim3A_3414 = vector.shape_cast %xor3A_3413 : vector<16xi32> to vector<16x1xi32>
    %gather3A_3415 = vector.shape_cast %broadcast_in_dim3A_3414 : vector<16x1xi32> to vector<16xi32>
    %gather3A_3416 = tpu.dynamic_gather %max3A_3410[%gather3A_3415] in [0] : vector<16xf32>, vector<16xi32> -> vector<16xf32>
    %max3A_3417 = arith.maximumf %max3A_3410, %gather3A_3416 : vector<16xf32>
    %xor3A_3418 = arith.constant 2 : i32
    %xor3A_3419 = vector.broadcast %xor3A_3418 : i32 to vector<16xi32>
    %xor3A_3420 = arith.xori %iota3A, %xor3A_3419 : vector<16xi32>
    %broadcast_in_dim3A_3421 = vector.shape_cast %xor3A_3420 : vector<16xi32> to vector<16x1xi32>
    %gather3A_3422 = vector.shape_cast %broadcast_in_dim3A_3421 : vector<16x1xi32> to vector<16xi32>
    %gather3A_3423 = tpu.dynamic_gather %max3A_3417[%gather3A_3422] in [0] : vector<16xf32>, vector<16xi32> -> vector<16xf32>
    %max3A_3424 = arith.maximumf %max3A_3417, %gather3A_3423 : vector<16xf32>
    %xor3A_3425 = arith.constant 1 : i32
    %xor3A_3426 = vector.broadcast %xor3A_3425 : i32 to vector<16xi32>
    %xor3A_3427 = arith.xori %iota3A, %xor3A_3426 : vector<16xi32>
    %broadcast_in_dim3A_3428 = vector.shape_cast %xor3A_3427 : vector<16xi32> to vector<16x1xi32>
    %gather3A_3429 = vector.shape_cast %broadcast_in_dim3A_3428 : vector<16x1xi32> to vector<16xi32>
    %gather3A_3430 = tpu.dynamic_gather %max3A_3424[%gather3A_3429] in [0] : vector<16xf32>, vector<16xi32> -> vector<16xf32>
    %max3A_3431 = arith.maximumf %max3A_3424, %gather3A_3430 : vector<16xf32>
    %eq3A_3432 = arith.cmpf oeq, %select_n3A_3379, %max3A_3431 : vector<16xf32>
    %add3A_3433 = arith.constant 0 : i32
    %add3A_3434 = vector.broadcast %add3A_3433 : i32 to vector<16xi32>
    %add3A_3435 = arith.addi %iota3A, %add3A_3434 : vector<16xi32>
    %select_n3A_3436 = arith.select %eq3A_3432, %add3A_3435, %broadcast_in_dim3A_13 : vector<16xi1>, vector<16xi32>
    %min3A_3437 = arith.minsi %broadcast_in_dim3A_13, %select_n3A_3436 : vector<16xi32>
    %eq3A_3438 = arith.cmpf oeq, %select_n3A_3386, %max3A_3431 : vector<16xf32>
    %add3A_3439 = arith.constant 16 : i32
    %add3A_3440 = vector.broadcast %add3A_3439 : i32 to vector<16xi32>
    %add3A_3441 = arith.addi %iota3A, %add3A_3440 : vector<16xi32>
    %select_n3A_3442 = arith.select %eq3A_3438, %add3A_3441, %broadcast_in_dim3A_13 : vector<16xi1>, vector<16xi32>
    %min3A_3443 = arith.minsi %min3A_3437, %select_n3A_3442 : vector<16xi32>
    %eq3A_3444 = arith.cmpf oeq, %select_n3A_3393, %max3A_3431 : vector<16xf32>
    %add3A_3445 = arith.constant 32 : i32
    %add3A_3446 = vector.broadcast %add3A_3445 : i32 to vector<16xi32>
    %add3A_3447 = arith.addi %iota3A, %add3A_3446 : vector<16xi32>
    %select_n3A_3448 = arith.select %eq3A_3444, %add3A_3447, %broadcast_in_dim3A_13 : vector<16xi1>, vector<16xi32>
    %min3A_3449 = arith.minsi %min3A_3443, %select_n3A_3448 : vector<16xi32>
    %eq3A_3450 = arith.cmpf oeq, %select_n3A_3400, %max3A_3431 : vector<16xf32>
    %add3A_3451 = arith.constant 48 : i32
    %add3A_3452 = vector.broadcast %add3A_3451 : i32 to vector<16xi32>
    %add3A_3453 = arith.addi %iota3A, %add3A_3452 : vector<16xi32>
    %select_n3A_3454 = arith.select %eq3A_3450, %add3A_3453, %broadcast_in_dim3A_13 : vector<16xi1>, vector<16xi32>
    %min3A_3455 = arith.minsi %min3A_3449, %select_n3A_3454 : vector<16xi32>
    %xor3A_3456 = arith.constant 8 : i32
    %xor3A_3457 = vector.broadcast %xor3A_3456 : i32 to vector<16xi32>
    %xor3A_3458 = arith.xori %iota3A, %xor3A_3457 : vector<16xi32>
    %broadcast_in_dim3A_3459 = vector.shape_cast %xor3A_3458 : vector<16xi32> to vector<16x1xi32>
    %gather3A_3460 = vector.shape_cast %broadcast_in_dim3A_3459 : vector<16x1xi32> to vector<16xi32>
    %gather3A_3461 = tpu.dynamic_gather %min3A_3455[%gather3A_3460] in [0] : vector<16xi32>, vector<16xi32> -> vector<16xi32>
    %min3A_3462 = arith.minsi %min3A_3455, %gather3A_3461 : vector<16xi32>
    %xor3A_3463 = arith.constant 4 : i32
    %xor3A_3464 = vector.broadcast %xor3A_3463 : i32 to vector<16xi32>
    %xor3A_3465 = arith.xori %iota3A, %xor3A_3464 : vector<16xi32>
    %broadcast_in_dim3A_3466 = vector.shape_cast %xor3A_3465 : vector<16xi32> to vector<16x1xi32>
    %gather3A_3467 = vector.shape_cast %broadcast_in_dim3A_3466 : vector<16x1xi32> to vector<16xi32>
    %gather3A_3468 = tpu.dynamic_gather %min3A_3462[%gather3A_3467] in [0] : vector<16xi32>, vector<16xi32> -> vector<16xi32>
    %min3A_3469 = arith.minsi %min3A_3462, %gather3A_3468 : vector<16xi32>
    %xor3A_3470 = arith.constant 2 : i32
    %xor3A_3471 = vector.broadcast %xor3A_3470 : i32 to vector<16xi32>
    %xor3A_3472 = arith.xori %iota3A, %xor3A_3471 : vector<16xi32>
    %broadcast_in_dim3A_3473 = vector.shape_cast %xor3A_3472 : vector<16xi32> to vector<16x1xi32>
    %gather3A_3474 = vector.shape_cast %broadcast_in_dim3A_3473 : vector<16x1xi32> to vector<16xi32>
    %gather3A_3475 = tpu.dynamic_gather %min3A_3469[%gather3A_3474] in [0] : vector<16xi32>, vector<16xi32> -> vector<16xi32>
    %min3A_3476 = arith.minsi %min3A_3469, %gather3A_3475 : vector<16xi32>
    %xor3A_3477 = arith.constant 1 : i32
    %xor3A_3478 = vector.broadcast %xor3A_3477 : i32 to vector<16xi32>
    %xor3A_3479 = arith.xori %iota3A, %xor3A_3478 : vector<16xi32>
    %broadcast_in_dim3A_3480 = vector.shape_cast %xor3A_3479 : vector<16xi32> to vector<16x1xi32>
    %gather3A_3481 = vector.shape_cast %broadcast_in_dim3A_3480 : vector<16x1xi32> to vector<16xi32>
    %gather3A_3482 = tpu.dynamic_gather %min3A_3476[%gather3A_3481] in [0] : vector<16xi32>, vector<16xi32> -> vector<16xi32>
    %min3A_3483 = arith.minsi %min3A_3476, %gather3A_3482 : vector<16xi32>
    %eq3A_3484 = arith.constant 9 : i32
    %eq3A_3485 = vector.broadcast %eq3A_3484 : i32 to vector<16xi32>
    %eq3A_3486 = arith.cmpi eq, %iota3A, %eq3A_3485 : vector<16xi32>
    %select_n3A_3487 = arith.select %eq3A_3486, %max3A_3431, %select_n3A_3367 : vector<16xi1>, vector<16xf32>
    %eq3A_3488 = arith.constant 9 : i32
    %eq3A_3489 = vector.broadcast %eq3A_3488 : i32 to vector<16xi32>
    %eq3A_3490 = arith.cmpi eq, %iota3A, %eq3A_3489 : vector<16xi32>
    %select_n3A_3491 = arith.select %eq3A_3490, %min3A_3483, %select_n3A_3371 : vector<16xi1>, vector<16xi32>
    %add3A_3492 = arith.addf %add3A_3372, %max3A_3431 : vector<16xf32>
    %add3A_3493 = arith.constant 0 : i32
    %add3A_3494 = vector.broadcast %add3A_3493 : i32 to vector<16xi32>
    %add3A_3495 = arith.addi %iota3A, %add3A_3494 : vector<16xi32>
    %eq3A_3496 = arith.cmpi eq, %add3A_3495, %min3A_3483 : vector<16xi32>
    %jit3A_3497 = arith.constant -1.000000e+00 : f32
    %broadcast_in_dim3A_3498 = vector.broadcast %jit3A_3497 : f32 to vector<16xf32>
    %select_n3A_3499 = arith.select %eq3A_3496, %broadcast_in_dim3A_3498, %select_n3A_3379 : vector<16xi1>, vector<16xf32>
    %add3A_3500 = arith.constant 16 : i32
    %add3A_3501 = vector.broadcast %add3A_3500 : i32 to vector<16xi32>
    %add3A_3502 = arith.addi %iota3A, %add3A_3501 : vector<16xi32>
    %eq3A_3503 = arith.cmpi eq, %add3A_3502, %min3A_3483 : vector<16xi32>
    %jit3A_3504 = arith.constant -1.000000e+00 : f32
    %broadcast_in_dim3A_3505 = vector.broadcast %jit3A_3504 : f32 to vector<16xf32>
    %select_n3A_3506 = arith.select %eq3A_3503, %broadcast_in_dim3A_3505, %select_n3A_3386 : vector<16xi1>, vector<16xf32>
    %add3A_3507 = arith.constant 32 : i32
    %add3A_3508 = vector.broadcast %add3A_3507 : i32 to vector<16xi32>
    %add3A_3509 = arith.addi %iota3A, %add3A_3508 : vector<16xi32>
    %eq3A_3510 = arith.cmpi eq, %add3A_3509, %min3A_3483 : vector<16xi32>
    %jit3A_3511 = arith.constant -1.000000e+00 : f32
    %broadcast_in_dim3A_3512 = vector.broadcast %jit3A_3511 : f32 to vector<16xf32>
    %select_n3A_3513 = arith.select %eq3A_3510, %broadcast_in_dim3A_3512, %select_n3A_3393 : vector<16xi1>, vector<16xf32>
    %add3A_3514 = arith.constant 48 : i32
    %add3A_3515 = vector.broadcast %add3A_3514 : i32 to vector<16xi32>
    %add3A_3516 = arith.addi %iota3A, %add3A_3515 : vector<16xi32>
    %eq3A_3517 = arith.cmpi eq, %add3A_3516, %min3A_3483 : vector<16xi32>
    %jit3A_3518 = arith.constant -1.000000e+00 : f32
    %broadcast_in_dim3A_3519 = vector.broadcast %jit3A_3518 : f32 to vector<16xf32>
    %select_n3A_3520 = arith.select %eq3A_3517, %broadcast_in_dim3A_3519, %select_n3A_3400 : vector<16xi1>, vector<16xf32>
    %max3A_3521 = arith.maximumf %select_n3A_3499, %select_n3A_3506 : vector<16xf32>
    %max3A_3522 = arith.maximumf %select_n3A_3513, %select_n3A_3520 : vector<16xf32>
    %max3A_3523 = arith.maximumf %max3A_3521, %max3A_3522 : vector<16xf32>
    %xor3A_3524 = arith.constant 8 : i32
    %xor3A_3525 = vector.broadcast %xor3A_3524 : i32 to vector<16xi32>
    %xor3A_3526 = arith.xori %iota3A, %xor3A_3525 : vector<16xi32>
    %broadcast_in_dim3A_3527 = vector.shape_cast %xor3A_3526 : vector<16xi32> to vector<16x1xi32>
    %gather3A_3528 = vector.shape_cast %broadcast_in_dim3A_3527 : vector<16x1xi32> to vector<16xi32>
    %gather3A_3529 = tpu.dynamic_gather %max3A_3523[%gather3A_3528] in [0] : vector<16xf32>, vector<16xi32> -> vector<16xf32>
    %max3A_3530 = arith.maximumf %max3A_3523, %gather3A_3529 : vector<16xf32>
    %xor3A_3531 = arith.constant 4 : i32
    %xor3A_3532 = vector.broadcast %xor3A_3531 : i32 to vector<16xi32>
    %xor3A_3533 = arith.xori %iota3A, %xor3A_3532 : vector<16xi32>
    %broadcast_in_dim3A_3534 = vector.shape_cast %xor3A_3533 : vector<16xi32> to vector<16x1xi32>
    %gather3A_3535 = vector.shape_cast %broadcast_in_dim3A_3534 : vector<16x1xi32> to vector<16xi32>
    %gather3A_3536 = tpu.dynamic_gather %max3A_3530[%gather3A_3535] in [0] : vector<16xf32>, vector<16xi32> -> vector<16xf32>
    %max3A_3537 = arith.maximumf %max3A_3530, %gather3A_3536 : vector<16xf32>
    %xor3A_3538 = arith.constant 2 : i32
    %xor3A_3539 = vector.broadcast %xor3A_3538 : i32 to vector<16xi32>
    %xor3A_3540 = arith.xori %iota3A, %xor3A_3539 : vector<16xi32>
    %broadcast_in_dim3A_3541 = vector.shape_cast %xor3A_3540 : vector<16xi32> to vector<16x1xi32>
    %gather3A_3542 = vector.shape_cast %broadcast_in_dim3A_3541 : vector<16x1xi32> to vector<16xi32>
    %gather3A_3543 = tpu.dynamic_gather %max3A_3537[%gather3A_3542] in [0] : vector<16xf32>, vector<16xi32> -> vector<16xf32>
    %max3A_3544 = arith.maximumf %max3A_3537, %gather3A_3543 : vector<16xf32>
    %xor3A_3545 = arith.constant 1 : i32
    %xor3A_3546 = vector.broadcast %xor3A_3545 : i32 to vector<16xi32>
    %xor3A_3547 = arith.xori %iota3A, %xor3A_3546 : vector<16xi32>
    %broadcast_in_dim3A_3548 = vector.shape_cast %xor3A_3547 : vector<16xi32> to vector<16x1xi32>
    %gather3A_3549 = vector.shape_cast %broadcast_in_dim3A_3548 : vector<16x1xi32> to vector<16xi32>
    %gather3A_3550 = tpu.dynamic_gather %max3A_3544[%gather3A_3549] in [0] : vector<16xf32>, vector<16xi32> -> vector<16xf32>
    %max3A_3551 = arith.maximumf %max3A_3544, %gather3A_3550 : vector<16xf32>
    %eq3A_3552 = arith.cmpf oeq, %select_n3A_3499, %max3A_3551 : vector<16xf32>
    %add3A_3553 = arith.constant 0 : i32
    %add3A_3554 = vector.broadcast %add3A_3553 : i32 to vector<16xi32>
    %add3A_3555 = arith.addi %iota3A, %add3A_3554 : vector<16xi32>
    %select_n3A_3556 = arith.select %eq3A_3552, %add3A_3555, %broadcast_in_dim3A_13 : vector<16xi1>, vector<16xi32>
    %min3A_3557 = arith.minsi %broadcast_in_dim3A_13, %select_n3A_3556 : vector<16xi32>
    %eq3A_3558 = arith.cmpf oeq, %select_n3A_3506, %max3A_3551 : vector<16xf32>
    %add3A_3559 = arith.constant 16 : i32
    %add3A_3560 = vector.broadcast %add3A_3559 : i32 to vector<16xi32>
    %add3A_3561 = arith.addi %iota3A, %add3A_3560 : vector<16xi32>
    %select_n3A_3562 = arith.select %eq3A_3558, %add3A_3561, %broadcast_in_dim3A_13 : vector<16xi1>, vector<16xi32>
    %min3A_3563 = arith.minsi %min3A_3557, %select_n3A_3562 : vector<16xi32>
    %eq3A_3564 = arith.cmpf oeq, %select_n3A_3513, %max3A_3551 : vector<16xf32>
    %add3A_3565 = arith.constant 32 : i32
    %add3A_3566 = vector.broadcast %add3A_3565 : i32 to vector<16xi32>
    %add3A_3567 = arith.addi %iota3A, %add3A_3566 : vector<16xi32>
    %select_n3A_3568 = arith.select %eq3A_3564, %add3A_3567, %broadcast_in_dim3A_13 : vector<16xi1>, vector<16xi32>
    %min3A_3569 = arith.minsi %min3A_3563, %select_n3A_3568 : vector<16xi32>
    %eq3A_3570 = arith.cmpf oeq, %select_n3A_3520, %max3A_3551 : vector<16xf32>
    %add3A_3571 = arith.constant 48 : i32
    %add3A_3572 = vector.broadcast %add3A_3571 : i32 to vector<16xi32>
    %add3A_3573 = arith.addi %iota3A, %add3A_3572 : vector<16xi32>
    %select_n3A_3574 = arith.select %eq3A_3570, %add3A_3573, %broadcast_in_dim3A_13 : vector<16xi1>, vector<16xi32>
    %min3A_3575 = arith.minsi %min3A_3569, %select_n3A_3574 : vector<16xi32>
    %xor3A_3576 = arith.constant 8 : i32
    %xor3A_3577 = vector.broadcast %xor3A_3576 : i32 to vector<16xi32>
    %xor3A_3578 = arith.xori %iota3A, %xor3A_3577 : vector<16xi32>
    %broadcast_in_dim3A_3579 = vector.shape_cast %xor3A_3578 : vector<16xi32> to vector<16x1xi32>
    %gather3A_3580 = vector.shape_cast %broadcast_in_dim3A_3579 : vector<16x1xi32> to vector<16xi32>
    %gather3A_3581 = tpu.dynamic_gather %min3A_3575[%gather3A_3580] in [0] : vector<16xi32>, vector<16xi32> -> vector<16xi32>
    %min3A_3582 = arith.minsi %min3A_3575, %gather3A_3581 : vector<16xi32>
    %xor3A_3583 = arith.constant 4 : i32
    %xor3A_3584 = vector.broadcast %xor3A_3583 : i32 to vector<16xi32>
    %xor3A_3585 = arith.xori %iota3A, %xor3A_3584 : vector<16xi32>
    %broadcast_in_dim3A_3586 = vector.shape_cast %xor3A_3585 : vector<16xi32> to vector<16x1xi32>
    %gather3A_3587 = vector.shape_cast %broadcast_in_dim3A_3586 : vector<16x1xi32> to vector<16xi32>
    %gather3A_3588 = tpu.dynamic_gather %min3A_3582[%gather3A_3587] in [0] : vector<16xi32>, vector<16xi32> -> vector<16xi32>
    %min3A_3589 = arith.minsi %min3A_3582, %gather3A_3588 : vector<16xi32>
    %xor3A_3590 = arith.constant 2 : i32
    %xor3A_3591 = vector.broadcast %xor3A_3590 : i32 to vector<16xi32>
    %xor3A_3592 = arith.xori %iota3A, %xor3A_3591 : vector<16xi32>
    %broadcast_in_dim3A_3593 = vector.shape_cast %xor3A_3592 : vector<16xi32> to vector<16x1xi32>
    %gather3A_3594 = vector.shape_cast %broadcast_in_dim3A_3593 : vector<16x1xi32> to vector<16xi32>
    %gather3A_3595 = tpu.dynamic_gather %min3A_3589[%gather3A_3594] in [0] : vector<16xi32>, vector<16xi32> -> vector<16xi32>
    %min3A_3596 = arith.minsi %min3A_3589, %gather3A_3595 : vector<16xi32>
    %xor3A_3597 = arith.constant 1 : i32
    %xor3A_3598 = vector.broadcast %xor3A_3597 : i32 to vector<16xi32>
    %xor3A_3599 = arith.xori %iota3A, %xor3A_3598 : vector<16xi32>
    %broadcast_in_dim3A_3600 = vector.shape_cast %xor3A_3599 : vector<16xi32> to vector<16x1xi32>
    %gather3A_3601 = vector.shape_cast %broadcast_in_dim3A_3600 : vector<16x1xi32> to vector<16xi32>
    %gather3A_3602 = tpu.dynamic_gather %min3A_3596[%gather3A_3601] in [0] : vector<16xi32>, vector<16xi32> -> vector<16xi32>
    %min3A_3603 = arith.minsi %min3A_3596, %gather3A_3602 : vector<16xi32>
    %eq3A_3604 = arith.constant 10 : i32
    %eq3A_3605 = vector.broadcast %eq3A_3604 : i32 to vector<16xi32>
    %eq3A_3606 = arith.cmpi eq, %iota3A, %eq3A_3605 : vector<16xi32>
    %select_n3A_3607 = arith.select %eq3A_3606, %max3A_3551, %select_n3A_3487 : vector<16xi1>, vector<16xf32>
    %eq3A_3608 = arith.constant 10 : i32
    %eq3A_3609 = vector.broadcast %eq3A_3608 : i32 to vector<16xi32>
    %eq3A_3610 = arith.cmpi eq, %iota3A, %eq3A_3609 : vector<16xi32>
    %select_n3A_3611 = arith.select %eq3A_3610, %min3A_3603, %select_n3A_3491 : vector<16xi1>, vector<16xi32>
    %add3A_3612 = arith.addf %add3A_3492, %max3A_3551 : vector<16xf32>
    %add3A_3613 = arith.constant 0 : i32
    %add3A_3614 = vector.broadcast %add3A_3613 : i32 to vector<16xi32>
    %add3A_3615 = arith.addi %iota3A, %add3A_3614 : vector<16xi32>
    %eq3A_3616 = arith.cmpi eq, %add3A_3615, %min3A_3603 : vector<16xi32>
    %jit3A_3617 = arith.constant -1.000000e+00 : f32
    %broadcast_in_dim3A_3618 = vector.broadcast %jit3A_3617 : f32 to vector<16xf32>
    %select_n3A_3619 = arith.select %eq3A_3616, %broadcast_in_dim3A_3618, %select_n3A_3499 : vector<16xi1>, vector<16xf32>
    %add3A_3620 = arith.constant 16 : i32
    %add3A_3621 = vector.broadcast %add3A_3620 : i32 to vector<16xi32>
    %add3A_3622 = arith.addi %iota3A, %add3A_3621 : vector<16xi32>
    %eq3A_3623 = arith.cmpi eq, %add3A_3622, %min3A_3603 : vector<16xi32>
    %jit3A_3624 = arith.constant -1.000000e+00 : f32
    %broadcast_in_dim3A_3625 = vector.broadcast %jit3A_3624 : f32 to vector<16xf32>
    %select_n3A_3626 = arith.select %eq3A_3623, %broadcast_in_dim3A_3625, %select_n3A_3506 : vector<16xi1>, vector<16xf32>
    %add3A_3627 = arith.constant 32 : i32
    %add3A_3628 = vector.broadcast %add3A_3627 : i32 to vector<16xi32>
    %add3A_3629 = arith.addi %iota3A, %add3A_3628 : vector<16xi32>
    %eq3A_3630 = arith.cmpi eq, %add3A_3629, %min3A_3603 : vector<16xi32>
    %jit3A_3631 = arith.constant -1.000000e+00 : f32
    %broadcast_in_dim3A_3632 = vector.broadcast %jit3A_3631 : f32 to vector<16xf32>
    %select_n3A_3633 = arith.select %eq3A_3630, %broadcast_in_dim3A_3632, %select_n3A_3513 : vector<16xi1>, vector<16xf32>
    %add3A_3634 = arith.constant 48 : i32
    %add3A_3635 = vector.broadcast %add3A_3634 : i32 to vector<16xi32>
    %add3A_3636 = arith.addi %iota3A, %add3A_3635 : vector<16xi32>
    %eq3A_3637 = arith.cmpi eq, %add3A_3636, %min3A_3603 : vector<16xi32>
    %jit3A_3638 = arith.constant -1.000000e+00 : f32
    %broadcast_in_dim3A_3639 = vector.broadcast %jit3A_3638 : f32 to vector<16xf32>
    %select_n3A_3640 = arith.select %eq3A_3637, %broadcast_in_dim3A_3639, %select_n3A_3520 : vector<16xi1>, vector<16xf32>
    %max3A_3641 = arith.maximumf %select_n3A_3619, %select_n3A_3626 : vector<16xf32>
    %max3A_3642 = arith.maximumf %select_n3A_3633, %select_n3A_3640 : vector<16xf32>
    %max3A_3643 = arith.maximumf %max3A_3641, %max3A_3642 : vector<16xf32>
    %xor3A_3644 = arith.constant 8 : i32
    %xor3A_3645 = vector.broadcast %xor3A_3644 : i32 to vector<16xi32>
    %xor3A_3646 = arith.xori %iota3A, %xor3A_3645 : vector<16xi32>
    %broadcast_in_dim3A_3647 = vector.shape_cast %xor3A_3646 : vector<16xi32> to vector<16x1xi32>
    %gather3A_3648 = vector.shape_cast %broadcast_in_dim3A_3647 : vector<16x1xi32> to vector<16xi32>
    %gather3A_3649 = tpu.dynamic_gather %max3A_3643[%gather3A_3648] in [0] : vector<16xf32>, vector<16xi32> -> vector<16xf32>
    %max3A_3650 = arith.maximumf %max3A_3643, %gather3A_3649 : vector<16xf32>
    %xor3A_3651 = arith.constant 4 : i32
    %xor3A_3652 = vector.broadcast %xor3A_3651 : i32 to vector<16xi32>
    %xor3A_3653 = arith.xori %iota3A, %xor3A_3652 : vector<16xi32>
    %broadcast_in_dim3A_3654 = vector.shape_cast %xor3A_3653 : vector<16xi32> to vector<16x1xi32>
    %gather3A_3655 = vector.shape_cast %broadcast_in_dim3A_3654 : vector<16x1xi32> to vector<16xi32>
    %gather3A_3656 = tpu.dynamic_gather %max3A_3650[%gather3A_3655] in [0] : vector<16xf32>, vector<16xi32> -> vector<16xf32>
    %max3A_3657 = arith.maximumf %max3A_3650, %gather3A_3656 : vector<16xf32>
    %xor3A_3658 = arith.constant 2 : i32
    %xor3A_3659 = vector.broadcast %xor3A_3658 : i32 to vector<16xi32>
    %xor3A_3660 = arith.xori %iota3A, %xor3A_3659 : vector<16xi32>
    %broadcast_in_dim3A_3661 = vector.shape_cast %xor3A_3660 : vector<16xi32> to vector<16x1xi32>
    %gather3A_3662 = vector.shape_cast %broadcast_in_dim3A_3661 : vector<16x1xi32> to vector<16xi32>
    %gather3A_3663 = tpu.dynamic_gather %max3A_3657[%gather3A_3662] in [0] : vector<16xf32>, vector<16xi32> -> vector<16xf32>
    %max3A_3664 = arith.maximumf %max3A_3657, %gather3A_3663 : vector<16xf32>
    %xor3A_3665 = arith.constant 1 : i32
    %xor3A_3666 = vector.broadcast %xor3A_3665 : i32 to vector<16xi32>
    %xor3A_3667 = arith.xori %iota3A, %xor3A_3666 : vector<16xi32>
    %broadcast_in_dim3A_3668 = vector.shape_cast %xor3A_3667 : vector<16xi32> to vector<16x1xi32>
    %gather3A_3669 = vector.shape_cast %broadcast_in_dim3A_3668 : vector<16x1xi32> to vector<16xi32>
    %gather3A_3670 = tpu.dynamic_gather %max3A_3664[%gather3A_3669] in [0] : vector<16xf32>, vector<16xi32> -> vector<16xf32>
    %max3A_3671 = arith.maximumf %max3A_3664, %gather3A_3670 : vector<16xf32>
    %eq3A_3672 = arith.cmpf oeq, %select_n3A_3619, %max3A_3671 : vector<16xf32>
    %add3A_3673 = arith.constant 0 : i32
    %add3A_3674 = vector.broadcast %add3A_3673 : i32 to vector<16xi32>
    %add3A_3675 = arith.addi %iota3A, %add3A_3674 : vector<16xi32>
    %select_n3A_3676 = arith.select %eq3A_3672, %add3A_3675, %broadcast_in_dim3A_13 : vector<16xi1>, vector<16xi32>
    %min3A_3677 = arith.minsi %broadcast_in_dim3A_13, %select_n3A_3676 : vector<16xi32>
    %eq3A_3678 = arith.cmpf oeq, %select_n3A_3626, %max3A_3671 : vector<16xf32>
    %add3A_3679 = arith.constant 16 : i32
    %add3A_3680 = vector.broadcast %add3A_3679 : i32 to vector<16xi32>
    %add3A_3681 = arith.addi %iota3A, %add3A_3680 : vector<16xi32>
    %select_n3A_3682 = arith.select %eq3A_3678, %add3A_3681, %broadcast_in_dim3A_13 : vector<16xi1>, vector<16xi32>
    %min3A_3683 = arith.minsi %min3A_3677, %select_n3A_3682 : vector<16xi32>
    %eq3A_3684 = arith.cmpf oeq, %select_n3A_3633, %max3A_3671 : vector<16xf32>
    %add3A_3685 = arith.constant 32 : i32
    %add3A_3686 = vector.broadcast %add3A_3685 : i32 to vector<16xi32>
    %add3A_3687 = arith.addi %iota3A, %add3A_3686 : vector<16xi32>
    %select_n3A_3688 = arith.select %eq3A_3684, %add3A_3687, %broadcast_in_dim3A_13 : vector<16xi1>, vector<16xi32>
    %min3A_3689 = arith.minsi %min3A_3683, %select_n3A_3688 : vector<16xi32>
    %eq3A_3690 = arith.cmpf oeq, %select_n3A_3640, %max3A_3671 : vector<16xf32>
    %add3A_3691 = arith.constant 48 : i32
    %add3A_3692 = vector.broadcast %add3A_3691 : i32 to vector<16xi32>
    %add3A_3693 = arith.addi %iota3A, %add3A_3692 : vector<16xi32>
    %select_n3A_3694 = arith.select %eq3A_3690, %add3A_3693, %broadcast_in_dim3A_13 : vector<16xi1>, vector<16xi32>
    %min3A_3695 = arith.minsi %min3A_3689, %select_n3A_3694 : vector<16xi32>
    %xor3A_3696 = arith.constant 8 : i32
    %xor3A_3697 = vector.broadcast %xor3A_3696 : i32 to vector<16xi32>
    %xor3A_3698 = arith.xori %iota3A, %xor3A_3697 : vector<16xi32>
    %broadcast_in_dim3A_3699 = vector.shape_cast %xor3A_3698 : vector<16xi32> to vector<16x1xi32>
    %gather3A_3700 = vector.shape_cast %broadcast_in_dim3A_3699 : vector<16x1xi32> to vector<16xi32>
    %gather3A_3701 = tpu.dynamic_gather %min3A_3695[%gather3A_3700] in [0] : vector<16xi32>, vector<16xi32> -> vector<16xi32>
    %min3A_3702 = arith.minsi %min3A_3695, %gather3A_3701 : vector<16xi32>
    %xor3A_3703 = arith.constant 4 : i32
    %xor3A_3704 = vector.broadcast %xor3A_3703 : i32 to vector<16xi32>
    %xor3A_3705 = arith.xori %iota3A, %xor3A_3704 : vector<16xi32>
    %broadcast_in_dim3A_3706 = vector.shape_cast %xor3A_3705 : vector<16xi32> to vector<16x1xi32>
    %gather3A_3707 = vector.shape_cast %broadcast_in_dim3A_3706 : vector<16x1xi32> to vector<16xi32>
    %gather3A_3708 = tpu.dynamic_gather %min3A_3702[%gather3A_3707] in [0] : vector<16xi32>, vector<16xi32> -> vector<16xi32>
    %min3A_3709 = arith.minsi %min3A_3702, %gather3A_3708 : vector<16xi32>
    %xor3A_3710 = arith.constant 2 : i32
    %xor3A_3711 = vector.broadcast %xor3A_3710 : i32 to vector<16xi32>
    %xor3A_3712 = arith.xori %iota3A, %xor3A_3711 : vector<16xi32>
    %broadcast_in_dim3A_3713 = vector.shape_cast %xor3A_3712 : vector<16xi32> to vector<16x1xi32>
    %gather3A_3714 = vector.shape_cast %broadcast_in_dim3A_3713 : vector<16x1xi32> to vector<16xi32>
    %gather3A_3715 = tpu.dynamic_gather %min3A_3709[%gather3A_3714] in [0] : vector<16xi32>, vector<16xi32> -> vector<16xi32>
    %min3A_3716 = arith.minsi %min3A_3709, %gather3A_3715 : vector<16xi32>
    %xor3A_3717 = arith.constant 1 : i32
    %xor3A_3718 = vector.broadcast %xor3A_3717 : i32 to vector<16xi32>
    %xor3A_3719 = arith.xori %iota3A, %xor3A_3718 : vector<16xi32>
    %broadcast_in_dim3A_3720 = vector.shape_cast %xor3A_3719 : vector<16xi32> to vector<16x1xi32>
    %gather3A_3721 = vector.shape_cast %broadcast_in_dim3A_3720 : vector<16x1xi32> to vector<16xi32>
    %gather3A_3722 = tpu.dynamic_gather %min3A_3716[%gather3A_3721] in [0] : vector<16xi32>, vector<16xi32> -> vector<16xi32>
    %min3A_3723 = arith.minsi %min3A_3716, %gather3A_3722 : vector<16xi32>
    %eq3A_3724 = arith.constant 11 : i32
    %eq3A_3725 = vector.broadcast %eq3A_3724 : i32 to vector<16xi32>
    %eq3A_3726 = arith.cmpi eq, %iota3A, %eq3A_3725 : vector<16xi32>
    %select_n3A_3727 = arith.select %eq3A_3726, %max3A_3671, %select_n3A_3607 : vector<16xi1>, vector<16xf32>
    %eq3A_3728 = arith.constant 11 : i32
    %eq3A_3729 = vector.broadcast %eq3A_3728 : i32 to vector<16xi32>
    %eq3A_3730 = arith.cmpi eq, %iota3A, %eq3A_3729 : vector<16xi32>
    %select_n3A_3731 = arith.select %eq3A_3730, %min3A_3723, %select_n3A_3611 : vector<16xi1>, vector<16xi32>
    %add3A_3732 = arith.addf %add3A_3612, %max3A_3671 : vector<16xf32>
    %add3A_3733 = arith.constant 0 : i32
    %add3A_3734 = vector.broadcast %add3A_3733 : i32 to vector<16xi32>
    %add3A_3735 = arith.addi %iota3A, %add3A_3734 : vector<16xi32>
    %eq3A_3736 = arith.cmpi eq, %add3A_3735, %min3A_3723 : vector<16xi32>
    %jit3A_3737 = arith.constant -1.000000e+00 : f32
    %broadcast_in_dim3A_3738 = vector.broadcast %jit3A_3737 : f32 to vector<16xf32>
    %select_n3A_3739 = arith.select %eq3A_3736, %broadcast_in_dim3A_3738, %select_n3A_3619 : vector<16xi1>, vector<16xf32>
    %add3A_3740 = arith.constant 16 : i32
    %add3A_3741 = vector.broadcast %add3A_3740 : i32 to vector<16xi32>
    %add3A_3742 = arith.addi %iota3A, %add3A_3741 : vector<16xi32>
    %eq3A_3743 = arith.cmpi eq, %add3A_3742, %min3A_3723 : vector<16xi32>
    %jit3A_3744 = arith.constant -1.000000e+00 : f32
    %broadcast_in_dim3A_3745 = vector.broadcast %jit3A_3744 : f32 to vector<16xf32>
    %select_n3A_3746 = arith.select %eq3A_3743, %broadcast_in_dim3A_3745, %select_n3A_3626 : vector<16xi1>, vector<16xf32>
    %add3A_3747 = arith.constant 32 : i32
    %add3A_3748 = vector.broadcast %add3A_3747 : i32 to vector<16xi32>
    %add3A_3749 = arith.addi %iota3A, %add3A_3748 : vector<16xi32>
    %eq3A_3750 = arith.cmpi eq, %add3A_3749, %min3A_3723 : vector<16xi32>
    %jit3A_3751 = arith.constant -1.000000e+00 : f32
    %broadcast_in_dim3A_3752 = vector.broadcast %jit3A_3751 : f32 to vector<16xf32>
    %select_n3A_3753 = arith.select %eq3A_3750, %broadcast_in_dim3A_3752, %select_n3A_3633 : vector<16xi1>, vector<16xf32>
    %add3A_3754 = arith.constant 48 : i32
    %add3A_3755 = vector.broadcast %add3A_3754 : i32 to vector<16xi32>
    %add3A_3756 = arith.addi %iota3A, %add3A_3755 : vector<16xi32>
    %eq3A_3757 = arith.cmpi eq, %add3A_3756, %min3A_3723 : vector<16xi32>
    %jit3A_3758 = arith.constant -1.000000e+00 : f32
    %broadcast_in_dim3A_3759 = vector.broadcast %jit3A_3758 : f32 to vector<16xf32>
    %select_n3A_3760 = arith.select %eq3A_3757, %broadcast_in_dim3A_3759, %select_n3A_3640 : vector<16xi1>, vector<16xf32>
    %max3A_3761 = arith.maximumf %select_n3A_3739, %select_n3A_3746 : vector<16xf32>
    %max3A_3762 = arith.maximumf %select_n3A_3753, %select_n3A_3760 : vector<16xf32>
    %max3A_3763 = arith.maximumf %max3A_3761, %max3A_3762 : vector<16xf32>
    %xor3A_3764 = arith.constant 8 : i32
    %xor3A_3765 = vector.broadcast %xor3A_3764 : i32 to vector<16xi32>
    %xor3A_3766 = arith.xori %iota3A, %xor3A_3765 : vector<16xi32>
    %broadcast_in_dim3A_3767 = vector.shape_cast %xor3A_3766 : vector<16xi32> to vector<16x1xi32>
    %gather3A_3768 = vector.shape_cast %broadcast_in_dim3A_3767 : vector<16x1xi32> to vector<16xi32>
    %gather3A_3769 = tpu.dynamic_gather %max3A_3763[%gather3A_3768] in [0] : vector<16xf32>, vector<16xi32> -> vector<16xf32>
    %max3A_3770 = arith.maximumf %max3A_3763, %gather3A_3769 : vector<16xf32>
    %xor3A_3771 = arith.constant 4 : i32
    %xor3A_3772 = vector.broadcast %xor3A_3771 : i32 to vector<16xi32>
    %xor3A_3773 = arith.xori %iota3A, %xor3A_3772 : vector<16xi32>
    %broadcast_in_dim3A_3774 = vector.shape_cast %xor3A_3773 : vector<16xi32> to vector<16x1xi32>
    %gather3A_3775 = vector.shape_cast %broadcast_in_dim3A_3774 : vector<16x1xi32> to vector<16xi32>
    %gather3A_3776 = tpu.dynamic_gather %max3A_3770[%gather3A_3775] in [0] : vector<16xf32>, vector<16xi32> -> vector<16xf32>
    %max3A_3777 = arith.maximumf %max3A_3770, %gather3A_3776 : vector<16xf32>
    %xor3A_3778 = arith.constant 2 : i32
    %xor3A_3779 = vector.broadcast %xor3A_3778 : i32 to vector<16xi32>
    %xor3A_3780 = arith.xori %iota3A, %xor3A_3779 : vector<16xi32>
    %broadcast_in_dim3A_3781 = vector.shape_cast %xor3A_3780 : vector<16xi32> to vector<16x1xi32>
    %gather3A_3782 = vector.shape_cast %broadcast_in_dim3A_3781 : vector<16x1xi32> to vector<16xi32>
    %gather3A_3783 = tpu.dynamic_gather %max3A_3777[%gather3A_3782] in [0] : vector<16xf32>, vector<16xi32> -> vector<16xf32>
    %max3A_3784 = arith.maximumf %max3A_3777, %gather3A_3783 : vector<16xf32>
    %xor3A_3785 = arith.constant 1 : i32
    %xor3A_3786 = vector.broadcast %xor3A_3785 : i32 to vector<16xi32>
    %xor3A_3787 = arith.xori %iota3A, %xor3A_3786 : vector<16xi32>
    %broadcast_in_dim3A_3788 = vector.shape_cast %xor3A_3787 : vector<16xi32> to vector<16x1xi32>
    %gather3A_3789 = vector.shape_cast %broadcast_in_dim3A_3788 : vector<16x1xi32> to vector<16xi32>
    %gather3A_3790 = tpu.dynamic_gather %max3A_3784[%gather3A_3789] in [0] : vector<16xf32>, vector<16xi32> -> vector<16xf32>
    %max3A_3791 = arith.maximumf %max3A_3784, %gather3A_3790 : vector<16xf32>
    %eq3A_3792 = arith.cmpf oeq, %select_n3A_3739, %max3A_3791 : vector<16xf32>
    %add3A_3793 = arith.constant 0 : i32
    %add3A_3794 = vector.broadcast %add3A_3793 : i32 to vector<16xi32>
    %add3A_3795 = arith.addi %iota3A, %add3A_3794 : vector<16xi32>
    %select_n3A_3796 = arith.select %eq3A_3792, %add3A_3795, %broadcast_in_dim3A_13 : vector<16xi1>, vector<16xi32>
    %min3A_3797 = arith.minsi %broadcast_in_dim3A_13, %select_n3A_3796 : vector<16xi32>
    %eq3A_3798 = arith.cmpf oeq, %select_n3A_3746, %max3A_3791 : vector<16xf32>
    %add3A_3799 = arith.constant 16 : i32
    %add3A_3800 = vector.broadcast %add3A_3799 : i32 to vector<16xi32>
    %add3A_3801 = arith.addi %iota3A, %add3A_3800 : vector<16xi32>
    %select_n3A_3802 = arith.select %eq3A_3798, %add3A_3801, %broadcast_in_dim3A_13 : vector<16xi1>, vector<16xi32>
    %min3A_3803 = arith.minsi %min3A_3797, %select_n3A_3802 : vector<16xi32>
    %eq3A_3804 = arith.cmpf oeq, %select_n3A_3753, %max3A_3791 : vector<16xf32>
    %add3A_3805 = arith.constant 32 : i32
    %add3A_3806 = vector.broadcast %add3A_3805 : i32 to vector<16xi32>
    %add3A_3807 = arith.addi %iota3A, %add3A_3806 : vector<16xi32>
    %select_n3A_3808 = arith.select %eq3A_3804, %add3A_3807, %broadcast_in_dim3A_13 : vector<16xi1>, vector<16xi32>
    %min3A_3809 = arith.minsi %min3A_3803, %select_n3A_3808 : vector<16xi32>
    %eq3A_3810 = arith.cmpf oeq, %select_n3A_3760, %max3A_3791 : vector<16xf32>
    %add3A_3811 = arith.constant 48 : i32
    %add3A_3812 = vector.broadcast %add3A_3811 : i32 to vector<16xi32>
    %add3A_3813 = arith.addi %iota3A, %add3A_3812 : vector<16xi32>
    %select_n3A_3814 = arith.select %eq3A_3810, %add3A_3813, %broadcast_in_dim3A_13 : vector<16xi1>, vector<16xi32>
    %min3A_3815 = arith.minsi %min3A_3809, %select_n3A_3814 : vector<16xi32>
    %xor3A_3816 = arith.constant 8 : i32
    %xor3A_3817 = vector.broadcast %xor3A_3816 : i32 to vector<16xi32>
    %xor3A_3818 = arith.xori %iota3A, %xor3A_3817 : vector<16xi32>
    %broadcast_in_dim3A_3819 = vector.shape_cast %xor3A_3818 : vector<16xi32> to vector<16x1xi32>
    %gather3A_3820 = vector.shape_cast %broadcast_in_dim3A_3819 : vector<16x1xi32> to vector<16xi32>
    %gather3A_3821 = tpu.dynamic_gather %min3A_3815[%gather3A_3820] in [0] : vector<16xi32>, vector<16xi32> -> vector<16xi32>
    %min3A_3822 = arith.minsi %min3A_3815, %gather3A_3821 : vector<16xi32>
    %xor3A_3823 = arith.constant 4 : i32
    %xor3A_3824 = vector.broadcast %xor3A_3823 : i32 to vector<16xi32>
    %xor3A_3825 = arith.xori %iota3A, %xor3A_3824 : vector<16xi32>
    %broadcast_in_dim3A_3826 = vector.shape_cast %xor3A_3825 : vector<16xi32> to vector<16x1xi32>
    %gather3A_3827 = vector.shape_cast %broadcast_in_dim3A_3826 : vector<16x1xi32> to vector<16xi32>
    %gather3A_3828 = tpu.dynamic_gather %min3A_3822[%gather3A_3827] in [0] : vector<16xi32>, vector<16xi32> -> vector<16xi32>
    %min3A_3829 = arith.minsi %min3A_3822, %gather3A_3828 : vector<16xi32>
    %xor3A_3830 = arith.constant 2 : i32
    %xor3A_3831 = vector.broadcast %xor3A_3830 : i32 to vector<16xi32>
    %xor3A_3832 = arith.xori %iota3A, %xor3A_3831 : vector<16xi32>
    %broadcast_in_dim3A_3833 = vector.shape_cast %xor3A_3832 : vector<16xi32> to vector<16x1xi32>
    %gather3A_3834 = vector.shape_cast %broadcast_in_dim3A_3833 : vector<16x1xi32> to vector<16xi32>
    %gather3A_3835 = tpu.dynamic_gather %min3A_3829[%gather3A_3834] in [0] : vector<16xi32>, vector<16xi32> -> vector<16xi32>
    %min3A_3836 = arith.minsi %min3A_3829, %gather3A_3835 : vector<16xi32>
    %xor3A_3837 = arith.constant 1 : i32
    %xor3A_3838 = vector.broadcast %xor3A_3837 : i32 to vector<16xi32>
    %xor3A_3839 = arith.xori %iota3A, %xor3A_3838 : vector<16xi32>
    %broadcast_in_dim3A_3840 = vector.shape_cast %xor3A_3839 : vector<16xi32> to vector<16x1xi32>
    %gather3A_3841 = vector.shape_cast %broadcast_in_dim3A_3840 : vector<16x1xi32> to vector<16xi32>
    %gather3A_3842 = tpu.dynamic_gather %min3A_3836[%gather3A_3841] in [0] : vector<16xi32>, vector<16xi32> -> vector<16xi32>
    %min3A_3843 = arith.minsi %min3A_3836, %gather3A_3842 : vector<16xi32>
    %eq3A_3844 = arith.constant 12 : i32
    %eq3A_3845 = vector.broadcast %eq3A_3844 : i32 to vector<16xi32>
    %eq3A_3846 = arith.cmpi eq, %iota3A, %eq3A_3845 : vector<16xi32>
    %select_n3A_3847 = arith.select %eq3A_3846, %max3A_3791, %select_n3A_3727 : vector<16xi1>, vector<16xf32>
    %eq3A_3848 = arith.constant 12 : i32
    %eq3A_3849 = vector.broadcast %eq3A_3848 : i32 to vector<16xi32>
    %eq3A_3850 = arith.cmpi eq, %iota3A, %eq3A_3849 : vector<16xi32>
    %select_n3A_3851 = arith.select %eq3A_3850, %min3A_3843, %select_n3A_3731 : vector<16xi1>, vector<16xi32>
    %add3A_3852 = arith.addf %add3A_3732, %max3A_3791 : vector<16xf32>
    %add3A_3853 = arith.constant 0 : i32
    %add3A_3854 = vector.broadcast %add3A_3853 : i32 to vector<16xi32>
    %add3A_3855 = arith.addi %iota3A, %add3A_3854 : vector<16xi32>
    %eq3A_3856 = arith.cmpi eq, %add3A_3855, %min3A_3843 : vector<16xi32>
    %jit3A_3857 = arith.constant -1.000000e+00 : f32
    %broadcast_in_dim3A_3858 = vector.broadcast %jit3A_3857 : f32 to vector<16xf32>
    %select_n3A_3859 = arith.select %eq3A_3856, %broadcast_in_dim3A_3858, %select_n3A_3739 : vector<16xi1>, vector<16xf32>
    %add3A_3860 = arith.constant 16 : i32
    %add3A_3861 = vector.broadcast %add3A_3860 : i32 to vector<16xi32>
    %add3A_3862 = arith.addi %iota3A, %add3A_3861 : vector<16xi32>
    %eq3A_3863 = arith.cmpi eq, %add3A_3862, %min3A_3843 : vector<16xi32>
    %jit3A_3864 = arith.constant -1.000000e+00 : f32
    %broadcast_in_dim3A_3865 = vector.broadcast %jit3A_3864 : f32 to vector<16xf32>
    %select_n3A_3866 = arith.select %eq3A_3863, %broadcast_in_dim3A_3865, %select_n3A_3746 : vector<16xi1>, vector<16xf32>
    %add3A_3867 = arith.constant 32 : i32
    %add3A_3868 = vector.broadcast %add3A_3867 : i32 to vector<16xi32>
    %add3A_3869 = arith.addi %iota3A, %add3A_3868 : vector<16xi32>
    %eq3A_3870 = arith.cmpi eq, %add3A_3869, %min3A_3843 : vector<16xi32>
    %jit3A_3871 = arith.constant -1.000000e+00 : f32
    %broadcast_in_dim3A_3872 = vector.broadcast %jit3A_3871 : f32 to vector<16xf32>
    %select_n3A_3873 = arith.select %eq3A_3870, %broadcast_in_dim3A_3872, %select_n3A_3753 : vector<16xi1>, vector<16xf32>
    %add3A_3874 = arith.constant 48 : i32
    %add3A_3875 = vector.broadcast %add3A_3874 : i32 to vector<16xi32>
    %add3A_3876 = arith.addi %iota3A, %add3A_3875 : vector<16xi32>
    %eq3A_3877 = arith.cmpi eq, %add3A_3876, %min3A_3843 : vector<16xi32>
    %jit3A_3878 = arith.constant -1.000000e+00 : f32
    %broadcast_in_dim3A_3879 = vector.broadcast %jit3A_3878 : f32 to vector<16xf32>
    %select_n3A_3880 = arith.select %eq3A_3877, %broadcast_in_dim3A_3879, %select_n3A_3760 : vector<16xi1>, vector<16xf32>
    %max3A_3881 = arith.maximumf %select_n3A_3859, %select_n3A_3866 : vector<16xf32>
    %max3A_3882 = arith.maximumf %select_n3A_3873, %select_n3A_3880 : vector<16xf32>
    %max3A_3883 = arith.maximumf %max3A_3881, %max3A_3882 : vector<16xf32>
    %xor3A_3884 = arith.constant 8 : i32
    %xor3A_3885 = vector.broadcast %xor3A_3884 : i32 to vector<16xi32>
    %xor3A_3886 = arith.xori %iota3A, %xor3A_3885 : vector<16xi32>
    %broadcast_in_dim3A_3887 = vector.shape_cast %xor3A_3886 : vector<16xi32> to vector<16x1xi32>
    %gather3A_3888 = vector.shape_cast %broadcast_in_dim3A_3887 : vector<16x1xi32> to vector<16xi32>
    %gather3A_3889 = tpu.dynamic_gather %max3A_3883[%gather3A_3888] in [0] : vector<16xf32>, vector<16xi32> -> vector<16xf32>
    %max3A_3890 = arith.maximumf %max3A_3883, %gather3A_3889 : vector<16xf32>
    %xor3A_3891 = arith.constant 4 : i32
    %xor3A_3892 = vector.broadcast %xor3A_3891 : i32 to vector<16xi32>
    %xor3A_3893 = arith.xori %iota3A, %xor3A_3892 : vector<16xi32>
    %broadcast_in_dim3A_3894 = vector.shape_cast %xor3A_3893 : vector<16xi32> to vector<16x1xi32>
    %gather3A_3895 = vector.shape_cast %broadcast_in_dim3A_3894 : vector<16x1xi32> to vector<16xi32>
    %gather3A_3896 = tpu.dynamic_gather %max3A_3890[%gather3A_3895] in [0] : vector<16xf32>, vector<16xi32> -> vector<16xf32>
    %max3A_3897 = arith.maximumf %max3A_3890, %gather3A_3896 : vector<16xf32>
    %xor3A_3898 = arith.constant 2 : i32
    %xor3A_3899 = vector.broadcast %xor3A_3898 : i32 to vector<16xi32>
    %xor3A_3900 = arith.xori %iota3A, %xor3A_3899 : vector<16xi32>
    %broadcast_in_dim3A_3901 = vector.shape_cast %xor3A_3900 : vector<16xi32> to vector<16x1xi32>
    %gather3A_3902 = vector.shape_cast %broadcast_in_dim3A_3901 : vector<16x1xi32> to vector<16xi32>
    %gather3A_3903 = tpu.dynamic_gather %max3A_3897[%gather3A_3902] in [0] : vector<16xf32>, vector<16xi32> -> vector<16xf32>
    %max3A_3904 = arith.maximumf %max3A_3897, %gather3A_3903 : vector<16xf32>
    %xor3A_3905 = arith.constant 1 : i32
    %xor3A_3906 = vector.broadcast %xor3A_3905 : i32 to vector<16xi32>
    %xor3A_3907 = arith.xori %iota3A, %xor3A_3906 : vector<16xi32>
    %broadcast_in_dim3A_3908 = vector.shape_cast %xor3A_3907 : vector<16xi32> to vector<16x1xi32>
    %gather3A_3909 = vector.shape_cast %broadcast_in_dim3A_3908 : vector<16x1xi32> to vector<16xi32>
    %gather3A_3910 = tpu.dynamic_gather %max3A_3904[%gather3A_3909] in [0] : vector<16xf32>, vector<16xi32> -> vector<16xf32>
    %max3A_3911 = arith.maximumf %max3A_3904, %gather3A_3910 : vector<16xf32>
    %eq3A_3912 = arith.cmpf oeq, %select_n3A_3859, %max3A_3911 : vector<16xf32>
    %add3A_3913 = arith.constant 0 : i32
    %add3A_3914 = vector.broadcast %add3A_3913 : i32 to vector<16xi32>
    %add3A_3915 = arith.addi %iota3A, %add3A_3914 : vector<16xi32>
    %select_n3A_3916 = arith.select %eq3A_3912, %add3A_3915, %broadcast_in_dim3A_13 : vector<16xi1>, vector<16xi32>
    %min3A_3917 = arith.minsi %broadcast_in_dim3A_13, %select_n3A_3916 : vector<16xi32>
    %eq3A_3918 = arith.cmpf oeq, %select_n3A_3866, %max3A_3911 : vector<16xf32>
    %add3A_3919 = arith.constant 16 : i32
    %add3A_3920 = vector.broadcast %add3A_3919 : i32 to vector<16xi32>
    %add3A_3921 = arith.addi %iota3A, %add3A_3920 : vector<16xi32>
    %select_n3A_3922 = arith.select %eq3A_3918, %add3A_3921, %broadcast_in_dim3A_13 : vector<16xi1>, vector<16xi32>
    %min3A_3923 = arith.minsi %min3A_3917, %select_n3A_3922 : vector<16xi32>
    %eq3A_3924 = arith.cmpf oeq, %select_n3A_3873, %max3A_3911 : vector<16xf32>
    %add3A_3925 = arith.constant 32 : i32
    %add3A_3926 = vector.broadcast %add3A_3925 : i32 to vector<16xi32>
    %add3A_3927 = arith.addi %iota3A, %add3A_3926 : vector<16xi32>
    %select_n3A_3928 = arith.select %eq3A_3924, %add3A_3927, %broadcast_in_dim3A_13 : vector<16xi1>, vector<16xi32>
    %min3A_3929 = arith.minsi %min3A_3923, %select_n3A_3928 : vector<16xi32>
    %eq3A_3930 = arith.cmpf oeq, %select_n3A_3880, %max3A_3911 : vector<16xf32>
    %add3A_3931 = arith.constant 48 : i32
    %add3A_3932 = vector.broadcast %add3A_3931 : i32 to vector<16xi32>
    %add3A_3933 = arith.addi %iota3A, %add3A_3932 : vector<16xi32>
    %select_n3A_3934 = arith.select %eq3A_3930, %add3A_3933, %broadcast_in_dim3A_13 : vector<16xi1>, vector<16xi32>
    %min3A_3935 = arith.minsi %min3A_3929, %select_n3A_3934 : vector<16xi32>
    %xor3A_3936 = arith.constant 8 : i32
    %xor3A_3937 = vector.broadcast %xor3A_3936 : i32 to vector<16xi32>
    %xor3A_3938 = arith.xori %iota3A, %xor3A_3937 : vector<16xi32>
    %broadcast_in_dim3A_3939 = vector.shape_cast %xor3A_3938 : vector<16xi32> to vector<16x1xi32>
    %gather3A_3940 = vector.shape_cast %broadcast_in_dim3A_3939 : vector<16x1xi32> to vector<16xi32>
    %gather3A_3941 = tpu.dynamic_gather %min3A_3935[%gather3A_3940] in [0] : vector<16xi32>, vector<16xi32> -> vector<16xi32>
    %min3A_3942 = arith.minsi %min3A_3935, %gather3A_3941 : vector<16xi32>
    %xor3A_3943 = arith.constant 4 : i32
    %xor3A_3944 = vector.broadcast %xor3A_3943 : i32 to vector<16xi32>
    %xor3A_3945 = arith.xori %iota3A, %xor3A_3944 : vector<16xi32>
    %broadcast_in_dim3A_3946 = vector.shape_cast %xor3A_3945 : vector<16xi32> to vector<16x1xi32>
    %gather3A_3947 = vector.shape_cast %broadcast_in_dim3A_3946 : vector<16x1xi32> to vector<16xi32>
    %gather3A_3948 = tpu.dynamic_gather %min3A_3942[%gather3A_3947] in [0] : vector<16xi32>, vector<16xi32> -> vector<16xi32>
    %min3A_3949 = arith.minsi %min3A_3942, %gather3A_3948 : vector<16xi32>
    %xor3A_3950 = arith.constant 2 : i32
    %xor3A_3951 = vector.broadcast %xor3A_3950 : i32 to vector<16xi32>
    %xor3A_3952 = arith.xori %iota3A, %xor3A_3951 : vector<16xi32>
    %broadcast_in_dim3A_3953 = vector.shape_cast %xor3A_3952 : vector<16xi32> to vector<16x1xi32>
    %gather3A_3954 = vector.shape_cast %broadcast_in_dim3A_3953 : vector<16x1xi32> to vector<16xi32>
    %gather3A_3955 = tpu.dynamic_gather %min3A_3949[%gather3A_3954] in [0] : vector<16xi32>, vector<16xi32> -> vector<16xi32>
    %min3A_3956 = arith.minsi %min3A_3949, %gather3A_3955 : vector<16xi32>
    %xor3A_3957 = arith.constant 1 : i32
    %xor3A_3958 = vector.broadcast %xor3A_3957 : i32 to vector<16xi32>
    %xor3A_3959 = arith.xori %iota3A, %xor3A_3958 : vector<16xi32>
    %broadcast_in_dim3A_3960 = vector.shape_cast %xor3A_3959 : vector<16xi32> to vector<16x1xi32>
    %gather3A_3961 = vector.shape_cast %broadcast_in_dim3A_3960 : vector<16x1xi32> to vector<16xi32>
    %gather3A_3962 = tpu.dynamic_gather %min3A_3956[%gather3A_3961] in [0] : vector<16xi32>, vector<16xi32> -> vector<16xi32>
    %min3A_3963 = arith.minsi %min3A_3956, %gather3A_3962 : vector<16xi32>
    %eq3A_3964 = arith.constant 13 : i32
    %eq3A_3965 = vector.broadcast %eq3A_3964 : i32 to vector<16xi32>
    %eq3A_3966 = arith.cmpi eq, %iota3A, %eq3A_3965 : vector<16xi32>
    %select_n3A_3967 = arith.select %eq3A_3966, %max3A_3911, %select_n3A_3847 : vector<16xi1>, vector<16xf32>
    %eq3A_3968 = arith.constant 13 : i32
    %eq3A_3969 = vector.broadcast %eq3A_3968 : i32 to vector<16xi32>
    %eq3A_3970 = arith.cmpi eq, %iota3A, %eq3A_3969 : vector<16xi32>
    %select_n3A_3971 = arith.select %eq3A_3970, %min3A_3963, %select_n3A_3851 : vector<16xi1>, vector<16xi32>
    %add3A_3972 = arith.addf %add3A_3852, %max3A_3911 : vector<16xf32>
    %add3A_3973 = arith.constant 0 : i32
    %add3A_3974 = vector.broadcast %add3A_3973 : i32 to vector<16xi32>
    %add3A_3975 = arith.addi %iota3A, %add3A_3974 : vector<16xi32>
    %eq3A_3976 = arith.cmpi eq, %add3A_3975, %min3A_3963 : vector<16xi32>
    %jit3A_3977 = arith.constant -1.000000e+00 : f32
    %broadcast_in_dim3A_3978 = vector.broadcast %jit3A_3977 : f32 to vector<16xf32>
    %select_n3A_3979 = arith.select %eq3A_3976, %broadcast_in_dim3A_3978, %select_n3A_3859 : vector<16xi1>, vector<16xf32>
    %add3A_3980 = arith.constant 16 : i32
    %add3A_3981 = vector.broadcast %add3A_3980 : i32 to vector<16xi32>
    %add3A_3982 = arith.addi %iota3A, %add3A_3981 : vector<16xi32>
    %eq3A_3983 = arith.cmpi eq, %add3A_3982, %min3A_3963 : vector<16xi32>
    %jit3A_3984 = arith.constant -1.000000e+00 : f32
    %broadcast_in_dim3A_3985 = vector.broadcast %jit3A_3984 : f32 to vector<16xf32>
    %select_n3A_3986 = arith.select %eq3A_3983, %broadcast_in_dim3A_3985, %select_n3A_3866 : vector<16xi1>, vector<16xf32>
    %add3A_3987 = arith.constant 32 : i32
    %add3A_3988 = vector.broadcast %add3A_3987 : i32 to vector<16xi32>
    %add3A_3989 = arith.addi %iota3A, %add3A_3988 : vector<16xi32>
    %eq3A_3990 = arith.cmpi eq, %add3A_3989, %min3A_3963 : vector<16xi32>
    %jit3A_3991 = arith.constant -1.000000e+00 : f32
    %broadcast_in_dim3A_3992 = vector.broadcast %jit3A_3991 : f32 to vector<16xf32>
    %select_n3A_3993 = arith.select %eq3A_3990, %broadcast_in_dim3A_3992, %select_n3A_3873 : vector<16xi1>, vector<16xf32>
    %add3A_3994 = arith.constant 48 : i32
    %add3A_3995 = vector.broadcast %add3A_3994 : i32 to vector<16xi32>
    %add3A_3996 = arith.addi %iota3A, %add3A_3995 : vector<16xi32>
    %eq3A_3997 = arith.cmpi eq, %add3A_3996, %min3A_3963 : vector<16xi32>
    %jit3A_3998 = arith.constant -1.000000e+00 : f32
    %broadcast_in_dim3A_3999 = vector.broadcast %jit3A_3998 : f32 to vector<16xf32>
    %select_n3A_4000 = arith.select %eq3A_3997, %broadcast_in_dim3A_3999, %select_n3A_3880 : vector<16xi1>, vector<16xf32>
    %max3A_4001 = arith.maximumf %select_n3A_3979, %select_n3A_3986 : vector<16xf32>
    %max3A_4002 = arith.maximumf %select_n3A_3993, %select_n3A_4000 : vector<16xf32>
    %max3A_4003 = arith.maximumf %max3A_4001, %max3A_4002 : vector<16xf32>
    %xor3A_4004 = arith.constant 8 : i32
    %xor3A_4005 = vector.broadcast %xor3A_4004 : i32 to vector<16xi32>
    %xor3A_4006 = arith.xori %iota3A, %xor3A_4005 : vector<16xi32>
    %broadcast_in_dim3A_4007 = vector.shape_cast %xor3A_4006 : vector<16xi32> to vector<16x1xi32>
    %gather3A_4008 = vector.shape_cast %broadcast_in_dim3A_4007 : vector<16x1xi32> to vector<16xi32>
    %gather3A_4009 = tpu.dynamic_gather %max3A_4003[%gather3A_4008] in [0] : vector<16xf32>, vector<16xi32> -> vector<16xf32>
    %max3A_4010 = arith.maximumf %max3A_4003, %gather3A_4009 : vector<16xf32>
    %xor3A_4011 = arith.constant 4 : i32
    %xor3A_4012 = vector.broadcast %xor3A_4011 : i32 to vector<16xi32>
    %xor3A_4013 = arith.xori %iota3A, %xor3A_4012 : vector<16xi32>
    %broadcast_in_dim3A_4014 = vector.shape_cast %xor3A_4013 : vector<16xi32> to vector<16x1xi32>
    %gather3A_4015 = vector.shape_cast %broadcast_in_dim3A_4014 : vector<16x1xi32> to vector<16xi32>
    %gather3A_4016 = tpu.dynamic_gather %max3A_4010[%gather3A_4015] in [0] : vector<16xf32>, vector<16xi32> -> vector<16xf32>
    %max3A_4017 = arith.maximumf %max3A_4010, %gather3A_4016 : vector<16xf32>
    %xor3A_4018 = arith.constant 2 : i32
    %xor3A_4019 = vector.broadcast %xor3A_4018 : i32 to vector<16xi32>
    %xor3A_4020 = arith.xori %iota3A, %xor3A_4019 : vector<16xi32>
    %broadcast_in_dim3A_4021 = vector.shape_cast %xor3A_4020 : vector<16xi32> to vector<16x1xi32>
    %gather3A_4022 = vector.shape_cast %broadcast_in_dim3A_4021 : vector<16x1xi32> to vector<16xi32>
    %gather3A_4023 = tpu.dynamic_gather %max3A_4017[%gather3A_4022] in [0] : vector<16xf32>, vector<16xi32> -> vector<16xf32>
    %max3A_4024 = arith.maximumf %max3A_4017, %gather3A_4023 : vector<16xf32>
    %xor3A_4025 = arith.constant 1 : i32
    %xor3A_4026 = vector.broadcast %xor3A_4025 : i32 to vector<16xi32>
    %xor3A_4027 = arith.xori %iota3A, %xor3A_4026 : vector<16xi32>
    %broadcast_in_dim3A_4028 = vector.shape_cast %xor3A_4027 : vector<16xi32> to vector<16x1xi32>
    %gather3A_4029 = vector.shape_cast %broadcast_in_dim3A_4028 : vector<16x1xi32> to vector<16xi32>
    %gather3A_4030 = tpu.dynamic_gather %max3A_4024[%gather3A_4029] in [0] : vector<16xf32>, vector<16xi32> -> vector<16xf32>
    %max3A_4031 = arith.maximumf %max3A_4024, %gather3A_4030 : vector<16xf32>
    %eq3A_4032 = arith.cmpf oeq, %select_n3A_3979, %max3A_4031 : vector<16xf32>
    %add3A_4033 = arith.constant 0 : i32
    %add3A_4034 = vector.broadcast %add3A_4033 : i32 to vector<16xi32>
    %add3A_4035 = arith.addi %iota3A, %add3A_4034 : vector<16xi32>
    %select_n3A_4036 = arith.select %eq3A_4032, %add3A_4035, %broadcast_in_dim3A_13 : vector<16xi1>, vector<16xi32>
    %min3A_4037 = arith.minsi %broadcast_in_dim3A_13, %select_n3A_4036 : vector<16xi32>
    %eq3A_4038 = arith.cmpf oeq, %select_n3A_3986, %max3A_4031 : vector<16xf32>
    %add3A_4039 = arith.constant 16 : i32
    %add3A_4040 = vector.broadcast %add3A_4039 : i32 to vector<16xi32>
    %add3A_4041 = arith.addi %iota3A, %add3A_4040 : vector<16xi32>
    %select_n3A_4042 = arith.select %eq3A_4038, %add3A_4041, %broadcast_in_dim3A_13 : vector<16xi1>, vector<16xi32>
    %min3A_4043 = arith.minsi %min3A_4037, %select_n3A_4042 : vector<16xi32>
    %eq3A_4044 = arith.cmpf oeq, %select_n3A_3993, %max3A_4031 : vector<16xf32>
    %add3A_4045 = arith.constant 32 : i32
    %add3A_4046 = vector.broadcast %add3A_4045 : i32 to vector<16xi32>
    %add3A_4047 = arith.addi %iota3A, %add3A_4046 : vector<16xi32>
    %select_n3A_4048 = arith.select %eq3A_4044, %add3A_4047, %broadcast_in_dim3A_13 : vector<16xi1>, vector<16xi32>
    %min3A_4049 = arith.minsi %min3A_4043, %select_n3A_4048 : vector<16xi32>
    %eq3A_4050 = arith.cmpf oeq, %select_n3A_4000, %max3A_4031 : vector<16xf32>
    %add3A_4051 = arith.constant 48 : i32
    %add3A_4052 = vector.broadcast %add3A_4051 : i32 to vector<16xi32>
    %add3A_4053 = arith.addi %iota3A, %add3A_4052 : vector<16xi32>
    %select_n3A_4054 = arith.select %eq3A_4050, %add3A_4053, %broadcast_in_dim3A_13 : vector<16xi1>, vector<16xi32>
    %min3A_4055 = arith.minsi %min3A_4049, %select_n3A_4054 : vector<16xi32>
    %xor3A_4056 = arith.constant 8 : i32
    %xor3A_4057 = vector.broadcast %xor3A_4056 : i32 to vector<16xi32>
    %xor3A_4058 = arith.xori %iota3A, %xor3A_4057 : vector<16xi32>
    %broadcast_in_dim3A_4059 = vector.shape_cast %xor3A_4058 : vector<16xi32> to vector<16x1xi32>
    %gather3A_4060 = vector.shape_cast %broadcast_in_dim3A_4059 : vector<16x1xi32> to vector<16xi32>
    %gather3A_4061 = tpu.dynamic_gather %min3A_4055[%gather3A_4060] in [0] : vector<16xi32>, vector<16xi32> -> vector<16xi32>
    %min3A_4062 = arith.minsi %min3A_4055, %gather3A_4061 : vector<16xi32>
    %xor3A_4063 = arith.constant 4 : i32
    %xor3A_4064 = vector.broadcast %xor3A_4063 : i32 to vector<16xi32>
    %xor3A_4065 = arith.xori %iota3A, %xor3A_4064 : vector<16xi32>
    %broadcast_in_dim3A_4066 = vector.shape_cast %xor3A_4065 : vector<16xi32> to vector<16x1xi32>
    %gather3A_4067 = vector.shape_cast %broadcast_in_dim3A_4066 : vector<16x1xi32> to vector<16xi32>
    %gather3A_4068 = tpu.dynamic_gather %min3A_4062[%gather3A_4067] in [0] : vector<16xi32>, vector<16xi32> -> vector<16xi32>
    %min3A_4069 = arith.minsi %min3A_4062, %gather3A_4068 : vector<16xi32>
    %xor3A_4070 = arith.constant 2 : i32
    %xor3A_4071 = vector.broadcast %xor3A_4070 : i32 to vector<16xi32>
    %xor3A_4072 = arith.xori %iota3A, %xor3A_4071 : vector<16xi32>
    %broadcast_in_dim3A_4073 = vector.shape_cast %xor3A_4072 : vector<16xi32> to vector<16x1xi32>
    %gather3A_4074 = vector.shape_cast %broadcast_in_dim3A_4073 : vector<16x1xi32> to vector<16xi32>
    %gather3A_4075 = tpu.dynamic_gather %min3A_4069[%gather3A_4074] in [0] : vector<16xi32>, vector<16xi32> -> vector<16xi32>
    %min3A_4076 = arith.minsi %min3A_4069, %gather3A_4075 : vector<16xi32>
    %xor3A_4077 = arith.constant 1 : i32
    %xor3A_4078 = vector.broadcast %xor3A_4077 : i32 to vector<16xi32>
    %xor3A_4079 = arith.xori %iota3A, %xor3A_4078 : vector<16xi32>
    %broadcast_in_dim3A_4080 = vector.shape_cast %xor3A_4079 : vector<16xi32> to vector<16x1xi32>
    %gather3A_4081 = vector.shape_cast %broadcast_in_dim3A_4080 : vector<16x1xi32> to vector<16xi32>
    %gather3A_4082 = tpu.dynamic_gather %min3A_4076[%gather3A_4081] in [0] : vector<16xi32>, vector<16xi32> -> vector<16xi32>
    %min3A_4083 = arith.minsi %min3A_4076, %gather3A_4082 : vector<16xi32>
    %eq3A_4084 = arith.constant 14 : i32
    %eq3A_4085 = vector.broadcast %eq3A_4084 : i32 to vector<16xi32>
    %eq3A_4086 = arith.cmpi eq, %iota3A, %eq3A_4085 : vector<16xi32>
    %select_n3A_4087 = arith.select %eq3A_4086, %max3A_4031, %select_n3A_3967 : vector<16xi1>, vector<16xf32>
    %eq3A_4088 = arith.constant 14 : i32
    %eq3A_4089 = vector.broadcast %eq3A_4088 : i32 to vector<16xi32>
    %eq3A_4090 = arith.cmpi eq, %iota3A, %eq3A_4089 : vector<16xi32>
    %select_n3A_4091 = arith.select %eq3A_4090, %min3A_4083, %select_n3A_3971 : vector<16xi1>, vector<16xi32>
    %add3A_4092 = arith.addf %add3A_3972, %max3A_4031 : vector<16xf32>
    %add3A_4093 = arith.constant 0 : i32
    %add3A_4094 = vector.broadcast %add3A_4093 : i32 to vector<16xi32>
    %add3A_4095 = arith.addi %iota3A, %add3A_4094 : vector<16xi32>
    %eq3A_4096 = arith.cmpi eq, %add3A_4095, %min3A_4083 : vector<16xi32>
    %jit3A_4097 = arith.constant -1.000000e+00 : f32
    %broadcast_in_dim3A_4098 = vector.broadcast %jit3A_4097 : f32 to vector<16xf32>
    %select_n3A_4099 = arith.select %eq3A_4096, %broadcast_in_dim3A_4098, %select_n3A_3979 : vector<16xi1>, vector<16xf32>
    %add3A_4100 = arith.constant 16 : i32
    %add3A_4101 = vector.broadcast %add3A_4100 : i32 to vector<16xi32>
    %add3A_4102 = arith.addi %iota3A, %add3A_4101 : vector<16xi32>
    %eq3A_4103 = arith.cmpi eq, %add3A_4102, %min3A_4083 : vector<16xi32>
    %jit3A_4104 = arith.constant -1.000000e+00 : f32
    %broadcast_in_dim3A_4105 = vector.broadcast %jit3A_4104 : f32 to vector<16xf32>
    %select_n3A_4106 = arith.select %eq3A_4103, %broadcast_in_dim3A_4105, %select_n3A_3986 : vector<16xi1>, vector<16xf32>
    %add3A_4107 = arith.constant 32 : i32
    %add3A_4108 = vector.broadcast %add3A_4107 : i32 to vector<16xi32>
    %add3A_4109 = arith.addi %iota3A, %add3A_4108 : vector<16xi32>
    %eq3A_4110 = arith.cmpi eq, %add3A_4109, %min3A_4083 : vector<16xi32>
    %jit3A_4111 = arith.constant -1.000000e+00 : f32
    %broadcast_in_dim3A_4112 = vector.broadcast %jit3A_4111 : f32 to vector<16xf32>
    %select_n3A_4113 = arith.select %eq3A_4110, %broadcast_in_dim3A_4112, %select_n3A_3993 : vector<16xi1>, vector<16xf32>
    %add3A_4114 = arith.constant 48 : i32
    %add3A_4115 = vector.broadcast %add3A_4114 : i32 to vector<16xi32>
    %add3A_4116 = arith.addi %iota3A, %add3A_4115 : vector<16xi32>
    %eq3A_4117 = arith.cmpi eq, %add3A_4116, %min3A_4083 : vector<16xi32>
    %jit3A_4118 = arith.constant -1.000000e+00 : f32
    %broadcast_in_dim3A_4119 = vector.broadcast %jit3A_4118 : f32 to vector<16xf32>
    %select_n3A_4120 = arith.select %eq3A_4117, %broadcast_in_dim3A_4119, %select_n3A_4000 : vector<16xi1>, vector<16xf32>
    %max3A_4121 = arith.maximumf %select_n3A_4099, %select_n3A_4106 : vector<16xf32>
    %max3A_4122 = arith.maximumf %select_n3A_4113, %select_n3A_4120 : vector<16xf32>
    %max3A_4123 = arith.maximumf %max3A_4121, %max3A_4122 : vector<16xf32>
    %xor3A_4124 = arith.constant 8 : i32
    %xor3A_4125 = vector.broadcast %xor3A_4124 : i32 to vector<16xi32>
    %xor3A_4126 = arith.xori %iota3A, %xor3A_4125 : vector<16xi32>
    %broadcast_in_dim3A_4127 = vector.shape_cast %xor3A_4126 : vector<16xi32> to vector<16x1xi32>
    %gather3A_4128 = vector.shape_cast %broadcast_in_dim3A_4127 : vector<16x1xi32> to vector<16xi32>
    %gather3A_4129 = tpu.dynamic_gather %max3A_4123[%gather3A_4128] in [0] : vector<16xf32>, vector<16xi32> -> vector<16xf32>
    %max3A_4130 = arith.maximumf %max3A_4123, %gather3A_4129 : vector<16xf32>
    %xor3A_4131 = arith.constant 4 : i32
    %xor3A_4132 = vector.broadcast %xor3A_4131 : i32 to vector<16xi32>
    %xor3A_4133 = arith.xori %iota3A, %xor3A_4132 : vector<16xi32>
    %broadcast_in_dim3A_4134 = vector.shape_cast %xor3A_4133 : vector<16xi32> to vector<16x1xi32>
    %gather3A_4135 = vector.shape_cast %broadcast_in_dim3A_4134 : vector<16x1xi32> to vector<16xi32>
    %gather3A_4136 = tpu.dynamic_gather %max3A_4130[%gather3A_4135] in [0] : vector<16xf32>, vector<16xi32> -> vector<16xf32>
    %max3A_4137 = arith.maximumf %max3A_4130, %gather3A_4136 : vector<16xf32>
    %xor3A_4138 = arith.constant 2 : i32
    %xor3A_4139 = vector.broadcast %xor3A_4138 : i32 to vector<16xi32>
    %xor3A_4140 = arith.xori %iota3A, %xor3A_4139 : vector<16xi32>
    %broadcast_in_dim3A_4141 = vector.shape_cast %xor3A_4140 : vector<16xi32> to vector<16x1xi32>
    %gather3A_4142 = vector.shape_cast %broadcast_in_dim3A_4141 : vector<16x1xi32> to vector<16xi32>
    %gather3A_4143 = tpu.dynamic_gather %max3A_4137[%gather3A_4142] in [0] : vector<16xf32>, vector<16xi32> -> vector<16xf32>
    %max3A_4144 = arith.maximumf %max3A_4137, %gather3A_4143 : vector<16xf32>
    %xor3A_4145 = arith.constant 1 : i32
    %xor3A_4146 = vector.broadcast %xor3A_4145 : i32 to vector<16xi32>
    %xor3A_4147 = arith.xori %iota3A, %xor3A_4146 : vector<16xi32>
    %broadcast_in_dim3A_4148 = vector.shape_cast %xor3A_4147 : vector<16xi32> to vector<16x1xi32>
    %gather3A_4149 = vector.shape_cast %broadcast_in_dim3A_4148 : vector<16x1xi32> to vector<16xi32>
    %gather3A_4150 = tpu.dynamic_gather %max3A_4144[%gather3A_4149] in [0] : vector<16xf32>, vector<16xi32> -> vector<16xf32>
    %max3A_4151 = arith.maximumf %max3A_4144, %gather3A_4150 : vector<16xf32>
    %eq3A_4152 = arith.cmpf oeq, %select_n3A_4099, %max3A_4151 : vector<16xf32>
    %add3A_4153 = arith.constant 0 : i32
    %add3A_4154 = vector.broadcast %add3A_4153 : i32 to vector<16xi32>
    %add3A_4155 = arith.addi %iota3A, %add3A_4154 : vector<16xi32>
    %select_n3A_4156 = arith.select %eq3A_4152, %add3A_4155, %broadcast_in_dim3A_13 : vector<16xi1>, vector<16xi32>
    %min3A_4157 = arith.minsi %broadcast_in_dim3A_13, %select_n3A_4156 : vector<16xi32>
    %eq3A_4158 = arith.cmpf oeq, %select_n3A_4106, %max3A_4151 : vector<16xf32>
    %add3A_4159 = arith.constant 16 : i32
    %add3A_4160 = vector.broadcast %add3A_4159 : i32 to vector<16xi32>
    %add3A_4161 = arith.addi %iota3A, %add3A_4160 : vector<16xi32>
    %select_n3A_4162 = arith.select %eq3A_4158, %add3A_4161, %broadcast_in_dim3A_13 : vector<16xi1>, vector<16xi32>
    %min3A_4163 = arith.minsi %min3A_4157, %select_n3A_4162 : vector<16xi32>
    %eq3A_4164 = arith.cmpf oeq, %select_n3A_4113, %max3A_4151 : vector<16xf32>
    %add3A_4165 = arith.constant 32 : i32
    %add3A_4166 = vector.broadcast %add3A_4165 : i32 to vector<16xi32>
    %add3A_4167 = arith.addi %iota3A, %add3A_4166 : vector<16xi32>
    %select_n3A_4168 = arith.select %eq3A_4164, %add3A_4167, %broadcast_in_dim3A_13 : vector<16xi1>, vector<16xi32>
    %min3A_4169 = arith.minsi %min3A_4163, %select_n3A_4168 : vector<16xi32>
    %eq3A_4170 = arith.cmpf oeq, %select_n3A_4120, %max3A_4151 : vector<16xf32>
    %add3A_4171 = arith.constant 48 : i32
    %add3A_4172 = vector.broadcast %add3A_4171 : i32 to vector<16xi32>
    %add3A_4173 = arith.addi %iota3A, %add3A_4172 : vector<16xi32>
    %select_n3A_4174 = arith.select %eq3A_4170, %add3A_4173, %broadcast_in_dim3A_13 : vector<16xi1>, vector<16xi32>
    %min3A_4175 = arith.minsi %min3A_4169, %select_n3A_4174 : vector<16xi32>
    %xor3A_4176 = arith.constant 8 : i32
    %xor3A_4177 = vector.broadcast %xor3A_4176 : i32 to vector<16xi32>
    %xor3A_4178 = arith.xori %iota3A, %xor3A_4177 : vector<16xi32>
    %broadcast_in_dim3A_4179 = vector.shape_cast %xor3A_4178 : vector<16xi32> to vector<16x1xi32>
    %gather3A_4180 = vector.shape_cast %broadcast_in_dim3A_4179 : vector<16x1xi32> to vector<16xi32>
    %gather3A_4181 = tpu.dynamic_gather %min3A_4175[%gather3A_4180] in [0] : vector<16xi32>, vector<16xi32> -> vector<16xi32>
    %min3A_4182 = arith.minsi %min3A_4175, %gather3A_4181 : vector<16xi32>
    %xor3A_4183 = arith.constant 4 : i32
    %xor3A_4184 = vector.broadcast %xor3A_4183 : i32 to vector<16xi32>
    %xor3A_4185 = arith.xori %iota3A, %xor3A_4184 : vector<16xi32>
    %broadcast_in_dim3A_4186 = vector.shape_cast %xor3A_4185 : vector<16xi32> to vector<16x1xi32>
    %gather3A_4187 = vector.shape_cast %broadcast_in_dim3A_4186 : vector<16x1xi32> to vector<16xi32>
    %gather3A_4188 = tpu.dynamic_gather %min3A_4182[%gather3A_4187] in [0] : vector<16xi32>, vector<16xi32> -> vector<16xi32>
    %min3A_4189 = arith.minsi %min3A_4182, %gather3A_4188 : vector<16xi32>
    %xor3A_4190 = arith.constant 2 : i32
    %xor3A_4191 = vector.broadcast %xor3A_4190 : i32 to vector<16xi32>
    %xor3A_4192 = arith.xori %iota3A, %xor3A_4191 : vector<16xi32>
    %broadcast_in_dim3A_4193 = vector.shape_cast %xor3A_4192 : vector<16xi32> to vector<16x1xi32>
    %gather3A_4194 = vector.shape_cast %broadcast_in_dim3A_4193 : vector<16x1xi32> to vector<16xi32>
    %gather3A_4195 = tpu.dynamic_gather %min3A_4189[%gather3A_4194] in [0] : vector<16xi32>, vector<16xi32> -> vector<16xi32>
    %min3A_4196 = arith.minsi %min3A_4189, %gather3A_4195 : vector<16xi32>
    %xor3A_4197 = arith.constant 1 : i32
    %xor3A_4198 = vector.broadcast %xor3A_4197 : i32 to vector<16xi32>
    %xor3A_4199 = arith.xori %iota3A, %xor3A_4198 : vector<16xi32>
    %broadcast_in_dim3A_4200 = vector.shape_cast %xor3A_4199 : vector<16xi32> to vector<16x1xi32>
    %gather3A_4201 = vector.shape_cast %broadcast_in_dim3A_4200 : vector<16x1xi32> to vector<16xi32>
    %gather3A_4202 = tpu.dynamic_gather %min3A_4196[%gather3A_4201] in [0] : vector<16xi32>, vector<16xi32> -> vector<16xi32>
    %min3A_4203 = arith.minsi %min3A_4196, %gather3A_4202 : vector<16xi32>
    %eq3A_4204 = arith.constant 15 : i32
    %eq3A_4205 = vector.broadcast %eq3A_4204 : i32 to vector<16xi32>
    %eq3A_4206 = arith.cmpi eq, %iota3A, %eq3A_4205 : vector<16xi32>
    %select_n3A_4207 = arith.select %eq3A_4206, %max3A_4151, %select_n3A_4087 : vector<16xi1>, vector<16xf32>
    %eq3A_4208 = arith.constant 15 : i32
    %eq3A_4209 = vector.broadcast %eq3A_4208 : i32 to vector<16xi32>
    %eq3A_4210 = arith.cmpi eq, %iota3A, %eq3A_4209 : vector<16xi32>
    %select_n3A_4211 = arith.select %eq3A_4210, %min3A_4203, %select_n3A_4091 : vector<16xi1>, vector<16xi32>
    %add3A_4212 = arith.addf %add3A_4092, %max3A_4151 : vector<16xf32>
    %add3A_4213 = arith.constant 0 : i32
    %add3A_4214 = vector.broadcast %add3A_4213 : i32 to vector<16xi32>
    %add3A_4215 = arith.addi %iota3A, %add3A_4214 : vector<16xi32>
    %eq3A_4216 = arith.cmpi eq, %add3A_4215, %min3A_4203 : vector<16xi32>
    %jit3A_4217 = arith.constant -1.000000e+00 : f32
    %broadcast_in_dim3A_4218 = vector.broadcast %jit3A_4217 : f32 to vector<16xf32>
    %select_n3A_4219 = arith.select %eq3A_4216, %broadcast_in_dim3A_4218, %select_n3A_4099 : vector<16xi1>, vector<16xf32>
    %add3A_4220 = arith.constant 16 : i32
    %add3A_4221 = vector.broadcast %add3A_4220 : i32 to vector<16xi32>
    %add3A_4222 = arith.addi %iota3A, %add3A_4221 : vector<16xi32>
    %eq3A_4223 = arith.cmpi eq, %add3A_4222, %min3A_4203 : vector<16xi32>
    %jit3A_4224 = arith.constant -1.000000e+00 : f32
    %broadcast_in_dim3A_4225 = vector.broadcast %jit3A_4224 : f32 to vector<16xf32>
    %select_n3A_4226 = arith.select %eq3A_4223, %broadcast_in_dim3A_4225, %select_n3A_4106 : vector<16xi1>, vector<16xf32>
    %add3A_4227 = arith.constant 32 : i32
    %add3A_4228 = vector.broadcast %add3A_4227 : i32 to vector<16xi32>
    %add3A_4229 = arith.addi %iota3A, %add3A_4228 : vector<16xi32>
    %eq3A_4230 = arith.cmpi eq, %add3A_4229, %min3A_4203 : vector<16xi32>
    %jit3A_4231 = arith.constant -1.000000e+00 : f32
    %broadcast_in_dim3A_4232 = vector.broadcast %jit3A_4231 : f32 to vector<16xf32>
    %select_n3A_4233 = arith.select %eq3A_4230, %broadcast_in_dim3A_4232, %select_n3A_4113 : vector<16xi1>, vector<16xf32>
    %add3A_4234 = arith.constant 48 : i32
    %add3A_4235 = vector.broadcast %add3A_4234 : i32 to vector<16xi32>
    %add3A_4236 = arith.addi %iota3A, %add3A_4235 : vector<16xi32>
    %eq3A_4237 = arith.cmpi eq, %add3A_4236, %min3A_4203 : vector<16xi32>
    %jit3A_4238 = arith.constant -1.000000e+00 : f32
    %broadcast_in_dim3A_4239 = vector.broadcast %jit3A_4238 : f32 to vector<16xf32>
    %select_n3A_4240 = arith.select %eq3A_4237, %broadcast_in_dim3A_4239, %select_n3A_4120 : vector<16xi1>, vector<16xf32>
    %div3A_4241 = arith.constant 1.000000e+00 : f32
    %div3A_4242 = vector.broadcast %div3A_4241 : f32 to vector<16xf32>
    %div3A_4243 = arith.divf %div3A_4242, %add3A_4212 : vector<16xf32>
    %mul3A_4244 = arith.mulf %select_n3A_4207, %div3A_4243 : vector<16xf32>
    %add3A_4245 = arith.addf %add3A_3184, %mul3A_4244 : vector<16xf32>
    %add3A_4246 = arith.addi %add3A_3185, %select_n3A_4211 : vector<16xi32>
    %swap3A = arith.constant 0 : index
    %swap3A_4247 = tpu.vector_load %arg6[%swap3A] {strides = array<i32>} : memref<32xf32, #tpu.memory_space<vmem>>, vector<16xf32>,
    %swap3A_4248 = vector.shape_cast %swap3A_4247 : vector<16xf32> to vector<16xf32>
    %swap3A_4249 = vector.shape_cast %add3A_2123 : vector<16xf32> to vector<16xf32>
    tpu.vector_store %arg6[%swap3A], %swap3A_4249 {strides = array<i32>} : memref<32xf32, #tpu.memory_space<vmem>>, vector<16xf32>,
    %swap3A_4250 = arith.constant 0 : index
    %swap3A_4251 = tpu.vector_load %arg7[%swap3A_4250] {strides = array<i32>} : memref<32xi32, #tpu.memory_space<vmem>>, vector<16xi32>,
    %swap3A_4252 = vector.shape_cast %swap3A_4251 : vector<16xi32> to vector<16xi32>
    %swap3A_4253 = vector.shape_cast %add3A_2124 : vector<16xi32> to vector<16xi32>
    tpu.vector_store %arg7[%swap3A_4250], %swap3A_4253 {strides = array<i32>} : memref<32xi32, #tpu.memory_space<vmem>>, vector<16xi32>,
    %swap3A_4254 = arith.constant 16 : index
    %swap3A_4255 = tpu.vector_load %arg6[%swap3A_4254] {strides = array<i32>} : memref<32xf32, #tpu.memory_space<vmem>>, vector<16xf32>,
    %swap3A_4256 = vector.shape_cast %swap3A_4255 : vector<16xf32> to vector<16xf32>
    %swap3A_4257 = vector.shape_cast %add3A_4245 : vector<16xf32> to vector<16xf32>
    tpu.vector_store %arg6[%swap3A_4254], %swap3A_4257 {strides = array<i32>} : memref<32xf32, #tpu.memory_space<vmem>>, vector<16xf32>,
    %swap3A_4258 = arith.constant 16 : index
    %swap3A_4259 = tpu.vector_load %arg7[%swap3A_4258] {strides = array<i32>} : memref<32xi32, #tpu.memory_space<vmem>>, vector<16xi32>,
    %swap3A_4260 = vector.shape_cast %swap3A_4259 : vector<16xi32> to vector<16xi32>
    %swap3A_4261 = vector.shape_cast %add3A_4246 : vector<16xi32> to vector<16xi32>
    tpu.vector_store %arg7[%swap3A_4258], %swap3A_4261 {strides = array<i32>} : memref<32xi32, #tpu.memory_space<vmem>>, vector<16xi32>,
    %mul3A_4262 = arith.constant 8 : i32
    %mul3A_4263 = arith.muli %mul3A_2, %mul3A_4262 : i32
    "tpu.region"() ({
      %run_scoped3A = tpu.sem_alloc : memref<!tpu.dma_semaphore, #tpu.memory_space<semaphore_mem>>
      %dma_start3A = tpu.memref_slice %arg3[%mul3A_4263] : memref<1024xf32, #tpu.memory_space<hbm>> -> memref<32xf32, #tpu.memory_space<hbm>>
      %dma_start3A_4266 = tpu.memref_slice %arg3[%mul3A_4263] : memref<1024xf32, #tpu.memory_space<hbm>> -> memref<32xf32, #tpu.memory_space<hbm>>
      tpu.enqueue_dma source(%arg6 : memref<32xf32, #tpu.memory_space<vmem>>) target(%dma_start3A_4266 : memref<32xf32, #tpu.memory_space<hbm>>) target_semaphore(%run_scoped3A : memref<!tpu.dma_semaphore, #tpu.memory_space<semaphore_mem>>)
      %dma_wait3A = tpu.memref_slice %arg3[%mul3A_4263] : memref<1024xf32, #tpu.memory_space<hbm>> -> memref<32xf32, #tpu.memory_space<hbm>>
      %dma_wait3A_4267 = tpu.memref_slice %arg3[%mul3A_4263] : memref<1024xf32, #tpu.memory_space<hbm>> -> memref<32xf32, #tpu.memory_space<hbm>>
      tpu.wait_dma2 semaphore(%run_scoped3A : memref<!tpu.dma_semaphore, #tpu.memory_space<semaphore_mem>>) src(%arg6 : memref<32xf32, #tpu.memory_space<vmem>>) dst(%dma_wait3A_4267 : memref<32xf32, #tpu.memory_space<hbm>>)
      tpu.yield
    }) : () -> ()
    %mul3A_4264 = arith.constant 8 : i32
    %mul3A_4265 = arith.muli %mul3A_2, %mul3A_4264 : i32
    "tpu.region"() ({
      %run_scoped3A = tpu.sem_alloc : memref<!tpu.dma_semaphore, #tpu.memory_space<semaphore_mem>>
      %dma_start3A = tpu.memref_slice %arg4[%mul3A_4265] : memref<1024xi32, #tpu.memory_space<hbm>> -> memref<32xi32, #tpu.memory_space<hbm>>
      %dma_start3A_4266 = tpu.memref_slice %arg4[%mul3A_4265] : memref<1024xi32, #tpu.memory_space<hbm>> -> memref<32xi32, #tpu.memory_space<hbm>>
      tpu.enqueue_dma source(%arg7 : memref<32xi32, #tpu.memory_space<vmem>>) target(%dma_start3A_4266 : memref<32xi32, #tpu.memory_space<hbm>>) target_semaphore(%run_scoped3A : memref<!tpu.dma_semaphore, #tpu.memory_space<semaphore_mem>>)
      %dma_wait3A = tpu.memref_slice %arg4[%mul3A_4265] : memref<1024xi32, #tpu.memory_space<hbm>> -> memref<32xi32, #tpu.memory_space<hbm>>
      %dma_wait3A_4267 = tpu.memref_slice %arg4[%mul3A_4265] : memref<1024xi32, #tpu.memory_space<hbm>> -> memref<32xi32, #tpu.memory_space<hbm>>
      tpu.wait_dma2 semaphore(%run_scoped3A : memref<!tpu.dma_semaphore, #tpu.memory_space<semaphore_mem>>) src(%arg7 : memref<32xi32, #tpu.memory_space<vmem>>) dst(%dma_wait3A_4267 : memref<32xi32, #tpu.memory_space<hbm>>)
      tpu.yield
    }) : () -> ()
    return
  }
}

module attributes {stable_mosaic.version = 14 : i64} {
  func.func @_stage1_body(%arg0: i32, %arg1: memref<4x28x32x768xf32, #tpu.memory_space<vmem>>, %arg2: memref<64x768xf32, #tpu.memory_space<vmem>>, %arg3: memref<1x64xf32, #tpu.memory_space<vmem>>, %arg4: memref<1x64xf32, #tpu.memory_space<vmem>>, %arg5: memref<128x64xf32, #tpu.memory_space<vmem>>, %arg6: memref<64x128xf32, #tpu.memory_space<vmem>>, %arg7: memref<4x32x64xf32, #tpu.memory_space<vmem>>, %arg8: memref<1x64xf32, #tpu.memory_space<vmem>>) attributes {dimension_semantics = [#tpu.dimension_semantics<arbitrary>], iteration_bounds = array<i64: 7>, scalar_prefetch = 0 : i64, scratch_operands = 2 : i64, tpu.core_type = #tpu.core_type<tc>, window_params = [{transform_indices = @transform_0, window_bounds = array<i64: 4, 28, 32, 768>}, {pipeline_mode = #tpu.pipeline_mode<synchronous>, transform_indices = @transform_1, window_bounds = array<i64: 64, 768>}, {pipeline_mode = #tpu.pipeline_mode<synchronous>, transform_indices = @transform_2, window_bounds = array<i64: 1, 64>}, {pipeline_mode = #tpu.pipeline_mode<synchronous>, transform_indices = @transform_3, window_bounds = array<i64: 1, 64>}, {pipeline_mode = #tpu.pipeline_mode<synchronous>, transform_indices = @transform_4, window_bounds = array<i64: 128, 64>}, {pipeline_mode = #tpu.pipeline_mode<synchronous>, transform_indices = @transform_5, window_bounds = array<i64: 64, 128>}]} {
    %get3A = arith.constant 0 : index
    %get3A_0 = arith.constant 0 : index
    %get3A_1 = arith.constant 0 : index
    %get3A_2 = arith.constant 0 : index
    %get3A_3 = vector.load %arg1[%get3A, %get3A_0, %get3A_1, %get3A_2] : memref<4x28x32x768xf32, #tpu.memory_space<vmem>>, vector<4x28x32x768xf32>
    %broadcast_in_dim3A = arith.constant 0.000000e+00 : f32
    %broadcast_in_dim3A_4 = vector.broadcast %broadcast_in_dim3A : f32 to vector<28x32x768xf32>
    %slice3A = vector.extract_strided_slice %get3A_3 {offsets = [0, 0, 0, 0], sizes = [1, 28, 32, 768], strides = [1, 1, 1, 1]} : vector<4x28x32x768xf32> to vector<1x28x32x768xf32>
    %squeeze3A = vector.shape_cast %slice3A : vector<1x28x32x768xf32> to vector<28x32x768xf32>
    %sub3A = arith.subf %squeeze3A, %broadcast_in_dim3A_4 : vector<28x32x768xf32>
    %div3A = arith.constant 2.000000e+00 : f32
    %div3A_5 = vector.broadcast %div3A : f32 to vector<28x32x768xf32>
    %div3A_6 = arith.divf %sub3A, %div3A_5 : vector<28x32x768xf32>
    %add3A = arith.addf %broadcast_in_dim3A_4, %div3A_6 : vector<28x32x768xf32>
    %ge3A = arith.constant 1.000000e+00 : f32
    %ge3A_7 = vector.broadcast %ge3A : f32 to vector<28x32x768xf32>
    %ge3A_8 = arith.cmpf oge, %add3A, %ge3A_7 : vector<28x32x768xf32>
    %convert_element_type3A = arith.extui %ge3A_8 : vector<28x32x768xi1> to vector<28x32x768xi32>
    %convert_element_type3A_9 = arith.sitofp %convert_element_type3A : vector<28x32x768xi32> to vector<28x32x768xf32>
    %jit3A = arith.constant 0.000000e+00 : f32
    %broadcast_in_dim3A_10 = vector.broadcast %jit3A : f32 to vector<28x32x768xf32>
    %select_n3A = arith.select %ge3A_8, %broadcast_in_dim3A_10, %add3A : vector<28x32x768xi1>, vector<28x32x768xf32>
    %slice3A_11 = vector.extract_strided_slice %get3A_3 {offsets = [1, 0, 0, 0], sizes = [1, 28, 32, 768], strides = [1, 1, 1, 1]} : vector<4x28x32x768xf32> to vector<1x28x32x768xf32>
    %squeeze3A_12 = vector.shape_cast %slice3A_11 : vector<1x28x32x768xf32> to vector<28x32x768xf32>
    %sub3A_13 = arith.subf %squeeze3A_12, %select_n3A : vector<28x32x768xf32>
    %div3A_14 = arith.constant 2.000000e+00 : f32
    %div3A_15 = vector.broadcast %div3A_14 : f32 to vector<28x32x768xf32>
    %div3A_16 = arith.divf %sub3A_13, %div3A_15 : vector<28x32x768xf32>
    %add3A_17 = arith.addf %select_n3A, %div3A_16 : vector<28x32x768xf32>
    %ge3A_18 = arith.constant 1.000000e+00 : f32
    %ge3A_19 = vector.broadcast %ge3A_18 : f32 to vector<28x32x768xf32>
    %ge3A_20 = arith.cmpf oge, %add3A_17, %ge3A_19 : vector<28x32x768xf32>
    %convert_element_type3A_21 = arith.extui %ge3A_20 : vector<28x32x768xi1> to vector<28x32x768xi32>
    %convert_element_type3A_22 = arith.sitofp %convert_element_type3A_21 : vector<28x32x768xi32> to vector<28x32x768xf32>
    %jit3A_23 = arith.constant 0.000000e+00 : f32
    %broadcast_in_dim3A_24 = vector.broadcast %jit3A_23 : f32 to vector<28x32x768xf32>
    %select_n3A_25 = arith.select %ge3A_20, %broadcast_in_dim3A_24, %add3A_17 : vector<28x32x768xi1>, vector<28x32x768xf32>
    %slice3A_26 = vector.extract_strided_slice %get3A_3 {offsets = [2, 0, 0, 0], sizes = [1, 28, 32, 768], strides = [1, 1, 1, 1]} : vector<4x28x32x768xf32> to vector<1x28x32x768xf32>
    %squeeze3A_27 = vector.shape_cast %slice3A_26 : vector<1x28x32x768xf32> to vector<28x32x768xf32>
    %sub3A_28 = arith.subf %squeeze3A_27, %select_n3A_25 : vector<28x32x768xf32>
    %div3A_29 = arith.constant 2.000000e+00 : f32
    %div3A_30 = vector.broadcast %div3A_29 : f32 to vector<28x32x768xf32>
    %div3A_31 = arith.divf %sub3A_28, %div3A_30 : vector<28x32x768xf32>
    %add3A_32 = arith.addf %select_n3A_25, %div3A_31 : vector<28x32x768xf32>
    %ge3A_33 = arith.constant 1.000000e+00 : f32
    %ge3A_34 = vector.broadcast %ge3A_33 : f32 to vector<28x32x768xf32>
    %ge3A_35 = arith.cmpf oge, %add3A_32, %ge3A_34 : vector<28x32x768xf32>
    %convert_element_type3A_36 = arith.extui %ge3A_35 : vector<28x32x768xi1> to vector<28x32x768xi32>
    %convert_element_type3A_37 = arith.sitofp %convert_element_type3A_36 : vector<28x32x768xi32> to vector<28x32x768xf32>
    %jit3A_38 = arith.constant 0.000000e+00 : f32
    %broadcast_in_dim3A_39 = vector.broadcast %jit3A_38 : f32 to vector<28x32x768xf32>
    %select_n3A_40 = arith.select %ge3A_35, %broadcast_in_dim3A_39, %add3A_32 : vector<28x32x768xi1>, vector<28x32x768xf32>
    %slice3A_41 = vector.extract_strided_slice %get3A_3 {offsets = [3, 0, 0, 0], sizes = [1, 28, 32, 768], strides = [1, 1, 1, 1]} : vector<4x28x32x768xf32> to vector<1x28x32x768xf32>
    %squeeze3A_42 = vector.shape_cast %slice3A_41 : vector<1x28x32x768xf32> to vector<28x32x768xf32>
    %sub3A_43 = arith.subf %squeeze3A_42, %select_n3A_40 : vector<28x32x768xf32>
    %div3A_44 = arith.constant 2.000000e+00 : f32
    %div3A_45 = vector.broadcast %div3A_44 : f32 to vector<28x32x768xf32>
    %div3A_46 = arith.divf %sub3A_43, %div3A_45 : vector<28x32x768xf32>
    %add3A_47 = arith.addf %select_n3A_40, %div3A_46 : vector<28x32x768xf32>
    %ge3A_48 = arith.constant 1.000000e+00 : f32
    %ge3A_49 = vector.broadcast %ge3A_48 : f32 to vector<28x32x768xf32>
    %ge3A_50 = arith.cmpf oge, %add3A_47, %ge3A_49 : vector<28x32x768xf32>
    %convert_element_type3A_51 = arith.extui %ge3A_50 : vector<28x32x768xi1> to vector<28x32x768xi32>
    %convert_element_type3A_52 = arith.sitofp %convert_element_type3A_51 : vector<28x32x768xi32> to vector<28x32x768xf32>
    %stack3A = vector.shape_cast %convert_element_type3A_9 : vector<28x32x768xf32> to vector<1x28x32x768xf32>
    %stack3A_53 = vector.shape_cast %convert_element_type3A_22 : vector<28x32x768xf32> to vector<1x28x32x768xf32>
    %stack3A_54 = vector.shape_cast %convert_element_type3A_37 : vector<28x32x768xf32> to vector<1x28x32x768xf32>
    %stack3A_55 = vector.shape_cast %convert_element_type3A_52 : vector<28x32x768xf32> to vector<1x28x32x768xf32>
    %stack3A_56 = tpu.concatenate %stack3A, %stack3A_53, %stack3A_54, %stack3A_55 in 0 : vector<1x28x32x768xf32>, vector<1x28x32x768xf32>, vector<1x28x32x768xf32>, vector<1x28x32x768xf32> -> vector<4x28x32x768xf32>
    %reshape3A = vector.shape_cast %stack3A_56 : vector<4x28x32x768xf32> to vector<3584x768xf32>
    %get3A_57 = arith.constant 0 : index
    %get3A_58 = arith.constant 0 : index
    %get3A_59 = vector.load %arg2[%get3A_57, %get3A_58] : memref<64x768xf32, #tpu.memory_space<vmem>>, vector<64x768xf32>
    %dot_general3A = arith.constant dense<0.000000e+00> : vector<3584x64xf32>
    %dot_general3A_60 = tpu.matmul %reshape3A, %get3A_59, %dot_general3A {dimension_numbers = #tpu.dot_dimension_numbers<[1], [1], [0], [0], [0, 0, 1, 0], [], []>, transpose_lhs_hint = false} : vector<3584x768xf32>, vector<64x768xf32>, vector<3584x64xf32> -> vector<3584x64xf32>
    %reshape3A_61 = vector.shape_cast %dot_general3A_60 : vector<3584x64xf32> to vector<4x28x32x64xf32>
    %reduce_sum3A = arith.constant dense<0.000000e+00> : vector<4x32x64xf32>
    %reduce_sum3A_62 = vector.multi_reduction <add>, %reshape3A_61, %reduce_sum3A [1] : vector<4x28x32x64xf32> to vector<4x32x64xf32>
    %mul3A = arith.mulf %dot_general3A_60, %dot_general3A_60 : vector<3584x64xf32>
    %reduce_sum3A_63 = arith.constant dense<0.000000e+00> : vector<64xf32>
    %reduce_sum3A_64 = vector.multi_reduction <add>, %mul3A, %reduce_sum3A_63 [0] : vector<3584x64xf32> to vector<64xf32>
    %broadcast_in_dim3A_65 = vector.shape_cast %reduce_sum3A_64 : vector<64xf32> to vector<1x64xf32>
    %eq3A = arith.constant 0 : i32
    %eq3A_66 = arith.cmpi eq, %arg0, %eq3A : i32
    %convert_element_type3A_67 = arith.extui %eq3A_66 : i1 to i32
    %cond3A = arith.constant 0 : i32
    %cond3A_68 = arith.cmpi ne, %convert_element_type3A_67, %cond3A : i32
    scf.if %cond3A_68 {
      %broadcast_in_dim3A_89 = arith.constant 0.000000e+00 : f32
      %broadcast_in_dim3A_90 = vector.broadcast %broadcast_in_dim3A_89 : f32 to vector<4x32x64xf32>
      %swap3A_91 = arith.constant 0 : index
      %swap3A_92 = arith.constant 0 : index
      %swap3A_93 = arith.constant 0 : index
      %swap3A_94 = vector.load %arg7[%swap3A_91, %swap3A_92, %swap3A_93] : memref<4x32x64xf32, #tpu.memory_space<vmem>>, vector<4x32x64xf32>
      tpu.vector_store %arg7[%swap3A_91, %swap3A_92, %swap3A_93], %broadcast_in_dim3A_90 {strides = array<i32>} : memref<4x32x64xf32, #tpu.memory_space<vmem>>, vector<4x32x64xf32>,
      %broadcast_in_dim3A_95 = arith.constant 0.000000e+00 : f32
      %broadcast_in_dim3A_96 = vector.broadcast %broadcast_in_dim3A_95 : f32 to vector<1x64xf32>
      %swap3A_97 = arith.constant 0 : index
      %swap3A_98 = arith.constant 0 : index
      %swap3A_99 = vector.load %arg8[%swap3A_97, %swap3A_98] : memref<1x64xf32, #tpu.memory_space<vmem>>, vector<1x64xf32>
      tpu.vector_store %arg8[%swap3A_97, %swap3A_98], %broadcast_in_dim3A_96 {strides = array<i32>} : memref<1x64xf32, #tpu.memory_space<vmem>>, vector<1x64xf32>,
    } else {
    }
    %get3A_69 = arith.constant 0 : index
    %get3A_70 = arith.constant 0 : index
    %get3A_71 = arith.constant 0 : index
    %get3A_72 = vector.load %arg7[%get3A_69, %get3A_70, %get3A_71] : memref<4x32x64xf32, #tpu.memory_space<vmem>>, vector<4x32x64xf32>
    %add3A_73 = arith.addf %get3A_72, %reduce_sum3A_62 : vector<4x32x64xf32>
    %swap3A = arith.constant 0 : index
    %swap3A_74 = arith.constant 0 : index
    %swap3A_75 = arith.constant 0 : index
    %swap3A_76 = vector.load %arg7[%swap3A, %swap3A_74, %swap3A_75] : memref<4x32x64xf32, #tpu.memory_space<vmem>>, vector<4x32x64xf32>
    tpu.vector_store %arg7[%swap3A, %swap3A_74, %swap3A_75], %add3A_73 {strides = array<i32>} : memref<4x32x64xf32, #tpu.memory_space<vmem>>, vector<4x32x64xf32>,
    %get3A_77 = arith.constant 0 : index
    %get3A_78 = arith.constant 0 : index
    %get3A_79 = vector.load %arg8[%get3A_77, %get3A_78] : memref<1x64xf32, #tpu.memory_space<vmem>>, vector<1x64xf32>
    %add3A_80 = arith.addf %get3A_79, %broadcast_in_dim3A_65 : vector<1x64xf32>
    %swap3A_81 = arith.constant 0 : index
    %swap3A_82 = arith.constant 0 : index
    %swap3A_83 = vector.load %arg8[%swap3A_81, %swap3A_82] : memref<1x64xf32, #tpu.memory_space<vmem>>, vector<1x64xf32>
    tpu.vector_store %arg8[%swap3A_81, %swap3A_82], %add3A_80 {strides = array<i32>} : memref<1x64xf32, #tpu.memory_space<vmem>>, vector<1x64xf32>,
    %eq3A_84 = arith.constant 6 : i32
    %eq3A_85 = arith.cmpi eq, %arg0, %eq3A_84 : i32
    %convert_element_type3A_86 = arith.extui %eq3A_85 : i1 to i32
    %cond3A_87 = arith.constant 0 : i32
    %cond3A_88 = arith.cmpi ne, %convert_element_type3A_86, %cond3A_87 : i32
    scf.if %cond3A_88 {
      %get3A_89 = arith.constant 0 : index
      %get3A_90 = arith.constant 0 : index
      %get3A_91 = arith.constant 0 : index
      %get3A_92 = vector.load %arg7[%get3A_89, %get3A_90, %get3A_91] : memref<4x32x64xf32, #tpu.memory_space<vmem>>, vector<4x32x64xf32>
      %reshape3A_93 = vector.shape_cast %get3A_92 : vector<4x32x64xf32> to vector<128x64xf32>
      %reduce_sum3A_94 = arith.constant dense<0.000000e+00> : vector<64xf32>
      %reduce_sum3A_95 = vector.multi_reduction <add>, %reshape3A_93, %reduce_sum3A_94 [0] : vector<128x64xf32> to vector<64xf32>
      %broadcast_in_dim3A_96 = vector.shape_cast %reduce_sum3A_95 : vector<64xf32> to vector<1x64xf32>
      %div3A_97 = arith.constant 2.508800e+04 : f32
      %div3A_98 = vector.broadcast %div3A_97 : f32 to vector<1x64xf32>
      %div3A_99 = arith.divf %broadcast_in_dim3A_96, %div3A_98 : vector<1x64xf32>
      %get3A_100 = arith.constant 0 : index
      %get3A_101 = arith.constant 0 : index
      %get3A_102 = vector.load %arg8[%get3A_100, %get3A_101] : memref<1x64xf32, #tpu.memory_space<vmem>>, vector<1x64xf32>
      %div3A_103 = arith.constant 2.508800e+04 : f32
      %div3A_104 = vector.broadcast %div3A_103 : f32 to vector<1x64xf32>
      %div3A_105 = arith.divf %get3A_102, %div3A_104 : vector<1x64xf32>
      %mul3A_106 = arith.mulf %div3A_99, %div3A_99 : vector<1x64xf32>
      %sub3A_107 = arith.subf %div3A_105, %mul3A_106 : vector<1x64xf32>
      %get3A_108 = arith.constant 0 : index
      %get3A_109 = arith.constant 0 : index
      %get3A_110 = vector.load %arg3[%get3A_108, %get3A_109] : memref<1x64xf32, #tpu.memory_space<vmem>>, vector<1x64xf32>
      %add3A_111 = arith.constant 9.99999974E-6 : f32
      %add3A_112 = vector.broadcast %add3A_111 : f32 to vector<1x64xf32>
      %add3A_113 = arith.addf %sub3A_107, %add3A_112 : vector<1x64xf32>
      %sqrt3A = math.sqrt %add3A_113 : vector<1x64xf32>
      %div3A_114 = arith.divf %get3A_110, %sqrt3A : vector<1x64xf32>
      %div3A_115 = arith.constant 1.960000e+02 : f32
      %div3A_116 = vector.broadcast %div3A_115 : f32 to vector<128x64xf32>
      %div3A_117 = arith.divf %reshape3A_93, %div3A_116 : vector<128x64xf32>
      %sub3A_118 = vector.broadcast %div3A_99 : vector<1x64xf32> to vector<128x64xf32>
      %sub3A_119 = arith.subf %div3A_117, %sub3A_118 : vector<128x64xf32>
      %mul3A_120 = vector.broadcast %div3A_114 : vector<1x64xf32> to vector<128x64xf32>
      %mul3A_121 = arith.mulf %sub3A_119, %mul3A_120 : vector<128x64xf32>
      %get3A_122 = arith.constant 0 : index
      %get3A_123 = arith.constant 0 : index
      %get3A_124 = vector.load %arg4[%get3A_122, %get3A_123] : memref<1x64xf32, #tpu.memory_space<vmem>>, vector<1x64xf32>
      %add3A_125 = vector.broadcast %get3A_124 : vector<1x64xf32> to vector<128x64xf32>
      %add3A_126 = arith.addf %mul3A_121, %add3A_125 : vector<128x64xf32>
      %swap3A_127 = arith.constant 0 : index
      %swap3A_128 = arith.constant 0 : index
      %swap3A_129 = vector.load %arg5[%swap3A_127, %swap3A_128] : memref<128x64xf32, #tpu.memory_space<vmem>>, vector<128x64xf32>
      tpu.vector_store %arg5[%swap3A_127, %swap3A_128], %add3A_126 {strides = array<i32>} : memref<128x64xf32, #tpu.memory_space<vmem>>, vector<128x64xf32>,
      %transpose3A = tpu.transpose %add3A_126, [1, 0] : vector<128x64xf32> -> vector<64x128xf32>
      %swap3A_130 = arith.constant 0 : index
      %swap3A_131 = arith.constant 0 : index
      %swap3A_132 = vector.load %arg6[%swap3A_130, %swap3A_131] : memref<64x128xf32, #tpu.memory_space<vmem>>, vector<64x128xf32>
      tpu.vector_store %arg6[%swap3A_130, %swap3A_131], %transpose3A {strides = array<i32>} : memref<64x128xf32, #tpu.memory_space<vmem>>, vector<64x128xf32>,
    } else {
    }
    return
  }
  func.func @transform_0(%arg0: i32) -> (i32, i32, i32, i32) {
    %c0_i32 = arith.constant 0 : i32
    %c0_i32_0 = arith.constant 0 : i32
    %c0_i32_1 = arith.constant 0 : i32
    %c0_i32_2 = arith.constant 0 : i32
    return %c0_i32, %arg0, %c0_i32_0, %c0_i32_1 : i32, i32, i32, i32
  }
  func.func @transform_1(%arg0: i32) -> (i32, i32) {
    %c0_i32 = arith.constant 0 : i32
    %c0_i32_0 = arith.constant 0 : i32
    %c0_i32_1 = arith.constant 0 : i32
    return %c0_i32, %c0_i32_0 : i32, i32
  }
  func.func @transform_2(%arg0: i32) -> (i32, i32) {
    %c0_i32 = arith.constant 0 : i32
    %c0_i32_0 = arith.constant 0 : i32
    %c0_i32_1 = arith.constant 0 : i32
    return %c0_i32, %c0_i32_0 : i32, i32
  }
  func.func @transform_3(%arg0: i32) -> (i32, i32) {
    %c0_i32 = arith.constant 0 : i32
    %c0_i32_0 = arith.constant 0 : i32
    %c0_i32_1 = arith.constant 0 : i32
    return %c0_i32, %c0_i32_0 : i32, i32
  }
  func.func @transform_4(%arg0: i32) -> (i32, i32) {
    %c0_i32 = arith.constant 0 : i32
    %c0_i32_0 = arith.constant 0 : i32
    %c0_i32_1 = arith.constant 0 : i32
    return %c0_i32, %c0_i32_0 : i32, i32
  }
  func.func @transform_5(%arg0: i32) -> (i32, i32) {
    %c0_i32 = arith.constant 0 : i32
    %c0_i32_0 = arith.constant 0 : i32
    %c0_i32_1 = arith.constant 0 : i32
    return %c0_i32, %c0_i32_0 : i32, i32
  }
}

</mosaic_0001>

<sc_bundles>
// kernel: kernel.4.cloned.1.call-start
scs
__scs_entry_jumppad:
0x0: {  	(pc) =	sbr.rel $0x88, $3  }
0x1: {  	(tag) =	ssettag $0x0;
	lr =	simm.s32 $0x1  }
0x2: {  	[smem:$0x3F9D] =	sst lr;
	_ =	strace $0xD0000000  }
0x3: {  	_ = 	snop  }
0x4: {  	_ = 	snop  }
0x5: {  	_ = 	snop  }
0x6: {  	_ = 	snop  }
0x7: {  	_ = 	snop  }
__scs_overlays_trampoline_lowered:
0x8: {  	[smem:$0x3FAC] =	sst s0  }
0x9: {  	[smem:$0x3FAD] =	sst s1  }
0xa: {  	[smem:$0x3FAE] =	sst s2  }
0xb: {  	[smem:$0x3FAF] =	sst s3  }
0xc: {  	[smem:$0x3FB0] =	sst s4  }
0xd: {  	[smem:$0x3FB1] =	sst s5  }
0xe: {  	[smem:$0x3FB2] =	sst s6  }
0xf: {  	[smem:$0x3FB3] =	sst s7  }
0x10: {  	[smem:$0x3FB4] =	sst s8  }
0x11: {  	[smem:$0x3FB5] =	sst s9;
	s0 =	simm.s32 @!p0 $0x0  }
0x12: {  	s1 =	sld [smem:$0x3F9B];
	s0 =	simm.s32 @p0 $0x1  }
0x13: {  	[smem:$0x3FB6] =	sst s0;
	s0 =	simm.s32 @!p1 $0x0  }
0x14: {  	s2 =	sld [smem:$0x3F9A];
	s0 =	simm.s32 @p1 $0x1  }
0x15: {  	[smem:$0x3FB7] =	sst s0;
	s0 =	simm.s32 @!p2 $0x0  }
0x16: {  	s3 =	sld [smem:$0x3FDB];
	s0 =	simm.s32 @p2 $0x1  }
0x17: {  	s4 =	simm.s32 $0x1BF5;
	[smem:$0x3FB9] =	sst s0  }
0x18: {  	s0 =	sld [smem:$0x3F9C];
	_ =	swait.ge [sflag:s4], $0x0  }
0x19: {  	s7 =	sld [smem:$0x3F9D]  }
0x1a: {  	s8 =	sadd.s32 $0xFFFFE003, lr  }
0x1b: {  	s9 =	sadd.s32 $0xFFFFFEF7, lr;
	s5 =	simm.s32 $0xFFFFFFFF;
	p2 =	slt.u32 s8, $0xFFFFF086  }
0x1c: {  	p1 =	slt.u32 s9, $0xF7A;
	s5 =	simm.s32 @!p2 $0x0  }
0x1d: {  	s5 =	simm.s32 @p1 $0x1;
	p0 =	seq.s32 s7, s2  }
0x1e: {  	s7 =	smul.u32 @!p0 $0xF7A, s2;
	p2 =	seq.s32 @!p0 s5, $0x0  }
0x1f: {  	s9 =	smul.u32 $0xF7A, s1;
	s8 =	simm.s32 @!p0 $0x1BF5;
	p2 =	por !p2, p0  }
0x20: {  	[sflag:s8] =	ssyncset.s32 @!p0 $0xFFFFF086;
	s6 =	sadd.s32 @!p0 s3, s7;
	s7 =	simm.s32 @!p0 $0x108  }
0x21: {  	s3 =	sadd.s32 s3, s9;
	s6 =	sadd.s32 @!p0 $0x88, s6;
	s7 =	simm.s32 @p2 $0x1082  }
0x22: {  	[simem:s7], [sflag:s8] =	dma.local @!p0 [hbm:s6], $0xF7A  }
0x23: {  	s9 =	sor.u32 $0xD0000000, s2;
	s6 =	simm.s32 $0x108;
	_ =	swait.ge @!p0 [sflag:s8], $0x0  }
0x24: {  	s3 =	sadd.s32 $0x88, s3;
	s6 =	simm.s32 @!p1 $0x1082;
	[sflag:s4] =	ssyncset.s32 $0xFFFFF086  }
0x25: {  	[simem:s6], [sflag:s4] =	dma.local [hbm:s3], $0xF7A  }
0x26: {  	[smem:$0x3F9D] =	sst s1;
	(tag) =	ssettag s2;
	_ =	strace s9  }
0x27: {  	s1 =	sld [smem:$0x3FAD]  }
0x28: {  	s2 =	sld [smem:$0x3FAE]  }
0x29: {  	s4 =	sld [smem:$0x3FB0]  }
0x2a: {  	p0 =	seq.s32 s5, $0x0;
	s5 =	sld [smem:$0x3FB1]  }
0x2b: {  	s6 =	sld [smem:$0x3FB2]  }
0x2c: {  	s7 =	sld [smem:$0x3FB3]  }
0x2d: {  	s3 =	simm.s32 $0x108;
	s8 =	sld [smem:$0x3FB4]  }
0x2e: {  	s3 =	simm.s32 @!p0 $0x1082;
	s9 =	sld [smem:$0x3FB5]  }
0x2f: {  	lr =	sadd.s32 s0, s3;
	s0 =	sld [smem:$0x3FAC]  }
0x30: {  	s3 =	sld [smem:$0x3FAF]  }
0x31: {  	[smem:$0x3FB8] =	sst s10  }
0x32: {  	s10 =	sld [smem:$0x3FB6];
	_ =	sdelay $0x3  }
0x33: {  	p0 =	seq.s32 s10, $0x1;
	s10 =	sld [smem:$0x3FB8];
	_ =	sdelay $0x3  }
0x34: {  	[smem:$0x3FB8] =	sst s10  }
0x35: {  	s10 =	sld [smem:$0x3FB7];
	_ =	sdelay $0x3  }
0x36: {  	p1 =	seq.s32 s10, $0x1;
	s10 =	sld [smem:$0x3FB8];
	_ =	sdelay $0x3  }
0x37: {  	[smem:$0x3FB8] =	sst s10  }
0x38: {  	s10 =	sld [smem:$0x3FB9]  }
0x39: {  	_ = 	snop;
	(pc) =	sbr.ind lr, $3  }
0x3a: {  	_ = 	snop  }
0x3b: {  	_ = 	snop  }
0x3c: {  	p2 =	seq.s32 s10, $0x1;
	s10 =	sld [smem:$0x3FB8]  }
0x3d: {  	_ =	shalt  }
0x3e: {  	_ =	shalt  }
0x3f: {  	_ =	shalt  }
0x40: {  	_ =	shalt  }
0x41: {  	_ =	shalt  }
0x42: {  	_ =	shalt  }
0x43: {  	_ =	shalt  }
0x44: {  	_ =	shalt  }
0x45: {  	_ =	shalt  }
0x46: {  	_ =	shalt  }
0x47: {  	_ =	shalt  }
0x48: {  	_ =	shalt  }
0x49: {  	_ =	shalt  }
0x4a: {  	_ =	shalt  }
0x4b: {  	_ =	shalt  }
0x4c: {  	_ =	shalt  }
0x4d: {  	_ =	shalt  }
0x4e: {  	_ =	shalt  }
0x4f: {  	_ =	shalt  }
0x50: {  	_ =	shalt  }
0x51: {  	_ =	shalt  }
0x52: {  	_ =	shalt  }
0x53: {  	_ =	shalt  }
0x54: {  	_ =	shalt  }
0x55: {  	_ =	shalt  }
0x56: {  	_ =	shalt  }
0x57: {  	_ =	shalt  }
0x58: {  	_ =	shalt  }
0x59: {  	_ =	shalt  }
0x5a: {  	_ =	shalt  }
0x5b: {  	_ =	shalt  }
0x5c: {  	_ =	shalt  }
0x5d: {  	_ =	shalt  }
0x5e: {  	_ =	shalt  }
0x5f: {  	_ =	shalt  }
0x60: {  	_ =	shalt  }
0x61: {  	_ =	shalt  }
0x62: {  	_ =	shalt  }
0x63: {  	_ =	shalt  }
0x64: {  	_ =	shalt  }
0x65: {  	_ =	shalt  }
0x66: {  	_ =	shalt  }
0x67: {  	_ =	shalt  }
0x68: {  	_ =	shalt  }
0x69: {  	_ =	shalt  }
0x6a: {  	_ =	shalt  }
0x6b: {  	_ =	shalt  }
0x6c: {  	_ =	shalt  }
0x6d: {  	_ =	shalt  }
0x6e: {  	_ =	shalt  }
0x6f: {  	_ =	shalt  }
0x70: {  	_ =	shalt  }
0x71: {  	_ =	shalt  }
0x72: {  	_ =	shalt  }
0x73: {  	_ =	shalt  }
0x74: {  	_ =	shalt  }
0x75: {  	_ =	shalt  }
0x76: {  	_ =	shalt  }
0x77: {  	_ =	shalt  }
0x78: {  	_ =	shalt  }
0x79: {  	_ =	shalt  }
0x7a: {  	_ =	shalt  }
0x7b: {  	_ =	shalt  }
0x7c: {  	_ =	shalt  }
0x7d: {  	_ =	shalt  }
0x7e: {  	_ =	shalt  }
0x7f: {  	_ =	shalt  }
0x80: {  	_ =	shalt  }
0x81: {  	_ =	shalt  }
0x82: {  	_ =	shalt  }
0x83: {  	_ =	shalt  }
0x84: {  	_ =	shalt  }
0x85: {  	_ =	shalt  }
0x86: {  	_ =	shalt  }
0x87: {  	_ =	shalt  }
.Lfunc_end0:
.L_simem_size_0:
called_computation_lowered:
.L_overlay_start_0:
0x88: {  	s2 =	sld [smem:$0x3FD9]  }
0x89: {  	s3 =	sld [smem:$0x3FFE];
	_ =	sdelay $0x1  }
0x8a: {  	s1 =	srdreg.scid  }
0x8b: {  	s0 =	sand.u32 $0x1, s1  }
0x8c: {  	s14 =	sshll.u32 s0, $0xA;
	s2 =	sadd.s32 s3, s2  }
0x8d: {  	s2 =	sadd.s32 s2, s14  }
0x8e: {  	[smem:$0x3FC4] =	sst s2  }
0x8f: {  	_ = 	snop  }
0x90: {  	s2 =	sld [smem:$0x3FD0];
	_ =	sdelay $0x2  }
0x91: {  	s15 =	simm.s32 $0xA;
	s4 =	simm.s32 $0x10  }
0x92: {  	[smem:s4], [sflag:s15] =	dma.local [hbm:s2], $0x1  }
0x93: {  	_ =	swait.eq [sflag:s15], $0x1  }
0x94: {  	[sflag:s15] =	ssyncset.done $0x0  }
0x95: {  	[sflag:s15] =	ssyncadd.s32 $0xFFFFFFFF  }
0x96: {  	s16 =	sld [smem:$0x11];
	(tm) =	ssettm $0x1  }
0x97: {  	s17 =	sld [smem:$0x3FFB];
	_ =	sdelay $0x3  }
0x98: {  	_ =	strace s17  }
0x99: {  	s3 =	sld [smem:$0x3FFC];
	_ =	sdelay $0x3  }
0x9a: {  	_ =	strace s3  }
0x9b: {  	s3 =	sld [smem:$0x3FFD];
	_ =	sdelay $0x3  }
0x9c: {  	_ =	strace s3  }
0x9d: {  	_ =	strace $0x8FFFFFFF  }
0x9e: {  	s18 =	sld [smem:$0x3FDB];
	_ =	sdelay $0x1  }
0x9f: {  	s19 =	simm.s32 $_scs_section_size  }
0xa0: {  	s5 =	simm.s32 $_size__tile_overlayer_lowered;
	s6 =	simm.s32 $_tile_overlayer_lowered  }
0xa1: {  	s22 =	simm.s32 $0x1BFF;
	s21 =	sshll.u32 s6, $0x1;
	s3 =	sadd.s32 s19, s18  }
0xa2: {  	s7 =	simm.s32 $0x0;
	s20 =	sshll.u32 s5, $0x1;
	s5 =	sadd.s32 s21, s3  }
0xa3: {  	[timem:s7], [sflag:s22] =	dma.local [hbm:s5], s20  }
0xa4: {  	_ =	swait.ge [sflag:s22], s20  }
0xa5: {  	s4 =	ssub.s32 $0x0, s20;
	[sflag:s22] =	ssyncset.done $0x0  }
0xa6: {  	[sflag:s22] =	ssyncadd.s32 s4;
	_ =	sdelay $0x1  }
0xa7: {  	s23 =	simm.s32 $0x1B8B  }
0xa8: {  	_ =	swait.ge [sflag:s23], $0x1  }
0xa9: {  	[sflag:s23] =	ssyncset.done $0x0  }
0xaa: {  	s25 =	simm.s32 $0x1B8E;
	s24 =	sld [smem:$0x3FFE];
	[sflag:s23] =	ssyncadd.s32 $0xFFFFFFFF  }
0xab: {  	s26 =	simm.s32 $execute0_lowered;
	[smem:$0x3FD2] =	sst s25  }
0xac: {  	s5 =	sshll.u32 s26, $0x1;
	_ =	strace $0x80000046;
	[dreg:$0x1] =	wrdreg $0xFFFFFFFF  }
0xad: {  	s28 =	simm.s32 $_size_execute0_lowered;
	s3 =	sadd.s32 s3, s5;
	[dreg:$0x0] =	wrdreg $0x0  }
0xae: {  	s5 =	sshll.u32 s28, $0x1;
	[dreg:$0x2] =	wrdreg s3  }
0xaf: {  	[dreg:$0x3] =	wrdreg s5  }
0xb0: {  	[dreg:$0x4] =	wrdreg $0xC0  }
0xb1: {  	_ =	task [dreg:s7], $0x5FFFF  }
0xb2: {  	[dreg:$0x1] =	wrdreg $0xFFFFFFFF  }
0xb3: {  	[dreg:$0x0] =	wrdreg $0x60  }
0xb4: {  	[dreg:$0x2] =	wrdreg s24  }
0xb5: {  	[dreg:$0x3] =	wrdreg s16  }
0xb6: {  	[dreg:$0x4] =	wrdreg $0x9  }
0xb7: {  	_ =	task.clear_ibuf [dreg:s7], $0x5FFFF;
	_ =	strace $0x90000046  }
0xb8: {  	s29 =	simm.s32 $0x9;
	_ =	strace $0x80000048  }
0xb9: {  	_ =	swait.ge [sflag:s29], $0x1  }
0xba: {  	[sflag:s29] =	ssyncadd.s32 $0xFFFFFFFF  }
0xbb: {  	_ =	strace $0x90000048  }
0xbc: {  	_ =	sfence  }
0xbd: {  	s30 =	sld [smem:$0x0];
	_ =	sdelay $0x2  }
0xbe: {  	s31 =	sshll.u32 s1, $0xD;
	s1 =	sshrl.u32 s1, $0x2  }
0xbf: {  	s3 =	sand.u32 $0x4000, s31;
	s1 =	sadd.s32 s1, s30  }
0xc0: {  	s0 =	sor.u32 s3, s0;
	s1 =	sshll.u32 s1, $0x11  }
0xc1: {  	s0 =	sor.u32 s1, s0  }
0xc2: {  	s0 =	sadd.s32 $0x8F2B, s0  }
0xc3: {  	[sflag:s0] =	ssyncadd.remote.s32 $0x1  }
0xc4: {  	_ =	sfence.sel $0xFFFF  }
0xc5: {  	[dreg:$0x0] =	wrdreg $0xFFFFFFFF;
	(pc) =	sbr.abs _section_cstart, $3  }
0xc6: {  	[dreg:$0x1] =	wrdreg $0xFFFFFFFF  }
0xc7: {  	_ =	task.clear_ibuf [dreg:s7], $0x2FFFF;
	_ =	strace $0x9FFFFFFF  }
0xc8: {  	(tm) =	ssettm $0x7FFFFFFF  }
0xc9: {  	_ =	shalt  }
tec
execute0_lowered:
.L_overlay_start_1:
0x0: {  	(tag) =	ssettag $0x1  }
0x1: {  	v0 =	vimm.s32 $0xFEDCBA98;
	v1 =	vimm.s32 $0x76543210;
	v2 =	vimm.s32 $0xBA98FEDC  }
0x2: {  	v3 =	vimm.s32 $0x32107654;
	v4 =	vimm.s32 $0xDCFE98BA;
	v5 =	vimm.s32 $0x54761032  }
0x3: {  	v6 =	vimm.s32 $0xEFCDAB89;
	v7 =	vimm.s32 $0x67452301;
	v31 =	vlaneseq.u32  }
0x4: {  	vm0 =	vmmov $0x1;
	vm6 =	vmmov $0xff;
	vm7 =	vmmov $0x1ff  }
0x5: {  	vm10 =	vmmov $0x3ff;
	v2 =	vunpack.c.l.s4.s8 v2;
	v3 =	vunpack.c.l.s4.s8 v3  }
0x6: {  	vm11 =	vmmov $0x7ff;
	vm12 =	vmmov $0xfff;
	v0 =	vunpack.c.l.s4.s8 v0  }
0x7: {  	s3 =	rddreg [dreg:$0x0];
	v1 =	vunpack.c.l.s4.s8 v1;
	v2 =	vunpack.c.0.s8.s32 v2;
	v3 =	vunpack.c.0.s8.s32 v3  }
0x8: {  	s4 =	rddreg [dreg:$0x1];
	vm13 =	vmmov $0x1fff;
	v4 =	vunpack.c.l.s4.s8 v4;
	v0 =	vunpack.c.0.s8.s32 v0  }
0x9: {  	s0 =	rddreg [dreg:$0x2];
	v5 =	vunpack.c.l.s4.s8 v5;
	v1 =	vunpack.c.0.s8.s32 v1;
	v2 =	vcombine.low v3, v2  }
0xa: {  	s5 =	srdreg.scid;
	s1 =	stileid.u32;
	v6 =	vunpack.c.l.s4.s8 v6;
	v7 =	vunpack.c.l.s4.s8 v7;
	v0 =	vand.u32 $0xF, v0  }
0xb: {  	s2 =	simm.s32 $0x0;
	s5 =	sand.u32 $0x1, s5;
	s6 =	sshll.u32 s1, $0x1;
	v0 =	vcombine.low v0, v1;
	v1 =	vand.u32 $0xF, v2;
	v2 =	vimm.s32 $0x0  }
0xc: {  	[smem:$0x7FF] =	sst s2;
	s6 =	sor.u32 s5, s6;
	v4 =	vunpack.c.0.s8.s32 v4;
	v5 =	vunpack.c.0.s8.s32 v5;
	v2 =	vsel vm0, $0xFFFFFFFF, v2  }
0xd: {  	s5 =	ssub.s32 $0x2, s5;
	v6 =	vunpack.c.0.s8.s32 v6;
	v7 =	vunpack.c.0.s8.s32 v7;
	s7 =	sshll.u32 s6, $0x5;
	s6 =	sshll.u32 s6, $0x2;
	[tilespmem:$0x1FFD0] =	vst v2;
	v2 =	vimm.s32 $0x0  }
0xe: {  	vm14 =	vmmov $0x3fff;
	vm15 =	vmmov $0x7fff;
	s8 =	sshrl.u32 s5, $0x1;
	s7 =	sadd.s32 s7, s3;
	s9 =	sadd.s32 s6, s3;
	v2 =	vsel vm6, $0xFFFFFFFF, v2  }
0xf: {  	s8 =	ssub.s32 s5, s8;
	s4 =	sadd.s32 s4, s6;
	v3 =	vcombine.low v5, v4;
	v4 =	vcombine.low v7, v6;
	_ =	strace $0x80000047;
	[tilespmem:$0x1FFE0] =	vst v2;
	v2 =	vimm.s32 $0x0  }
0x10: {  	v5 =	vor.u32 $0x30, v31;
	v6 =	vor.u32 $0x20, v31;
	s3 =	sadd.s32 $0x1000, s7;
	s5 =	sadd.s32 $0x1400, s9;
	s6 =	smax.u32 s8, $0x1;
	v2 =	vsel vm7, $0xFFFFFFFF, v2  }
0x11: {  	v7 =	vor.u32 $0x10, v31;
	s7 =	simm.s32 $0x1;
	s8 =	simm.s32 $0x100;
	s9 =	simm.s32 $0x180;
	v3 =	vand.u32 $0xF, v3;
	v4 =	vand.u32 $0xF, v4;
	[tilespmem:$0x1FFF0] =	vst v2  }
.LBB2_1:
0x12: {  	[tilespmem:s2], [sflag:$0x1] =	stream.linear.gather [hbm4b:s3+s2], $0x100, $0x38;
	[tilespmem:$0x200] =	vst v63  }
0x13: {  	_ =	swait.ge [sflag:s7], $0x100  }
0x14: {  	[sflag:s7] =	ssyncset.done $0x0  }
0x15: {  	[sflag:s7] =	ssyncadd.s32 $0xFFFFFF00  }
0x16: {  	v2 =	vld [tilespmem:$0x0]  }
0x17: {  	v8 =	vld [tilespmem:$0x10]  }
0x18: {  	v9 =	vld [tilespmem:$0x20]  }
0x19: {  	v10 =	vld [tilespmem:$0x30];
	_ =	sdelay $0x4  }
0x1a: {  	v11 =	vmax.f32 v2, v8;
	v12 =	vmax.f32 v9, v10  }
0x1b: {  	v11 =	vmax.f32 v11, v12  }
0x1c: {  	v12 =	vperm.xlane v11, v0;
	_ =	sdelay $0x1  }
0x1d: {  	v11 =	vmax.f32 v11, v12  }
0x1e: {  	v12 =	vperm.xlane v11, v1;
	_ =	sdelay $0x1  }
0x1f: {  	v11 =	vmax.f32 v11, v12  }
0x20: {  	v12 =	vperm.xlane v11, v3;
	_ =	sdelay $0x1  }
0x21: {  	v11 =	vmax.f32 v11, v12  }
0x22: {  	v12 =	vperm.xlane v11, v4;
	_ =	sdelay $0x1  }
0x23: {  	v11 =	vmax.f32 v11, v12  }
0x24: {  	v2 =	vsub.f32 v2, v11  }
0x25: {  	v8 =	vsub.f32 v8, v11  }
0x26: {  	v2 =	vmul.f32 $1.442695020e+00, v2  }
0x27: {  	v9 =	vsub.f32 v9, v11;
	v8 =	vmul.f32 $1.442695020e+00, v8  }
0x28: {  	(erf) = vpow2.f32 v2  }
0x29: {  	v2 =	vmul.f32 $1.442695020e+00, v9;
	(erf) = vpow2.f32 v8;
	v8 =	vsub.f32 v10, v11;
	_ =	sdelay $0x1  }
0x2a: {  	(erf) = vpow2.f32 v2;
	v2 =	vmul.f32 $1.442695020e+00, v8;
	_ =	sdelay $0x1  }
0x2b: {  	(erf) = vpow2.f32 v2;
	_ =	sdelay $0x3  }
0x2c: {  	v2 =	vpop (erf)  }
0x2d: {  	v8 =	vpop (erf)  }
0x2e: {  	v61 =	vadd.f32 v8, v2  }
0x2f: {  	v62 =	vpop (erf)  }
0x30: {  	v9 =	vadd.f32 v61, v62  }
0x31: {  	v63 =	vpop (erf)  }
0x32: {  	v9 =	vadd.f32 v9, v63;
	_ =	sdelay $0x1  }
0x33: {  	v16 =	vperm.xlane v9, v0;
	_ =	sdelay $0x1  }
0x34: {  	v9 =	vadd.f32 v9, v16;
	_ =	sdelay $0x1  }
0x35: {  	v12 =	vperm.xlane v9, v1;
	_ =	sdelay $0x1  }
0x36: {  	v9 =	vadd.f32 v9, v12;
	_ =	sdelay $0x1  }
0x37: {  	v12 =	vperm.xlane v9, v3;
	_ =	sdelay $0x1  }
0x38: {  	v9 =	vadd.f32 v9, v12;
	_ =	sdelay $0x1  }
0x39: {  	v12 =	vperm.xlane v9, v4;
	_ =	sdelay $0x1  }
0x3a: {  	v9 =	vadd.f32 v9, v12;
	_ =	sdelay $0x1  }
0x3b: {  	(erf) = vrcp.f32 v9;
	_ =	sdelay $0x8  }
0x3c: {  	v9 =	vpop (erf)  }
0x3d: {  	v2 =	vmul.f32 v9, v2;
	v8 =	vmul.f32 v9, v8  }
0x3e: {  	v10 =	vmul.f32 v9, v62;
	v9 =	vmul.f32 v9, v63;
	_ =	sdelay $0x1  }
0x3f: {  	v17 =	vmax.f32 v2, v8;
	v18 =	vmax.f32 v10, v9  }
0x40: {  	v11 =	vmax.f32 v17, v18  }
0x41: {  	v12 =	vperm.xlane v11, v0;
	_ =	sdelay $0x1  }
0x42: {  	v11 =	vmax.f32 v11, v12  }
0x43: {  	v12 =	vperm.xlane v11, v1;
	_ =	sdelay $0x1  }
0x44: {  	v11 =	vmax.f32 v11, v12  }
0x45: {  	v12 =	vperm.xlane v11, v3;
	_ =	sdelay $0x1  }
0x46: {  	v11 =	vmax.f32 v11, v12  }
0x47: {  	v12 =	vperm.xlane v11, v4;
	_ =	sdelay $0x1  }
0x48: {  	v17 =	vmax.f32 v11, v12  }
0x49: {  	vm1 =	veq.f32 v9, v17  }
0x4a: {  	vm2 =	veq.f32 v10, v17;
	v19 =	vnsel vm1, $0x7FFFFFFF, v5  }
0x4b: {  	vm4 =	veq.f32 v8, v17;
	v11 =	vsel vm2, v6, v19  }
0x4c: {  	vm5 =	veq.f32 v2, v17;
	v11 =	vsel vm4, v7, v11  }
0x4d: {  	v11 =	vsel vm5, v31, v11  }
0x4e: {  	v20 =	vperm.xlane v11, v0;
	_ =	sdelay $0x1  }
0x4f: {  	vm6 =	vlt.s32 v11, v20  }
0x50: {  	v11 =	vsel vm6, v11, v20  }
0x51: {  	v12 =	vperm.xlane v11, v1;
	_ =	sdelay $0x1  }
0x52: {  	vm1 =	vlt.s32 v11, v12  }
0x53: {  	v11 =	vsel vm1, v11, v12  }
0x54: {  	v12 =	vperm.xlane v11, v3;
	_ =	sdelay $0x1  }
0x55: {  	vm1 =	vlt.s32 v11, v12  }
0x56: {  	v11 =	vsel vm1, v11, v12  }
0x57: {  	v12 =	vperm.xlane v11, v4;
	_ =	sdelay $0x1  }
0x58: {  	vm1 =	vlt.s32 v11, v12  }
0x59: {  	v11 =	vsel vm1, v11, v12  }
0x5a: {  	vm1 =	veq.s32 v11, v31;
	vm7 =	veq.s32 v11, v7  }
0x5b: {  	vm6 =	veq.s32 v11, v6;
	vm3 =	veq.s32 v11, v5;
	v2 =	vsel vm1, $0xBF800000, v2  }
0x5c: {  	v8 =	vsel vm7, $0xBF800000, v8;
	v10 =	vsel vm6, $0xBF800000, v10;
	v9 =	vsel vm3, $0xBF800000, v9  }
0x5d: {  	v21 =	vmax.f32 v2, v8;
	v22 =	vmax.f32 v10, v9  }
0x5e: {  	[tilespmem:$0x1FEC0] =	vst v11;
	v11 =	vmax.f32 v21, v22  }
0x5f: {  	v12 =	vperm.xlane v11, v0;
	_ =	sdelay $0x1  }
0x60: {  	v11 =	vmax.f32 v11, v12  }
0x61: {  	v12 =	vperm.xlane v11, v1;
	_ =	sdelay $0x1  }
0x62: {  	v11 =	vmax.f32 v11, v12  }
0x63: {  	v12 =	vperm.xlane v11, v3;
	_ =	sdelay $0x1  }
0x64: {  	v11 =	vmax.f32 v11, v12  }
0x65: {  	v12 =	vperm.xlane v11, v4;
	_ =	sdelay $0x1  }
0x66: {  	v18 =	vmax.f32 v11, v12  }
0x67: {  	vm7 =	veq.f32 v9, v18  }
0x68: {  	vm2 =	veq.f32 v10, v18;
	v23 =	vnsel vm7, $0x7FFFFFFF, v5  }
0x69: {  	vm4 =	veq.f32 v8, v18;
	v11 =	vsel vm2, v6, v23  }
0x6a: {  	vm5 =	veq.f32 v2, v18;
	v11 =	vsel vm4, v7, v11  }
0x6b: {  	v11 =	vsel vm5, v31, v11  }
0x6c: {  	v24 =	vperm.xlane v11, v0;
	_ =	sdelay $0x1  }
0x6d: {  	vm6 =	vlt.s32 v11, v24  }
0x6e: {  	v11 =	vsel vm6, v11, v24  }
0x6f: {  	v12 =	vperm.xlane v11, v1;
	_ =	sdelay $0x1  }
0x70: {  	vm1 =	vlt.s32 v11, v12  }
0x71: {  	v11 =	vsel vm1, v11, v12  }
0x72: {  	v12 =	vperm.xlane v11, v3;
	_ =	sdelay $0x1  }
0x73: {  	vm1 =	vlt.s32 v11, v12  }
0x74: {  	v11 =	vsel vm1, v11, v12  }
0x75: {  	v12 =	vperm.xlane v11, v4;
	_ =	sdelay $0x1  }
0x76: {  	vm1 =	vlt.s32 v11, v12  }
0x77: {  	v11 =	vsel vm1, v11, v12  }
0x78: {  	vm1 =	veq.s32 v11, v31;
	vm7 =	veq.s32 v11, v6  }
0x79: {  	vm6 =	veq.s32 v11, v5;
	v2 =	vsel vm1, $0xBF800000, v2;
	vm1 =	veq.s32 v11, v7  }
0x7a: {  	v10 =	vsel vm7, $0xBF800000, v10;
	v9 =	vsel vm6, $0xBF800000, v9;
	v8 =	vsel vm1, $0xBF800000, v8  }
0x7b: {  	v26 =	vmax.f32 v10, v9;
	v25 =	vmax.f32 v2, v8  }
0x7c: {  	[tilespmem:$0x1FEE0] =	vst v11;
	v11 =	vmax.f32 v25, v26  }
0x7d: {  	v12 =	vperm.xlane v11, v0;
	_ =	sdelay $0x1  }
0x7e: {  	v11 =	vmax.f32 v11, v12  }
0x7f: {  	v12 =	vperm.xlane v11, v1;
	_ =	sdelay $0x1  }
0x80: {  	v11 =	vmax.f32 v11, v12  }
0x81: {  	v12 =	vperm.xlane v11, v3;
	_ =	sdelay $0x1  }
0x82: {  	v11 =	vmax.f32 v11, v12  }
0x83: {  	v12 =	vperm.xlane v11, v4;
	_ =	sdelay $0x1  }
0x84: {  	v19 =	vmax.f32 v11, v12  }
0x85: {  	vm7 =	veq.f32 v9, v19  }
0x86: {  	vm2 =	veq.f32 v10, v19;
	v27 =	vnsel vm7, $0x7FFFFFFF, v5  }
0x87: {  	vm4 =	veq.f32 v8, v19;
	v11 =	vsel vm2, v6, v27  }
0x88: {  	vm5 =	veq.f32 v2, v19;
	v11 =	vsel vm4, v7, v11  }
0x89: {  	v11 =	vsel vm5, v31, v11  }
0x8a: {  	v32 =	vperm.xlane v11, v0;
	_ =	sdelay $0x1  }
0x8b: {  	vm6 =	vlt.s32 v11, v32  }
0x8c: {  	v11 =	vsel vm6, v11, v32  }
0x8d: {  	v12 =	vperm.xlane v11, v1;
	_ =	sdelay $0x1  }
0x8e: {  	vm1 =	vlt.s32 v11, v12  }
0x8f: {  	v11 =	vsel vm1, v11, v12  }
0x90: {  	v12 =	vperm.xlane v11, v3;
	_ =	sdelay $0x1  }
0x91: {  	vm1 =	vlt.s32 v11, v12  }
0x92: {  	v11 =	vsel vm1, v11, v12  }
0x93: {  	v12 =	vperm.xlane v11, v4;
	_ =	sdelay $0x1  }
0x94: {  	vm1 =	vlt.s32 v11, v12  }
0x95: {  	v11 =	vsel vm1, v11, v12  }
0x96: {  	vm1 =	veq.s32 v11, v31;
	vm7 =	veq.s32 v11, v6  }
0x97: {  	vm6 =	veq.s32 v11, v5;
	v2 =	vsel vm1, $0xBF800000, v2;
	vm1 =	veq.s32 v11, v7  }
0x98: {  	v10 =	vsel vm7, $0xBF800000, v10;
	v9 =	vsel vm6, $0xBF800000, v9;
	v8 =	vsel vm1, $0xBF800000, v8  }
0x99: {  	v34 =	vmax.f32 v10, v9;
	v33 =	vmax.f32 v2, v8  }
0x9a: {  	[tilespmem:$0x1FF00] =	vst v11;
	v11 =	vmax.f32 v33, v34  }
0x9b: {  	v12 =	vperm.xlane v11, v0;
	_ =	sdelay $0x1  }
0x9c: {  	v11 =	vmax.f32 v11, v12  }
0x9d: {  	v12 =	vperm.xlane v11, v1;
	_ =	sdelay $0x1  }
0x9e: {  	v11 =	vmax.f32 v11, v12  }
0x9f: {  	v12 =	vperm.xlane v11, v3;
	_ =	sdelay $0x1  }
0xa0: {  	v11 =	vmax.f32 v11, v12  }
0xa1: {  	v12 =	vperm.xlane v11, v4;
	_ =	sdelay $0x1  }
0xa2: {  	v21 =	vmax.f32 v11, v12  }
0xa3: {  	vm7 =	veq.f32 v9, v21  }
0xa4: {  	vm2 =	veq.f32 v10, v21;
	v35 =	vnsel vm7, $0x7FFFFFFF, v5  }
0xa5: {  	vm4 =	veq.f32 v8, v21;
	v11 =	vsel vm2, v6, v35  }
0xa6: {  	vm5 =	veq.f32 v2, v21;
	v11 =	vsel vm4, v7, v11  }
0xa7: {  	v11 =	vsel vm5, v31, v11  }
0xa8: {  	v36 =	vperm.xlane v11, v0;
	_ =	sdelay $0x1  }
0xa9: {  	vm6 =	vlt.s32 v11, v36  }
0xaa: {  	v11 =	vsel vm6, v11, v36  }
0xab: {  	v12 =	vperm.xlane v11, v1;
	_ =	sdelay $0x1  }
0xac: {  	vm1 =	vlt.s32 v11, v12  }
0xad: {  	v11 =	vsel vm1, v11, v12  }
0xae: {  	v12 =	vperm.xlane v11, v3;
	_ =	sdelay $0x1  }
0xaf: {  	vm1 =	vlt.s32 v11, v12  }
0xb0: {  	v11 =	vsel vm1, v11, v12  }
0xb1: {  	v12 =	vperm.xlane v11, v4;
	_ =	sdelay $0x1  }
0xb2: {  	vm1 =	vlt.s32 v11, v12  }
0xb3: {  	v11 =	vsel vm1, v11, v12  }
0xb4: {  	vm1 =	veq.s32 v11, v31;
	vm7 =	veq.s32 v11, v6  }
0xb5: {  	vm6 =	veq.s32 v11, v5;
	v2 =	vsel vm1, $0xBF800000, v2;
	vm1 =	veq.s32 v11, v7  }
0xb6: {  	v10 =	vsel vm7, $0xBF800000, v10;
	v9 =	vsel vm6, $0xBF800000, v9;
	v8 =	vsel vm1, $0xBF800000, v8  }
0xb7: {  	v38 =	vmax.f32 v10, v9;
	v37 =	vmax.f32 v2, v8  }
0xb8: {  	[tilespmem:$0x1FF20] =	vst v11;
	v11 =	vmax.f32 v37, v38  }
0xb9: {  	v12 =	vperm.xlane v11, v0;
	_ =	sdelay $0x1  }
0xba: {  	v11 =	vmax.f32 v11, v12  }
0xbb: {  	v12 =	vperm.xlane v11, v1;
	_ =	sdelay $0x1  }
0xbc: {  	v11 =	vmax.f32 v11, v12  }
0xbd: {  	v12 =	vperm.xlane v11, v3;
	_ =	sdelay $0x1  }
0xbe: {  	v11 =	vmax.f32 v11, v12  }
0xbf: {  	v12 =	vperm.xlane v11, v4;
	_ =	sdelay $0x1  }
0xc0: {  	v22 =	vmax.f32 v11, v12  }
0xc1: {  	vm7 =	veq.f32 v9, v22  }
0xc2: {  	vm2 =	veq.f32 v10, v22;
	v39 =	vnsel vm7, $0x7FFFFFFF, v5  }
0xc3: {  	vm4 =	veq.f32 v8, v22;
	v11 =	vsel vm2, v6, v39  }
0xc4: {  	vm5 =	veq.f32 v2, v22;
	v11 =	vsel vm4, v7, v11  }
0xc5: {  	v11 =	vsel vm5, v31, v11  }
0xc6: {  	v40 =	vperm.xlane v11, v0;
	_ =	sdelay $0x1  }
0xc7: {  	vm6 =	vlt.s32 v11, v40  }
0xc8: {  	v11 =	vsel vm6, v11, v40  }
0xc9: {  	v12 =	vperm.xlane v11, v1;
	_ =	sdelay $0x1  }
0xca: {  	vm1 =	vlt.s32 v11, v12  }
0xcb: {  	v11 =	vsel vm1, v11, v12  }
0xcc: {  	v12 =	vperm.xlane v11, v3;
	_ =	sdelay $0x1  }
0xcd: {  	vm1 =	vlt.s32 v11, v12  }
0xce: {  	v11 =	vsel vm1, v11, v12  }
0xcf: {  	v12 =	vperm.xlane v11, v4;
	_ =	sdelay $0x1  }
0xd0: {  	vm1 =	vlt.s32 v11, v12  }
0xd1: {  	v11 =	vsel vm1, v11, v12  }
0xd2: {  	vm1 =	veq.s32 v11, v31;
	vm7 =	veq.s32 v11, v6  }
0xd3: {  	vm6 =	veq.s32 v11, v5;
	v2 =	vsel vm1, $0xBF800000, v2;
	vm1 =	veq.s32 v11, v7  }
0xd4: {  	v10 =	vsel vm7, $0xBF800000, v10;
	v9 =	vsel vm6, $0xBF800000, v9;
	v8 =	vsel vm1, $0xBF800000, v8  }
0xd5: {  	v42 =	vmax.f32 v10, v9;
	v41 =	vmax.f32 v2, v8  }
0xd6: {  	[tilespmem:$0x1FF40] =	vst v11;
	v11 =	vmax.f32 v41, v42  }
0xd7: {  	v12 =	vperm.xlane v11, v0;
	_ =	sdelay $0x1  }
0xd8: {  	v11 =	vmax.f32 v11, v12  }
0xd9: {  	v12 =	vperm.xlane v11, v1;
	_ =	sdelay $0x1  }
0xda: {  	v11 =	vmax.f32 v11, v12  }
0xdb: {  	v12 =	vperm.xlane v11, v3;
	_ =	sdelay $0x1  }
0xdc: {  	v11 =	vmax.f32 v11, v12  }
0xdd: {  	v12 =	vperm.xlane v11, v4;
	_ =	sdelay $0x1  }
0xde: {  	v23 =	vmax.f32 v11, v12  }
0xdf: {  	vm7 =	veq.f32 v9, v23  }
0xe0: {  	vm2 =	veq.f32 v10, v23;
	v43 =	vnsel vm7, $0x7FFFFFFF, v5  }
0xe1: {  	vm4 =	veq.f32 v8, v23;
	v11 =	vsel vm2, v6, v43  }
0xe2: {  	vm5 =	veq.f32 v2, v23;
	v11 =	vsel vm4, v7, v11  }
0xe3: {  	v11 =	vsel vm5, v31, v11  }
0xe4: {  	v44 =	vperm.xlane v11, v0;
	_ =	sdelay $0x1  }
0xe5: {  	vm6 =	vlt.s32 v11, v44  }
0xe6: {  	v11 =	vsel vm6, v11, v44  }
0xe7: {  	v12 =	vperm.xlane v11, v1;
	_ =	sdelay $0x1  }
0xe8: {  	vm1 =	vlt.s32 v11, v12  }
0xe9: {  	v11 =	vsel vm1, v11, v12  }
0xea: {  	v12 =	vperm.xlane v11, v3;
	_ =	sdelay $0x1  }
0xeb: {  	vm1 =	vlt.s32 v11, v12  }
0xec: {  	v11 =	vsel vm1, v11, v12  }
0xed: {  	v12 =	vperm.xlane v11, v4;
	_ =	sdelay $0x1  }
0xee: {  	vm1 =	vlt.s32 v11, v12  }
0xef: {  	v11 =	vsel vm1, v11, v12  }
0xf0: {  	vm1 =	veq.s32 v11, v31;
	vm7 =	veq.s32 v11, v6  }
0xf1: {  	vm6 =	veq.s32 v11, v5;
	v2 =	vsel vm1, $0xBF800000, v2;
	vm1 =	veq.s32 v11, v7  }
0xf2: {  	v10 =	vsel vm7, $0xBF800000, v10;
	v9 =	vsel vm6, $0xBF800000, v9;
	v8 =	vsel vm1, $0xBF800000, v8  }
0xf3: {  	v46 =	vmax.f32 v10, v9;
	v45 =	vmax.f32 v2, v8  }
0xf4: {  	[tilespmem:$0x1FF60] =	vst v11;
	v11 =	vmax.f32 v45, v46  }
0xf5: {  	v12 =	vperm.xlane v11, v0;
	_ =	sdelay $0x1  }
0xf6: {  	v11 =	vmax.f32 v11, v12  }
0xf7: {  	v12 =	vperm.xlane v11, v1;
	_ =	sdelay $0x1  }
0xf8: {  	v11 =	vmax.f32 v11, v12  }
0xf9: {  	v12 =	vperm.xlane v11, v3;
	_ =	sdelay $0x1  }
0xfa: {  	v11 =	vmax.f32 v11, v12  }
0xfb: {  	v12 =	vperm.xlane v11, v4;
	_ =	sdelay $0x1  }
0xfc: {  	v20 =	vmax.f32 v11, v12  }
0xfd: {  	vm7 =	veq.f32 v9, v20  }
0xfe: {  	vm2 =	veq.f32 v10, v20;
	v47 =	vnsel vm7, $0x7FFFFFFF, v5  }
0xff: {  	vm4 =	veq.f32 v8, v20;
	v11 =	vsel vm2, v6, v47  }
0x100: {  	vm5 =	veq.f32 v2, v20;
	v11 =	vsel vm4, v7, v11  }
0x101: {  	v11 =	vsel vm5, v31, v11  }
0x102: {  	v48 =	vperm.xlane v11, v0;
	_ =	sdelay $0x1  }
0x103: {  	vm6 =	vlt.s32 v11, v48  }
0x104: {  	v11 =	vsel vm6, v11, v48  }
0x105: {  	v12 =	vperm.xlane v11, v1;
	_ =	sdelay $0x1  }
0x106: {  	vm1 =	vlt.s32 v11, v12  }
0x107: {  	v11 =	vsel vm1, v11, v12  }
0x108: {  	v12 =	vperm.xlane v11, v3;
	_ =	sdelay $0x1  }
0x109: {  	vm1 =	vlt.s32 v11, v12  }
0x10a: {  	v49 =	vld [tilespmem:$0x40];
	v11 =	vsel vm1, v11, v12  }
0x10b: {  	v14 =	vld [tilespmem:$0x50];
	v13 =	vperm.xlane v11, v4  }
0x10c: {  	v15 =	vld [tilespmem:$0x60]  }
0x10d: {  	v16 =	vld [tilespmem:$0x70];
	vm1 =	vlt.s32 v11, v13  }
0x10e: {  	v13 =	vsel vm1, v11, v13  }
0x10f: {  	v50 =	vadd.f32 $0.0e+00, v17;
	vm1 =	veq.s32 v13, v31  }
0x110: {  	vm7 =	veq.s32 v13, v7;
	vm4 =	veq.s32 v13, v6;
	vm5 =	veq.s32 v13, v5  }
0x111: {  	v51 =	vsel vm1, $0xBF800000, v2;
	v25 =	vsel vm7, $0xBF800000, v8;
	v24 =	vsel vm4, $0xBF800000, v10  }
0x112: {  	v52 =	vsel vm5, $0xBF800000, v9;
	v2 =	vmax.f32 v49, v14;
	v8 =	vmax.f32 v15, v16  }
0x113: {  	v53 =	vmax.f32 v51, v25;
	v10 =	vmax.f32 v24, v52;
	v2 =	vmax.f32 v2, v8  }
0x114: {  	v8 =	vmax.f32 v53, v10;
	v54 =	vperm.xlane v2, v0  }
0x115: {  	v55 =	vadd.f32 v18, v50;
	v56 =	vperm.xlane v8, v0  }
0x116: {  	v2 =	vmax.f32 v2, v54  }
0x117: {  	v57 =	vadd.f32 v19, v55;
	v8 =	vmax.f32 v8, v56;
	v58 =	vperm.xlane v2, v1  }
0x118: {  	v11 =	vperm.xlane v8, v1  }
0x119: {  	v9 =	vadd.f32 v21, v57;
	v2 =	vmax.f32 v2, v58  }
0x11a: {  	v8 =	vmax.f32 v8, v11;
	v10 =	vperm.xlane v2, v3  }
0x11b: {  	v9 =	vadd.f32 v22, v9;
	v11 =	vperm.xlane v8, v3  }
0x11c: {  	v2 =	vmax.f32 v2, v10  }
0x11d: {  	v9 =	vadd.f32 v23, v9;
	v8 =	vmax.f32 v8, v11;
	v10 =	vperm.xlane v2, v4  }
0x11e: {  	v11 =	vperm.xlane v8, v4  }
0x11f: {  	v9 =	vadd.f32 v20, v9;
	v2 =	vmax.f32 v2, v10  }
0x120: {  	[tilespmem:$0x1FF30] =	vst v22;
	v22 =	vmax.f32 v8, v11;
	v8 =	vsub.f32 v49, v2  }
0x121: {  	v10 =	vsub.f32 v14, v2;
	v9 =	vadd.f32 v22, v9  }
0x122: {  	v8 =	vmul.f32 $1.442695020e+00, v8  }
0x123: {  	v60 =	vsub.f32 v15, v2;
	v59 =	vmul.f32 $1.442695020e+00, v10;
	(erf) = vrcp.f32 v9  }
0x124: {  	(erf) = vpow2.f32 v8  }
0x125: {  	v2 =	vsub.f32 v16, v2;
	v8 =	vmul.f32 $1.442695020e+00, v60;
	(erf) = vpow2.f32 v59;
	_ =	sdelay $0x1  }
0x126: {  	v2 =	vmul.f32 $1.442695020e+00, v2;
	(erf) = vpow2.f32 v8;
	_ =	sdelay $0x1  }
0x127: {  	(erf) = vpow2.f32 v2;
	_ =	sdelay $0x2  }
0x128: {  	v2 =	vpop (erf)  }
0x129: {  	[tilespmem:$0x1FFA0] =	vst v2;
	v2 =	vpop (erf)  }
0x12a: {  	v8 =	vpop (erf)  }
0x12b: {  	v61 =	vadd.f32 v8, v2  }
0x12c: {  	v62 =	vpop (erf)  }
0x12d: {  	v9 =	vadd.f32 v61, v62  }
0x12e: {  	v63 =	vpop (erf)  }
0x12f: {  	v9 =	vadd.f32 v9, v63;
	_ =	sdelay $0x1  }
0x130: {  	v16 =	vperm.xlane v9, v0;
	_ =	sdelay $0x1  }
0x131: {  	v9 =	vadd.f32 v9, v16;
	_ =	sdelay $0x1  }
0x132: {  	v12 =	vperm.xlane v9, v1;
	_ =	sdelay $0x1  }
0x133: {  	v9 =	vadd.f32 v9, v12;
	_ =	sdelay $0x1  }
0x134: {  	v12 =	vperm.xlane v9, v3;
	_ =	sdelay $0x1  }
0x135: {  	v9 =	vadd.f32 v9, v12;
	_ =	sdelay $0x1  }
0x136: {  	v12 =	vperm.xlane v9, v4;
	_ =	sdelay $0x1  }
0x137: {  	v9 =	vadd.f32 v9, v12;
	_ =	sdelay $0x1  }
0x138: {  	(erf) = vrcp.f32 v9;
	_ =	sdelay $0x8  }
0x139: {  	v9 =	vpop (erf)  }
0x13a: {  	v2 =	vmul.f32 v9, v2;
	v8 =	vmul.f32 v9, v8  }
0x13b: {  	v10 =	vmul.f32 v9, v62;
	v9 =	vmul.f32 v9, v63  }
0x13c: {  	[tilespmem:$0x1FEB0] =	vst v17  }
0x13d: {  	[tilespmem:$0x1FED0] =	vst v18;
	v17 =	vmax.f32 v2, v8;
	v18 =	vmax.f32 v10, v9  }
0x13e: {  	v11 =	vmax.f32 v17, v18  }
0x13f: {  	v12 =	vperm.xlane v11, v0;
	_ =	sdelay $0x1  }
0x140: {  	v11 =	vmax.f32 v11, v12  }
0x141: {  	v12 =	vperm.xlane v11, v1;
	_ =	sdelay $0x1  }
0x142: {  	v11 =	vmax.f32 v11, v12  }
0x143: {  	v12 =	vperm.xlane v11, v3;
	_ =	sdelay $0x1  }
0x144: {  	v11 =	vmax.f32 v11, v12  }
0x145: {  	v12 =	vperm.xlane v11, v4;
	_ =	sdelay $0x1  }
0x146: {  	[tilespmem:$0x1FE40] =	vst v24;
	v24 =	vmax.f32 v11, v12  }
0x147: {  	vm6 =	veq.f32 v9, v24  }
0x148: {  	[tilespmem:$0x1FEF0] =	vst v19;
	vm7 =	veq.f32 v10, v24;
	v19 =	vnsel vm6, $0x7FFFFFFF, v5  }
0x149: {  	vm4 =	veq.f32 v8, v24;
	v11 =	vsel vm7, v6, v19  }
0x14a: {  	vm5 =	veq.f32 v2, v24;
	v11 =	vsel vm4, v7, v11  }
0x14b: {  	v11 =	vsel vm5, v31, v11  }
0x14c: {  	[tilespmem:$0x1FF10] =	vst v21;
	v21 =	vperm.xlane v11, v0;
	_ =	sdelay $0x1  }
0x14d: {  	vm6 =	vlt.s32 v11, v21  }
0x14e: {  	v11 =	vsel vm6, v11, v21  }
0x14f: {  	v12 =	vperm.xlane v11, v1;
	_ =	sdelay $0x1  }
0x150: {  	vm1 =	vlt.s32 v11, v12  }
0x151: {  	v11 =	vsel vm1, v11, v12  }
0x152: {  	v12 =	vperm.xlane v11, v3;
	_ =	sdelay $0x1  }
0x153: {  	vm1 =	vlt.s32 v11, v12  }
0x154: {  	v11 =	vsel vm1, v11, v12  }
0x155: {  	v12 =	vperm.xlane v11, v4;
	_ =	sdelay $0x1  }
0x156: {  	vm1 =	vlt.s32 v11, v12  }
0x157: {  	v11 =	vsel vm1, v11, v12  }
0x158: {  	vm1 =	veq.s32 v11, v31;
	vm7 =	veq.s32 v11, v6  }
0x159: {  	vm6 =	veq.s32 v11, v5;
	v2 =	vsel vm1, $0xBF800000, v2;
	vm1 =	veq.s32 v11, v7  }
0x15a: {  	v10 =	vsel vm7, $0xBF800000, v10;
	v9 =	vsel vm6, $0xBF800000, v9;
	v8 =	vsel vm1, $0xBF800000, v8  }
0x15b: {  	[tilespmem:$0x1FF50] =	vst v23;
	v26 =	vmax.f32 v10, v9;
	v23 =	vmax.f32 v2, v8  }
0x15c: {  	[tilespmem:$0x1FF80] =	vst v11;
	v11 =	vmax.f32 v23, v26  }
0x15d: {  	v12 =	vperm.xlane v11, v0;
	_ =	sdelay $0x1  }
0x15e: {  	v11 =	vmax.f32 v11, v12  }
0x15f: {  	v12 =	vperm.xlane v11, v1;
	_ =	sdelay $0x1  }
0x160: {  	v11 =	vmax.f32 v11, v12  }
0x161: {  	v12 =	vperm.xlane v11, v3;
	_ =	sdelay $0x1  }
0x162: {  	v11 =	vmax.f32 v11, v12  }
0x163: {  	v12 =	vperm.xlane v11, v4;
	_ =	sdelay $0x1  }
0x164: {  	v30 =	vmax.f32 v11, v12  }
0x165: {  	vm7 =	veq.f32 v9, v30  }
0x166: {  	vm2 =	veq.f32 v10, v30;
	v27 =	vnsel vm7, $0x7FFFFFFF, v5  }
0x167: {  	vm4 =	veq.f32 v8, v30;
	v11 =	vsel vm2, v6, v27  }
0x168: {  	vm5 =	veq.f32 v2, v30;
	v11 =	vsel vm4, v7, v11  }
0x169: {  	v11 =	vsel vm5, v31, v11  }
0x16a: {  	v32 =	vperm.xlane v11, v0;
	_ =	sdelay $0x1  }
0x16b: {  	vm6 =	vlt.s32 v11, v32  }
0x16c: {  	v11 =	vsel vm6, v11, v32  }
0x16d: {  	v12 =	vperm.xlane v11, v1;
	_ =	sdelay $0x1  }
0x16e: {  	vm1 =	vlt.s32 v11, v12  }
0x16f: {  	v11 =	vsel vm1, v11, v12  }
0x170: {  	v12 =	vperm.xlane v11, v3;
	_ =	sdelay $0x1  }
0x171: {  	vm1 =	vlt.s32 v11, v12  }
0x172: {  	v11 =	vsel vm1, v11, v12  }
0x173: {  	v12 =	vperm.xlane v11, v4;
	_ =	sdelay $0x1  }
0x174: {  	vm1 =	vlt.s32 v11, v12  }
0x175: {  	v11 =	vsel vm1, v11, v12  }
0x176: {  	vm1 =	veq.s32 v11, v31;
	vm7 =	veq.s32 v11, v6  }
0x177: {  	vm6 =	veq.s32 v11, v5;
	v2 =	vsel vm1, $0xBF800000, v2;
	vm1 =	veq.s32 v11, v7  }
0x178: {  	v10 =	vsel vm7, $0xBF800000, v10;
	v9 =	vsel vm6, $0xBF800000, v9;
	v8 =	vsel vm1, $0xBF800000, v8  }
0x179: {  	v34 =	vmax.f32 v10, v9;
	v33 =	vmax.f32 v2, v8  }
0x17a: {  	[tilespmem:$0x1FF90] =	vst v11;
	v11 =	vmax.f32 v33, v34  }
0x17b: {  	v12 =	vperm.xlane v11, v0;
	_ =	sdelay $0x1  }
0x17c: {  	v11 =	vmax.f32 v11, v12  }
0x17d: {  	v12 =	vperm.xlane v11, v1;
	_ =	sdelay $0x1  }
0x17e: {  	v11 =	vmax.f32 v11, v12  }
0x17f: {  	v12 =	vperm.xlane v11, v3;
	_ =	sdelay $0x1  }
0x180: {  	v11 =	vmax.f32 v11, v12  }
0x181: {  	v12 =	vperm.xlane v11, v4;
	_ =	sdelay $0x1  }
0x182: {  	v32 =	vmax.f32 v11, v12  }
0x183: {  	vm7 =	veq.f32 v9, v32  }
0x184: {  	vm2 =	veq.f32 v10, v32;
	v35 =	vnsel vm7, $0x7FFFFFFF, v5  }
0x185: {  	vm4 =	veq.f32 v8, v32;
	v11 =	vsel vm2, v6, v35  }
0x186: {  	vm5 =	veq.f32 v2, v32;
	v11 =	vsel vm4, v7, v11  }
0x187: {  	v11 =	vsel vm5, v31, v11  }
0x188: {  	v36 =	vperm.xlane v11, v0;
	_ =	sdelay $0x1  }
0x189: {  	vm6 =	vlt.s32 v11, v36  }
0x18a: {  	v11 =	vsel vm6, v11, v36  }
0x18b: {  	v12 =	vperm.xlane v11, v1;
	_ =	sdelay $0x1  }
0x18c: {  	vm1 =	vlt.s32 v11, v12  }
0x18d: {  	v11 =	vsel vm1, v11, v12  }
0x18e: {  	v12 =	vperm.xlane v11, v3;
	_ =	sdelay $0x1  }
0x18f: {  	vm1 =	vlt.s32 v11, v12  }
0x190: {  	v11 =	vsel vm1, v11, v12  }
0x191: {  	v12 =	vperm.xlane v11, v4;
	_ =	sdelay $0x1  }
0x192: {  	vm1 =	vlt.s32 v11, v12  }
0x193: {  	v33 =	vsel vm1, v11, v12  }
0x194: {  	vm1 =	veq.s32 v33, v31;
	vm7 =	veq.s32 v33, v6  }
0x195: {  	vm6 =	veq.s32 v33, v5;
	v2 =	vsel vm1, $0xBF800000, v2;
	vm1 =	veq.s32 v33, v7  }
0x196: {  	v10 =	vsel vm7, $0xBF800000, v10;
	v9 =	vsel vm6, $0xBF800000, v9;
	v8 =	vsel vm1, $0xBF800000, v8  }
0x197: {  	v38 =	vmax.f32 v10, v9;
	v37 =	vmax.f32 v2, v8  }
0x198: {  	v11 =	vmax.f32 v37, v38  }
0x199: {  	v12 =	vperm.xlane v11, v0;
	_ =	sdelay $0x1  }
0x19a: {  	v11 =	vmax.f32 v11, v12  }
0x19b: {  	v12 =	vperm.xlane v11, v1;
	_ =	sdelay $0x1  }
0x19c: {  	v11 =	vmax.f32 v11, v12  }
0x19d: {  	v12 =	vperm.xlane v11, v3;
	_ =	sdelay $0x1  }
0x19e: {  	v11 =	vmax.f32 v11, v12  }
0x19f: {  	v12 =	vperm.xlane v11, v4;
	_ =	sdelay $0x1  }
0x1a0: {  	v34 =	vmax.f32 v11, v12  }
0x1a1: {  	vm7 =	veq.f32 v9, v34  }
0x1a2: {  	vm2 =	veq.f32 v10, v34;
	v39 =	vnsel vm7, $0x7FFFFFFF, v5  }
0x1a3: {  	vm4 =	veq.f32 v8, v34;
	v11 =	vsel vm2, v6, v39  }
0x1a4: {  	vm5 =	veq.f32 v2, v34;
	v11 =	vsel vm4, v7, v11  }
0x1a5: {  	v11 =	vsel vm5, v31, v11  }
0x1a6: {  	v40 =	vperm.xlane v11, v0;
	_ =	sdelay $0x1  }
0x1a7: {  	vm6 =	vlt.s32 v11, v40  }
0x1a8: {  	v11 =	vsel vm6, v11, v40  }
0x1a9: {  	v12 =	vperm.xlane v11, v1;
	_ =	sdelay $0x1  }
0x1aa: {  	vm1 =	vlt.s32 v11, v12  }
0x1ab: {  	v11 =	vsel vm1, v11, v12  }
0x1ac: {  	v12 =	vperm.xlane v11, v3;
	_ =	sdelay $0x1  }
0x1ad: {  	vm1 =	vlt.s32 v11, v12  }
0x1ae: {  	v11 =	vsel vm1, v11, v12  }
0x1af: {  	v12 =	vperm.xlane v11, v4;
	_ =	sdelay $0x1  }
0x1b0: {  	vm1 =	vlt.s32 v11, v12  }
0x1b1: {  	v35 =	vsel vm1, v11, v12  }
0x1b2: {  	vm1 =	veq.s32 v35, v31;
	vm7 =	veq.s32 v35, v6  }
0x1b3: {  	vm6 =	veq.s32 v35, v5;
	v2 =	vsel vm1, $0xBF800000, v2;
	vm1 =	veq.s32 v35, v7  }
0x1b4: {  	v10 =	vsel vm7, $0xBF800000, v10;
	v9 =	vsel vm6, $0xBF800000, v9;
	v8 =	vsel vm1, $0xBF800000, v8  }
0x1b5: {  	v42 =	vmax.f32 v10, v9;
	v41 =	vmax.f32 v2, v8  }
0x1b6: {  	v11 =	vmax.f32 v41, v42  }
0x1b7: {  	v12 =	vperm.xlane v11, v0;
	_ =	sdelay $0x1  }
0x1b8: {  	v11 =	vmax.f32 v11, v12  }
0x1b9: {  	v12 =	vperm.xlane v11, v1;
	_ =	sdelay $0x1  }
0x1ba: {  	v11 =	vmax.f32 v11, v12  }
0x1bb: {  	v12 =	vperm.xlane v11, v3;
	_ =	sdelay $0x1  }
0x1bc: {  	v11 =	vmax.f32 v11, v12  }
0x1bd: {  	v12 =	vperm.xlane v11, v4;
	_ =	sdelay $0x1  }
0x1be: {  	v36 =	vmax.f32 v11, v12  }
0x1bf: {  	vm7 =	veq.f32 v9, v36  }
0x1c0: {  	vm2 =	veq.f32 v10, v36;
	v43 =	vnsel vm7, $0x7FFFFFFF, v5  }
0x1c1: {  	vm4 =	veq.f32 v8, v36;
	v11 =	vsel vm2, v6, v43  }
0x1c2: {  	vm5 =	veq.f32 v2, v36;
	v11 =	vsel vm4, v7, v11  }
0x1c3: {  	v11 =	vsel vm5, v31, v11  }
0x1c4: {  	v44 =	vperm.xlane v11, v0;
	_ =	sdelay $0x1  }
0x1c5: {  	vm6 =	vlt.s32 v11, v44  }
0x1c6: {  	v11 =	vsel vm6, v11, v44  }
0x1c7: {  	v12 =	vperm.xlane v11, v1;
	_ =	sdelay $0x1  }
0x1c8: {  	vm1 =	vlt.s32 v11, v12  }
0x1c9: {  	v11 =	vsel vm1, v11, v12  }
0x1ca: {  	v12 =	vperm.xlane v11, v3;
	_ =	sdelay $0x1  }
0x1cb: {  	vm1 =	vlt.s32 v11, v12  }
0x1cc: {  	v11 =	vsel vm1, v11, v12  }
0x1cd: {  	v12 =	vperm.xlane v11, v4;
	_ =	sdelay $0x1  }
0x1ce: {  	vm1 =	vlt.s32 v11, v12  }
0x1cf: {  	v37 =	vsel vm1, v11, v12  }
0x1d0: {  	vm1 =	veq.s32 v37, v31;
	vm7 =	veq.s32 v37, v6  }
0x1d1: {  	vm6 =	veq.s32 v37, v5;
	v2 =	vsel vm1, $0xBF800000, v2;
	vm1 =	veq.s32 v37, v7  }
0x1d2: {  	v10 =	vsel vm7, $0xBF800000, v10;
	v9 =	vsel vm6, $0xBF800000, v9;
	v8 =	vsel vm1, $0xBF800000, v8  }
0x1d3: {  	v46 =	vmax.f32 v10, v9;
	v45 =	vmax.f32 v2, v8  }
0x1d4: {  	v11 =	vmax.f32 v45, v46  }
0x1d5: {  	v12 =	vperm.xlane v11, v0;
	_ =	sdelay $0x1  }
0x1d6: {  	v11 =	vmax.f32 v11, v12  }
0x1d7: {  	v12 =	vperm.xlane v11, v1;
	_ =	sdelay $0x1  }
0x1d8: {  	v11 =	vmax.f32 v11, v12  }
0x1d9: {  	v12 =	vperm.xlane v11, v3;
	_ =	sdelay $0x1  }
0x1da: {  	v11 =	vmax.f32 v11, v12  }
0x1db: {  	v12 =	vperm.xlane v11, v4;
	_ =	sdelay $0x1  }
0x1dc: {  	v38 =	vmax.f32 v11, v12  }
0x1dd: {  	vm7 =	veq.f32 v9, v38  }
0x1de: {  	vm2 =	veq.f32 v10, v38;
	v47 =	vnsel vm7, $0x7FFFFFFF, v5  }
0x1df: {  	vm4 =	veq.f32 v8, v38;
	v11 =	vsel vm2, v6, v47  }
0x1e0: {  	vm5 =	veq.f32 v2, v38;
	v11 =	vsel vm4, v7, v11  }
0x1e1: {  	v11 =	vsel vm5, v31, v11  }
0x1e2: {  	v48 =	vperm.xlane v11, v0;
	_ =	sdelay $0x1  }
0x1e3: {  	vm6 =	vlt.s32 v11, v48  }
0x1e4: {  	v11 =	vsel vm6, v11, v48  }
0x1e5: {  	v12 =	vperm.xlane v11, v1;
	_ =	sdelay $0x1  }
0x1e6: {  	vm1 =	vlt.s32 v11, v12  }
0x1e7: {  	v11 =	vsel vm1, v11, v12  }
0x1e8: {  	v12 =	vperm.xlane v11, v3;
	_ =	sdelay $0x1  }
0x1e9: {  	vm1 =	vlt.s32 v11, v12  }
0x1ea: {  	v11 =	vsel vm1, v11, v12  }
0x1eb: {  	v12 =	vperm.xlane v11, v4;
	_ =	sdelay $0x1  }
0x1ec: {  	vm1 =	vlt.s32 v11, v12  }
0x1ed: {  	v39 =	vsel vm1, v11, v12  }
0x1ee: {  	vm1 =	veq.s32 v39, v31;
	vm7 =	veq.s32 v39, v6  }
0x1ef: {  	vm6 =	veq.s32 v39, v5;
	v2 =	vsel vm1, $0xBF800000, v2;
	vm1 =	veq.s32 v39, v7  }
0x1f0: {  	v10 =	vsel vm7, $0xBF800000, v10;
	v9 =	vsel vm6, $0xBF800000, v9;
	v8 =	vsel vm1, $0xBF800000, v8  }
0x1f1: {  	v50 =	vmax.f32 v10, v9;
	v49 =	vmax.f32 v2, v8  }
0x1f2: {  	v11 =	vmax.f32 v49, v50  }
0x1f3: {  	v12 =	vperm.xlane v11, v0;
	_ =	sdelay $0x1  }
0x1f4: {  	v11 =	vmax.f32 v11, v12  }
0x1f5: {  	v12 =	vperm.xlane v11, v1;
	_ =	sdelay $0x1  }
0x1f6: {  	v11 =	vmax.f32 v11, v12  }
0x1f7: {  	v12 =	vperm.xlane v11, v3;
	_ =	sdelay $0x1  }
0x1f8: {  	v11 =	vmax.f32 v11, v12  }
0x1f9: {  	v12 =	vperm.xlane v11, v4;
	_ =	sdelay $0x1  }
0x1fa: {  	v40 =	vmax.f32 v11, v12  }
0x1fb: {  	vm7 =	veq.f32 v9, v40  }
0x1fc: {  	[tilespmem:$0x1FE60] =	vst v51;
	vm2 =	veq.f32 v10, v40;
	v51 =	vnsel vm7, $0x7FFFFFFF, v5  }
0x1fd: {  	vm4 =	veq.f32 v8, v40;
	v11 =	vsel vm2, v6, v51  }
0x1fe: {  	vm5 =	veq.f32 v2, v40;
	v11 =	vsel vm4, v7, v11  }
0x1ff: {  	v11 =	vsel vm5, v31, v11  }
0x200: {  	[tilespmem:$0x1FE50] =	vst v52;
	v52 =	vperm.xlane v11, v0;
	_ =	sdelay $0x1  }
0x201: {  	vm6 =	vlt.s32 v11, v52  }
0x202: {  	v11 =	vsel vm6, v11, v52  }
0x203: {  	v12 =	vperm.xlane v11, v1;
	_ =	sdelay $0x1  }
0x204: {  	vm1 =	vlt.s32 v11, v12  }
0x205: {  	v11 =	vsel vm1, v11, v12  }
0x206: {  	v12 =	vperm.xlane v11, v3;
	_ =	sdelay $0x1  }
0x207: {  	vm1 =	vlt.s32 v11, v12  }
0x208: {  	v55 =	vld [tilespmem:$0x90];
	v11 =	vsel vm1, v11, v12  }
0x209: {  	v57 =	vld [tilespmem:$0xB0];
	v54 =	vperm.xlane v11, v4  }
0x20a: {  	v53 =	vld [tilespmem:$0x80]  }
0x20b: {  	v56 =	vld [tilespmem:$0xA0];
	vm1 =	vlt.s32 v11, v54  }
0x20c: {  	v41 =	vsel vm1, v11, v54  }
0x20d: {  	v58 =	vadd.f32 $0.0e+00, v24;
	vm1 =	veq.s32 v41, v31  }
0x20e: {  	vm7 =	veq.s32 v41, v7;
	vm4 =	veq.s32 v41, v6;
	vm5 =	veq.s32 v41, v5  }
0x20f: {  	v59 =	vsel vm1, $0xBF800000, v2;
	v60 =	vsel vm7, $0xBF800000, v8;
	v61 =	vsel vm4, $0xBF800000, v10  }
0x210: {  	v62 =	vsel vm5, $0xBF800000, v9;
	v2 =	vmax.f32 v53, v55;
	v8 =	vmax.f32 v56, v57  }
0x211: {  	v63 =	vmax.f32 v59, v60;
	v10 =	vmax.f32 v61, v62;
	v2 =	vmax.f32 v2, v8  }
0x212: {  	[tilespmem:$0x1FF70] =	vst v13;
	v8 =	vmax.f32 v63, v10;
	v13 =	vperm.xlane v2, v0  }
0x213: {  	v17 =	vadd.f32 v30, v58;
	v18 =	vperm.xlane v8, v0  }
0x214: {  	v2 =	vmax.f32 v2, v13  }
0x215: {  	v19 =	vadd.f32 v32, v17;
	v8 =	vmax.f32 v8, v18;
	v21 =	vperm.xlane v2, v1  }
0x216: {  	v11 =	vperm.xlane v8, v1  }
0x217: {  	v9 =	vadd.f32 v34, v19;
	v2 =	vmax.f32 v2, v21  }
0x218: {  	v8 =	vmax.f32 v8, v11;
	v10 =	vperm.xlane v2, v3  }
0x219: {  	v9 =	vadd.f32 v36, v9;
	v11 =	vperm.xlane v8, v3  }
0x21a: {  	v2 =	vmax.f32 v2, v10  }
0x21b: {  	v9 =	vadd.f32 v38, v9;
	v8 =	vmax.f32 v8, v11;
	v10 =	vperm.xlane v2, v4  }
0x21c: {  	v11 =	vperm.xlane v8, v4  }
0x21d: {  	v9 =	vadd.f32 v40, v9;
	v2 =	vmax.f32 v2, v10  }
0x21e: {  	v42 =	vmax.f32 v8, v11;
	v8 =	vsub.f32 v53, v2  }
0x21f: {  	v10 =	vsub.f32 v55, v2;
	v9 =	vadd.f32 v42, v9  }
0x220: {  	v8 =	vmul.f32 $1.442695020e+00, v8  }
0x221: {  	v26 =	vsub.f32 v56, v2;
	v23 =	vmul.f32 $1.442695020e+00, v10;
	(erf) = vrcp.f32 v9  }
0x222: {  	(erf) = vpow2.f32 v8  }
0x223: {  	v2 =	vsub.f32 v57, v2;
	v8 =	vmul.f32 $1.442695020e+00, v26;
	(erf) = vpow2.f32 v23;
	_ =	sdelay $0x1  }
0x224: {  	v2 =	vmul.f32 $1.442695020e+00, v2;
	(erf) = vpow2.f32 v8;
	_ =	sdelay $0x1  }
0x225: {  	(erf) = vpow2.f32 v2;
	_ =	sdelay $0x2  }
0x226: {  	v2 =	vpop (erf)  }
0x227: {  	[tilespmem:$0x1FFB0] =	vst v2;
	v2 =	vpop (erf)  }
0x228: {  	v8 =	vpop (erf)  }
0x229: {  	v27 =	vadd.f32 v8, v2  }
0x22a: {  	v43 =	vpop (erf)  }
0x22b: {  	v9 =	vadd.f32 v27, v43  }
0x22c: {  	v44 =	vpop (erf)  }
0x22d: {  	v9 =	vadd.f32 v9, v44;
	_ =	sdelay $0x1  }
0x22e: {  	v45 =	vperm.xlane v9, v0;
	_ =	sdelay $0x1  }
0x22f: {  	v9 =	vadd.f32 v9, v45;
	_ =	sdelay $0x1  }
0x230: {  	v12 =	vperm.xlane v9, v1;
	_ =	sdelay $0x1  }
0x231: {  	v9 =	vadd.f32 v9, v12;
	_ =	sdelay $0x1  }
0x232: {  	v12 =	vperm.xlane v9, v3;
	_ =	sdelay $0x1  }
0x233: {  	v9 =	vadd.f32 v9, v12;
	_ =	sdelay $0x1  }
0x234: {  	v12 =	vperm.xlane v9, v4;
	_ =	sdelay $0x1  }
0x235: {  	v9 =	vadd.f32 v9, v12;
	_ =	sdelay $0x1  }
0x236: {  	(erf) = vrcp.f32 v9;
	_ =	sdelay $0x8  }
0x237: {  	v9 =	vpop (erf)  }
0x238: {  	v2 =	vmul.f32 v9, v2;
	v8 =	vmul.f32 v9, v8  }
0x239: {  	v10 =	vmul.f32 v9, v43;
	v9 =	vmul.f32 v9, v44;
	_ =	sdelay $0x1  }
0x23a: {  	v46 =	vmax.f32 v2, v8;
	v47 =	vmax.f32 v10, v9  }
0x23b: {  	v11 =	vmax.f32 v46, v47  }
0x23c: {  	v12 =	vperm.xlane v11, v0;
	_ =	sdelay $0x1  }
0x23d: {  	v11 =	vmax.f32 v11, v12  }
0x23e: {  	v12 =	vperm.xlane v11, v1;
	_ =	sdelay $0x1  }
0x23f: {  	v11 =	vmax.f32 v11, v12  }
0x240: {  	v12 =	vperm.xlane v11, v3;
	_ =	sdelay $0x1  }
0x241: {  	v11 =	vmax.f32 v11, v12  }
0x242: {  	v12 =	vperm.xlane v11, v4;
	_ =	sdelay $0x1  }
0x243: {  	v44 =	vmax.f32 v11, v12  }
0x244: {  	vm6 =	veq.f32 v9, v44  }
0x245: {  	vm7 =	veq.f32 v10, v44;
	v48 =	vnsel vm6, $0x7FFFFFFF, v5  }
0x246: {  	vm4 =	veq.f32 v8, v44;
	v11 =	vsel vm7, v6, v48  }
0x247: {  	vm5 =	veq.f32 v2, v44;
	v11 =	vsel vm4, v7, v11  }
0x248: {  	v11 =	vsel vm5, v31, v11  }
0x249: {  	v49 =	vperm.xlane v11, v0;
	_ =	sdelay $0x1  }
0x24a: {  	vm6 =	vlt.s32 v11, v49  }
0x24b: {  	v11 =	vsel vm6, v11, v49  }
0x24c: {  	v12 =	vperm.xlane v11, v1;
	_ =	sdelay $0x1  }
0x24d: {  	vm1 =	vlt.s32 v11, v12  }
0x24e: {  	v11 =	vsel vm1, v11, v12  }
0x24f: {  	v12 =	vperm.xlane v11, v3;
	_ =	sdelay $0x1  }
0x250: {  	vm1 =	vlt.s32 v11, v12  }
0x251: {  	v11 =	vsel vm1, v11, v12  }
0x252: {  	v12 =	vperm.xlane v11, v4;
	_ =	sdelay $0x1  }
0x253: {  	vm1 =	vlt.s32 v11, v12  }
0x254: {  	v45 =	vsel vm1, v11, v12  }
0x255: {  	vm1 =	veq.s32 v45, v31;
	vm7 =	veq.s32 v45, v6  }
0x256: {  	vm6 =	veq.s32 v45, v5;
	v2 =	vsel vm1, $0xBF800000, v2;
	vm1 =	veq.s32 v45, v7  }
0x257: {  	v10 =	vsel vm7, $0xBF800000, v10;
	v9 =	vsel vm6, $0xBF800000, v9;
	v8 =	vsel vm1, $0xBF800000, v8  }
0x258: {  	v51 =	vmax.f32 v10, v9;
	v50 =	vmax.f32 v2, v8  }
0x259: {  	v11 =	vmax.f32 v50, v51  }
0x25a: {  	v12 =	vperm.xlane v11, v0;
	_ =	sdelay $0x1  }
0x25b: {  	v11 =	vmax.f32 v11, v12  }
0x25c: {  	v12 =	vperm.xlane v11, v1;
	_ =	sdelay $0x1  }
0x25d: {  	v11 =	vmax.f32 v11, v12  }
0x25e: {  	v12 =	vperm.xlane v11, v3;
	_ =	sdelay $0x1  }
0x25f: {  	v11 =	vmax.f32 v11, v12  }
0x260: {  	v12 =	vperm.xlane v11, v4;
	_ =	sdelay $0x1  }
0x261: {  	v50 =	vmax.f32 v11, v12  }
0x262: {  	vm7 =	veq.f32 v9, v50  }
0x263: {  	vm2 =	veq.f32 v10, v50;
	v52 =	vnsel vm7, $0x7FFFFFFF, v5  }
0x264: {  	vm4 =	veq.f32 v8, v50;
	v11 =	vsel vm2, v6, v52  }
0x265: {  	vm5 =	veq.f32 v2, v50;
	v11 =	vsel vm4, v7, v11  }
0x266: {  	v11 =	vsel vm5, v31, v11  }
0x267: {  	v53 =	vperm.xlane v11, v0;
	_ =	sdelay $0x1  }
0x268: {  	vm6 =	vlt.s32 v11, v53  }
0x269: {  	v11 =	vsel vm6, v11, v53  }
0x26a: {  	v12 =	vperm.xlane v11, v1;
	_ =	sdelay $0x1  }
0x26b: {  	vm1 =	vlt.s32 v11, v12  }
0x26c: {  	v11 =	vsel vm1, v11, v12  }
0x26d: {  	v12 =	vperm.xlane v11, v3;
	_ =	sdelay $0x1  }
0x26e: {  	vm1 =	vlt.s32 v11, v12  }
0x26f: {  	v11 =	vsel vm1, v11, v12  }
0x270: {  	v12 =	vperm.xlane v11, v4;
	_ =	sdelay $0x1  }
0x271: {  	vm1 =	vlt.s32 v11, v12  }
0x272: {  	v51 =	vsel vm1, v11, v12  }
0x273: {  	vm1 =	veq.s32 v51, v31;
	vm7 =	veq.s32 v51, v6  }
0x274: {  	vm6 =	veq.s32 v51, v5;
	v2 =	vsel vm1, $0xBF800000, v2;
	vm1 =	veq.s32 v51, v7  }
0x275: {  	v10 =	vsel vm7, $0xBF800000, v10;
	v9 =	vsel vm6, $0xBF800000, v9;
	v8 =	vsel vm1, $0xBF800000, v8  }
0x276: {  	v55 =	vmax.f32 v10, v9;
	v54 =	vmax.f32 v2, v8  }
0x277: {  	v11 =	vmax.f32 v54, v55  }
0x278: {  	v12 =	vperm.xlane v11, v0;
	_ =	sdelay $0x1  }
0x279: {  	v11 =	vmax.f32 v11, v12  }
0x27a: {  	v12 =	vperm.xlane v11, v1;
	_ =	sdelay $0x1  }
0x27b: {  	v11 =	vmax.f32 v11, v12  }
0x27c: {  	v12 =	vperm.xlane v11, v3;
	_ =	sdelay $0x1  }
0x27d: {  	v11 =	vmax.f32 v11, v12  }
0x27e: {  	v12 =	vperm.xlane v11, v4;
	_ =	sdelay $0x1  }
0x27f: {  	v52 =	vmax.f32 v11, v12  }
0x280: {  	vm7 =	veq.f32 v9, v52  }
0x281: {  	vm2 =	veq.f32 v10, v52;
	v56 =	vnsel vm7, $0x7FFFFFFF, v5  }
0x282: {  	vm4 =	veq.f32 v8, v52;
	v11 =	vsel vm2, v6, v56  }
0x283: {  	vm5 =	veq.f32 v2, v52;
	v11 =	vsel vm4, v7, v11  }
0x284: {  	v11 =	vsel vm5, v31, v11  }
0x285: {  	v57 =	vperm.xlane v11, v0;
	_ =	sdelay $0x1  }
0x286: {  	vm6 =	vlt.s32 v11, v57  }
0x287: {  	v11 =	vsel vm6, v11, v57  }
0x288: {  	v12 =	vperm.xlane v11, v1;
	_ =	sdelay $0x1  }
0x289: {  	vm1 =	vlt.s32 v11, v12  }
0x28a: {  	v11 =	vsel vm1, v11, v12  }
0x28b: {  	v12 =	vperm.xlane v11, v3;
	_ =	sdelay $0x1  }
0x28c: {  	vm1 =	vlt.s32 v11, v12  }
0x28d: {  	v11 =	vsel vm1, v11, v12  }
0x28e: {  	v12 =	vperm.xlane v11, v4;
	_ =	sdelay $0x1  }
0x28f: {  	vm1 =	vlt.s32 v11, v12  }
0x290: {  	v53 =	vsel vm1, v11, v12  }
0x291: {  	vm1 =	veq.s32 v53, v31;
	vm7 =	veq.s32 v53, v6  }
0x292: {  	vm6 =	veq.s32 v53, v5;
	v2 =	vsel vm1, $0xBF800000, v2;
	vm1 =	veq.s32 v53, v7  }
0x293: {  	v10 =	vsel vm7, $0xBF800000, v10;
	v9 =	vsel vm6, $0xBF800000, v9;
	v8 =	vsel vm1, $0xBF800000, v8  }
0x294: {  	[tilespmem:$0x1FE70] =	vst v59;
	v59 =	vmax.f32 v10, v9;
	v58 =	vmax.f32 v2, v8  }
0x295: {  	v11 =	vmax.f32 v58, v59  }
0x296: {  	v12 =	vperm.xlane v11, v0;
	_ =	sdelay $0x1  }
0x297: {  	v11 =	vmax.f32 v11, v12  }
0x298: {  	v12 =	vperm.xlane v11, v1;
	_ =	sdelay $0x1  }
0x299: {  	v11 =	vmax.f32 v11, v12  }
0x29a: {  	v12 =	vperm.xlane v11, v3;
	_ =	sdelay $0x1  }
0x29b: {  	v11 =	vmax.f32 v11, v12  }
0x29c: {  	v12 =	vperm.xlane v11, v4;
	_ =	sdelay $0x1  }
0x29d: {  	v54 =	vmax.f32 v11, v12  }
0x29e: {  	vm7 =	veq.f32 v9, v54  }
0x29f: {  	[tilespmem:$0x1FE80] =	vst v60;
	vm2 =	veq.f32 v10, v54;
	v60 =	vnsel vm7, $0x7FFFFFFF, v5  }
0x2a0: {  	vm4 =	veq.f32 v8, v54;
	v11 =	vsel vm2, v6, v60  }
0x2a1: {  	vm5 =	veq.f32 v2, v54;
	v11 =	vsel vm4, v7, v11  }
0x2a2: {  	v11 =	vsel vm5, v31, v11  }
0x2a3: {  	[tilespmem:$0x1FE90] =	vst v61;
	v61 =	vperm.xlane v11, v0;
	_ =	sdelay $0x1  }
0x2a4: {  	vm6 =	vlt.s32 v11, v61  }
0x2a5: {  	v11 =	vsel vm6, v11, v61  }
0x2a6: {  	v12 =	vperm.xlane v11, v1;
	_ =	sdelay $0x1  }
0x2a7: {  	vm1 =	vlt.s32 v11, v12  }
0x2a8: {  	v11 =	vsel vm1, v11, v12  }
0x2a9: {  	v12 =	vperm.xlane v11, v3;
	_ =	sdelay $0x1  }
0x2aa: {  	vm1 =	vlt.s32 v11, v12  }
0x2ab: {  	v11 =	vsel vm1, v11, v12  }
0x2ac: {  	v12 =	vperm.xlane v11, v4;
	_ =	sdelay $0x1  }
0x2ad: {  	vm1 =	vlt.s32 v11, v12  }
0x2ae: {  	v55 =	vsel vm1, v11, v12  }
0x2af: {  	vm1 =	veq.s32 v55, v31;
	vm7 =	veq.s32 v55, v6  }
0x2b0: {  	vm6 =	veq.s32 v55, v5;
	v2 =	vsel vm1, $0xBF800000, v2;
	vm1 =	veq.s32 v55, v7  }
0x2b1: {  	v10 =	vsel vm7, $0xBF800000, v10;
	v9 =	vsel vm6, $0xBF800000, v9;
	v8 =	vsel vm1, $0xBF800000, v8  }
0x2b2: {  	[tilespmem:$0x1FEA0] =	vst v62;
	v63 =	vmax.f32 v10, v9;
	v62 =	vmax.f32 v2, v8  }
0x2b3: {  	v11 =	vmax.f32 v62, v63  }
0x2b4: {  	v12 =	vperm.xlane v11, v0;
	_ =	sdelay $0x1  }
0x2b5: {  	v11 =	vmax.f32 v11, v12  }
0x2b6: {  	v12 =	vperm.xlane v11, v1;
	_ =	sdelay $0x1  }
0x2b7: {  	v11 =	vmax.f32 v11, v12  }
0x2b8: {  	v12 =	vperm.xlane v11, v3;
	_ =	sdelay $0x1  }
0x2b9: {  	v11 =	vmax.f32 v11, v12  }
0x2ba: {  	v12 =	vperm.xlane v11, v4;
	_ =	sdelay $0x1  }
0x2bb: {  	v56 =	vmax.f32 v11, v12  }
0x2bc: {  	vm7 =	veq.f32 v9, v56  }
0x2bd: {  	vm2 =	veq.f32 v10, v56;
	v15 =	vnsel vm7, $0x7FFFFFFF, v5  }
0x2be: {  	vm4 =	veq.f32 v8, v56;
	v11 =	vsel vm2, v6, v15  }
0x2bf: {  	vm5 =	veq.f32 v2, v56;
	v11 =	vsel vm4, v7, v11  }
0x2c0: {  	v11 =	vsel vm5, v31, v11  }
0x2c1: {  	v16 =	vperm.xlane v11, v0;
	_ =	sdelay $0x1  }
0x2c2: {  	vm6 =	vlt.s32 v11, v16  }
0x2c3: {  	v11 =	vsel vm6, v11, v16  }
0x2c4: {  	v12 =	vperm.xlane v11, v1;
	_ =	sdelay $0x1  }
0x2c5: {  	vm1 =	vlt.s32 v11, v12  }
0x2c6: {  	v11 =	vsel vm1, v11, v12  }
0x2c7: {  	v12 =	vperm.xlane v11, v3;
	_ =	sdelay $0x1  }
0x2c8: {  	vm1 =	vlt.s32 v11, v12  }
0x2c9: {  	v11 =	vsel vm1, v11, v12  }
0x2ca: {  	v12 =	vperm.xlane v11, v4;
	_ =	sdelay $0x1  }
0x2cb: {  	vm1 =	vlt.s32 v11, v12  }
0x2cc: {  	v57 =	vsel vm1, v11, v12  }
0x2cd: {  	vm1 =	veq.s32 v57, v31;
	vm7 =	veq.s32 v57, v6  }
0x2ce: {  	vm6 =	veq.s32 v57, v5;
	v2 =	vsel vm1, $0xBF800000, v2;
	vm1 =	veq.s32 v57, v7  }
0x2cf: {  	v10 =	vsel vm7, $0xBF800000, v10;
	v9 =	vsel vm6, $0xBF800000, v9;
	v8 =	vsel vm1, $0xBF800000, v8  }
0x2d0: {  	v18 =	vmax.f32 v10, v9;
	v17 =	vmax.f32 v2, v8  }
0x2d1: {  	v11 =	vmax.f32 v17, v18  }
0x2d2: {  	v12 =	vperm.xlane v11, v0;
	_ =	sdelay $0x1  }
0x2d3: {  	v11 =	vmax.f32 v11, v12  }
0x2d4: {  	v12 =	vperm.xlane v11, v1;
	_ =	sdelay $0x1  }
0x2d5: {  	v11 =	vmax.f32 v11, v12  }
0x2d6: {  	v12 =	vperm.xlane v11, v3;
	_ =	sdelay $0x1  }
0x2d7: {  	v11 =	vmax.f32 v11, v12  }
0x2d8: {  	v12 =	vperm.xlane v11, v4;
	_ =	sdelay $0x1  }
0x2d9: {  	v58 =	vmax.f32 v11, v12  }
0x2da: {  	vm7 =	veq.f32 v9, v58  }
0x2db: {  	vm2 =	veq.f32 v10, v58;
	v19 =	vnsel vm7, $0x7FFFFFFF, v5  }
0x2dc: {  	vm4 =	veq.f32 v8, v58;
	v11 =	vsel vm2, v6, v19  }
0x2dd: {  	vm5 =	veq.f32 v2, v58;
	v11 =	vsel vm4, v7, v11  }
0x2de: {  	v11 =	vsel vm5, v31, v11  }
0x2df: {  	v21 =	vperm.xlane v11, v0;
	_ =	sdelay $0x1  }
0x2e0: {  	vm6 =	vlt.s32 v11, v21  }
0x2e1: {  	v11 =	vsel vm6, v11, v21  }
0x2e2: {  	v12 =	vperm.xlane v11, v1;
	_ =	sdelay $0x1  }
0x2e3: {  	vm1 =	vlt.s32 v11, v12  }
0x2e4: {  	v11 =	vsel vm1, v11, v12  }
0x2e5: {  	v12 =	vperm.xlane v11, v3;
	_ =	sdelay $0x1  }
0x2e6: {  	vm1 =	vlt.s32 v11, v12  }
0x2e7: {  	v11 =	vsel vm1, v11, v12  }
0x2e8: {  	v12 =	vperm.xlane v11, v4;
	_ =	sdelay $0x1  }
0x2e9: {  	vm1 =	vlt.s32 v11, v12  }
0x2ea: {  	v59 =	vsel vm1, v11, v12  }
0x2eb: {  	vm1 =	veq.s32 v59, v31;
	vm7 =	veq.s32 v59, v6  }
0x2ec: {  	vm6 =	veq.s32 v59, v5;
	v2 =	vsel vm1, $0xBF800000, v2;
	vm1 =	veq.s32 v59, v7  }
0x2ed: {  	v10 =	vsel vm7, $0xBF800000, v10;
	v9 =	vsel vm6, $0xBF800000, v9;
	v8 =	vsel vm1, $0xBF800000, v8  }
0x2ee: {  	v26 =	vmax.f32 v10, v9;
	v23 =	vmax.f32 v2, v8  }
0x2ef: {  	v11 =	vmax.f32 v23, v26  }
0x2f0: {  	v12 =	vperm.xlane v11, v0;
	_ =	sdelay $0x1  }
0x2f1: {  	v11 =	vmax.f32 v11, v12  }
0x2f2: {  	v12 =	vperm.xlane v11, v1;
	_ =	sdelay $0x1  }
0x2f3: {  	v11 =	vmax.f32 v11, v12  }
0x2f4: {  	v12 =	vperm.xlane v11, v3;
	_ =	sdelay $0x1  }
0x2f5: {  	v11 =	vmax.f32 v11, v12  }
0x2f6: {  	v12 =	vperm.xlane v11, v4;
	_ =	sdelay $0x1  }
0x2f7: {  	v60 =	vmax.f32 v11, v12  }
0x2f8: {  	vm7 =	veq.f32 v9, v60  }
0x2f9: {  	vm2 =	veq.f32 v10, v60;
	v27 =	vnsel vm7, $0x7FFFFFFF, v5  }
0x2fa: {  	vm4 =	veq.f32 v8, v60;
	v11 =	vsel vm2, v6, v27  }
0x2fb: {  	vm5 =	veq.f32 v2, v60;
	v11 =	vsel vm4, v7, v11  }
0x2fc: {  	v11 =	vsel vm5, v31, v11  }
0x2fd: {  	v43 =	vperm.xlane v11, v0;
	_ =	sdelay $0x1  }
0x2fe: {  	vm6 =	vlt.s32 v11, v43  }
0x2ff: {  	v11 =	vsel vm6, v11, v43  }
0x300: {  	v12 =	vperm.xlane v11, v1;
	_ =	sdelay $0x1  }
0x301: {  	vm1 =	vlt.s32 v11, v12  }
0x302: {  	v11 =	vsel vm1, v11, v12  }
0x303: {  	v12 =	vperm.xlane v11, v3;
	_ =	sdelay $0x1  }
0x304: {  	v29 =	vld [tilespmem:$0xE0];
	vm1 =	vlt.s32 v11, v12  }
0x305: {  	v46 =	vld [tilespmem:$0xC0];
	v11 =	vsel vm1, v11, v12  }
0x306: {  	v47 =	vld [tilespmem:$0xD0];
	v48 =	vperm.xlane v11, v4  }
0x307: {  	v43 =	vld [tilespmem:$0xF0]  }
0x308: {  	vm1 =	vlt.s32 v11, v48  }
0x309: {  	v61 =	vsel vm1, v11, v48  }
0x30a: {  	vm1 =	veq.s32 v61, v31;
	vm7 =	veq.s32 v61, v7  }
0x30b: {  	vm4 =	veq.s32 v61, v6;
	vm5 =	veq.s32 v61, v5;
	v16 =	vsel vm1, $0xBF800000, v2  }
0x30c: {  	v17 =	vsel vm7, $0xBF800000, v8;
	v2 =	vmax.f32 v46, v47;
	v8 =	vmax.f32 v29, v43  }
0x30d: {  	v14 =	vsel vm4, $0xBF800000, v10;
	v15 =	vsel vm5, $0xBF800000, v9;
	v2 =	vmax.f32 v2, v8  }
0x30e: {  	v8 =	vadd.f32 $0.0e+00, v44;
	v49 =	vmax.f32 v16, v17;
	v10 =	vmax.f32 v14, v15  }
0x30f: {  	v9 =	vmax.f32 v49, v10;
	v62 =	vperm.xlane v2, v0  }
0x310: {  	v8 =	vadd.f32 v50, v8;
	v63 =	vperm.xlane v9, v0  }
0x311: {  	v2 =	vmax.f32 v2, v62  }
0x312: {  	v9 =	vmax.f32 v9, v63;
	v8 =	vadd.f32 v52, v8;
	v10 =	vperm.xlane v2, v1  }
0x313: {  	v11 =	vperm.xlane v9, v1  }
0x314: {  	v2 =	vmax.f32 v2, v10;
	v8 =	vadd.f32 v54, v8  }
0x315: {  	v9 =	vmax.f32 v9, v11;
	v10 =	vperm.xlane v2, v3  }
0x316: {  	v8 =	vadd.f32 v56, v8;
	v11 =	vperm.xlane v9, v3  }
0x317: {  	v2 =	vmax.f32 v2, v10  }
0x318: {  	v9 =	vmax.f32 v9, v11;
	v8 =	vadd.f32 v58, v8;
	v10 =	vperm.xlane v2, v4  }
0x319: {  	v11 =	vperm.xlane v9, v4  }
0x31a: {  	v2 =	vmax.f32 v2, v10;
	v8 =	vadd.f32 v60, v8  }
0x31b: {  	v62 =	vmax.f32 v9, v11;
	v18 =	vsub.f32 v46, v2  }
0x31c: {  	v10 =	vsub.f32 v47, v2;
	v8 =	vadd.f32 v62, v8  }
0x31d: {  	v9 =	vmul.f32 $1.442695020e+00, v18  }
0x31e: {  	v19 =	vsub.f32 v29, v2;
	(erf) = vrcp.f32 v8;
	v8 =	vmul.f32 $1.442695020e+00, v10  }
0x31f: {  	(erf) = vpow2.f32 v9  }
0x320: {  	v2 =	vsub.f32 v43, v2;
	(erf) = vpow2.f32 v8;
	v8 =	vmul.f32 $1.442695020e+00, v19;
	_ =	sdelay $0x1  }
0x321: {  	v2 =	vmul.f32 $1.442695020e+00, v2;
	(erf) = vpow2.f32 v8;
	_ =	sdelay $0x1  }
0x322: {  	(erf) = vpow2.f32 v2;
	_ =	sdelay $0x2  }
0x323: {  	v2 =	vpop (erf)  }
0x324: {  	[tilespmem:$0x1FFC0] =	vst v2;
	v2 =	vpop (erf)  }
0x325: {  	v8 =	vpop (erf)  }
0x326: {  	v21 =	vadd.f32 v8, v2  }
0x327: {  	v23 =	vpop (erf)  }
0x328: {  	v9 =	vadd.f32 v21, v23  }
0x329: {  	v26 =	vpop (erf)  }
0x32a: {  	v9 =	vadd.f32 v9, v26;
	_ =	sdelay $0x1  }
0x32b: {  	v27 =	vperm.xlane v9, v0;
	_ =	sdelay $0x1  }
0x32c: {  	v9 =	vadd.f32 v9, v27;
	_ =	sdelay $0x1  }
0x32d: {  	v12 =	vperm.xlane v9, v1;
	_ =	sdelay $0x1  }
0x32e: {  	v9 =	vadd.f32 v9, v12;
	_ =	sdelay $0x1  }
0x32f: {  	v12 =	vperm.xlane v9, v3;
	_ =	sdelay $0x1  }
0x330: {  	v9 =	vadd.f32 v9, v12;
	_ =	sdelay $0x1  }
0x331: {  	v12 =	vperm.xlane v9, v4;
	_ =	sdelay $0x1  }
0x332: {  	v9 =	vadd.f32 v9, v12;
	_ =	sdelay $0x1  }
0x333: {  	(erf) = vrcp.f32 v9;
	_ =	sdelay $0x8  }
0x334: {  	v9 =	vpop (erf)  }
0x335: {  	v2 =	vmul.f32 v9, v2;
	v8 =	vmul.f32 v9, v8  }
0x336: {  	v10 =	vmul.f32 v9, v23;
	v9 =	vmul.f32 v9, v26;
	_ =	sdelay $0x1  }
0x337: {  	v43 =	vmax.f32 v2, v8;
	v46 =	vmax.f32 v10, v9  }
0x338: {  	v11 =	vmax.f32 v43, v46  }
0x339: {  	v12 =	vperm.xlane v11, v0;
	_ =	sdelay $0x1  }
0x33a: {  	v11 =	vmax.f32 v11, v12  }
0x33b: {  	v12 =	vperm.xlane v11, v1;
	_ =	sdelay $0x1  }
0x33c: {  	v11 =	vmax.f32 v11, v12  }
0x33d: {  	v12 =	vperm.xlane v11, v3;
	_ =	sdelay $0x1  }
0x33e: {  	v11 =	vmax.f32 v11, v12  }
0x33f: {  	v12 =	vperm.xlane v11, v4;
	_ =	sdelay $0x1  }
0x340: {  	v11 =	vmax.f32 v11, v12  }
0x341: {  	vm6 =	veq.f32 v9, v11  }
0x342: {  	vm7 =	veq.f32 v10, v11;
	v47 =	vnsel vm6, $0x7FFFFFFF, v5  }
0x343: {  	vm4 =	veq.f32 v8, v11;
	v12 =	vsel vm7, v6, v47  }
0x344: {  	vm5 =	veq.f32 v2, v11;
	v12 =	vsel vm4, v7, v12  }
0x345: {  	v12 =	vsel vm5, v31, v12  }
0x346: {  	v48 =	vperm.xlane v12, v0;
	_ =	sdelay $0x1  }
0x347: {  	vm6 =	vlt.s32 v12, v48  }
0x348: {  	v12 =	vsel vm6, v12, v48  }
0x349: {  	v13 =	vperm.xlane v12, v1;
	_ =	sdelay $0x1  }
0x34a: {  	vm1 =	vlt.s32 v12, v13  }
0x34b: {  	v12 =	vsel vm1, v12, v13  }
0x34c: {  	v13 =	vperm.xlane v12, v3;
	_ =	sdelay $0x1  }
0x34d: {  	vm1 =	vlt.s32 v12, v13  }
0x34e: {  	v12 =	vsel vm1, v12, v13  }
0x34f: {  	v13 =	vperm.xlane v12, v4;
	_ =	sdelay $0x1  }
0x350: {  	vm1 =	vlt.s32 v12, v13  }
0x351: {  	v13 =	vsel vm1, v12, v13  }
0x352: {  	vm1 =	veq.s32 v13, v31;
	vm7 =	veq.s32 v13, v6  }
0x353: {  	vm6 =	veq.s32 v13, v5;
	v2 =	vsel vm1, $0xBF800000, v2;
	vm1 =	veq.s32 v13, v7  }
0x354: {  	v10 =	vsel vm7, $0xBF800000, v10;
	v29 =	vsel vm6, $0xBF800000, v9;
	v8 =	vsel vm1, $0xBF800000, v8  }
0x355: {  	v63 =	vmax.f32 v10, v29;
	v49 =	vmax.f32 v2, v8  }
0x356: {  	v9 =	vmax.f32 v49, v63  }
0x357: {  	v12 =	vperm.xlane v9, v0;
	_ =	sdelay $0x1  }
0x358: {  	v9 =	vmax.f32 v9, v12  }
0x359: {  	v12 =	vperm.xlane v9, v1;
	_ =	sdelay $0x1  }
0x35a: {  	v9 =	vmax.f32 v9, v12  }
0x35b: {  	v12 =	vperm.xlane v9, v3;
	_ =	sdelay $0x1  }
0x35c: {  	v9 =	vmax.f32 v9, v12  }
0x35d: {  	v12 =	vperm.xlane v9, v4;
	_ =	sdelay $0x1  }
0x35e: {  	v9 =	vmax.f32 v9, v12  }
0x35f: {  	vm7 =	veq.f32 v29, v9  }
0x360: {  	vm2 =	veq.f32 v10, v9;
	v18 =	vnsel vm7, $0x7FFFFFFF, v5  }
0x361: {  	vm4 =	veq.f32 v8, v9;
	v12 =	vsel vm2, v6, v18  }
0x362: {  	vm5 =	veq.f32 v2, v9;
	v12 =	vsel vm4, v7, v12  }
0x363: {  	v12 =	vsel vm5, v31, v12  }
0x364: {  	v19 =	vperm.xlane v12, v0;
	_ =	sdelay $0x1  }
0x365: {  	vm6 =	vlt.s32 v12, v19  }
0x366: {  	v12 =	vsel vm6, v12, v19  }
0x367: {  	v43 =	vperm.xlane v12, v1;
	_ =	sdelay $0x1  }
0x368: {  	vm1 =	vlt.s32 v12, v43  }
0x369: {  	v12 =	vsel vm1, v12, v43  }
0x36a: {  	v43 =	vperm.xlane v12, v3;
	_ =	sdelay $0x1  }
0x36b: {  	vm1 =	vlt.s32 v12, v43  }
0x36c: {  	v12 =	vsel vm1, v12, v43  }
0x36d: {  	v43 =	vperm.xlane v12, v4;
	_ =	sdelay $0x1  }
0x36e: {  	vm1 =	vlt.s32 v12, v43  }
0x36f: {  	v12 =	vsel vm1, v12, v43  }
0x370: {  	vm1 =	veq.s32 v12, v31;
	vm7 =	veq.s32 v12, v6  }
0x371: {  	vm6 =	veq.s32 v12, v5;
	v21 =	vsel vm1, $0xBF800000, v2;
	vm1 =	veq.s32 v12, v7  }
0x372: {  	v46 =	vsel vm7, $0xBF800000, v10;
	v29 =	vsel vm6, $0xBF800000, v29;
	v8 =	vsel vm1, $0xBF800000, v8  }
0x373: {  	v10 =	vmax.f32 v46, v29;
	v2 =	vmax.f32 v21, v8  }
0x374: {  	v2 =	vmax.f32 v2, v10  }
0x375: {  	v10 =	vperm.xlane v2, v0;
	_ =	sdelay $0x1  }
0x376: {  	v2 =	vmax.f32 v2, v10  }
0x377: {  	v10 =	vperm.xlane v2, v1;
	_ =	sdelay $0x1  }
0x378: {  	v2 =	vmax.f32 v2, v10  }
0x379: {  	v10 =	vperm.xlane v2, v3;
	_ =	sdelay $0x1  }
0x37a: {  	v2 =	vmax.f32 v2, v10  }
0x37b: {  	v10 =	vperm.xlane v2, v4;
	_ =	sdelay $0x1  }
0x37c: {  	v2 =	vmax.f32 v2, v10  }
0x37d: {  	vm7 =	veq.f32 v29, v2  }
0x37e: {  	vm2 =	veq.f32 v46, v2;
	v23 =	vnsel vm7, $0x7FFFFFFF, v5  }
0x37f: {  	vm4 =	veq.f32 v8, v2;
	v10 =	vsel vm2, v6, v23  }
0x380: {  	vm5 =	veq.f32 v21, v2;
	v10 =	vsel vm4, v7, v10  }
0x381: {  	v10 =	vsel vm5, v31, v10  }
0x382: {  	v47 =	vperm.xlane v10, v0;
	_ =	sdelay $0x1  }
0x383: {  	vm6 =	vlt.s32 v10, v47  }
0x384: {  	v10 =	vsel vm6, v10, v47  }
0x385: {  	v47 =	vperm.xlane v10, v1;
	_ =	sdelay $0x1  }
0x386: {  	vm1 =	vlt.s32 v10, v47  }
0x387: {  	v10 =	vsel vm1, v10, v47  }
0x388: {  	v47 =	vperm.xlane v10, v3;
	_ =	sdelay $0x1  }
0x389: {  	vm1 =	vlt.s32 v10, v47  }
0x38a: {  	v10 =	vsel vm1, v10, v47  }
0x38b: {  	v47 =	vperm.xlane v10, v4;
	_ =	sdelay $0x1  }
0x38c: {  	vm1 =	vlt.s32 v10, v47  }
0x38d: {  	v10 =	vsel vm1, v10, v47  }
0x38e: {  	vm1 =	veq.s32 v10, v31;
	vm7 =	veq.s32 v10, v6  }
0x38f: {  	vm6 =	veq.s32 v10, v5;
	v43 =	vsel vm1, $0xBF800000, v21;
	vm1 =	veq.s32 v10, v7  }
0x390: {  	v46 =	vsel vm7, $0xBF800000, v46;
	v29 =	vsel vm6, $0xBF800000, v29;
	v26 =	vsel vm1, $0xBF800000, v8  }
0x391: {  	v48 =	vmax.f32 v46, v29;
	v8 =	vmax.f32 v43, v26  }
0x392: {  	v8 =	vmax.f32 v8, v48  }
0x393: {  	v48 =	vperm.xlane v8, v0;
	_ =	sdelay $0x1  }
0x394: {  	v8 =	vmax.f32 v8, v48  }
0x395: {  	v48 =	vperm.xlane v8, v1;
	_ =	sdelay $0x1  }
0x396: {  	v8 =	vmax.f32 v8, v48  }
0x397: {  	v48 =	vperm.xlane v8, v3;
	_ =	sdelay $0x1  }
0x398: {  	v8 =	vmax.f32 v8, v48  }
0x399: {  	v48 =	vperm.xlane v8, v4;
	_ =	sdelay $0x1  }
0x39a: {  	v48 =	vmax.f32 v8, v48  }
0x39b: {  	vm7 =	veq.f32 v29, v48  }
0x39c: {  	vm2 =	veq.f32 v46, v48;
	v8 =	vnsel vm7, $0x7FFFFFFF, v5  }
0x39d: {  	vm4 =	veq.f32 v26, v48;
	v8 =	vsel vm2, v6, v8  }
0x39e: {  	vm5 =	veq.f32 v43, v48;
	v8 =	vsel vm4, v7, v8  }
0x39f: {  	v8 =	vsel vm5, v31, v8  }
0x3a0: {  	v49 =	vperm.xlane v8, v0;
	_ =	sdelay $0x1  }
0x3a1: {  	vm6 =	vlt.s32 v8, v49  }
0x3a2: {  	v8 =	vsel vm6, v8, v49  }
0x3a3: {  	v49 =	vperm.xlane v8, v1;
	_ =	sdelay $0x1  }
0x3a4: {  	vm1 =	vlt.s32 v8, v49  }
0x3a5: {  	v8 =	vsel vm1, v8, v49  }
0x3a6: {  	v49 =	vperm.xlane v8, v3;
	_ =	sdelay $0x1  }
0x3a7: {  	vm1 =	vlt.s32 v8, v49  }
0x3a8: {  	v8 =	vsel vm1, v8, v49  }
0x3a9: {  	v49 =	vperm.xlane v8, v4;
	_ =	sdelay $0x1  }
0x3aa: {  	vm1 =	vlt.s32 v8, v49  }
0x3ab: {  	v8 =	vsel vm1, v8, v49  }
0x3ac: {  	vm1 =	veq.s32 v8, v31;
	vm7 =	veq.s32 v8, v6  }
0x3ad: {  	vm6 =	veq.s32 v8, v5;
	v43 =	vsel vm1, $0xBF800000, v43;
	vm1 =	veq.s32 v8, v7  }
0x3ae: {  	v46 =	vsel vm7, $0xBF800000, v46;
	v29 =	vsel vm6, $0xBF800000, v29;
	v47 =	vsel vm1, $0xBF800000, v26  }
0x3af: {  	v63 =	vmax.f32 v46, v29;
	v27 =	vmax.f32 v43, v47  }
0x3b0: {  	v49 =	vmax.f32 v27, v63  }
0x3b1: {  	v63 =	vperm.xlane v49, v0;
	_ =	sdelay $0x1  }
0x3b2: {  	v49 =	vmax.f32 v49, v63  }
0x3b3: {  	v63 =	vperm.xlane v49, v1;
	_ =	sdelay $0x1  }
0x3b4: {  	v49 =	vmax.f32 v49, v63  }
0x3b5: {  	v63 =	vperm.xlane v49, v3;
	_ =	sdelay $0x1  }
0x3b6: {  	v49 =	vmax.f32 v49, v63  }
0x3b7: {  	v63 =	vperm.xlane v49, v4;
	_ =	sdelay $0x1  }
0x3b8: {  	v63 =	vmax.f32 v49, v63  }
0x3b9: {  	vm7 =	veq.f32 v29, v63  }
0x3ba: {  	vm2 =	veq.f32 v46, v63;
	v18 =	vnsel vm7, $0x7FFFFFFF, v5  }
0x3bb: {  	vm4 =	veq.f32 v47, v63;
	v49 =	vsel vm2, v6, v18  }
0x3bc: {  	vm5 =	veq.f32 v43, v63;
	v49 =	vsel vm4, v7, v49  }
0x3bd: {  	v49 =	vsel vm5, v31, v49  }
0x3be: {  	v28 =	vperm.xlane v49, v0;
	_ =	sdelay $0x1  }
0x3bf: {  	vm6 =	vlt.s32 v49, v28  }
0x3c0: {  	v28 =	vsel vm6, v49, v28  }
0x3c1: {  	v49 =	vperm.xlane v28, v1;
	_ =	sdelay $0x1  }
0x3c2: {  	vm1 =	vlt.s32 v28, v49  }
0x3c3: {  	v28 =	vsel vm1, v28, v49  }
0x3c4: {  	v49 =	vperm.xlane v28, v3;
	_ =	sdelay $0x1  }
0x3c5: {  	vm1 =	vlt.s32 v28, v49  }
0x3c6: {  	v28 =	vsel vm1, v28, v49  }
0x3c7: {  	v49 =	vperm.xlane v28, v4;
	_ =	sdelay $0x1  }
0x3c8: {  	vm1 =	vlt.s32 v28, v49  }
0x3c9: {  	v49 =	vsel vm1, v28, v49  }
0x3ca: {  	vm1 =	veq.s32 v49, v31;
	vm7 =	veq.s32 v49, v6  }
0x3cb: {  	vm6 =	veq.s32 v49, v5;
	v28 =	vsel vm1, $0xBF800000, v43;
	vm1 =	veq.s32 v49, v7  }
0x3cc: {  	v27 =	vsel vm7, $0xBF800000, v46;
	v29 =	vsel vm6, $0xBF800000, v29;
	v19 =	vsel vm1, $0xBF800000, v47  }
0x3cd: {  	v23 =	vmax.f32 v27, v29;
	v21 =	vmax.f32 v28, v19  }
0x3ce: {  	v46 =	vmax.f32 v21, v23  }
0x3cf: {  	v47 =	vperm.xlane v46, v0;
	_ =	sdelay $0x1  }
0x3d0: {  	v46 =	vmax.f32 v46, v47  }
0x3d1: {  	v47 =	vperm.xlane v46, v1;
	_ =	sdelay $0x1  }
0x3d2: {  	v46 =	vmax.f32 v46, v47  }
0x3d3: {  	v47 =	vperm.xlane v46, v3;
	_ =	sdelay $0x1  }
0x3d4: {  	v46 =	vmax.f32 v46, v47  }
0x3d5: {  	v47 =	vperm.xlane v46, v4;
	_ =	sdelay $0x1  }
0x3d6: {  	v47 =	vmax.f32 v46, v47  }
0x3d7: {  	vm7 =	veq.f32 v29, v47  }
0x3d8: {  	vm2 =	veq.f32 v27, v47;
	v26 =	vnsel vm7, $0x7FFFFFFF, v5  }
0x3d9: {  	vm4 =	veq.f32 v19, v47;
	v46 =	vsel vm2, v6, v26  }
0x3da: {  	vm5 =	veq.f32 v28, v47;
	v46 =	vsel vm4, v7, v46  }
0x3db: {  	v46 =	vsel vm5, v31, v46  }
0x3dc: {  	v26 =	vperm.xlane v46, v0;
	_ =	sdelay $0x1  }
0x3dd: {  	vm6 =	vlt.s32 v46, v26  }
0x3de: {  	v26 =	vsel vm6, v46, v26  }
0x3df: {  	v46 =	vperm.xlane v26, v1;
	_ =	sdelay $0x1  }
0x3e0: {  	vm1 =	vlt.s32 v26, v46  }
0x3e1: {  	v26 =	vsel vm1, v26, v46  }
0x3e2: {  	v46 =	vperm.xlane v26, v3;
	_ =	sdelay $0x1  }
0x3e3: {  	vm1 =	vlt.s32 v26, v46  }
0x3e4: {  	v26 =	vsel vm1, v26, v46  }
0x3e5: {  	v46 =	vperm.xlane v26, v4;
	_ =	sdelay $0x1  }
0x3e6: {  	vm1 =	vlt.s32 v26, v46  }
0x3e7: {  	v46 =	vsel vm1, v26, v46  }
0x3e8: {  	vm1 =	veq.s32 v46, v31;
	vm7 =	veq.s32 v46, v6  }
0x3e9: {  	vm6 =	veq.s32 v46, v5;
	v26 =	vsel vm1, $0xBF800000, v28;
	vm1 =	veq.s32 v46, v7  }
0x3ea: {  	v27 =	vsel vm7, $0xBF800000, v27;
	v23 =	vsel vm6, $0xBF800000, v29;
	v28 =	vsel vm1, $0xBF800000, v19  }
0x3eb: {  	v18 =	vmax.f32 v27, v23;
	v29 =	vmax.f32 v26, v28  }
0x3ec: {  	v29 =	vmax.f32 v29, v18  }
0x3ed: {  	v43 =	vperm.xlane v29, v0;
	_ =	sdelay $0x1  }
0x3ee: {  	v29 =	vmax.f32 v29, v43  }
0x3ef: {  	v43 =	vperm.xlane v29, v1;
	_ =	sdelay $0x1  }
0x3f0: {  	v29 =	vmax.f32 v29, v43  }
0x3f1: {  	v43 =	vperm.xlane v29, v3;
	_ =	sdelay $0x1  }
0x3f2: {  	v29 =	vmax.f32 v29, v43  }
0x3f3: {  	v43 =	vperm.xlane v29, v4;
	_ =	sdelay $0x1  }
0x3f4: {  	v43 =	vmax.f32 v29, v43  }
0x3f5: {  	vm7 =	veq.f32 v23, v43  }
0x3f6: {  	vm2 =	veq.f32 v27, v43;
	v29 =	vnsel vm7, $0x7FFFFFFF, v5  }
0x3f7: {  	vm4 =	veq.f32 v28, v43;
	v29 =	vsel vm2, v6, v29  }
0x3f8: {  	vm5 =	veq.f32 v26, v43;
	v29 =	vsel vm4, v7, v29  }
0x3f9: {  	v29 =	vsel vm5, v31, v29  }
0x3fa: {  	v19 =	vperm.xlane v29, v0;
	_ =	sdelay $0x1  }
0x3fb: {  	vm6 =	vlt.s32 v29, v19  }
0x3fc: {  	v21 =	vsel vm6, v29, v19  }
0x3fd: {  	v29 =	vperm.xlane v21, v1;
	_ =	sdelay $0x1  }
0x3fe: {  	vm1 =	vlt.s32 v21, v29  }
0x3ff: {  	v21 =	vsel vm1, v21, v29  }
0x400: {  	v29 =	vperm.xlane v21, v3;
	_ =	sdelay $0x1  }
0x401: {  	vm1 =	vlt.s32 v21, v29  }
0x402: {  	v21 =	vsel vm1, v21, v29  }
0x403: {  	v29 =	vperm.xlane v21, v4;
	_ =	sdelay $0x1  }
0x404: {  	vm1 =	vlt.s32 v21, v29  }
0x405: {  	v29 =	vsel vm1, v21, v29;
	v21 =	vld [tilespmem:$0x1FE40]  }
0x406: {  	vm1 =	veq.f32 v25, v22;
	v25 =	vld [tilespmem:$0x1FE50];
	_ =	sdelay $0x2  }
0x407: {  	v18 =	vld [tilespmem:$0x1FE60];
	vm5 =	veq.s32 v29, v5  }
0x408: {  	vm3 =	veq.s32 v29, v31;
	vm7 =	veq.s32 v29, v7;
	v23 =	vsel vm5, $0xBF800000, v23  }
0x409: {  	vm2 =	veq.f32 v21, v22;
	vm4 =	veq.f32 v25, v22;
	v21 =	vsel vm3, $0xBF800000, v26  }
0x40a: {  	v26 =	vsel vm7, $0xBF800000, v28;
	vm3 =	veq.s32 v29, v6;
	v28 =	vnsel vm4, $0x7FFFFFFF, v5  }
0x40b: {  	v27 =	vsel vm3, $0xBF800000, v27;
	v19 =	vmax.f32 v21, v26;
	v28 =	vsel vm2, v6, v28  }
0x40c: {  	vm4 =	veq.f32 v18, v22;
	v25 =	vmax.f32 v27, v23;
	v18 =	vsel vm1, v7, v28  }
0x40d: {  	v19 =	vmax.f32 v19, v25;
	v25 =	vsel vm4, v31, v18  }
0x40e: {  	v18 =	vperm.xlane v25, v0  }
0x40f: {  	v28 =	vperm.xlane v19, v0  }
0x410: {  	vm5 =	vlt.s32 v25, v18  }
0x411: {  	v19 =	vmax.f32 v19, v28;
	v18 =	vsel vm5, v25, v18  }
0x412: {  	v28 =	vperm.xlane v19, v1;
	v25 =	vperm.xlane v18, v1;
	_ =	sdelay $0x1  }
0x413: {  	v19 =	vmax.f32 v19, v28;
	vm1 =	vlt.s32 v18, v25  }
0x414: {  	v28 =	vperm.xlane v19, v3;
	v18 =	vsel vm1, v18, v25;
	v25 =	vld [tilespmem:$0x1FE70];
	_ =	sdelay $0x1  }
0x415: {  	v19 =	vmax.f32 v19, v28;
	v28 =	vld [tilespmem:$0x1FE90];
	_ =	sdelay $0x2  }
0x416: {  	vm1 =	veq.f32 v25, v42;
	v25 =	vld [tilespmem:$0x1FE80];
	_ =	sdelay $0x1  }
0x417: {  	vm3 =	veq.f32 v28, v42;
	v28 =	vld [tilespmem:$0x1FEA0];
	_ =	sdelay $0x2  }
0x418: {  	vm0 =	veq.f32 v15, v62;
	vm2 =	veq.f32 v25, v42;
	v25 =	vperm.xlane v19, v4  }
0x419: {  	v15 =	vnsel vm0, $0x7FFFFFFF, v5  }
0x41a: {  	vm5 =	veq.f32 v16, v62;
	vm4 =	veq.f32 v28, v42;
	v16 =	vmax.f32 v19, v25  }
0x41b: {  	vm6 =	veq.f32 v17, v62;
	vm8 =	veq.f32 v21, v16;
	v21 =	vnsel vm4, $0x7FFFFFFF, v5  }
0x41c: {  	vm7 =	veq.f32 v14, v62;
	v14 =	vsel vm3, v6, v21;
	vm3 =	veq.f32 v23, v16  }
0x41d: {  	v17 =	vperm.xlane v18, v3;
	vm9 =	veq.f32 v27, v16;
	v25 =	vnsel vm3, $0x7FFFFFFF, v5  }
0x41e: {  	v15 =	vsel vm7, v6, v15;
	vm4 =	veq.f32 v26, v16;
	v19 =	vsel vm9, v6, v25  }
0x41f: {  	v15 =	vsel vm6, v7, v15;
	vm6 =	vlt.s32 v18, v17;
	v19 =	vsel vm4, v7, v19  }
0x420: {  	v17 =	vsel vm6, v18, v17;
	v18 =	vsel vm8, v31, v19  }
0x421: {  	v15 =	vsel vm5, v31, v15;
	v14 =	vsel vm2, v7, v14;
	v21 =	vperm.xlane v18, v0  }
0x422: {  	v27 =	vperm.xlane v15, v0;
	v14 =	vsel vm1, v31, v14  }
0x423: {  	v26 =	vperm.xlane v14, v0;
	vm5 =	vlt.s32 v18, v21  }
0x424: {  	vm7 =	vlt.s32 v15, v27;
	v18 =	vsel vm5, v18, v21  }
0x425: {  	v15 =	vsel vm7, v15, v27;
	vm1 =	vlt.s32 v14, v26;
	v21 =	vperm.xlane v18, v1  }
0x426: {  	v25 =	vperm.xlane v15, v1;
	v14 =	vsel vm1, v14, v26  }
0x427: {  	v19 =	vperm.xlane v14, v1;
	vm5 =	vlt.s32 v18, v21  }
0x428: {  	vm7 =	vlt.s32 v15, v25;
	v18 =	vsel vm5, v18, v21;
	v21 =	vld [tilespmem:$0x1FFD0]  }
0x429: {  	v23 =	vperm.xlane v17, v4;
	v15 =	vsel vm7, v15, v25;
	v25 =	vld [tilespmem:$0x1FEB0];
	vm4 =	vlt.s32 v14, v19  }
0x42a: {  	v14 =	vsel vm4, v14, v19  }
0x42b: {  	vm6 =	vlt.s32 v17, v23;
	v19 =	vperm.xlane v14, v3  }
0x42c: {  	v17 =	vsel vm6, v17, v23  }
0x42d: {  	v26 =	vld [tilespmem:$0x1FEC0];
	v23 =	vperm.xlane v15, v3;
	vm4 =	vlt.s32 v14, v19;
	vm1 =	vnez.u8 v21  }
0x42e: {  	v14 =	vsel vm4, v14, v19;
	v19 =	vnsel vm1, $0x0, v25;
	v25 =	vperm.xlane v18, v3  }
0x42f: {  	vm6 =	vlt.s32 v15, v23  }
0x430: {  	v15 =	vsel vm6, v15, v23;
	vm7 =	vlt.s32 v18, v25  }
0x431: {  	v18 =	vsel vm7, v18, v25;
	v25 =	vperm.xlane v15, v4  }
0x432: {  	v21 =	vnsel vm1, $0x0, v26;
	v26 =	vld [tilespmem:$0x1FED0]  }
0x433: {  	v27 =	vld [tilespmem:$0x1FEF0];
	vm6 =	vlt.s32 v15, v25  }
0x434: {  	v15 =	vsel vm6, v15, v25;
	v25 =	vld [tilespmem:$0x1FF10];
	_ =	sdelay $0x1  }
0x435: {  	vm2 =	vcmask $0x320  }
0x436: {  	vm3 =	vcmask $0x720;
	v19 =	vsel vm2, v19, v26;
	v26 =	vld [tilespmem:$0x1FEE0]  }
0x437: {  	vm0 =	vcmask $0xB20;
	v28 =	vld [tilespmem:$0x1FF00];
	v19 =	vsel vm3, v19, v27  }
0x438: {  	v19 =	vsel vm0, v19, v25;
	v25 =	vld [tilespmem:$0x1FF20];
	_ =	sdelay $0x2  }
0x439: {  	v21 =	vsel vm2, v21, v26  }
0x43a: {  	v21 =	vsel vm3, v21, v28  }
0x43b: {  	v21 =	vsel vm0, v21, v25;
	v25 =	vld [tilespmem:$0x1FF30];
	_ =	sdelay $0x3  }
0x43c: {  	vm4 =	vcmask $0xF20  }
0x43d: {  	v19 =	vsel vm4, v19, v25;
	v25 =	vld [tilespmem:$0x1FF40];
	_ =	sdelay $0x4  }
0x43e: {  	v21 =	vsel vm4, v21, v25;
	v25 =	vld [tilespmem:$0x1FF50]  }
0x43f: {  	v23 =	vperm.xlane v14, v4;
	_ =	sdelay $0x1  }
0x440: {  	vm5 =	vlt.s32 v14, v23  }
0x441: {  	v14 =	vsel vm5, v14, v23;
	vm5 =	vcmask $0x1320  }
0x442: {  	v19 =	vsel vm5, v19, v25;
	v25 =	vld [tilespmem:$0x1FF60];
	_ =	sdelay $0x2  }
0x443: {  	v27 =	vperm.xlane v18, v4;
	_ =	sdelay $0x1  }
0x444: {  	vm7 =	vlt.s32 v18, v27;
	v21 =	vsel vm5, v21, v25;
	v25 =	vld [tilespmem:$0x1FFE0]  }
0x445: {  	v18 =	vsel vm7, v18, v27;
	v27 =	vld [tilespmem:$0x1FFF0];
	_ =	sdelay $0x3  }
0x446: {  	v26 =	vadd.f32 $0.0e+00, v11;
	vm8 =	vnez.u8 v25  }
0x447: {  	vm6 =	vcmask $0x1720;
	vm9 =	vnez.u8 v27;
	v24 =	vsel vm8, $0x0, v24  }
0x448: {  	v26 =	vadd.f32 v9, v26;
	v19 =	vsel vm6, v19, v20;
	v20 =	vsel vm9, v24, v30  }
0x449: {  	v20 =	vsel vm10, v20, v32  }
0x44a: {  	v23 =	vadd.f32 v2, v26;
	v20 =	vsel vm11, v20, v34  }
0x44b: {  	v24 =	vld [tilespmem:$0x1FF70];
	v20 =	vsel vm12, v20, v36  }
0x44c: {  	v23 =	vadd.f32 v48, v23;
	v20 =	vsel vm13, v20, v38;
	v38 =	vld [tilespmem:$0x1FFA0]  }
0x44d: {  	v32 =	vld [tilespmem:$0x1FF80];
	v20 =	vsel vm14, v20, v40  }
0x44e: {  	v23 =	vadd.f32 v63, v23;
	v20 =	vsel vm15, v20, v42;
	v42 =	vld [tilespmem:$0x1FFB0]  }
0x44f: {  	v44 =	vnsel vm1, $0x0, v44;
	vm7 =	vcmask $0x1B20;
	v34 =	vld [tilespmem:$0x1FF90]  }
0x450: {  	v50 =	vsel vm2, v44, v50;
	v23 =	vadd.f32 v47, v23;
	v19 =	vsel vm7, v19, v22  }
0x451: {  	v11 =	vsel vm8, $0x0, v11;
	v13 =	vsel vm8, $0x0, v13;
	v19 =	vmul.f32 v38, v19  }
0x452: {  	v9 =	vsel vm9, v11, v9;
	v36 =	vadd.f32 v43, v23;
	v21 =	vsel vm6, v21, v24  }
0x453: {  	v22 =	vsel vm8, $0x0, v32;
	v20 =	vmul.f32 v42, v20;
	v19 =	vadd.f32 $0.0e+00, v19  }
0x454: {  	v17 =	vsel vm7, v21, v17;
	v21 =	vsel vm9, v22, v34;
	v22 =	vadd.f32 v16, v36  }
0x455: {  	v12 =	vsel vm9, v13, v12;
	v19 =	vadd.f32 v20, v19;
	v20 =	vsel vm3, v50, v52  }
0x456: {  	v21 =	vsel vm10, v21, v33;
	(erf) = vrcp.f32 v22;
	v20 =	vsel vm0, v20, v54  }
0x457: {  	v2 =	vsel vm10, v9, v2;
	v21 =	vsel vm11, v21, v35;
	v20 =	vsel vm4, v20, v56  }
0x458: {  	v10 =	vsel vm10, v12, v10;
	v21 =	vsel vm12, v21, v37;
	v58 =	vsel vm5, v20, v58  }
0x459: {  	v2 =	vsel vm11, v2, v48;
	v21 =	vsel vm13, v21, v39;
	v11 =	vsel vm6, v58, v60;
	v60 =	vld [tilespmem:$0x1FFC0]  }
0x45a: {  	v8 =	vsel vm11, v10, v8;
	v21 =	vsel vm14, v21, v41;
	v52 =	vnsel vm1, $0x0, v45  }
0x45b: {  	v2 =	vsel vm12, v2, v63;
	v14 =	vsel vm15, v21, v14;
	v21 =	vsel vm2, v52, v51  }
0x45c: {  	v8 =	vsel vm12, v8, v49;
	v2 =	vsel vm13, v2, v47;
	v54 =	vsel vm3, v21, v53  }
0x45d: {  	v8 =	vsel vm13, v8, v46;
	v56 =	vsel vm0, v54, v55;
	v11 =	vsel vm7, v11, v62  }
0x45e: {  	v2 =	vsel vm14, v2, v43;
	v9 =	vsel vm4, v56, v57;
	v11 =	vmul.f32 v60, v11  }
0x45f: {  	v8 =	vsel vm14, v8, v29;
	v2 =	vsel vm15, v2, v16;
	v62 =	vpop (erf);
	v9 =	vsel vm5, v9, v59  }
0x460: {  	v2 =	vmul.f32 v62, v2;
	v9 =	vsel vm6, v9, v61;
	v11 =	vadd.f32 $0.0e+00, v11  }
0x461: {  	v8 =	vsel vm15, v8, v18;
	v63 =	vadd.s32 v17, v14;
	[tilespmem:$0x100] =	vst v19;
	v9 =	vsel vm7, v9, v15  }
0x462: {  	[tilespmem:$0x180] =	vst v63;
	v8 =	vadd.s32 v9, v8;
	v2 =	vadd.f32 v2, v11  }
0x463: {  	[tilespmem:$0x190] =	vst v8  }
0x464: {  	[tilespmem:$0x110] =	vst v2  }
0x465: {  	[hbm4b:s4+s2] =	stream.linear.scatter [tilespmem:s8], [sflag:$0x1], $0x20, $0x38;
	[tilespmem:$0x200] =	vst v63  }
0x466: {  	_ =	swait.ge [sflag:s7], $0x20  }
0x467: {  	p0 =	sne.s32 s6, $0x1;
	[sflag:s7] =	ssyncset.done $0x0  }
.Ltmp0:
0x468: {  	[sflag:s7] =	ssyncadd.s32 $0xFFFFFFE0;
	(pc) =	sbr.rel @p0 .LBB2_1-.Ltmp0, $4  }
0x469: {  	[hbm4b:s5+s2] =	stream.linear.scatter [tilespmem:s9], [sflag:$0x1], $0x20, $0x38;
	[tilespmem:$0x200] =	vst v63  }
0x46a: {  	_ =	swait.ge [sflag:s7], $0x20  }
0x46b: {  	[sflag:s7] =	ssyncset.done $0x0  }
0x46c: {  	s6 =	sadd.s32 $0xFFFFFFFF, s6;
	[sflag:s7] =	ssyncadd.s32 $0xFFFFFFE0  }
0x46d: {  	_ =	sfence.sel $0x180000  }
0x46e: {  	[bflag:$0x0] =	sbarrier.arrive $0xFFFF  }
0x46f: {  	p0 =	sne.s32 s1, $0x0;
	_ =	strace $0x90000047  }
0x470: {  	s0 =	sadd.s32 @!p0 $0x100000, s0;
	[bflag:$0x2] =	sbarrier.arrive $0xFFFF  }
0x471: {  	[sflag:s0] =	ssyncadd.tile.s32 @!p0 $0x1;
	_ =	shalt  }
.Lfunc_end2:
_tile_overlayer_lowered:
.L_overlay_start_2:
0x472: {  	(tag) =	ssettag $0x2  }
0x473: {  	s0 =	rddreg [dreg:$0x0];
	s2 =	stileid.u32  }
0x474: {  	s1 =	rddreg [dreg:$0x1];
	p0 =	sne.s32 s2, $0x0  }
0x475: {  	s3 =	rddreg [dreg:$0x2];
	[bflag:$0x3] =	sbarrier.arrive $0xFFFF;
	s2 =	simm.s32 @!p0 $0x1C01  }
0x476: {  	[timem:s3], [sflag:s2] =	dma.local @!p0 [hbm:s0], s1  }
0x477: {  	s0 =	simm.s32 @!p0 $0x1  }
0x478: {  	_ =	swait.ge @!p0 [sflag:s0], s1  }
0x479: {  	s1 =	ssub.s32 @!p0 $0x0, s1;
	[sflag:s0] =	ssyncset.done @!p0 $0x0  }
0x47a: {  	[sflag:s0] =	ssyncadd.s32 @!p0 s1  }
0x47b: {  	[bflag:$0x3] =	sbarrier.arrive $0xFFFF  }
0x47c: {  	_ =	shalt  }

</sc_bundles>
